<compile_context>
chip_gen: v7x
topology: tpu7x:2x2x1
jax: 0.10.2.dev20260603
libtpu: 0.0.44.dev20260713+nightly
codegen_flags: <defaults>
</compile_context>

<pallas_src>
import functools
import jax
import jax.numpy as jnp
from jax import lax
from jax.experimental import pallas as pl
from jax.experimental.pallas import tpu as pltpu
from jax.experimental.pallas import tpu_sc as plsc

N = 10000
E = 320000
H = 128
NET = 16

NC = 2
NS = 16
NW = NC * NS
L = 16

EPW = E // NW
CHUNK = 32
NCHUNK = -(-EPW // CHUNK)
EPW_PAD = NCHUNK * CHUNK
GROUPS = CHUNK // L
JBLK = H // L
N_PAD = 10240
DUMP = N
RPT = N_PAD // NS
ZROWS = 8


def _lane(v, i):
    return lax.squeeze(lax.slice(v, (i,), (i + 1,)), (0,))


def _sc_tanh(x):
    e = jnp.exp(2.0 * x)
    return 1.0 - 2.0 / (e + 1.0)


def _sc_gelu(x):
    x2 = x * x
    u = x * (0.7978845608028654 + 0.03567740814 * x2)
    return 0.5 * x * (2.0 - 2.0 / (jnp.exp(2.0 * u) + 1.0))



BN1 = 400


def _stage1_body(x_ref, wsrc_ref, wdst_ref, tsrc_ref, tdst_ref):
    x = x_ref[...]
    tsrc_ref[...] = jnp.dot(x, wsrc_ref[...], preferred_element_type=jnp.float32)
    tdst_ref[...] = jnp.dot(x, wdst_ref[...], preferred_element_type=jnp.float32)


def _stage1(x, wsrc, wdst):
    return pl.pallas_call(
        _stage1_body,
        grid=(N // BN1,),
        in_specs=[
            pl.BlockSpec((BN1, H), lambda i: (i, 0)),
            pl.BlockSpec((H, 2 * H), lambda i: (0, 0)),
            pl.BlockSpec((H, H), lambda i: (0, 0)),
        ],
        out_specs=[
            pl.BlockSpec((BN1, 2 * H), lambda i: (i, 0)),
            pl.BlockSpec((BN1, H), lambda i: (i, 0)),
        ],
        out_shape=[
            jax.ShapeDtypeStruct((N, 2 * H), jnp.float32),
            jax.ShapeDtypeStruct((N, H), jnp.float32),
        ],
    )(x, wsrc, wdst)




def _sc_body(tsrc_hbm, tdst_hbm, src_hbm, dst_hbm, et_hbm, cet_hbm, met_hbm,
             wa2_hbm, par_hbm, zrows_hbm, parts_hbm, degs_hbm,
             cet_v, met_v, wa2_v, par_v,
             srcb0, srcb1, dstb0, dstb1, etb0, etb1, didx0, didx1, detb_v,
             wbuf_v, gsrc0, gsrc1, gdst0, gdst1, rows0, rows1, deg_v,
             acc_sh, semi0, semi1, semg0, semg1, sems0, sems1):
    c = lax.axis_index("c")
    s = lax.axis_index("s")
    wid = s * NC + c

    pltpu.sync_copy(cet_hbm, cet_v)
    pltpu.sync_copy(met_hbm, met_v)
    pltpu.sync_copy(wa2_hbm, wa2_v)
    pltpu.sync_copy(par_hbm, par_v)

    zv = jnp.zeros((L,), jnp.float32)

    def _zdeg(i, _):
        for q in range(H // L):
            deg_v[i, pl.ds(q * L, L)] = zv
        return 0
    lax.fori_loop(0, N_PAD // H, _zdeg, 0)

    pltpu.sync_copy(zrows_hbm, acc_sh.at[pl.ds(s * RPT, RPT)])

    plsc.subcore_barrier()

    pv = par_v[...]
    ba2_s = _lane(pv, 0)
    escale = _lane(pv, 1)
    lanes = lax.iota(jnp.int32, L)

    idxb = ((srcb0, dstb0, etb0, semi0), (srcb1, dstb1, etb1, semi1))
    datb = ((gsrc0, gdst0, semg0), (gsrc1, gdst1, semg1))
    scab = ((rows0, didx0, sems0), (rows1, didx1, sems1))

    def _idx_start(j, p):
        sb, db, eb, sem = idxb[p]
        pltpu.async_copy(src_hbm.at[wid, j], sb, sem)
        pltpu.async_copy(dst_hbm.at[wid, j], db, sem)
        pltpu.async_copy(et_hbm.at[wid, j], eb, sem)

    def _idx_wait(p):
        sb, db, eb, sem = idxb[p]
        pltpu.make_async_copy(src_hbm.at[0, 0], sb, sem).wait()
        pltpu.make_async_copy(dst_hbm.at[0, 0], db, sem).wait()
        pltpu.make_async_copy(et_hbm.at[0, 0], eb, sem).wait()

    def _g_start(p):
        sb = idxb[p][0]
        gs, gd, sem = datb[p]
        pltpu.async_copy(tsrc_hbm.at[sb], gs, sem)
        pltpu.async_copy(tdst_hbm.at[sb], gd, sem)

    def _g_wait(p):
        gs, gd, sem = datb[p]
        pltpu.make_async_copy(tsrc_hbm.at[pl.ds(0, CHUNK)], gs, sem).wait()
        pltpu.make_async_copy(tdst_hbm.at[pl.ds(0, CHUNK)], gd, sem).wait()

    def _stage_idx(p):
        dstb_ref, etb_ref = idxb[p][1], idxb[p][2]
        didx_ref = scab[p][1]
        for g in range(GROUPS):
            e_loc = lanes + g * L
            plsc.store_scatter(didx_ref, [e_loc],
                               plsc.load_gather(dstb_ref, [e_loc]))
            plsc.store_scatter(detb_v, [e_loc],
                               plsc.load_gather(etb_ref, [e_loc]))

    def _s_start(p):
        rows_ref, didx_ref, sem = scab[p]
        pltpu.async_copy(rows_ref, acc_sh.at[didx_ref], sem, add=True)

    def _s_wait(p):
        rows_ref, didx_ref, sem = scab[p]
        pltpu.make_async_copy(rows_ref, acc_sh.at[didx_ref], sem).wait()

    def _process(p):
        gsrc_ref, gdst_ref = datb[p][0], datb[p][1]
        rows_v, didx_ref = scab[p][0], scab[p][1]
        wa2r = [wa2_v[pl.ds(q * L, L)] for q in range(JBLK)]

        def _group(g, _):
            e0 = g * L
            dst_vec = plsc.load_gather(didx_ref, [lanes + e0])

            def _edge(i, svec):
                e = e0 + i
                et_s = _lane(detb_v[pl.ds(e, L)], 0)
                acc8 = jnp.zeros((L,), jnp.float32)
                for q in range(JBLK):
                    pre = (gsrc_ref[e, pl.ds(q * L, L)]
                           + gdst_ref[e, pl.ds(q * L, L)]
                           + cet_v[et_s, pl.ds(q * L, L)])
                    acc8 = acc8 + _sc_gelu(pre) * wa2r[q]
                return svec + jnp.where(lanes == i, jnp.sum(acc8), 0.0)

            svec = plsc.parallel_loop(
                0, L, 1, unroll=2,
                carry=jnp.zeros((L,), jnp.float32))(_edge)
            w = 1.0 + escale * _sc_tanh(svec + ba2_s)
            wbuf_v[pl.ds(0, L)] = w

            def _medge(i):
                e = e0 + i
                et_s = _lane(detb_v[pl.ds(e, L)], 0)
                w_s = _lane(wbuf_v[pl.ds(i, L)], 0)
                for q in range(JBLK):
                    rows_v[e, pl.ds(q * L, L)] = (
                        gsrc_ref[e, pl.ds(H + q * L, L)]
                        + met_v[et_s, pl.ds(q * L, L)]) * w_s

            plsc.parallel_loop(0, L, 1, unroll=4)(_medge)

            dr = lax.shift_right_logical(dst_vec, 7)
            dc = lax.bitwise_and(dst_vec, 127)
            for jj in range(L):
                plsc.addupdate_scatter(deg_v, [dr, dc], w, mask=lanes == jj)
            return 0

        lax.fori_loop(0, GROUPS, _group, 0)
        _s_start(p)

    _idx_start(0, 0)
    _idx_start(1, 1)
    _idx_wait(0)
    _g_start(0)

    def _body(k, p):
        _g_wait(p)

        @pl.when(k + 1 < NCHUNK)
        def _():
            _idx_wait(1 - p)
            _g_start(1 - p)

        @pl.when(k >= 2)
        def _():
            _s_wait(p)

        _stage_idx(p)

        @pl.when(k + 2 < NCHUNK)
        def _():
            _idx_start(k + 2, p)

        _process(p)

    def _pair(i, _):
        _body(i * 2, 0)
        _body(i * 2 + 1, 1)
        return 0

    lax.fori_loop(0, NCHUNK // 2, _pair, 0)
    _body(NCHUNK - 1, 0)
    _s_wait(1)
    _s_wait(0)

    plsc.subcore_barrier()

    pltpu.sync_copy(acc_sh.at[pl.ds(s * RPT, RPT)],
                    parts_hbm.at[c, pl.ds(s * RPT, RPT)])
    pltpu.sync_copy(deg_v, degs_hbm.at[wid])


def _stage2(tsrc, tdst, src3, dst3, et3, cet, met, wa2v, par, zrows):
    mesh = plsc.VectorSubcoreMesh(core_axis_name="c", subcore_axis_name="s",
                                  num_cores=NC, num_subcores=NS)
    f = pl.kernel(
        _sc_body,
        compiler_params=pltpu.CompilerParams(needs_layout_passes=False),
        out_type=[
            jax.ShapeDtypeStruct((NC, N_PAD, H), jnp.float32),
            jax.ShapeDtypeStruct((NW, N_PAD // H, H), jnp.float32),
        ],
        mesh=mesh,
        scratch_types=[
            pltpu.VMEM((NET, H), jnp.float32),
            pltpu.VMEM((NET, H), jnp.float32),
            pltpu.VMEM((H,), jnp.float32),
            pltpu.VMEM((L,), jnp.float32),
            pltpu.VMEM((CHUNK,), jnp.int32),
            pltpu.VMEM((CHUNK,), jnp.int32),
            pltpu.VMEM((CHUNK,), jnp.int32),
            pltpu.VMEM((CHUNK,), jnp.int32),
            pltpu.VMEM((CHUNK,), jnp.int32),
            pltpu.VMEM((CHUNK,), jnp.int32),
            pltpu.VMEM((CHUNK,), jnp.int32),
            pltpu.VMEM((CHUNK,), jnp.int32),
            pltpu.VMEM((CHUNK + L,), jnp.int32),
            pltpu.VMEM((2 * L,), jnp.float32),
            pltpu.VMEM((CHUNK, 2 * H), jnp.float32),
            pltpu.VMEM((CHUNK, 2 * H), jnp.float32),
            pltpu.VMEM((CHUNK, H), jnp.float32),
            pltpu.VMEM((CHUNK, H), jnp.float32),
            pltpu.VMEM((CHUNK, H), jnp.float32),
            pltpu.VMEM((CHUNK, H), jnp.float32),
            pltpu.VMEM((N_PAD // H, H), jnp.float32),
            pltpu.VMEM_SHARED((N_PAD, H), jnp.float32),
            pltpu.SemaphoreType.DMA,
            pltpu.SemaphoreType.DMA,
            pltpu.SemaphoreType.DMA,
            pltpu.SemaphoreType.DMA,
            pltpu.SemaphoreType.DMA,
            pltpu.SemaphoreType.DMA,
        ],
    )
    return f(tsrc, tdst, src3, dst3, et3, cet, met, wa2v, par, zrows)



BN3 = 400


def _erf_gelu(x):
    return 0.5 * x * (1.0 + lax.erf(x * 0.7071067811865476))


def _stage3_body(p0_ref, p1_ref, degt_ref, x_ref, w1a_ref, w1b_ref, b1_ref,
                 w2_ref, b2_ref, lng_ref, lnb_ref, out_ref):
    agg = p0_ref[...] + p1_ref[...]
    deg = jnp.sum(degt_ref[...], axis=1, keepdims=True)
    aggn = agg / jnp.maximum(deg, 1.0)
    x = x_ref[...]
    h1 = _erf_gelu(
        jnp.dot(x, w1a_ref[...], preferred_element_type=jnp.float32)
        + jnp.dot(aggn, w1b_ref[...], preferred_element_type=jnp.float32)
        + b1_ref[...])
    y = x + jnp.dot(h1, w2_ref[...], preferred_element_type=jnp.float32) + b2_ref[...]
    m = jnp.mean(y, axis=-1, keepdims=True)
    v = jnp.mean((y - m) ** 2, axis=-1, keepdims=True)
    out_ref[...] = (y - m) / jnp.sqrt(v + 1e-5) * lng_ref[...] + lnb_ref[...]


def _stage3(p0, p1, degt, x, w1a, w1b, b1, w2, b2, lng, lnb):
    row = lambda i: (i, 0)
    fix = lambda i: (0, 0)
    return pl.pallas_call(
        _stage3_body,
        grid=(N // BN3,),
        in_specs=[
            pl.BlockSpec((BN3, H), row),
            pl.BlockSpec((BN3, H), row),
            pl.BlockSpec((BN3, NW), row),
            pl.BlockSpec((BN3, H), row),
            pl.BlockSpec((H, H), fix),
            pl.BlockSpec((H, H), fix),
            pl.BlockSpec((1, H), fix),
            pl.BlockSpec((H, H), fix),
            pl.BlockSpec((1, H), fix),
            pl.BlockSpec((1, H), fix),
            pl.BlockSpec((1, H), fix),
        ],
        out_specs=pl.BlockSpec((BN3, H), row),
        out_shape=jax.ShapeDtypeStruct((N, H), jnp.float32),
    )(p0, p1, degt, x, w1a, w1b, b1, w2, b2, lng, lnb)




def kernel(node_embeddings, edge_index, edge_type, task_embedding, edge_emb,
           W_msg, b_msg, Wa1, ba1, Wa2, ba2, edge_scale, Wm1, bm1, Wm2, bm2,
           Wua1, bua1, Wua2, bua2, Wup1, bup1, Wup2, bup2, ln_g, ln_b):
    f32 = jnp.float32

    mgb = jax.nn.gelu(task_embedding @ Wm1 + bm1, approximate=False) @ Wm2 + bm2
    msg_gamma, msg_beta = jnp.split(mgb, 2)
    gam = 1.0 + 0.5 * jnp.tanh(msg_gamma)
    ugb = jax.nn.gelu(task_embedding @ Wua1 + bua1, approximate=False) @ Wua2 + bua2
    upd_gamma, upd_beta = jnp.split(ugb, 2)
    ugam = 1.0 + 0.5 * jnp.tanh(upd_gamma)

    wsrc = jnp.concatenate([Wa1[:H], W_msg * gam[None, :]], axis=1)
    wdst = Wa1[H:2 * H]
    tsrc, tdst = _stage1(node_embeddings, wsrc, wdst)

    cet = edge_emb @ Wa1[2 * H:3 * H] + (task_embedding @ Wa1[3 * H:] + ba1)[None, :]
    met = (edge_emb @ W_msg + b_msg[None, :]) * gam[None, :] + msg_beta[None, :]
    wa2v = Wa2[:, 0]
    par = jnp.zeros((L,), f32).at[0].set(ba2[0]).at[1].set(edge_scale.astype(f32))

    padw = ((0, 0), (0, EPW_PAD - EPW))
    src3 = jnp.pad(edge_index[0].reshape(NW, EPW).astype(jnp.int32),
                   padw).reshape(NW, NCHUNK, CHUNK)
    dst3 = jnp.pad(edge_index[1].reshape(NW, EPW).astype(jnp.int32),
                   padw, constant_values=DUMP).reshape(NW, NCHUNK, CHUNK)
    et3 = jnp.pad(edge_type.reshape(NW, EPW).astype(jnp.int32),
                  padw).reshape(NW, NCHUNK, CHUNK)

    zrows = jnp.zeros((RPT, H), jnp.float32)
    parts, degs = _stage2(tsrc, tdst, src3, dst3, et3, cet, met, wa2v, par,
                          zrows)

    w1a = Wup1[:H]
    w1b = ugam[:, None] * Wup1[H:]
    b1 = (bup1 + upd_beta @ Wup1[H:]).reshape(1, H)
    degt = degs.reshape(NW, N_PAD)[:, :N].T
    return _stage3(parts[0, :N], parts[1, :N], degt, node_embeddings,
                   w1a, w1b, b1, Wup2, bup2.reshape(1, H),
                   ln_g.reshape(1, H), ln_b.reshape(1, H))

# --- scband reference (transcript-rebuilt; emitter-appended) ---
"""Pipeline reference for scband-edge-aware-graph-layer-27960237097201 (READ-ONLY COPY).

The authoritative reference and input builder live on the scoring server;
editing this copy changes nothing except your own understanding.
"""

import jax, jax.numpy as jnp
import numpy as np

N = 10000
E = 320000
H = 128
NET = 16

def _gelu(x):
    return jax.nn.gelu(x, approximate=False)

def _ln(x, g, b):
    m = jnp.mean(x, axis=-1, keepdims=True)
    v = jnp.mean((x - m) ** 2, axis=-1, keepdims=True)
    return (x - m) / jnp.sqrt(v + 1e-5) * g + b

def setup_inputs(seed: int = 0):
    key = jax.random.key(seed)
    ks = jax.random.split(key, 32)
    p = lambda k, s: jax.random.normal(k, s, dtype=jnp.float32) * 0.05
    return {
        "node_embeddings": jax.random.normal(ks[0], (N, H), dtype=jnp.float32),
        "edge_index": jax.random.randint(ks[1], (2, E), 0, N),
        "edge_type": jax.random.randint(ks[2], (E,), 0, NET),
        "task_embedding": jax.random.normal(ks[3], (H,), dtype=jnp.float32),
        "edge_emb": p(ks[4], (NET, H)),
        "W_msg": p(ks[5], (H, H)), "b_msg": jnp.zeros((H,), jnp.float32),
        "Wa1": p(ks[6], (4 * H, H)), "ba1": jnp.zeros((H,), jnp.float32),
        "Wa2": p(ks[7], (H, 1)), "ba2": jnp.zeros((1,), jnp.float32),
        "edge_scale": jnp.asarray(0.5, jnp.float32),
        "Wm1": p(ks[8], (H, 2 * H)), "bm1": jnp.zeros((2 * H,), jnp.float32),
        "Wm2": p(ks[9], (2 * H, 2 * H)), "bm2": jnp.zeros((2 * H,), jnp.float32),
        "Wua1": p(ks[10], (H, 2 * H)), "bua1": jnp.zeros((2 * H,), jnp.float32),
        "Wua2": p(ks[11], (2 * H, 2 * H)), "bua2": jnp.zeros((2 * H,), jnp.float32),
        "Wup1": p(ks[12], (2 * H, H)), "bup1": jnp.zeros((H,), jnp.float32),
        "Wup2": p(ks[13], (H, H)), "bup2": jnp.zeros((H,), jnp.float32),
        "ln_g": jnp.ones((H,), jnp.float32), "ln_b": jnp.zeros((H,), jnp.float32),
    }

def reference(node_embeddings, edge_index, edge_type, task_embedding, edge_emb, W_msg, b_msg, Wa1, ba1, Wa2, ba2, edge_scale, Wm1, bm1, Wm2, bm2, Wua1, bua1, Wua2, bua2, Wup1, bup1, Wup2, bup2, ln_g, ln_b):
    src = edge_index[0]
    dst = edge_index[1]
    edge_repr = edge_emb[edge_type]
    x_src = node_embeddings[src]
    x_dst = node_embeddings[dst]
    messages = (x_src + edge_repr) @ W_msg + b_msg
    task_repr = jnp.broadcast_to(task_embedding[None, :], (messages.shape[0], task_embedding.shape[0]))
    att_in = jnp.concatenate([x_src, x_dst, edge_repr, task_repr], axis=-1)
    edge_delta = jnp.tanh(_gelu(att_in @ Wa1 + ba1) @ Wa2 + ba2)
    edge_weight = 1.0 + edge_scale * edge_delta
    mgb = _gelu(task_embedding @ Wm1 + bm1) @ Wm2 + bm2
    msg_gamma, msg_beta = jnp.split(mgb, 2, axis=-1)
    messages = messages * (1.0 + 0.5 * jnp.tanh(msg_gamma))[None, :]
    messages = messages + msg_beta[None, :]
    messages = messages * edge_weight
    aggregated = jnp.zeros_like(node_embeddings).at[dst].add(messages)
    degree = jnp.zeros((node_embeddings.shape[0],), node_embeddings.dtype).at[dst].add(edge_weight[:, 0])
    aggregated = aggregated / jnp.maximum(degree, 1.0)[:, None]
    ugb = _gelu(task_embedding @ Wua1 + bua1) @ Wua2 + bua2
    upd_gamma, upd_beta = jnp.split(ugb, 2, axis=-1)
    aggregated = aggregated * (1.0 + 0.5 * jnp.tanh(upd_gamma))[None, :] + upd_beta[None, :]
    h1 = _gelu(jnp.concatenate([node_embeddings, aggregated], axis=-1) @ Wup1 + bup1)
    updated = h1 @ Wup2 + bup2
    return _ln(node_embeddings + updated, ln_g, ln_b)

if __name__ == "__main__":
    import jax
    _d = setup_inputs()
    print(jax.jit(kernel)(*tuple(_d.values())))

</pallas_src>

<mosaic_0001>
#map = affine_map<(d0, d1) -> (0, 0)>
#map1 = affine_map<(d0, d1) -> (0, 0, 0)>
#map2 = affine_map<(d0, d1) -> (0)>
module attributes {stable_mosaic.version = 14 : i64} {
  func.func @_sc_body(%arg0: i32, %arg1: i32, %arg2: memref<10000x256xf32, #tpu.memory_space<hbm>>, %arg3: memref<10000x128xf32, #tpu.memory_space<hbm>>, %arg4: memref<32x313x32xi32, #tpu.memory_space<hbm>>, %arg5: memref<32x313x32xi32, #tpu.memory_space<hbm>>, %arg6: memref<32x313x32xi32, #tpu.memory_space<hbm>>, %arg7: memref<16x128xf32, #tpu.memory_space<hbm>>, %arg8: memref<16x128xf32, #tpu.memory_space<hbm>>, %arg9: memref<128xf32, #tpu.memory_space<hbm>>, %arg10: memref<16xf32, #tpu.memory_space<hbm>>, %arg11: memref<640x128xf32, #tpu.memory_space<hbm>>, %arg12: memref<2x10240x128xf32, #tpu.memory_space<hbm>>, %arg13: memref<32x80x128xf32, #tpu.memory_space<hbm>>, %arg14: memref<16x128xf32, #tpu.memory_space<vmem>>, %arg15: memref<16x128xf32, #tpu.memory_space<vmem>>, %arg16: memref<128xf32, #tpu.memory_space<vmem>>, %arg17: memref<16xf32, #tpu.memory_space<vmem>>, %arg18: memref<32xi32, #tpu.memory_space<vmem>>, %arg19: memref<32xi32, #tpu.memory_space<vmem>>, %arg20: memref<32xi32, #tpu.memory_space<vmem>>, %arg21: memref<32xi32, #tpu.memory_space<vmem>>, %arg22: memref<32xi32, #tpu.memory_space<vmem>>, %arg23: memref<32xi32, #tpu.memory_space<vmem>>, %arg24: memref<32xi32, #tpu.memory_space<vmem>>, %arg25: memref<32xi32, #tpu.memory_space<vmem>>, %arg26: memref<48xi32, #tpu.memory_space<vmem>>, %arg27: memref<32xf32, #tpu.memory_space<vmem>>, %arg28: memref<32x256xf32, #tpu.memory_space<vmem>>, %arg29: memref<32x256xf32, #tpu.memory_space<vmem>>, %arg30: memref<32x128xf32, #tpu.memory_space<vmem>>, %arg31: memref<32x128xf32, #tpu.memory_space<vmem>>, %arg32: memref<32x128xf32, #tpu.memory_space<vmem>>, %arg33: memref<32x128xf32, #tpu.memory_space<vmem>>, %arg34: memref<80x128xf32, #tpu.memory_space<vmem>>, %arg35: memref<10240x128xf32, #tpu.memory_space<vmem_shared>>, %arg36: memref<!tpu.dma_semaphore, #tpu.memory_space<semaphore_mem>>, %arg37: memref<!tpu.dma_semaphore, #tpu.memory_space<semaphore_mem>>, %arg38: memref<!tpu.dma_semaphore, #tpu.memory_space<semaphore_mem>>, %arg39: memref<!tpu.dma_semaphore, #tpu.memory_space<semaphore_mem>>, %arg40: memref<!tpu.dma_semaphore, #tpu.memory_space<semaphore_mem>>, %arg41: memref<!tpu.dma_semaphore, #tpu.memory_space<semaphore_mem>>) attributes {dimension_semantics = [#tpu.dimension_semantics<core_parallel>, #tpu.dimension_semantics<subcore_parallel>], iteration_bounds = array<i64: 2, 16>, scalar_prefetch = 0 : i64, scratch_operands = 28 : i64, tpu.core_type = #tpu.core_type<sc_vector_subcore>, window_params = [{transform_indices = #map}, {transform_indices = #map}, {transform_indices = #map1}, {transform_indices = #map1}, {transform_indices = #map1}, {transform_indices = #map}, {transform_indices = #map}, {transform_indices = #map2}, {transform_indices = #map2}, {transform_indices = #map}, {transform_indices = #map1}, {transform_indices = #map1}]} {
    %mul3A = arith.constant 2 : i32
    %mul3A_0 = arith.muli %arg1, %mul3A : i32
    %add3A = arith.addi %mul3A_0, %arg0 : i32
    "tpu.region"() ({
      %run_scoped3A = tpu.sem_alloc : memref<!tpu.dma_semaphore, #tpu.memory_space<semaphore_mem>>
      tpu.enqueue_dma source(%arg7 : memref<16x128xf32, #tpu.memory_space<hbm>>) target(%arg14 : memref<16x128xf32, #tpu.memory_space<vmem>>) target_semaphore(%run_scoped3A : memref<!tpu.dma_semaphore, #tpu.memory_space<semaphore_mem>>)
      tpu.wait_dma2 semaphore(%run_scoped3A : memref<!tpu.dma_semaphore, #tpu.memory_space<semaphore_mem>>) src(%arg7 : memref<16x128xf32, #tpu.memory_space<hbm>>) dst(%arg14 : memref<16x128xf32, #tpu.memory_space<vmem>>)
      tpu.yield
    }) : () -> ()
    "tpu.region"() ({
      %run_scoped3A = tpu.sem_alloc : memref<!tpu.dma_semaphore, #tpu.memory_space<semaphore_mem>>
      tpu.enqueue_dma source(%arg8 : memref<16x128xf32, #tpu.memory_space<hbm>>) target(%arg15 : memref<16x128xf32, #tpu.memory_space<vmem>>) target_semaphore(%run_scoped3A : memref<!tpu.dma_semaphore, #tpu.memory_space<semaphore_mem>>)
      tpu.wait_dma2 semaphore(%run_scoped3A : memref<!tpu.dma_semaphore, #tpu.memory_space<semaphore_mem>>) src(%arg8 : memref<16x128xf32, #tpu.memory_space<hbm>>) dst(%arg15 : memref<16x128xf32, #tpu.memory_space<vmem>>)
      tpu.yield
    }) : () -> ()
    "tpu.region"() ({
      %run_scoped3A = tpu.sem_alloc : memref<!tpu.dma_semaphore, #tpu.memory_space<semaphore_mem>>
      tpu.enqueue_dma source(%arg9 : memref<128xf32, #tpu.memory_space<hbm>>) target(%arg16 : memref<128xf32, #tpu.memory_space<vmem>>) target_semaphore(%run_scoped3A : memref<!tpu.dma_semaphore, #tpu.memory_space<semaphore_mem>>)
      tpu.wait_dma2 semaphore(%run_scoped3A : memref<!tpu.dma_semaphore, #tpu.memory_space<semaphore_mem>>) src(%arg9 : memref<128xf32, #tpu.memory_space<hbm>>) dst(%arg16 : memref<128xf32, #tpu.memory_space<vmem>>)
      tpu.yield
    }) : () -> ()
    "tpu.region"() ({
      %run_scoped3A = tpu.sem_alloc : memref<!tpu.dma_semaphore, #tpu.memory_space<semaphore_mem>>
      tpu.enqueue_dma source(%arg10 : memref<16xf32, #tpu.memory_space<hbm>>) target(%arg17 : memref<16xf32, #tpu.memory_space<vmem>>) target_semaphore(%run_scoped3A : memref<!tpu.dma_semaphore, #tpu.memory_space<semaphore_mem>>)
      tpu.wait_dma2 semaphore(%run_scoped3A : memref<!tpu.dma_semaphore, #tpu.memory_space<semaphore_mem>>) src(%arg10 : memref<16xf32, #tpu.memory_space<hbm>>) dst(%arg17 : memref<16xf32, #tpu.memory_space<vmem>>)
      tpu.yield
    }) : () -> ()
    %broadcast_in_dim3A = arith.constant 0.000000e+00 : f32
    %broadcast_in_dim3A_1 = vector.broadcast %broadcast_in_dim3A : f32 to vector<16xf32>
    %scan3A = arith.constant 0 : i32
    %scan3A_2 = arith.constant 0 : i32
    %scan3A_3 = arith.constant 80 : i32
    %scan3A_4 = arith.addi %scan3A_2, %scan3A_3 : i32
    %scan3A_5 = arith.constant 1 : i32
    %scan3A_6 = scf.for %scan3A_151 = %scan3A_2 to %scan3A_4 step %scan3A_5 iter_args(%scan3A_152 = %scan3A) -> (i32)  : i32 {
      %swap3A = arith.index_cast %scan3A_151 : i32 to index
      %swap3A_153 = arith.constant 0 : index
      %swap3A_154 = tpu.vector_load %arg34[%swap3A, %swap3A_153] {strides = array<i32>} : memref<80x128xf32, #tpu.memory_space<vmem>>, vector<16xf32>,
      tpu.vector_store %arg34[%swap3A, %swap3A_153], %broadcast_in_dim3A_1 {strides = array<i32>} : memref<80x128xf32, #tpu.memory_space<vmem>>, vector<16xf32>,
      %swap3A_155 = arith.index_cast %scan3A_151 : i32 to index
      %swap3A_156 = arith.constant 16 : index
      %swap3A_157 = tpu.vector_load %arg34[%swap3A_155, %swap3A_156] {strides = array<i32>} : memref<80x128xf32, #tpu.memory_space<vmem>>, vector<16xf32>,
      tpu.vector_store %arg34[%swap3A_155, %swap3A_156], %broadcast_in_dim3A_1 {strides = array<i32>} : memref<80x128xf32, #tpu.memory_space<vmem>>, vector<16xf32>,
      %swap3A_158 = arith.index_cast %scan3A_151 : i32 to index
      %swap3A_159 = arith.constant 32 : index
      %swap3A_160 = tpu.vector_load %arg34[%swap3A_158, %swap3A_159] {strides = array<i32>} : memref<80x128xf32, #tpu.memory_space<vmem>>, vector<16xf32>,
      tpu.vector_store %arg34[%swap3A_158, %swap3A_159], %broadcast_in_dim3A_1 {strides = array<i32>} : memref<80x128xf32, #tpu.memory_space<vmem>>, vector<16xf32>,
      %swap3A_161 = arith.index_cast %scan3A_151 : i32 to index
      %swap3A_162 = arith.constant 48 : index
      %swap3A_163 = tpu.vector_load %arg34[%swap3A_161, %swap3A_162] {strides = array<i32>} : memref<80x128xf32, #tpu.memory_space<vmem>>, vector<16xf32>,
      tpu.vector_store %arg34[%swap3A_161, %swap3A_162], %broadcast_in_dim3A_1 {strides = array<i32>} : memref<80x128xf32, #tpu.memory_space<vmem>>, vector<16xf32>,
      %swap3A_164 = arith.index_cast %scan3A_151 : i32 to index
      %swap3A_165 = arith.constant 64 : index
      %swap3A_166 = tpu.vector_load %arg34[%swap3A_164, %swap3A_165] {strides = array<i32>} : memref<80x128xf32, #tpu.memory_space<vmem>>, vector<16xf32>,
      tpu.vector_store %arg34[%swap3A_164, %swap3A_165], %broadcast_in_dim3A_1 {strides = array<i32>} : memref<80x128xf32, #tpu.memory_space<vmem>>, vector<16xf32>,
      %swap3A_167 = arith.index_cast %scan3A_151 : i32 to index
      %swap3A_168 = arith.constant 80 : index
      %swap3A_169 = tpu.vector_load %arg34[%swap3A_167, %swap3A_168] {strides = array<i32>} : memref<80x128xf32, #tpu.memory_space<vmem>>, vector<16xf32>,
      tpu.vector_store %arg34[%swap3A_167, %swap3A_168], %broadcast_in_dim3A_1 {strides = array<i32>} : memref<80x128xf32, #tpu.memory_space<vmem>>, vector<16xf32>,
      %swap3A_170 = arith.index_cast %scan3A_151 : i32 to index
      %swap3A_171 = arith.constant 96 : index
      %swap3A_172 = tpu.vector_load %arg34[%swap3A_170, %swap3A_171] {strides = array<i32>} : memref<80x128xf32, #tpu.memory_space<vmem>>, vector<16xf32>,
      tpu.vector_store %arg34[%swap3A_170, %swap3A_171], %broadcast_in_dim3A_1 {strides = array<i32>} : memref<80x128xf32, #tpu.memory_space<vmem>>, vector<16xf32>,
      %swap3A_173 = arith.index_cast %scan3A_151 : i32 to index
      %swap3A_174 = arith.constant 112 : index
      %swap3A_175 = tpu.vector_load %arg34[%swap3A_173, %swap3A_174] {strides = array<i32>} : memref<80x128xf32, #tpu.memory_space<vmem>>, vector<16xf32>,
      tpu.vector_store %arg34[%swap3A_173, %swap3A_174], %broadcast_in_dim3A_1 {strides = array<i32>} : memref<80x128xf32, #tpu.memory_space<vmem>>, vector<16xf32>,
      %scan3A_176 = arith.constant 0 : i32
      scf.yield %scan3A_176 : i32
    }
    %scan3A_7 = arith.constant 80 : i32
    %mul3A_8 = arith.constant 640 : i32
    %mul3A_9 = arith.muli %arg1, %mul3A_8 : i32
    "tpu.region"() ({
      %run_scoped3A = tpu.sem_alloc : memref<!tpu.dma_semaphore, #tpu.memory_space<semaphore_mem>>
      %dma_start3A_151 = arith.constant 0 : i32
      %dma_start3A_152 = tpu.memref_slice %arg35[%mul3A_9, %dma_start3A_151] : memref<10240x128xf32, #tpu.memory_space<vmem_shared>> -> memref<640x128xf32, #tpu.memory_space<vmem_shared>>
      tpu.enqueue_dma source(%arg11 : memref<640x128xf32, #tpu.memory_space<hbm>>) target(%dma_start3A_152 : memref<640x128xf32, #tpu.memory_space<vmem_shared>>) target_semaphore(%run_scoped3A : memref<!tpu.dma_semaphore, #tpu.memory_space<semaphore_mem>>)
      %dma_wait3A_153 = arith.constant 0 : i32
      %dma_wait3A_154 = tpu.memref_slice %arg35[%mul3A_9, %dma_wait3A_153] : memref<10240x128xf32, #tpu.memory_space<vmem_shared>> -> memref<640x128xf32, #tpu.memory_space<vmem_shared>>
      tpu.wait_dma2 semaphore(%run_scoped3A : memref<!tpu.dma_semaphore, #tpu.memory_space<semaphore_mem>>) src(%arg11 : memref<640x128xf32, #tpu.memory_space<hbm>>) dst(%dma_wait3A_154 : memref<640x128xf32, #tpu.memory_space<vmem_shared>>)
      tpu.yield
    }) : () -> ()
    %barrier3A = arith.constant 0 : index
    tpu.barrier barrier_id(%barrier3A)
    %get3A = arith.constant 0 : index
    %get3A_10 = tpu.vector_load %arg17[%get3A] {strides = array<i32>} : memref<16xf32, #tpu.memory_space<vmem>>, vector<16xf32>,
    %slice3A = vector.extract_strided_slice %get3A_10 {offsets = [0], sizes = [1], strides = [1]} : vector<16xf32> to vector<1xf32>
    %squeeze3A = vector.extract %slice3A[0] : f32 from vector<1xf32>
    %slice3A_11 = vector.extract_strided_slice %get3A_10 {offsets = [1], sizes = [1], strides = [1]} : vector<16xf32> to vector<1xf32>
    %squeeze3A_12 = vector.extract %slice3A_11[0] : f32 from vector<1xf32>
    %iota3A = tpu.iota {dimensions = array<i32: 0>} : vector<16xi32>
    %dma_start3A = arith.constant 0 : i32
    %dma_start3A_13 = arith.constant 0 : i32
    %dma_start3A_14 = tpu.memref_slice %arg4[%add3A, %dma_start3A, %dma_start3A_13] : memref<32x313x32xi32, #tpu.memory_space<hbm>> -> memref<1x1x32xi32, #tpu.memory_space<hbm>>
    %dma_start3A_15 = tpu.memref_squeeze %dma_start3A_14 : memref<1x1x32xi32, #tpu.memory_space<hbm>> -> memref<32xi32, #tpu.memory_space<hbm>>
    %dma_start3A_16 = arith.constant 0 : i32
    %dma_start3A_17 = tpu.memref_slice %arg4[%add3A, %dma_start3A, %dma_start3A_16] : memref<32x313x32xi32, #tpu.memory_space<hbm>> -> memref<1x1x32xi32, #tpu.memory_space<hbm>>
    %dma_start3A_18 = tpu.memref_squeeze %dma_start3A_17 : memref<1x1x32xi32, #tpu.memory_space<hbm>> -> memref<32xi32, #tpu.memory_space<hbm>>
    tpu.enqueue_dma source(%dma_start3A_18 : memref<32xi32, #tpu.memory_space<hbm>>) target(%arg18 : memref<32xi32, #tpu.memory_space<vmem>>) target_semaphore(%arg36 : memref<!tpu.dma_semaphore, #tpu.memory_space<semaphore_mem>>)
    %dma_start3A_19 = arith.constant 0 : i32
    %dma_start3A_20 = arith.constant 0 : i32
    %dma_start3A_21 = tpu.memref_slice %arg5[%add3A, %dma_start3A_19, %dma_start3A_20] : memref<32x313x32xi32, #tpu.memory_space<hbm>> -> memref<1x1x32xi32, #tpu.memory_space<hbm>>
    %dma_start3A_22 = tpu.memref_squeeze %dma_start3A_21 : memref<1x1x32xi32, #tpu.memory_space<hbm>> -> memref<32xi32, #tpu.memory_space<hbm>>
    %dma_start3A_23 = arith.constant 0 : i32
    %dma_start3A_24 = tpu.memref_slice %arg5[%add3A, %dma_start3A_19, %dma_start3A_23] : memref<32x313x32xi32, #tpu.memory_space<hbm>> -> memref<1x1x32xi32, #tpu.memory_space<hbm>>
    %dma_start3A_25 = tpu.memref_squeeze %dma_start3A_24 : memref<1x1x32xi32, #tpu.memory_space<hbm>> -> memref<32xi32, #tpu.memory_space<hbm>>
    tpu.enqueue_dma source(%dma_start3A_25 : memref<32xi32, #tpu.memory_space<hbm>>) target(%arg20 : memref<32xi32, #tpu.memory_space<vmem>>) target_semaphore(%arg36 : memref<!tpu.dma_semaphore, #tpu.memory_space<semaphore_mem>>)
    %dma_start3A_26 = arith.constant 0 : i32
    %dma_start3A_27 = arith.constant 0 : i32
    %dma_start3A_28 = tpu.memref_slice %arg6[%add3A, %dma_start3A_26, %dma_start3A_27] : memref<32x313x32xi32, #tpu.memory_space<hbm>> -> memref<1x1x32xi32, #tpu.memory_space<hbm>>
    %dma_start3A_29 = tpu.memref_squeeze %dma_start3A_28 : memref<1x1x32xi32, #tpu.memory_space<hbm>> -> memref<32xi32, #tpu.memory_space<hbm>>
    %dma_start3A_30 = arith.constant 0 : i32
    %dma_start3A_31 = tpu.memref_slice %arg6[%add3A, %dma_start3A_26, %dma_start3A_30] : memref<32x313x32xi32, #tpu.memory_space<hbm>> -> memref<1x1x32xi32, #tpu.memory_space<hbm>>
    %dma_start3A_32 = tpu.memref_squeeze %dma_start3A_31 : memref<1x1x32xi32, #tpu.memory_space<hbm>> -> memref<32xi32, #tpu.memory_space<hbm>>
    tpu.enqueue_dma source(%dma_start3A_32 : memref<32xi32, #tpu.memory_space<hbm>>) target(%arg22 : memref<32xi32, #tpu.memory_space<vmem>>) target_semaphore(%arg36 : memref<!tpu.dma_semaphore, #tpu.memory_space<semaphore_mem>>)
    %dma_start3A_33 = arith.constant 1 : i32
    %dma_start3A_34 = arith.constant 0 : i32
    %dma_start3A_35 = tpu.memref_slice %arg4[%add3A, %dma_start3A_33, %dma_start3A_34] : memref<32x313x32xi32, #tpu.memory_space<hbm>> -> memref<1x1x32xi32, #tpu.memory_space<hbm>>
    %dma_start3A_36 = tpu.memref_squeeze %dma_start3A_35 : memref<1x1x32xi32, #tpu.memory_space<hbm>> -> memref<32xi32, #tpu.memory_space<hbm>>
    %dma_start3A_37 = arith.constant 0 : i32
    %dma_start3A_38 = tpu.memref_slice %arg4[%add3A, %dma_start3A_33, %dma_start3A_37] : memref<32x313x32xi32, #tpu.memory_space<hbm>> -> memref<1x1x32xi32, #tpu.memory_space<hbm>>
    %dma_start3A_39 = tpu.memref_squeeze %dma_start3A_38 : memref<1x1x32xi32, #tpu.memory_space<hbm>> -> memref<32xi32, #tpu.memory_space<hbm>>
    tpu.enqueue_dma source(%dma_start3A_39 : memref<32xi32, #tpu.memory_space<hbm>>) target(%arg19 : memref<32xi32, #tpu.memory_space<vmem>>) target_semaphore(%arg37 : memref<!tpu.dma_semaphore, #tpu.memory_space<semaphore_mem>>)
    %dma_start3A_40 = arith.constant 1 : i32
    %dma_start3A_41 = arith.constant 0 : i32
    %dma_start3A_42 = tpu.memref_slice %arg5[%add3A, %dma_start3A_40, %dma_start3A_41] : memref<32x313x32xi32, #tpu.memory_space<hbm>> -> memref<1x1x32xi32, #tpu.memory_space<hbm>>
    %dma_start3A_43 = tpu.memref_squeeze %dma_start3A_42 : memref<1x1x32xi32, #tpu.memory_space<hbm>> -> memref<32xi32, #tpu.memory_space<hbm>>
    %dma_start3A_44 = arith.constant 0 : i32
    %dma_start3A_45 = tpu.memref_slice %arg5[%add3A, %dma_start3A_40, %dma_start3A_44] : memref<32x313x32xi32, #tpu.memory_space<hbm>> -> memref<1x1x32xi32, #tpu.memory_space<hbm>>
    %dma_start3A_46 = tpu.memref_squeeze %dma_start3A_45 : memref<1x1x32xi32, #tpu.memory_space<hbm>> -> memref<32xi32, #tpu.memory_space<hbm>>
    tpu.enqueue_dma source(%dma_start3A_46 : memref<32xi32, #tpu.memory_space<hbm>>) target(%arg21 : memref<32xi32, #tpu.memory_space<vmem>>) target_semaphore(%arg37 : memref<!tpu.dma_semaphore, #tpu.memory_space<semaphore_mem>>)
    %dma_start3A_47 = arith.constant 1 : i32
    %dma_start3A_48 = arith.constant 0 : i32
    %dma_start3A_49 = tpu.memref_slice %arg6[%add3A, %dma_start3A_47, %dma_start3A_48] : memref<32x313x32xi32, #tpu.memory_space<hbm>> -> memref<1x1x32xi32, #tpu.memory_space<hbm>>
    %dma_start3A_50 = tpu.memref_squeeze %dma_start3A_49 : memref<1x1x32xi32, #tpu.memory_space<hbm>> -> memref<32xi32, #tpu.memory_space<hbm>>
    %dma_start3A_51 = arith.constant 0 : i32
    %dma_start3A_52 = tpu.memref_slice %arg6[%add3A, %dma_start3A_47, %dma_start3A_51] : memref<32x313x32xi32, #tpu.memory_space<hbm>> -> memref<1x1x32xi32, #tpu.memory_space<hbm>>
    %dma_start3A_53 = tpu.memref_squeeze %dma_start3A_52 : memref<1x1x32xi32, #tpu.memory_space<hbm>> -> memref<32xi32, #tpu.memory_space<hbm>>
    tpu.enqueue_dma source(%dma_start3A_53 : memref<32xi32, #tpu.memory_space<hbm>>) target(%arg23 : memref<32xi32, #tpu.memory_space<vmem>>) target_semaphore(%arg37 : memref<!tpu.dma_semaphore, #tpu.memory_space<semaphore_mem>>)
    %dma_wait3A = arith.constant 0 : i32
    %dma_wait3A_54 = arith.constant 0 : i32
    %dma_wait3A_55 = arith.constant 0 : i32
    %dma_wait3A_56 = tpu.memref_slice %arg4[%dma_wait3A, %dma_wait3A_54, %dma_wait3A_55] : memref<32x313x32xi32, #tpu.memory_space<hbm>> -> memref<1x1x32xi32, #tpu.memory_space<hbm>>
    %dma_wait3A_57 = tpu.memref_squeeze %dma_wait3A_56 : memref<1x1x32xi32, #tpu.memory_space<hbm>> -> memref<32xi32, #tpu.memory_space<hbm>>
    %dma_wait3A_58 = arith.constant 0 : i32
    %dma_wait3A_59 = tpu.memref_slice %arg4[%dma_wait3A, %dma_wait3A_54, %dma_wait3A_58] : memref<32x313x32xi32, #tpu.memory_space<hbm>> -> memref<1x1x32xi32, #tpu.memory_space<hbm>>
    %dma_wait3A_60 = tpu.memref_squeeze %dma_wait3A_59 : memref<1x1x32xi32, #tpu.memory_space<hbm>> -> memref<32xi32, #tpu.memory_space<hbm>>
    tpu.wait_dma2 semaphore(%arg36 : memref<!tpu.dma_semaphore, #tpu.memory_space<semaphore_mem>>) src(%dma_wait3A_60 : memref<32xi32, #tpu.memory_space<hbm>>) dst(%arg18 : memref<32xi32, #tpu.memory_space<vmem>>)
    %dma_wait3A_61 = arith.constant 0 : i32
    %dma_wait3A_62 = arith.constant 0 : i32
    %dma_wait3A_63 = arith.constant 0 : i32
    %dma_wait3A_64 = tpu.memref_slice %arg5[%dma_wait3A_61, %dma_wait3A_62, %dma_wait3A_63] : memref<32x313x32xi32, #tpu.memory_space<hbm>> -> memref<1x1x32xi32, #tpu.memory_space<hbm>>
    %dma_wait3A_65 = tpu.memref_squeeze %dma_wait3A_64 : memref<1x1x32xi32, #tpu.memory_space<hbm>> -> memref<32xi32, #tpu.memory_space<hbm>>
    %dma_wait3A_66 = arith.constant 0 : i32
    %dma_wait3A_67 = tpu.memref_slice %arg5[%dma_wait3A_61, %dma_wait3A_62, %dma_wait3A_66] : memref<32x313x32xi32, #tpu.memory_space<hbm>> -> memref<1x1x32xi32, #tpu.memory_space<hbm>>
    %dma_wait3A_68 = tpu.memref_squeeze %dma_wait3A_67 : memref<1x1x32xi32, #tpu.memory_space<hbm>> -> memref<32xi32, #tpu.memory_space<hbm>>
    tpu.wait_dma2 semaphore(%arg36 : memref<!tpu.dma_semaphore, #tpu.memory_space<semaphore_mem>>) src(%dma_wait3A_68 : memref<32xi32, #tpu.memory_space<hbm>>) dst(%arg20 : memref<32xi32, #tpu.memory_space<vmem>>)
    %dma_wait3A_69 = arith.constant 0 : i32
    %dma_wait3A_70 = arith.constant 0 : i32
    %dma_wait3A_71 = arith.constant 0 : i32
    %dma_wait3A_72 = tpu.memref_slice %arg6[%dma_wait3A_69, %dma_wait3A_70, %dma_wait3A_71] : memref<32x313x32xi32, #tpu.memory_space<hbm>> -> memref<1x1x32xi32, #tpu.memory_space<hbm>>
    %dma_wait3A_73 = tpu.memref_squeeze %dma_wait3A_72 : memref<1x1x32xi32, #tpu.memory_space<hbm>> -> memref<32xi32, #tpu.memory_space<hbm>>
    %dma_wait3A_74 = arith.constant 0 : i32
    %dma_wait3A_75 = tpu.memref_slice %arg6[%dma_wait3A_69, %dma_wait3A_70, %dma_wait3A_74] : memref<32x313x32xi32, #tpu.memory_space<hbm>> -> memref<1x1x32xi32, #tpu.memory_space<hbm>>
    %dma_wait3A_76 = tpu.memref_squeeze %dma_wait3A_75 : memref<1x1x32xi32, #tpu.memory_space<hbm>> -> memref<32xi32, #tpu.memory_space<hbm>>
    tpu.wait_dma2 semaphore(%arg36 : memref<!tpu.dma_semaphore, #tpu.memory_space<semaphore_mem>>) src(%dma_wait3A_76 : memref<32xi32, #tpu.memory_space<hbm>>) dst(%arg22 : memref<32xi32, #tpu.memory_space<vmem>>)
    %dma_start3A_77 = arith.constant 0 : i32
    %dma_start3A_78 = arith.constant 0 : i32
    %dma_start3A_79 = tpu.memref_slice %arg2[%dma_start3A_77, %dma_start3A_78] : memref<10000x256xf32, #tpu.memory_space<hbm>> -> memref<10000x256xf32, #tpu.memory_space<hbm>>
    tpu.enqueue_indirect_dma source(%dma_start3A_79 : memref<10000x256xf32, #tpu.memory_space<hbm>>) target(%arg28 : memref<32x256xf32, #tpu.memory_space<vmem>>) offsets(%arg18 : memref<32xi32, #tpu.memory_space<vmem>>) semaphore(%arg38 : memref<!tpu.dma_semaphore, #tpu.memory_space<semaphore_mem>>)
    %dma_start3A_80 = arith.constant 0 : i32
    %dma_start3A_81 = arith.constant 0 : i32
    %dma_start3A_82 = tpu.memref_slice %arg3[%dma_start3A_80, %dma_start3A_81] : memref<10000x128xf32, #tpu.memory_space<hbm>> -> memref<10000x128xf32, #tpu.memory_space<hbm>>
    tpu.enqueue_indirect_dma source(%dma_start3A_82 : memref<10000x128xf32, #tpu.memory_space<hbm>>) target(%arg30 : memref<32x128xf32, #tpu.memory_space<vmem>>) offsets(%arg18 : memref<32xi32, #tpu.memory_space<vmem>>) semaphore(%arg38 : memref<!tpu.dma_semaphore, #tpu.memory_space<semaphore_mem>>)
    %scan3A_83 = arith.constant 0 : i32
    %scan3A_84 = arith.constant 0 : i32
    %scan3A_85 = arith.constant 156 : i32
    %scan3A_86 = arith.addi %scan3A_84, %scan3A_85 : i32
    %scan3A_87 = arith.constant 1 : i32
    %scan3A_88 = scf.for %scan3A_151 = %scan3A_84 to %scan3A_86 step %scan3A_87 iter_args(%scan3A_152 = %scan3A_83) -> (i32)  : i32 {
      %mul3A_153 = arith.constant 2 : i32
      %mul3A_154 = arith.muli %scan3A_151, %mul3A_153 : i32
      %dma_wait3A_155 = arith.constant 0 : i32
      %dma_wait3A_156 = arith.constant 0 : i32
      %dma_wait3A_157 = tpu.memref_slice %arg2[%dma_wait3A_155, %dma_wait3A_156] : memref<10000x256xf32, #tpu.memory_space<hbm>> -> memref<32x256xf32, #tpu.memory_space<hbm>>
      %dma_wait3A_158 = arith.constant 0 : i32
      %dma_wait3A_159 = arith.constant 0 : i32
      %dma_wait3A_160 = tpu.memref_slice %arg2[%dma_wait3A_158, %dma_wait3A_159] : memref<10000x256xf32, #tpu.memory_space<hbm>> -> memref<32x256xf32, #tpu.memory_space<hbm>>
      tpu.wait_dma2 semaphore(%arg38 : memref<!tpu.dma_semaphore, #tpu.memory_space<semaphore_mem>>) src(%dma_wait3A_160 : memref<32x256xf32, #tpu.memory_space<hbm>>) dst(%arg28 : memref<32x256xf32, #tpu.memory_space<vmem>>)
      %dma_wait3A_161 = arith.constant 0 : i32
      %dma_wait3A_162 = arith.constant 0 : i32
      %dma_wait3A_163 = tpu.memref_slice %arg3[%dma_wait3A_161, %dma_wait3A_162] : memref<10000x128xf32, #tpu.memory_space<hbm>> -> memref<32x128xf32, #tpu.memory_space<hbm>>
      %dma_wait3A_164 = arith.constant 0 : i32
      %dma_wait3A_165 = arith.constant 0 : i32
      %dma_wait3A_166 = tpu.memref_slice %arg3[%dma_wait3A_164, %dma_wait3A_165] : memref<10000x128xf32, #tpu.memory_space<hbm>> -> memref<32x128xf32, #tpu.memory_space<hbm>>
      tpu.wait_dma2 semaphore(%arg38 : memref<!tpu.dma_semaphore, #tpu.memory_space<semaphore_mem>>) src(%dma_wait3A_166 : memref<32x128xf32, #tpu.memory_space<hbm>>) dst(%arg30 : memref<32x128xf32, #tpu.memory_space<vmem>>)
      %add3A_167 = arith.constant 1 : i32
      %add3A_168 = arith.addi %mul3A_154, %add3A_167 : i32
      %lt3A = arith.constant 313 : i32
      %lt3A_169 = arith.cmpi slt, %add3A_168, %lt3A : i32
      %convert_element_type3A = arith.extui %lt3A_169 : i1 to i32
      %cond3A = arith.constant 0 : i32
      %cond3A_170 = arith.cmpi ne, %convert_element_type3A, %cond3A : i32
      scf.if %cond3A_170 {
        %dma_wait3A_290 = arith.constant 0 : i32
        %dma_wait3A_291 = arith.constant 0 : i32
        %dma_wait3A_292 = arith.constant 0 : i32
        %dma_wait3A_293 = tpu.memref_slice %arg4[%dma_wait3A_290, %dma_wait3A_291, %dma_wait3A_292] : memref<32x313x32xi32, #tpu.memory_space<hbm>> -> memref<1x1x32xi32, #tpu.memory_space<hbm>>
        %dma_wait3A_294 = tpu.memref_squeeze %dma_wait3A_293 : memref<1x1x32xi32, #tpu.memory_space<hbm>> -> memref<32xi32, #tpu.memory_space<hbm>>
        %dma_wait3A_295 = arith.constant 0 : i32
        %dma_wait3A_296 = tpu.memref_slice %arg4[%dma_wait3A_290, %dma_wait3A_291, %dma_wait3A_295] : memref<32x313x32xi32, #tpu.memory_space<hbm>> -> memref<1x1x32xi32, #tpu.memory_space<hbm>>
        %dma_wait3A_297 = tpu.memref_squeeze %dma_wait3A_296 : memref<1x1x32xi32, #tpu.memory_space<hbm>> -> memref<32xi32, #tpu.memory_space<hbm>>
        tpu.wait_dma2 semaphore(%arg37 : memref<!tpu.dma_semaphore, #tpu.memory_space<semaphore_mem>>) src(%dma_wait3A_297 : memref<32xi32, #tpu.memory_space<hbm>>) dst(%arg19 : memref<32xi32, #tpu.memory_space<vmem>>)
        %dma_wait3A_298 = arith.constant 0 : i32
        %dma_wait3A_299 = arith.constant 0 : i32
        %dma_wait3A_300 = arith.constant 0 : i32
        %dma_wait3A_301 = tpu.memref_slice %arg5[%dma_wait3A_298, %dma_wait3A_299, %dma_wait3A_300] : memref<32x313x32xi32, #tpu.memory_space<hbm>> -> memref<1x1x32xi32, #tpu.memory_space<hbm>>
        %dma_wait3A_302 = tpu.memref_squeeze %dma_wait3A_301 : memref<1x1x32xi32, #tpu.memory_space<hbm>> -> memref<32xi32, #tpu.memory_space<hbm>>
        %dma_wait3A_303 = arith.constant 0 : i32
        %dma_wait3A_304 = tpu.memref_slice %arg5[%dma_wait3A_298, %dma_wait3A_299, %dma_wait3A_303] : memref<32x313x32xi32, #tpu.memory_space<hbm>> -> memref<1x1x32xi32, #tpu.memory_space<hbm>>
        %dma_wait3A_305 = tpu.memref_squeeze %dma_wait3A_304 : memref<1x1x32xi32, #tpu.memory_space<hbm>> -> memref<32xi32, #tpu.memory_space<hbm>>
        tpu.wait_dma2 semaphore(%arg37 : memref<!tpu.dma_semaphore, #tpu.memory_space<semaphore_mem>>) src(%dma_wait3A_305 : memref<32xi32, #tpu.memory_space<hbm>>) dst(%arg21 : memref<32xi32, #tpu.memory_space<vmem>>)
        %dma_wait3A_306 = arith.constant 0 : i32
        %dma_wait3A_307 = arith.constant 0 : i32
        %dma_wait3A_308 = arith.constant 0 : i32
        %dma_wait3A_309 = tpu.memref_slice %arg6[%dma_wait3A_306, %dma_wait3A_307, %dma_wait3A_308] : memref<32x313x32xi32, #tpu.memory_space<hbm>> -> memref<1x1x32xi32, #tpu.memory_space<hbm>>
        %dma_wait3A_310 = tpu.memref_squeeze %dma_wait3A_309 : memref<1x1x32xi32, #tpu.memory_space<hbm>> -> memref<32xi32, #tpu.memory_space<hbm>>
        %dma_wait3A_311 = arith.constant 0 : i32
        %dma_wait3A_312 = tpu.memref_slice %arg6[%dma_wait3A_306, %dma_wait3A_307, %dma_wait3A_311] : memref<32x313x32xi32, #tpu.memory_space<hbm>> -> memref<1x1x32xi32, #tpu.memory_space<hbm>>
        %dma_wait3A_313 = tpu.memref_squeeze %dma_wait3A_312 : memref<1x1x32xi32, #tpu.memory_space<hbm>> -> memref<32xi32, #tpu.memory_space<hbm>>
        tpu.wait_dma2 semaphore(%arg37 : memref<!tpu.dma_semaphore, #tpu.memory_space<semaphore_mem>>) src(%dma_wait3A_313 : memref<32xi32, #tpu.memory_space<hbm>>) dst(%arg23 : memref<32xi32, #tpu.memory_space<vmem>>)
        %dma_start3A_314 = arith.constant 0 : i32
        %dma_start3A_315 = arith.constant 0 : i32
        %dma_start3A_316 = tpu.memref_slice %arg2[%dma_start3A_314, %dma_start3A_315] : memref<10000x256xf32, #tpu.memory_space<hbm>> -> memref<10000x256xf32, #tpu.memory_space<hbm>>
        tpu.enqueue_indirect_dma source(%dma_start3A_316 : memref<10000x256xf32, #tpu.memory_space<hbm>>) target(%arg29 : memref<32x256xf32, #tpu.memory_space<vmem>>) offsets(%arg19 : memref<32xi32, #tpu.memory_space<vmem>>) semaphore(%arg39 : memref<!tpu.dma_semaphore, #tpu.memory_space<semaphore_mem>>)
        %dma_start3A_317 = arith.constant 0 : i32
        %dma_start3A_318 = arith.constant 0 : i32
        %dma_start3A_319 = tpu.memref_slice %arg3[%dma_start3A_317, %dma_start3A_318] : memref<10000x128xf32, #tpu.memory_space<hbm>> -> memref<10000x128xf32, #tpu.memory_space<hbm>>
        tpu.enqueue_indirect_dma source(%dma_start3A_319 : memref<10000x128xf32, #tpu.memory_space<hbm>>) target(%arg31 : memref<32x128xf32, #tpu.memory_space<vmem>>) offsets(%arg19 : memref<32xi32, #tpu.memory_space<vmem>>) semaphore(%arg39 : memref<!tpu.dma_semaphore, #tpu.memory_space<semaphore_mem>>)
      } else {
      }
      %ge3A = arith.constant 2 : i32
      %ge3A_171 = arith.cmpi sge, %mul3A_154, %ge3A : i32
      %convert_element_type3A_172 = arith.extui %ge3A_171 : i1 to i32
      %cond3A_173 = arith.constant 0 : i32
      %cond3A_174 = arith.cmpi ne, %convert_element_type3A_172, %cond3A_173 : i32
      scf.if %cond3A_174 {
        %dma_wait3A_290 = arith.constant 0 : i32
        %dma_wait3A_291 = arith.constant 0 : i32
        %dma_wait3A_292 = tpu.memref_slice %arg35[%dma_wait3A_290, %dma_wait3A_291] : memref<10240x128xf32, #tpu.memory_space<vmem_shared>> -> memref<10240x128xf32, #tpu.memory_space<vmem_shared>>
        tpu.wait_indirect_dma semaphore(%arg40 : memref<!tpu.dma_semaphore, #tpu.memory_space<semaphore_mem>>) src(%arg32 : memref<32x128xf32, #tpu.memory_space<vmem>>) dst(%dma_wait3A_292 : memref<10240x128xf32, #tpu.memory_space<vmem_shared>>)
      } else {
      }
      %add3A_175 = arith.constant 0 : i32
      %add3A_176 = vector.broadcast %add3A_175 : i32 to vector<16xi32>
      %add3A_177 = arith.addi %iota3A, %add3A_176 : vector<16xi32>
      %gather3A_178 = tpu.vector_load_idx %arg20[%add3A_177] : memref<32xi32, #tpu.memory_space<vmem>>[vector<16xi32>], vector<16xi32>,
      tpu.vector_store_idx %arg24[%add3A_177], %gather3A_178 : memref<32xi32, #tpu.memory_space<vmem>>[vector<16xi32>], vector<16xi32>,
      %gather3A_179 = tpu.vector_load_idx %arg22[%add3A_177] : memref<32xi32, #tpu.memory_space<vmem>>[vector<16xi32>], vector<16xi32>,
      tpu.vector_store_idx %arg26[%add3A_177], %gather3A_179 : memref<48xi32, #tpu.memory_space<vmem>>[vector<16xi32>], vector<16xi32>,
      %add3A_180 = arith.constant 16 : i32
      %add3A_181 = vector.broadcast %add3A_180 : i32 to vector<16xi32>
      %add3A_182 = arith.addi %iota3A, %add3A_181 : vector<16xi32>
      %gather3A_183 = tpu.vector_load_idx %arg20[%add3A_182] : memref<32xi32, #tpu.memory_space<vmem>>[vector<16xi32>], vector<16xi32>,
      tpu.vector_store_idx %arg24[%add3A_182], %gather3A_183 : memref<32xi32, #tpu.memory_space<vmem>>[vector<16xi32>], vector<16xi32>,
      %gather3A_184 = tpu.vector_load_idx %arg22[%add3A_182] : memref<32xi32, #tpu.memory_space<vmem>>[vector<16xi32>], vector<16xi32>,
      tpu.vector_store_idx %arg26[%add3A_182], %gather3A_184 : memref<48xi32, #tpu.memory_space<vmem>>[vector<16xi32>], vector<16xi32>,
      %add3A_185 = arith.constant 2 : i32
      %add3A_186 = arith.addi %mul3A_154, %add3A_185 : i32
      %lt3A_187 = arith.constant 313 : i32
      %lt3A_188 = arith.cmpi slt, %add3A_186, %lt3A_187 : i32
      %convert_element_type3A_189 = arith.extui %lt3A_188 : i1 to i32
      %cond3A_190 = arith.constant 0 : i32
      %cond3A_191 = arith.cmpi ne, %convert_element_type3A_189, %cond3A_190 : i32
      scf.if %cond3A_191 {
        %add3A_290 = arith.constant 2 : i32
        %add3A_291 = arith.addi %mul3A_154, %add3A_290 : i32
        %dma_start3A_292 = arith.constant 0 : i32
        %dma_start3A_293 = tpu.memref_slice %arg4[%add3A, %add3A_291, %dma_start3A_292] : memref<32x313x32xi32, #tpu.memory_space<hbm>> -> memref<1x1x32xi32, #tpu.memory_space<hbm>>
        %dma_start3A_294 = tpu.memref_squeeze %dma_start3A_293 : memref<1x1x32xi32, #tpu.memory_space<hbm>> -> memref<32xi32, #tpu.memory_space<hbm>>
        %dma_start3A_295 = arith.constant 0 : i32
        %dma_start3A_296 = tpu.memref_slice %arg4[%add3A, %add3A_291, %dma_start3A_295] : memref<32x313x32xi32, #tpu.memory_space<hbm>> -> memref<1x1x32xi32, #tpu.memory_space<hbm>>
        %dma_start3A_297 = tpu.memref_squeeze %dma_start3A_296 : memref<1x1x32xi32, #tpu.memory_space<hbm>> -> memref<32xi32, #tpu.memory_space<hbm>>
        tpu.enqueue_dma source(%dma_start3A_297 : memref<32xi32, #tpu.memory_space<hbm>>) target(%arg18 : memref<32xi32, #tpu.memory_space<vmem>>) target_semaphore(%arg36 : memref<!tpu.dma_semaphore, #tpu.memory_space<semaphore_mem>>)
        %dma_start3A_298 = arith.constant 0 : i32
        %dma_start3A_299 = tpu.memref_slice %arg5[%add3A, %add3A_291, %dma_start3A_298] : memref<32x313x32xi32, #tpu.memory_space<hbm>> -> memref<1x1x32xi32, #tpu.memory_space<hbm>>
        %dma_start3A_300 = tpu.memref_squeeze %dma_start3A_299 : memref<1x1x32xi32, #tpu.memory_space<hbm>> -> memref<32xi32, #tpu.memory_space<hbm>>
        %dma_start3A_301 = arith.constant 0 : i32
        %dma_start3A_302 = tpu.memref_slice %arg5[%add3A, %add3A_291, %dma_start3A_301] : memref<32x313x32xi32, #tpu.memory_space<hbm>> -> memref<1x1x32xi32, #tpu.memory_space<hbm>>
        %dma_start3A_303 = tpu.memref_squeeze %dma_start3A_302 : memref<1x1x32xi32, #tpu.memory_space<hbm>> -> memref<32xi32, #tpu.memory_space<hbm>>
        tpu.enqueue_dma source(%dma_start3A_303 : memref<32xi32, #tpu.memory_space<hbm>>) target(%arg20 : memref<32xi32, #tpu.memory_space<vmem>>) target_semaphore(%arg36 : memref<!tpu.dma_semaphore, #tpu.memory_space<semaphore_mem>>)
        %dma_start3A_304 = arith.constant 0 : i32
        %dma_start3A_305 = tpu.memref_slice %arg6[%add3A, %add3A_291, %dma_start3A_304] : memref<32x313x32xi32, #tpu.memory_space<hbm>> -> memref<1x1x32xi32, #tpu.memory_space<hbm>>
        %dma_start3A_306 = tpu.memref_squeeze %dma_start3A_305 : memref<1x1x32xi32, #tpu.memory_space<hbm>> -> memref<32xi32, #tpu.memory_space<hbm>>
        %dma_start3A_307 = arith.constant 0 : i32
        %dma_start3A_308 = tpu.memref_slice %arg6[%add3A, %add3A_291, %dma_start3A_307] : memref<32x313x32xi32, #tpu.memory_space<hbm>> -> memref<1x1x32xi32, #tpu.memory_space<hbm>>
        %dma_start3A_309 = tpu.memref_squeeze %dma_start3A_308 : memref<1x1x32xi32, #tpu.memory_space<hbm>> -> memref<32xi32, #tpu.memory_space<hbm>>
        tpu.enqueue_dma source(%dma_start3A_309 : memref<32xi32, #tpu.memory_space<hbm>>) target(%arg22 : memref<32xi32, #tpu.memory_space<vmem>>) target_semaphore(%arg36 : memref<!tpu.dma_semaphore, #tpu.memory_space<semaphore_mem>>)
      } else {
      }
      %get3A_192 = arith.constant 0 : index
      %get3A_193 = tpu.vector_load %arg16[%get3A_192] {strides = array<i32>} : memref<128xf32, #tpu.memory_space<vmem>>, vector<16xf32>,
      %get3A_194 = arith.constant 16 : index
      %get3A_195 = tpu.vector_load %arg16[%get3A_194] {strides = array<i32>} : memref<128xf32, #tpu.memory_space<vmem>>, vector<16xf32>,
      %get3A_196 = arith.constant 32 : index
      %get3A_197 = tpu.vector_load %arg16[%get3A_196] {strides = array<i32>} : memref<128xf32, #tpu.memory_space<vmem>>, vector<16xf32>,
      %get3A_198 = arith.constant 48 : index
      %get3A_199 = tpu.vector_load %arg16[%get3A_198] {strides = array<i32>} : memref<128xf32, #tpu.memory_space<vmem>>, vector<16xf32>,
      %get3A_200 = arith.constant 64 : index
      %get3A_201 = tpu.vector_load %arg16[%get3A_200] {strides = array<i32>} : memref<128xf32, #tpu.memory_space<vmem>>, vector<16xf32>,
      %get3A_202 = arith.constant 80 : index
      %get3A_203 = tpu.vector_load %arg16[%get3A_202] {strides = array<i32>} : memref<128xf32, #tpu.memory_space<vmem>>, vector<16xf32>,
      %get3A_204 = arith.constant 96 : index
      %get3A_205 = tpu.vector_load %arg16[%get3A_204] {strides = array<i32>} : memref<128xf32, #tpu.memory_space<vmem>>, vector<16xf32>,
      %get3A_206 = arith.constant 112 : index
      %get3A_207 = tpu.vector_load %arg16[%get3A_206] {strides = array<i32>} : memref<128xf32, #tpu.memory_space<vmem>>, vector<16xf32>,
      %scan3A_208 = arith.constant 0 : i32
      %scan3A_209 = arith.constant 0 : i32
      %scan3A_210 = arith.constant 2 : i32
      %scan3A_211 = arith.addi %scan3A_209, %scan3A_210 : i32
      %scan3A_212 = arith.constant 1 : i32
      %scan3A_213 = scf.for %scan3A_290 = %scan3A_209 to %scan3A_211 step %scan3A_212 iter_args(%scan3A_291 = %scan3A_208) -> (i32)  : i32 {
        %mul3A_292 = arith.constant 16 : i32
        %mul3A_293 = arith.muli %scan3A_290, %mul3A_292 : i32
        %add3A_294 = vector.broadcast %mul3A_293 : i32 to vector<16xi32>
        %add3A_295 = arith.addi %iota3A, %add3A_294 : vector<16xi32>
        %gather3A_296 = tpu.vector_load_idx %arg24[%add3A_295] : memref<32xi32, #tpu.memory_space<vmem>>[vector<16xi32>], vector<16xi32>,
        %broadcast_in_dim3A_297 = arith.constant 0.000000e+00 : f32
        %broadcast_in_dim3A_298 = vector.broadcast %broadcast_in_dim3A_297 : f32 to vector<16xf32>
        %parallel_loop3A = arith.constant 0 : i32
        %parallel_loop3A_299 = arith.constant 16 : i32
        %parallel_loop3A_300 = arith.constant 1 : i32
        %parallel_loop3A_301 = scf.for %parallel_loop3A_375 = %parallel_loop3A to %parallel_loop3A_299 step %parallel_loop3A_300 iter_args(%parallel_loop3A_376 = %broadcast_in_dim3A_298) -> (vector<16xf32>)  : i32 {
          %parallel_loop3A_377 = arith.addi %mul3A_293, %parallel_loop3A_375 : i32
          %parallel_loop3A_378 = arith.index_cast %parallel_loop3A_377 : i32 to index
          %parallel_loop3A_379 = tpu.vector_load %arg26[%parallel_loop3A_378] {strides = array<i32>} : memref<48xi32, #tpu.memory_space<vmem>>, vector<16xi32>,
          %parallel_loop3A_380 = vector.extract_strided_slice %parallel_loop3A_379 {offsets = [0], sizes = [1], strides = [1]} : vector<16xi32> to vector<1xi32>
          %parallel_loop3A_381 = vector.extract %parallel_loop3A_380[0] : i32 from vector<1xi32>
          %parallel_loop3A_382 = arith.constant 0.000000e+00 : f32
          %parallel_loop3A_383 = vector.broadcast %parallel_loop3A_382 : f32 to vector<16xf32>
          %parallel_loop3A_384 = arith.index_cast %parallel_loop3A_377 : i32 to index
          %parallel_loop3A_385 = arith.constant 0 : index
          %parallel_loop3A_386 = tpu.vector_load %arg28[%parallel_loop3A_384, %parallel_loop3A_385] {strides = array<i32>} : memref<32x256xf32, #tpu.memory_space<vmem>>, vector<16xf32>,
          %parallel_loop3A_387 = arith.index_cast %parallel_loop3A_377 : i32 to index
          %parallel_loop3A_388 = arith.constant 0 : index
          %parallel_loop3A_389 = tpu.vector_load %arg30[%parallel_loop3A_387, %parallel_loop3A_388] {strides = array<i32>} : memref<32x128xf32, #tpu.memory_space<vmem>>, vector<16xf32>,
          %parallel_loop3A_390 = arith.addf %parallel_loop3A_386, %parallel_loop3A_389 : vector<16xf32>
          %parallel_loop3A_391 = arith.index_cast %parallel_loop3A_381 : i32 to index
          %parallel_loop3A_392 = arith.constant 0 : index
          %parallel_loop3A_393 = tpu.vector_load %arg14[%parallel_loop3A_391, %parallel_loop3A_392] {strides = array<i32>} : memref<16x128xf32, #tpu.memory_space<vmem>>, vector<16xf32>,
          %parallel_loop3A_394 = arith.addf %parallel_loop3A_390, %parallel_loop3A_393 : vector<16xf32>
          %parallel_loop3A_395 = arith.mulf %parallel_loop3A_394, %parallel_loop3A_394 : vector<16xf32>
          %parallel_loop3A_396 = arith.constant 0.0356774069 : f32
          %parallel_loop3A_397 = vector.broadcast %parallel_loop3A_396 : f32 to vector<16xf32>
          %parallel_loop3A_398 = arith.mulf %parallel_loop3A_397, %parallel_loop3A_395 : vector<16xf32>
          %parallel_loop3A_399 = arith.constant 0.797884583 : f32
          %parallel_loop3A_400 = vector.broadcast %parallel_loop3A_399 : f32 to vector<16xf32>
          %parallel_loop3A_401 = arith.addf %parallel_loop3A_400, %parallel_loop3A_398 : vector<16xf32>
          %parallel_loop3A_402 = arith.mulf %parallel_loop3A_394, %parallel_loop3A_401 : vector<16xf32>
          %parallel_loop3A_403 = arith.constant 5.000000e-01 : f32
          %parallel_loop3A_404 = vector.broadcast %parallel_loop3A_403 : f32 to vector<16xf32>
          %parallel_loop3A_405 = arith.mulf %parallel_loop3A_404, %parallel_loop3A_394 : vector<16xf32>
          %parallel_loop3A_406 = arith.constant 2.000000e+00 : f32
          %parallel_loop3A_407 = vector.broadcast %parallel_loop3A_406 : f32 to vector<16xf32>
          %parallel_loop3A_408 = arith.mulf %parallel_loop3A_407, %parallel_loop3A_402 : vector<16xf32>
          %parallel_loop3A_409 = math.exp %parallel_loop3A_408 : vector<16xf32>
          %parallel_loop3A_410 = arith.constant 1.000000e+00 : f32
          %parallel_loop3A_411 = vector.broadcast %parallel_loop3A_410 : f32 to vector<16xf32>
          %parallel_loop3A_412 = arith.addf %parallel_loop3A_409, %parallel_loop3A_411 : vector<16xf32>
          %parallel_loop3A_413 = arith.constant 2.000000e+00 : f32
          %parallel_loop3A_414 = vector.broadcast %parallel_loop3A_413 : f32 to vector<16xf32>
          %parallel_loop3A_415 = arith.divf %parallel_loop3A_414, %parallel_loop3A_412 : vector<16xf32>
          %parallel_loop3A_416 = arith.constant 2.000000e+00 : f32
          %parallel_loop3A_417 = vector.broadcast %parallel_loop3A_416 : f32 to vector<16xf32>
          %parallel_loop3A_418 = arith.subf %parallel_loop3A_417, %parallel_loop3A_415 : vector<16xf32>
          %parallel_loop3A_419 = arith.mulf %parallel_loop3A_405, %parallel_loop3A_418 : vector<16xf32>
          %parallel_loop3A_420 = arith.mulf %parallel_loop3A_419, %get3A_193 : vector<16xf32>
          %parallel_loop3A_421 = arith.addf %parallel_loop3A_383, %parallel_loop3A_420 : vector<16xf32>
          %parallel_loop3A_422 = arith.index_cast %parallel_loop3A_377 : i32 to index
          %parallel_loop3A_423 = arith.constant 16 : index
          %parallel_loop3A_424 = tpu.vector_load %arg28[%parallel_loop3A_422, %parallel_loop3A_423] {strides = array<i32>} : memref<32x256xf32, #tpu.memory_space<vmem>>, vector<16xf32>,
          %parallel_loop3A_425 = arith.index_cast %parallel_loop3A_377 : i32 to index
          %parallel_loop3A_426 = arith.constant 16 : index
          %parallel_loop3A_427 = tpu.vector_load %arg30[%parallel_loop3A_425, %parallel_loop3A_426] {strides = array<i32>} : memref<32x128xf32, #tpu.memory_space<vmem>>, vector<16xf32>,
          %parallel_loop3A_428 = arith.addf %parallel_loop3A_424, %parallel_loop3A_427 : vector<16xf32>
          %parallel_loop3A_429 = arith.index_cast %parallel_loop3A_381 : i32 to index
          %parallel_loop3A_430 = arith.constant 16 : index
          %parallel_loop3A_431 = tpu.vector_load %arg14[%parallel_loop3A_429, %parallel_loop3A_430] {strides = array<i32>} : memref<16x128xf32, #tpu.memory_space<vmem>>, vector<16xf32>,
          %parallel_loop3A_432 = arith.addf %parallel_loop3A_428, %parallel_loop3A_431 : vector<16xf32>
          %parallel_loop3A_433 = arith.mulf %parallel_loop3A_432, %parallel_loop3A_432 : vector<16xf32>
          %parallel_loop3A_434 = arith.constant 0.0356774069 : f32
          %parallel_loop3A_435 = vector.broadcast %parallel_loop3A_434 : f32 to vector<16xf32>
          %parallel_loop3A_436 = arith.mulf %parallel_loop3A_435, %parallel_loop3A_433 : vector<16xf32>
          %parallel_loop3A_437 = arith.constant 0.797884583 : f32
          %parallel_loop3A_438 = vector.broadcast %parallel_loop3A_437 : f32 to vector<16xf32>
          %parallel_loop3A_439 = arith.addf %parallel_loop3A_438, %parallel_loop3A_436 : vector<16xf32>
          %parallel_loop3A_440 = arith.mulf %parallel_loop3A_432, %parallel_loop3A_439 : vector<16xf32>
          %parallel_loop3A_441 = arith.constant 5.000000e-01 : f32
          %parallel_loop3A_442 = vector.broadcast %parallel_loop3A_441 : f32 to vector<16xf32>
          %parallel_loop3A_443 = arith.mulf %parallel_loop3A_442, %parallel_loop3A_432 : vector<16xf32>
          %parallel_loop3A_444 = arith.constant 2.000000e+00 : f32
          %parallel_loop3A_445 = vector.broadcast %parallel_loop3A_444 : f32 to vector<16xf32>
          %parallel_loop3A_446 = arith.mulf %parallel_loop3A_445, %parallel_loop3A_440 : vector<16xf32>
          %parallel_loop3A_447 = math.exp %parallel_loop3A_446 : vector<16xf32>
          %parallel_loop3A_448 = arith.constant 1.000000e+00 : f32
          %parallel_loop3A_449 = vector.broadcast %parallel_loop3A_448 : f32 to vector<16xf32>
          %parallel_loop3A_450 = arith.addf %parallel_loop3A_447, %parallel_loop3A_449 : vector<16xf32>
          %parallel_loop3A_451 = arith.constant 2.000000e+00 : f32
          %parallel_loop3A_452 = vector.broadcast %parallel_loop3A_451 : f32 to vector<16xf32>
          %parallel_loop3A_453 = arith.divf %parallel_loop3A_452, %parallel_loop3A_450 : vector<16xf32>
          %parallel_loop3A_454 = arith.constant 2.000000e+00 : f32
          %parallel_loop3A_455 = vector.broadcast %parallel_loop3A_454 : f32 to vector<16xf32>
          %parallel_loop3A_456 = arith.subf %parallel_loop3A_455, %parallel_loop3A_453 : vector<16xf32>
          %parallel_loop3A_457 = arith.mulf %parallel_loop3A_443, %parallel_loop3A_456 : vector<16xf32>
          %parallel_loop3A_458 = arith.mulf %parallel_loop3A_457, %get3A_195 : vector<16xf32>
          %parallel_loop3A_459 = arith.addf %parallel_loop3A_421, %parallel_loop3A_458 : vector<16xf32>
          %parallel_loop3A_460 = arith.index_cast %parallel_loop3A_377 : i32 to index
          %parallel_loop3A_461 = arith.constant 32 : index
          %parallel_loop3A_462 = tpu.vector_load %arg28[%parallel_loop3A_460, %parallel_loop3A_461] {strides = array<i32>} : memref<32x256xf32, #tpu.memory_space<vmem>>, vector<16xf32>,
          %parallel_loop3A_463 = arith.index_cast %parallel_loop3A_377 : i32 to index
          %parallel_loop3A_464 = arith.constant 32 : index
          %parallel_loop3A_465 = tpu.vector_load %arg30[%parallel_loop3A_463, %parallel_loop3A_464] {strides = array<i32>} : memref<32x128xf32, #tpu.memory_space<vmem>>, vector<16xf32>,
          %parallel_loop3A_466 = arith.addf %parallel_loop3A_462, %parallel_loop3A_465 : vector<16xf32>
          %parallel_loop3A_467 = arith.index_cast %parallel_loop3A_381 : i32 to index
          %parallel_loop3A_468 = arith.constant 32 : index
          %parallel_loop3A_469 = tpu.vector_load %arg14[%parallel_loop3A_467, %parallel_loop3A_468] {strides = array<i32>} : memref<16x128xf32, #tpu.memory_space<vmem>>, vector<16xf32>,
          %parallel_loop3A_470 = arith.addf %parallel_loop3A_466, %parallel_loop3A_469 : vector<16xf32>
          %parallel_loop3A_471 = arith.mulf %parallel_loop3A_470, %parallel_loop3A_470 : vector<16xf32>
          %parallel_loop3A_472 = arith.constant 0.0356774069 : f32
          %parallel_loop3A_473 = vector.broadcast %parallel_loop3A_472 : f32 to vector<16xf32>
          %parallel_loop3A_474 = arith.mulf %parallel_loop3A_473, %parallel_loop3A_471 : vector<16xf32>
          %parallel_loop3A_475 = arith.constant 0.797884583 : f32
          %parallel_loop3A_476 = vector.broadcast %parallel_loop3A_475 : f32 to vector<16xf32>
          %parallel_loop3A_477 = arith.addf %parallel_loop3A_476, %parallel_loop3A_474 : vector<16xf32>
          %parallel_loop3A_478 = arith.mulf %parallel_loop3A_470, %parallel_loop3A_477 : vector<16xf32>
          %parallel_loop3A_479 = arith.constant 5.000000e-01 : f32
          %parallel_loop3A_480 = vector.broadcast %parallel_loop3A_479 : f32 to vector<16xf32>
          %parallel_loop3A_481 = arith.mulf %parallel_loop3A_480, %parallel_loop3A_470 : vector<16xf32>
          %parallel_loop3A_482 = arith.constant 2.000000e+00 : f32
          %parallel_loop3A_483 = vector.broadcast %parallel_loop3A_482 : f32 to vector<16xf32>
          %parallel_loop3A_484 = arith.mulf %parallel_loop3A_483, %parallel_loop3A_478 : vector<16xf32>
          %parallel_loop3A_485 = math.exp %parallel_loop3A_484 : vector<16xf32>
          %parallel_loop3A_486 = arith.constant 1.000000e+00 : f32
          %parallel_loop3A_487 = vector.broadcast %parallel_loop3A_486 : f32 to vector<16xf32>
          %parallel_loop3A_488 = arith.addf %parallel_loop3A_485, %parallel_loop3A_487 : vector<16xf32>
          %parallel_loop3A_489 = arith.constant 2.000000e+00 : f32
          %parallel_loop3A_490 = vector.broadcast %parallel_loop3A_489 : f32 to vector<16xf32>
          %parallel_loop3A_491 = arith.divf %parallel_loop3A_490, %parallel_loop3A_488 : vector<16xf32>
          %parallel_loop3A_492 = arith.constant 2.000000e+00 : f32
          %parallel_loop3A_493 = vector.broadcast %parallel_loop3A_492 : f32 to vector<16xf32>
          %parallel_loop3A_494 = arith.subf %parallel_loop3A_493, %parallel_loop3A_491 : vector<16xf32>
          %parallel_loop3A_495 = arith.mulf %parallel_loop3A_481, %parallel_loop3A_494 : vector<16xf32>
          %parallel_loop3A_496 = arith.mulf %parallel_loop3A_495, %get3A_197 : vector<16xf32>
          %parallel_loop3A_497 = arith.addf %parallel_loop3A_459, %parallel_loop3A_496 : vector<16xf32>
          %parallel_loop3A_498 = arith.index_cast %parallel_loop3A_377 : i32 to index
          %parallel_loop3A_499 = arith.constant 48 : index
          %parallel_loop3A_500 = tpu.vector_load %arg28[%parallel_loop3A_498, %parallel_loop3A_499] {strides = array<i32>} : memref<32x256xf32, #tpu.memory_space<vmem>>, vector<16xf32>,
          %parallel_loop3A_501 = arith.index_cast %parallel_loop3A_377 : i32 to index
          %parallel_loop3A_502 = arith.constant 48 : index
          %parallel_loop3A_503 = tpu.vector_load %arg30[%parallel_loop3A_501, %parallel_loop3A_502] {strides = array<i32>} : memref<32x128xf32, #tpu.memory_space<vmem>>, vector<16xf32>,
          %parallel_loop3A_504 = arith.addf %parallel_loop3A_500, %parallel_loop3A_503 : vector<16xf32>
          %parallel_loop3A_505 = arith.index_cast %parallel_loop3A_381 : i32 to index
          %parallel_loop3A_506 = arith.constant 48 : index
          %parallel_loop3A_507 = tpu.vector_load %arg14[%parallel_loop3A_505, %parallel_loop3A_506] {strides = array<i32>} : memref<16x128xf32, #tpu.memory_space<vmem>>, vector<16xf32>,
          %parallel_loop3A_508 = arith.addf %parallel_loop3A_504, %parallel_loop3A_507 : vector<16xf32>
          %parallel_loop3A_509 = arith.mulf %parallel_loop3A_508, %parallel_loop3A_508 : vector<16xf32>
          %parallel_loop3A_510 = arith.constant 0.0356774069 : f32
          %parallel_loop3A_511 = vector.broadcast %parallel_loop3A_510 : f32 to vector<16xf32>
          %parallel_loop3A_512 = arith.mulf %parallel_loop3A_511, %parallel_loop3A_509 : vector<16xf32>
          %parallel_loop3A_513 = arith.constant 0.797884583 : f32
          %parallel_loop3A_514 = vector.broadcast %parallel_loop3A_513 : f32 to vector<16xf32>
          %parallel_loop3A_515 = arith.addf %parallel_loop3A_514, %parallel_loop3A_512 : vector<16xf32>
          %parallel_loop3A_516 = arith.mulf %parallel_loop3A_508, %parallel_loop3A_515 : vector<16xf32>
          %parallel_loop3A_517 = arith.constant 5.000000e-01 : f32
          %parallel_loop3A_518 = vector.broadcast %parallel_loop3A_517 : f32 to vector<16xf32>
          %parallel_loop3A_519 = arith.mulf %parallel_loop3A_518, %parallel_loop3A_508 : vector<16xf32>
          %parallel_loop3A_520 = arith.constant 2.000000e+00 : f32
          %parallel_loop3A_521 = vector.broadcast %parallel_loop3A_520 : f32 to vector<16xf32>
          %parallel_loop3A_522 = arith.mulf %parallel_loop3A_521, %parallel_loop3A_516 : vector<16xf32>
          %parallel_loop3A_523 = math.exp %parallel_loop3A_522 : vector<16xf32>
          %parallel_loop3A_524 = arith.constant 1.000000e+00 : f32
          %parallel_loop3A_525 = vector.broadcast %parallel_loop3A_524 : f32 to vector<16xf32>
          %parallel_loop3A_526 = arith.addf %parallel_loop3A_523, %parallel_loop3A_525 : vector<16xf32>
          %parallel_loop3A_527 = arith.constant 2.000000e+00 : f32
          %parallel_loop3A_528 = vector.broadcast %parallel_loop3A_527 : f32 to vector<16xf32>
          %parallel_loop3A_529 = arith.divf %parallel_loop3A_528, %parallel_loop3A_526 : vector<16xf32>
          %parallel_loop3A_530 = arith.constant 2.000000e+00 : f32
          %parallel_loop3A_531 = vector.broadcast %parallel_loop3A_530 : f32 to vector<16xf32>
          %parallel_loop3A_532 = arith.subf %parallel_loop3A_531, %parallel_loop3A_529 : vector<16xf32>
          %parallel_loop3A_533 = arith.mulf %parallel_loop3A_519, %parallel_loop3A_532 : vector<16xf32>
          %parallel_loop3A_534 = arith.mulf %parallel_loop3A_533, %get3A_199 : vector<16xf32>
          %parallel_loop3A_535 = arith.addf %parallel_loop3A_497, %parallel_loop3A_534 : vector<16xf32>
          %parallel_loop3A_536 = arith.index_cast %parallel_loop3A_377 : i32 to index
          %parallel_loop3A_537 = arith.constant 64 : index
          %parallel_loop3A_538 = tpu.vector_load %arg28[%parallel_loop3A_536, %parallel_loop3A_537] {strides = array<i32>} : memref<32x256xf32, #tpu.memory_space<vmem>>, vector<16xf32>,
          %parallel_loop3A_539 = arith.index_cast %parallel_loop3A_377 : i32 to index
          %parallel_loop3A_540 = arith.constant 64 : index
          %parallel_loop3A_541 = tpu.vector_load %arg30[%parallel_loop3A_539, %parallel_loop3A_540] {strides = array<i32>} : memref<32x128xf32, #tpu.memory_space<vmem>>, vector<16xf32>,
          %parallel_loop3A_542 = arith.addf %parallel_loop3A_538, %parallel_loop3A_541 : vector<16xf32>
          %parallel_loop3A_543 = arith.index_cast %parallel_loop3A_381 : i32 to index
          %parallel_loop3A_544 = arith.constant 64 : index
          %parallel_loop3A_545 = tpu.vector_load %arg14[%parallel_loop3A_543, %parallel_loop3A_544] {strides = array<i32>} : memref<16x128xf32, #tpu.memory_space<vmem>>, vector<16xf32>,
          %parallel_loop3A_546 = arith.addf %parallel_loop3A_542, %parallel_loop3A_545 : vector<16xf32>
          %parallel_loop3A_547 = arith.mulf %parallel_loop3A_546, %parallel_loop3A_546 : vector<16xf32>
          %parallel_loop3A_548 = arith.constant 0.0356774069 : f32
          %parallel_loop3A_549 = vector.broadcast %parallel_loop3A_548 : f32 to vector<16xf32>
          %parallel_loop3A_550 = arith.mulf %parallel_loop3A_549, %parallel_loop3A_547 : vector<16xf32>
          %parallel_loop3A_551 = arith.constant 0.797884583 : f32
          %parallel_loop3A_552 = vector.broadcast %parallel_loop3A_551 : f32 to vector<16xf32>
          %parallel_loop3A_553 = arith.addf %parallel_loop3A_552, %parallel_loop3A_550 : vector<16xf32>
          %parallel_loop3A_554 = arith.mulf %parallel_loop3A_546, %parallel_loop3A_553 : vector<16xf32>
          %parallel_loop3A_555 = arith.constant 5.000000e-01 : f32
          %parallel_loop3A_556 = vector.broadcast %parallel_loop3A_555 : f32 to vector<16xf32>
          %parallel_loop3A_557 = arith.mulf %parallel_loop3A_556, %parallel_loop3A_546 : vector<16xf32>
          %parallel_loop3A_558 = arith.constant 2.000000e+00 : f32
          %parallel_loop3A_559 = vector.broadcast %parallel_loop3A_558 : f32 to vector<16xf32>
          %parallel_loop3A_560 = arith.mulf %parallel_loop3A_559, %parallel_loop3A_554 : vector<16xf32>
          %parallel_loop3A_561 = math.exp %parallel_loop3A_560 : vector<16xf32>
          %parallel_loop3A_562 = arith.constant 1.000000e+00 : f32
          %parallel_loop3A_563 = vector.broadcast %parallel_loop3A_562 : f32 to vector<16xf32>
          %parallel_loop3A_564 = arith.addf %parallel_loop3A_561, %parallel_loop3A_563 : vector<16xf32>
          %parallel_loop3A_565 = arith.constant 2.000000e+00 : f32
          %parallel_loop3A_566 = vector.broadcast %parallel_loop3A_565 : f32 to vector<16xf32>
          %parallel_loop3A_567 = arith.divf %parallel_loop3A_566, %parallel_loop3A_564 : vector<16xf32>
          %parallel_loop3A_568 = arith.constant 2.000000e+00 : f32
          %parallel_loop3A_569 = vector.broadcast %parallel_loop3A_568 : f32 to vector<16xf32>
          %parallel_loop3A_570 = arith.subf %parallel_loop3A_569, %parallel_loop3A_567 : vector<16xf32>
          %parallel_loop3A_571 = arith.mulf %parallel_loop3A_557, %parallel_loop3A_570 : vector<16xf32>
          %parallel_loop3A_572 = arith.mulf %parallel_loop3A_571, %get3A_201 : vector<16xf32>
          %parallel_loop3A_573 = arith.addf %parallel_loop3A_535, %parallel_loop3A_572 : vector<16xf32>
          %parallel_loop3A_574 = arith.index_cast %parallel_loop3A_377 : i32 to index
          %parallel_loop3A_575 = arith.constant 80 : index
          %parallel_loop3A_576 = tpu.vector_load %arg28[%parallel_loop3A_574, %parallel_loop3A_575] {strides = array<i32>} : memref<32x256xf32, #tpu.memory_space<vmem>>, vector<16xf32>,
          %parallel_loop3A_577 = arith.index_cast %parallel_loop3A_377 : i32 to index
          %parallel_loop3A_578 = arith.constant 80 : index
          %parallel_loop3A_579 = tpu.vector_load %arg30[%parallel_loop3A_577, %parallel_loop3A_578] {strides = array<i32>} : memref<32x128xf32, #tpu.memory_space<vmem>>, vector<16xf32>,
          %parallel_loop3A_580 = arith.addf %parallel_loop3A_576, %parallel_loop3A_579 : vector<16xf32>
          %parallel_loop3A_581 = arith.index_cast %parallel_loop3A_381 : i32 to index
          %parallel_loop3A_582 = arith.constant 80 : index
          %parallel_loop3A_583 = tpu.vector_load %arg14[%parallel_loop3A_581, %parallel_loop3A_582] {strides = array<i32>} : memref<16x128xf32, #tpu.memory_space<vmem>>, vector<16xf32>,
          %parallel_loop3A_584 = arith.addf %parallel_loop3A_580, %parallel_loop3A_583 : vector<16xf32>
          %parallel_loop3A_585 = arith.mulf %parallel_loop3A_584, %parallel_loop3A_584 : vector<16xf32>
          %parallel_loop3A_586 = arith.constant 0.0356774069 : f32
          %parallel_loop3A_587 = vector.broadcast %parallel_loop3A_586 : f32 to vector<16xf32>
          %parallel_loop3A_588 = arith.mulf %parallel_loop3A_587, %parallel_loop3A_585 : vector<16xf32>
          %parallel_loop3A_589 = arith.constant 0.797884583 : f32
          %parallel_loop3A_590 = vector.broadcast %parallel_loop3A_589 : f32 to vector<16xf32>
          %parallel_loop3A_591 = arith.addf %parallel_loop3A_590, %parallel_loop3A_588 : vector<16xf32>
          %parallel_loop3A_592 = arith.mulf %parallel_loop3A_584, %parallel_loop3A_591 : vector<16xf32>
          %parallel_loop3A_593 = arith.constant 5.000000e-01 : f32
          %parallel_loop3A_594 = vector.broadcast %parallel_loop3A_593 : f32 to vector<16xf32>
          %parallel_loop3A_595 = arith.mulf %parallel_loop3A_594, %parallel_loop3A_584 : vector<16xf32>
          %parallel_loop3A_596 = arith.constant 2.000000e+00 : f32
          %parallel_loop3A_597 = vector.broadcast %parallel_loop3A_596 : f32 to vector<16xf32>
          %parallel_loop3A_598 = arith.mulf %parallel_loop3A_597, %parallel_loop3A_592 : vector<16xf32>
          %parallel_loop3A_599 = math.exp %parallel_loop3A_598 : vector<16xf32>
          %parallel_loop3A_600 = arith.constant 1.000000e+00 : f32
          %parallel_loop3A_601 = vector.broadcast %parallel_loop3A_600 : f32 to vector<16xf32>
          %parallel_loop3A_602 = arith.addf %parallel_loop3A_599, %parallel_loop3A_601 : vector<16xf32>
          %parallel_loop3A_603 = arith.constant 2.000000e+00 : f32
          %parallel_loop3A_604 = vector.broadcast %parallel_loop3A_603 : f32 to vector<16xf32>
          %parallel_loop3A_605 = arith.divf %parallel_loop3A_604, %parallel_loop3A_602 : vector<16xf32>
          %parallel_loop3A_606 = arith.constant 2.000000e+00 : f32
          %parallel_loop3A_607 = vector.broadcast %parallel_loop3A_606 : f32 to vector<16xf32>
          %parallel_loop3A_608 = arith.subf %parallel_loop3A_607, %parallel_loop3A_605 : vector<16xf32>
          %parallel_loop3A_609 = arith.mulf %parallel_loop3A_595, %parallel_loop3A_608 : vector<16xf32>
          %parallel_loop3A_610 = arith.mulf %parallel_loop3A_609, %get3A_203 : vector<16xf32>
          %parallel_loop3A_611 = arith.addf %parallel_loop3A_573, %parallel_loop3A_610 : vector<16xf32>
          %parallel_loop3A_612 = arith.index_cast %parallel_loop3A_377 : i32 to index
          %parallel_loop3A_613 = arith.constant 96 : index
          %parallel_loop3A_614 = tpu.vector_load %arg28[%parallel_loop3A_612, %parallel_loop3A_613] {strides = array<i32>} : memref<32x256xf32, #tpu.memory_space<vmem>>, vector<16xf32>,
          %parallel_loop3A_615 = arith.index_cast %parallel_loop3A_377 : i32 to index
          %parallel_loop3A_616 = arith.constant 96 : index
          %parallel_loop3A_617 = tpu.vector_load %arg30[%parallel_loop3A_615, %parallel_loop3A_616] {strides = array<i32>} : memref<32x128xf32, #tpu.memory_space<vmem>>, vector<16xf32>,
          %parallel_loop3A_618 = arith.addf %parallel_loop3A_614, %parallel_loop3A_617 : vector<16xf32>
          %parallel_loop3A_619 = arith.index_cast %parallel_loop3A_381 : i32 to index
          %parallel_loop3A_620 = arith.constant 96 : index
          %parallel_loop3A_621 = tpu.vector_load %arg14[%parallel_loop3A_619, %parallel_loop3A_620] {strides = array<i32>} : memref<16x128xf32, #tpu.memory_space<vmem>>, vector<16xf32>,
          %parallel_loop3A_622 = arith.addf %parallel_loop3A_618, %parallel_loop3A_621 : vector<16xf32>
          %parallel_loop3A_623 = arith.mulf %parallel_loop3A_622, %parallel_loop3A_622 : vector<16xf32>
          %parallel_loop3A_624 = arith.constant 0.0356774069 : f32
          %parallel_loop3A_625 = vector.broadcast %parallel_loop3A_624 : f32 to vector<16xf32>
          %parallel_loop3A_626 = arith.mulf %parallel_loop3A_625, %parallel_loop3A_623 : vector<16xf32>
          %parallel_loop3A_627 = arith.constant 0.797884583 : f32
          %parallel_loop3A_628 = vector.broadcast %parallel_loop3A_627 : f32 to vector<16xf32>
          %parallel_loop3A_629 = arith.addf %parallel_loop3A_628, %parallel_loop3A_626 : vector<16xf32>
          %parallel_loop3A_630 = arith.mulf %parallel_loop3A_622, %parallel_loop3A_629 : vector<16xf32>
          %parallel_loop3A_631 = arith.constant 5.000000e-01 : f32
          %parallel_loop3A_632 = vector.broadcast %parallel_loop3A_631 : f32 to vector<16xf32>
          %parallel_loop3A_633 = arith.mulf %parallel_loop3A_632, %parallel_loop3A_622 : vector<16xf32>
          %parallel_loop3A_634 = arith.constant 2.000000e+00 : f32
          %parallel_loop3A_635 = vector.broadcast %parallel_loop3A_634 : f32 to vector<16xf32>
          %parallel_loop3A_636 = arith.mulf %parallel_loop3A_635, %parallel_loop3A_630 : vector<16xf32>
          %parallel_loop3A_637 = math.exp %parallel_loop3A_636 : vector<16xf32>
          %parallel_loop3A_638 = arith.constant 1.000000e+00 : f32
          %parallel_loop3A_639 = vector.broadcast %parallel_loop3A_638 : f32 to vector<16xf32>
          %parallel_loop3A_640 = arith.addf %parallel_loop3A_637, %parallel_loop3A_639 : vector<16xf32>
          %parallel_loop3A_641 = arith.constant 2.000000e+00 : f32
          %parallel_loop3A_642 = vector.broadcast %parallel_loop3A_641 : f32 to vector<16xf32>
          %parallel_loop3A_643 = arith.divf %parallel_loop3A_642, %parallel_loop3A_640 : vector<16xf32>
          %parallel_loop3A_644 = arith.constant 2.000000e+00 : f32
          %parallel_loop3A_645 = vector.broadcast %parallel_loop3A_644 : f32 to vector<16xf32>
          %parallel_loop3A_646 = arith.subf %parallel_loop3A_645, %parallel_loop3A_643 : vector<16xf32>
          %parallel_loop3A_647 = arith.mulf %parallel_loop3A_633, %parallel_loop3A_646 : vector<16xf32>
          %parallel_loop3A_648 = arith.mulf %parallel_loop3A_647, %get3A_205 : vector<16xf32>
          %parallel_loop3A_649 = arith.addf %parallel_loop3A_611, %parallel_loop3A_648 : vector<16xf32>
          %parallel_loop3A_650 = arith.index_cast %parallel_loop3A_377 : i32 to index
          %parallel_loop3A_651 = arith.constant 112 : index
          %parallel_loop3A_652 = tpu.vector_load %arg28[%parallel_loop3A_650, %parallel_loop3A_651] {strides = array<i32>} : memref<32x256xf32, #tpu.memory_space<vmem>>, vector<16xf32>,
          %parallel_loop3A_653 = arith.index_cast %parallel_loop3A_377 : i32 to index
          %parallel_loop3A_654 = arith.constant 112 : index
          %parallel_loop3A_655 = tpu.vector_load %arg30[%parallel_loop3A_653, %parallel_loop3A_654] {strides = array<i32>} : memref<32x128xf32, #tpu.memory_space<vmem>>, vector<16xf32>,
          %parallel_loop3A_656 = arith.addf %parallel_loop3A_652, %parallel_loop3A_655 : vector<16xf32>
          %parallel_loop3A_657 = arith.index_cast %parallel_loop3A_381 : i32 to index
          %parallel_loop3A_658 = arith.constant 112 : index
          %parallel_loop3A_659 = tpu.vector_load %arg14[%parallel_loop3A_657, %parallel_loop3A_658] {strides = array<i32>} : memref<16x128xf32, #tpu.memory_space<vmem>>, vector<16xf32>,
          %parallel_loop3A_660 = arith.addf %parallel_loop3A_656, %parallel_loop3A_659 : vector<16xf32>
          %parallel_loop3A_661 = arith.mulf %parallel_loop3A_660, %parallel_loop3A_660 : vector<16xf32>
          %parallel_loop3A_662 = arith.constant 0.0356774069 : f32
          %parallel_loop3A_663 = vector.broadcast %parallel_loop3A_662 : f32 to vector<16xf32>
          %parallel_loop3A_664 = arith.mulf %parallel_loop3A_663, %parallel_loop3A_661 : vector<16xf32>
          %parallel_loop3A_665 = arith.constant 0.797884583 : f32
          %parallel_loop3A_666 = vector.broadcast %parallel_loop3A_665 : f32 to vector<16xf32>
          %parallel_loop3A_667 = arith.addf %parallel_loop3A_666, %parallel_loop3A_664 : vector<16xf32>
          %parallel_loop3A_668 = arith.mulf %parallel_loop3A_660, %parallel_loop3A_667 : vector<16xf32>
          %parallel_loop3A_669 = arith.constant 5.000000e-01 : f32
          %parallel_loop3A_670 = vector.broadcast %parallel_loop3A_669 : f32 to vector<16xf32>
          %parallel_loop3A_671 = arith.mulf %parallel_loop3A_670, %parallel_loop3A_660 : vector<16xf32>
          %parallel_loop3A_672 = arith.constant 2.000000e+00 : f32
          %parallel_loop3A_673 = vector.broadcast %parallel_loop3A_672 : f32 to vector<16xf32>
          %parallel_loop3A_674 = arith.mulf %parallel_loop3A_673, %parallel_loop3A_668 : vector<16xf32>
          %parallel_loop3A_675 = math.exp %parallel_loop3A_674 : vector<16xf32>
          %parallel_loop3A_676 = arith.constant 1.000000e+00 : f32
          %parallel_loop3A_677 = vector.broadcast %parallel_loop3A_676 : f32 to vector<16xf32>
          %parallel_loop3A_678 = arith.addf %parallel_loop3A_675, %parallel_loop3A_677 : vector<16xf32>
          %parallel_loop3A_679 = arith.constant 2.000000e+00 : f32
          %parallel_loop3A_680 = vector.broadcast %parallel_loop3A_679 : f32 to vector<16xf32>
          %parallel_loop3A_681 = arith.divf %parallel_loop3A_680, %parallel_loop3A_678 : vector<16xf32>
          %parallel_loop3A_682 = arith.constant 2.000000e+00 : f32
          %parallel_loop3A_683 = vector.broadcast %parallel_loop3A_682 : f32 to vector<16xf32>
          %parallel_loop3A_684 = arith.subf %parallel_loop3A_683, %parallel_loop3A_681 : vector<16xf32>
          %parallel_loop3A_685 = arith.mulf %parallel_loop3A_671, %parallel_loop3A_684 : vector<16xf32>
          %parallel_loop3A_686 = arith.mulf %parallel_loop3A_685, %get3A_207 : vector<16xf32>
          %parallel_loop3A_687 = arith.addf %parallel_loop3A_649, %parallel_loop3A_686 : vector<16xf32>
          %parallel_loop3A_688 = vector.broadcast %parallel_loop3A_375 : i32 to vector<16xi32>
          %parallel_loop3A_689 = arith.cmpi eq, %iota3A, %parallel_loop3A_688 : vector<16xi32>
          %parallel_loop3A_690 = arith.constant true
          %parallel_loop3A_691 = vector.broadcast %parallel_loop3A_690 : i1 to vector<16xi1>
          %parallel_loop3A_692 = tpu.scan <sum>, %parallel_loop3A_687 masked %parallel_loop3A_691 : vector<16xf32>, vector<16xi1> -> vector<16xf32>
          %parallel_loop3A_693 = vector.extract %parallel_loop3A_692[15] : f32 from vector<16xf32>
          %parallel_loop3A_694 = arith.constant 0.000000e+00 : f32
          %parallel_loop3A_695 = vector.broadcast %parallel_loop3A_693 : f32 to vector<16xf32>
          %parallel_loop3A_696 = vector.broadcast %parallel_loop3A_694 : f32 to vector<16xf32>
          %parallel_loop3A_697 = arith.select %parallel_loop3A_689, %parallel_loop3A_695, %parallel_loop3A_696 : vector<16xi1>, vector<16xf32>
          %parallel_loop3A_698 = arith.addf %parallel_loop3A_376, %parallel_loop3A_697 : vector<16xf32>
          scf.yield %parallel_loop3A_698 : vector<16xf32>
        } {sc.loop_unroll_factor = 2 : i64, sc.parallel_access}
        %add3A_302 = vector.broadcast %squeeze3A : f32 to vector<16xf32>
        %add3A_303 = arith.addf %parallel_loop3A_301, %add3A_302 : vector<16xf32>
        %mul3A_304 = arith.constant 2.000000e+00 : f32
        %mul3A_305 = vector.broadcast %mul3A_304 : f32 to vector<16xf32>
        %mul3A_306 = arith.mulf %mul3A_305, %add3A_303 : vector<16xf32>
        %exp3A = math.exp %mul3A_306 : vector<16xf32>
        %add3A_307 = arith.constant 1.000000e+00 : f32
        %add3A_308 = vector.broadcast %add3A_307 : f32 to vector<16xf32>
        %add3A_309 = arith.addf %exp3A, %add3A_308 : vector<16xf32>
        %div3A = arith.constant 2.000000e+00 : f32
        %div3A_310 = vector.broadcast %div3A : f32 to vector<16xf32>
        %div3A_311 = arith.divf %div3A_310, %add3A_309 : vector<16xf32>
        %sub3A = arith.constant 1.000000e+00 : f32
        %sub3A_312 = vector.broadcast %sub3A : f32 to vector<16xf32>
        %sub3A_313 = arith.subf %sub3A_312, %div3A_311 : vector<16xf32>
        %mul3A_314 = vector.broadcast %squeeze3A_12 : f32 to vector<16xf32>
        %mul3A_315 = arith.mulf %mul3A_314, %sub3A_313 : vector<16xf32>
        %add3A_316 = arith.constant 1.000000e+00 : f32
        %add3A_317 = vector.broadcast %add3A_316 : f32 to vector<16xf32>
        %add3A_318 = arith.addf %add3A_317, %mul3A_315 : vector<16xf32>
        %swap3A = arith.constant 0 : index
        %swap3A_319 = tpu.vector_load %arg27[%swap3A] {strides = array<i32>} : memref<32xf32, #tpu.memory_space<vmem>>, vector<16xf32>,
        tpu.vector_store %arg27[%swap3A], %add3A_318 {strides = array<i32>} : memref<32xf32, #tpu.memory_space<vmem>>, vector<16xf32>,
        %parallel_loop3A_320 = arith.constant 0 : i32
        %parallel_loop3A_321 = arith.constant 16 : i32
        %parallel_loop3A_322 = arith.constant 1 : i32
        scf.for %parallel_loop3A_375 = %parallel_loop3A_320 to %parallel_loop3A_321 step %parallel_loop3A_322  : i32 {
          %parallel_loop3A_376 = arith.addi %mul3A_293, %parallel_loop3A_375 : i32
          %parallel_loop3A_377 = arith.index_cast %parallel_loop3A_376 : i32 to index
          %parallel_loop3A_378 = tpu.vector_load %arg26[%parallel_loop3A_377] {strides = array<i32>} : memref<48xi32, #tpu.memory_space<vmem>>, vector<16xi32>,
          %parallel_loop3A_379 = vector.extract_strided_slice %parallel_loop3A_378 {offsets = [0], sizes = [1], strides = [1]} : vector<16xi32> to vector<1xi32>
          %parallel_loop3A_380 = vector.extract %parallel_loop3A_379[0] : i32 from vector<1xi32>
          %parallel_loop3A_381 = arith.index_cast %parallel_loop3A_375 : i32 to index
          %parallel_loop3A_382 = tpu.vector_load %arg27[%parallel_loop3A_381] {strides = array<i32>} : memref<32xf32, #tpu.memory_space<vmem>>, vector<16xf32>,
          %parallel_loop3A_383 = vector.extract_strided_slice %parallel_loop3A_382 {offsets = [0], sizes = [1], strides = [1]} : vector<16xf32> to vector<1xf32>
          %parallel_loop3A_384 = vector.extract %parallel_loop3A_383[0] : f32 from vector<1xf32>
          %parallel_loop3A_385 = arith.index_cast %parallel_loop3A_376 : i32 to index
          %parallel_loop3A_386 = arith.constant 128 : index
          %parallel_loop3A_387 = tpu.vector_load %arg28[%parallel_loop3A_385, %parallel_loop3A_386] {strides = array<i32>} : memref<32x256xf32, #tpu.memory_space<vmem>>, vector<16xf32>,
          %parallel_loop3A_388 = arith.index_cast %parallel_loop3A_380 : i32 to index
          %parallel_loop3A_389 = arith.constant 0 : index
          %parallel_loop3A_390 = tpu.vector_load %arg15[%parallel_loop3A_388, %parallel_loop3A_389] {strides = array<i32>} : memref<16x128xf32, #tpu.memory_space<vmem>>, vector<16xf32>,
          %parallel_loop3A_391 = arith.addf %parallel_loop3A_387, %parallel_loop3A_390 : vector<16xf32>
          %parallel_loop3A_392 = vector.broadcast %parallel_loop3A_384 : f32 to vector<16xf32>
          %parallel_loop3A_393 = arith.mulf %parallel_loop3A_391, %parallel_loop3A_392 : vector<16xf32>
          %parallel_loop3A_394 = arith.index_cast %parallel_loop3A_376 : i32 to index
          %parallel_loop3A_395 = arith.constant 0 : index
          %parallel_loop3A_396 = tpu.vector_load %arg32[%parallel_loop3A_394, %parallel_loop3A_395] {strides = array<i32>} : memref<32x128xf32, #tpu.memory_space<vmem>>, vector<16xf32>,
          tpu.vector_store %arg32[%parallel_loop3A_394, %parallel_loop3A_395], %parallel_loop3A_393 {strides = array<i32>} : memref<32x128xf32, #tpu.memory_space<vmem>>, vector<16xf32>,
          %parallel_loop3A_397 = arith.index_cast %parallel_loop3A_376 : i32 to index
          %parallel_loop3A_398 = arith.constant 144 : index
          %parallel_loop3A_399 = tpu.vector_load %arg28[%parallel_loop3A_397, %parallel_loop3A_398] {strides = array<i32>} : memref<32x256xf32, #tpu.memory_space<vmem>>, vector<16xf32>,
          %parallel_loop3A_400 = arith.index_cast %parallel_loop3A_380 : i32 to index
          %parallel_loop3A_401 = arith.constant 16 : index
          %parallel_loop3A_402 = tpu.vector_load %arg15[%parallel_loop3A_400, %parallel_loop3A_401] {strides = array<i32>} : memref<16x128xf32, #tpu.memory_space<vmem>>, vector<16xf32>,
          %parallel_loop3A_403 = arith.addf %parallel_loop3A_399, %parallel_loop3A_402 : vector<16xf32>
          %parallel_loop3A_404 = vector.broadcast %parallel_loop3A_384 : f32 to vector<16xf32>
          %parallel_loop3A_405 = arith.mulf %parallel_loop3A_403, %parallel_loop3A_404 : vector<16xf32>
          %parallel_loop3A_406 = arith.index_cast %parallel_loop3A_376 : i32 to index
          %parallel_loop3A_407 = arith.constant 16 : index
          %parallel_loop3A_408 = tpu.vector_load %arg32[%parallel_loop3A_406, %parallel_loop3A_407] {strides = array<i32>} : memref<32x128xf32, #tpu.memory_space<vmem>>, vector<16xf32>,
          tpu.vector_store %arg32[%parallel_loop3A_406, %parallel_loop3A_407], %parallel_loop3A_405 {strides = array<i32>} : memref<32x128xf32, #tpu.memory_space<vmem>>, vector<16xf32>,
          %parallel_loop3A_409 = arith.index_cast %parallel_loop3A_376 : i32 to index
          %parallel_loop3A_410 = arith.constant 160 : index
          %parallel_loop3A_411 = tpu.vector_load %arg28[%parallel_loop3A_409, %parallel_loop3A_410] {strides = array<i32>} : memref<32x256xf32, #tpu.memory_space<vmem>>, vector<16xf32>,
          %parallel_loop3A_412 = arith.index_cast %parallel_loop3A_380 : i32 to index
          %parallel_loop3A_413 = arith.constant 32 : index
          %parallel_loop3A_414 = tpu.vector_load %arg15[%parallel_loop3A_412, %parallel_loop3A_413] {strides = array<i32>} : memref<16x128xf32, #tpu.memory_space<vmem>>, vector<16xf32>,
          %parallel_loop3A_415 = arith.addf %parallel_loop3A_411, %parallel_loop3A_414 : vector<16xf32>
          %parallel_loop3A_416 = vector.broadcast %parallel_loop3A_384 : f32 to vector<16xf32>
          %parallel_loop3A_417 = arith.mulf %parallel_loop3A_415, %parallel_loop3A_416 : vector<16xf32>
          %parallel_loop3A_418 = arith.index_cast %parallel_loop3A_376 : i32 to index
          %parallel_loop3A_419 = arith.constant 32 : index
          %parallel_loop3A_420 = tpu.vector_load %arg32[%parallel_loop3A_418, %parallel_loop3A_419] {strides = array<i32>} : memref<32x128xf32, #tpu.memory_space<vmem>>, vector<16xf32>,
          tpu.vector_store %arg32[%parallel_loop3A_418, %parallel_loop3A_419], %parallel_loop3A_417 {strides = array<i32>} : memref<32x128xf32, #tpu.memory_space<vmem>>, vector<16xf32>,
          %parallel_loop3A_421 = arith.index_cast %parallel_loop3A_376 : i32 to index
          %parallel_loop3A_422 = arith.constant 176 : index
          %parallel_loop3A_423 = tpu.vector_load %arg28[%parallel_loop3A_421, %parallel_loop3A_422] {strides = array<i32>} : memref<32x256xf32, #tpu.memory_space<vmem>>, vector<16xf32>,
          %parallel_loop3A_424 = arith.index_cast %parallel_loop3A_380 : i32 to index
          %parallel_loop3A_425 = arith.constant 48 : index
          %parallel_loop3A_426 = tpu.vector_load %arg15[%parallel_loop3A_424, %parallel_loop3A_425] {strides = array<i32>} : memref<16x128xf32, #tpu.memory_space<vmem>>, vector<16xf32>,
          %parallel_loop3A_427 = arith.addf %parallel_loop3A_423, %parallel_loop3A_426 : vector<16xf32>
          %parallel_loop3A_428 = vector.broadcast %parallel_loop3A_384 : f32 to vector<16xf32>
          %parallel_loop3A_429 = arith.mulf %parallel_loop3A_427, %parallel_loop3A_428 : vector<16xf32>
          %parallel_loop3A_430 = arith.index_cast %parallel_loop3A_376 : i32 to index
          %parallel_loop3A_431 = arith.constant 48 : index
          %parallel_loop3A_432 = tpu.vector_load %arg32[%parallel_loop3A_430, %parallel_loop3A_431] {strides = array<i32>} : memref<32x128xf32, #tpu.memory_space<vmem>>, vector<16xf32>,
          tpu.vector_store %arg32[%parallel_loop3A_430, %parallel_loop3A_431], %parallel_loop3A_429 {strides = array<i32>} : memref<32x128xf32, #tpu.memory_space<vmem>>, vector<16xf32>,
          %parallel_loop3A_433 = arith.index_cast %parallel_loop3A_376 : i32 to index
          %parallel_loop3A_434 = arith.constant 192 : index
          %parallel_loop3A_435 = tpu.vector_load %arg28[%parallel_loop3A_433, %parallel_loop3A_434] {strides = array<i32>} : memref<32x256xf32, #tpu.memory_space<vmem>>, vector<16xf32>,
          %parallel_loop3A_436 = arith.index_cast %parallel_loop3A_380 : i32 to index
          %parallel_loop3A_437 = arith.constant 64 : index
          %parallel_loop3A_438 = tpu.vector_load %arg15[%parallel_loop3A_436, %parallel_loop3A_437] {strides = array<i32>} : memref<16x128xf32, #tpu.memory_space<vmem>>, vector<16xf32>,
          %parallel_loop3A_439 = arith.addf %parallel_loop3A_435, %parallel_loop3A_438 : vector<16xf32>
          %parallel_loop3A_440 = vector.broadcast %parallel_loop3A_384 : f32 to vector<16xf32>
          %parallel_loop3A_441 = arith.mulf %parallel_loop3A_439, %parallel_loop3A_440 : vector<16xf32>
          %parallel_loop3A_442 = arith.index_cast %parallel_loop3A_376 : i32 to index
          %parallel_loop3A_443 = arith.constant 64 : index
          %parallel_loop3A_444 = tpu.vector_load %arg32[%parallel_loop3A_442, %parallel_loop3A_443] {strides = array<i32>} : memref<32x128xf32, #tpu.memory_space<vmem>>, vector<16xf32>,
          tpu.vector_store %arg32[%parallel_loop3A_442, %parallel_loop3A_443], %parallel_loop3A_441 {strides = array<i32>} : memref<32x128xf32, #tpu.memory_space<vmem>>, vector<16xf32>,
          %parallel_loop3A_445 = arith.index_cast %parallel_loop3A_376 : i32 to index
          %parallel_loop3A_446 = arith.constant 208 : index
          %parallel_loop3A_447 = tpu.vector_load %arg28[%parallel_loop3A_445, %parallel_loop3A_446] {strides = array<i32>} : memref<32x256xf32, #tpu.memory_space<vmem>>, vector<16xf32>,
          %parallel_loop3A_448 = arith.index_cast %parallel_loop3A_380 : i32 to index
          %parallel_loop3A_449 = arith.constant 80 : index
          %parallel_loop3A_450 = tpu.vector_load %arg15[%parallel_loop3A_448, %parallel_loop3A_449] {strides = array<i32>} : memref<16x128xf32, #tpu.memory_space<vmem>>, vector<16xf32>,
          %parallel_loop3A_451 = arith.addf %parallel_loop3A_447, %parallel_loop3A_450 : vector<16xf32>
          %parallel_loop3A_452 = vector.broadcast %parallel_loop3A_384 : f32 to vector<16xf32>
          %parallel_loop3A_453 = arith.mulf %parallel_loop3A_451, %parallel_loop3A_452 : vector<16xf32>
          %parallel_loop3A_454 = arith.index_cast %parallel_loop3A_376 : i32 to index
          %parallel_loop3A_455 = arith.constant 80 : index
          %parallel_loop3A_456 = tpu.vector_load %arg32[%parallel_loop3A_454, %parallel_loop3A_455] {strides = array<i32>} : memref<32x128xf32, #tpu.memory_space<vmem>>, vector<16xf32>,
          tpu.vector_store %arg32[%parallel_loop3A_454, %parallel_loop3A_455], %parallel_loop3A_453 {strides = array<i32>} : memref<32x128xf32, #tpu.memory_space<vmem>>, vector<16xf32>,
          %parallel_loop3A_457 = arith.index_cast %parallel_loop3A_376 : i32 to index
          %parallel_loop3A_458 = arith.constant 224 : index
          %parallel_loop3A_459 = tpu.vector_load %arg28[%parallel_loop3A_457, %parallel_loop3A_458] {strides = array<i32>} : memref<32x256xf32, #tpu.memory_space<vmem>>, vector<16xf32>,
          %parallel_loop3A_460 = arith.index_cast %parallel_loop3A_380 : i32 to index
          %parallel_loop3A_461 = arith.constant 96 : index
          %parallel_loop3A_462 = tpu.vector_load %arg15[%parallel_loop3A_460, %parallel_loop3A_461] {strides = array<i32>} : memref<16x128xf32, #tpu.memory_space<vmem>>, vector<16xf32>,
          %parallel_loop3A_463 = arith.addf %parallel_loop3A_459, %parallel_loop3A_462 : vector<16xf32>
          %parallel_loop3A_464 = vector.broadcast %parallel_loop3A_384 : f32 to vector<16xf32>
          %parallel_loop3A_465 = arith.mulf %parallel_loop3A_463, %parallel_loop3A_464 : vector<16xf32>
          %parallel_loop3A_466 = arith.index_cast %parallel_loop3A_376 : i32 to index
          %parallel_loop3A_467 = arith.constant 96 : index
          %parallel_loop3A_468 = tpu.vector_load %arg32[%parallel_loop3A_466, %parallel_loop3A_467] {strides = array<i32>} : memref<32x128xf32, #tpu.memory_space<vmem>>, vector<16xf32>,
          tpu.vector_store %arg32[%parallel_loop3A_466, %parallel_loop3A_467], %parallel_loop3A_465 {strides = array<i32>} : memref<32x128xf32, #tpu.memory_space<vmem>>, vector<16xf32>,
          %parallel_loop3A_469 = arith.index_cast %parallel_loop3A_376 : i32 to index
          %parallel_loop3A_470 = arith.constant 240 : index
          %parallel_loop3A_471 = tpu.vector_load %arg28[%parallel_loop3A_469, %parallel_loop3A_470] {strides = array<i32>} : memref<32x256xf32, #tpu.memory_space<vmem>>, vector<16xf32>,
          %parallel_loop3A_472 = arith.index_cast %parallel_loop3A_380 : i32 to index
          %parallel_loop3A_473 = arith.constant 112 : index
          %parallel_loop3A_474 = tpu.vector_load %arg15[%parallel_loop3A_472, %parallel_loop3A_473] {strides = array<i32>} : memref<16x128xf32, #tpu.memory_space<vmem>>, vector<16xf32>,
          %parallel_loop3A_475 = arith.addf %parallel_loop3A_471, %parallel_loop3A_474 : vector<16xf32>
          %parallel_loop3A_476 = vector.broadcast %parallel_loop3A_384 : f32 to vector<16xf32>
          %parallel_loop3A_477 = arith.mulf %parallel_loop3A_475, %parallel_loop3A_476 : vector<16xf32>
          %parallel_loop3A_478 = arith.index_cast %parallel_loop3A_376 : i32 to index
          %parallel_loop3A_479 = arith.constant 112 : index
          %parallel_loop3A_480 = tpu.vector_load %arg32[%parallel_loop3A_478, %parallel_loop3A_479] {strides = array<i32>} : memref<32x128xf32, #tpu.memory_space<vmem>>, vector<16xf32>,
          tpu.vector_store %arg32[%parallel_loop3A_478, %parallel_loop3A_479], %parallel_loop3A_477 {strides = array<i32>} : memref<32x128xf32, #tpu.memory_space<vmem>>, vector<16xf32>,
        } {sc.loop_unroll_factor = 4 : i64, sc.parallel_access}
        %shift_right_logical3A = arith.constant 7 : i32
        %shift_right_logical3A_323 = vector.broadcast %shift_right_logical3A : i32 to vector<16xi32>
        %shift_right_logical3A_324 = arith.shrui %gather3A_296, %shift_right_logical3A_323 : vector<16xi32>
        %and3A = arith.constant 127 : i32
        %and3A_325 = vector.broadcast %and3A : i32 to vector<16xi32>
        %and3A_326 = arith.andi %gather3A_296, %and3A_325 : vector<16xi32>
        %eq3A = arith.constant 0 : i32
        %eq3A_327 = vector.broadcast %eq3A : i32 to vector<16xi32>
        %eq3A_328 = arith.cmpi eq, %iota3A, %eq3A_327 : vector<16xi32>
        tpu.vector_store_idx %arg34[%shift_right_logical3A_324, %and3A_326], %add3A_318 masked %eq3A_328 {add = true} : memref<80x128xf32, #tpu.memory_space<vmem>>[vector<16xi32>, vector<16xi32>], vector<16xf32>, vector<16xi1>
        %eq3A_329 = arith.constant 1 : i32
        %eq3A_330 = vector.broadcast %eq3A_329 : i32 to vector<16xi32>
        %eq3A_331 = arith.cmpi eq, %iota3A, %eq3A_330 : vector<16xi32>
        tpu.vector_store_idx %arg34[%shift_right_logical3A_324, %and3A_326], %add3A_318 masked %eq3A_331 {add = true} : memref<80x128xf32, #tpu.memory_space<vmem>>[vector<16xi32>, vector<16xi32>], vector<16xf32>, vector<16xi1>
        %eq3A_332 = arith.constant 2 : i32
        %eq3A_333 = vector.broadcast %eq3A_332 : i32 to vector<16xi32>
        %eq3A_334 = arith.cmpi eq, %iota3A, %eq3A_333 : vector<16xi32>
        tpu.vector_store_idx %arg34[%shift_right_logical3A_324, %and3A_326], %add3A_318 masked %eq3A_334 {add = true} : memref<80x128xf32, #tpu.memory_space<vmem>>[vector<16xi32>, vector<16xi32>], vector<16xf32>, vector<16xi1>
        %eq3A_335 = arith.constant 3 : i32
        %eq3A_336 = vector.broadcast %eq3A_335 : i32 to vector<16xi32>
        %eq3A_337 = arith.cmpi eq, %iota3A, %eq3A_336 : vector<16xi32>
        tpu.vector_store_idx %arg34[%shift_right_logical3A_324, %and3A_326], %add3A_318 masked %eq3A_337 {add = true} : memref<80x128xf32, #tpu.memory_space<vmem>>[vector<16xi32>, vector<16xi32>], vector<16xf32>, vector<16xi1>
        %eq3A_338 = arith.constant 4 : i32
        %eq3A_339 = vector.broadcast %eq3A_338 : i32 to vector<16xi32>
        %eq3A_340 = arith.cmpi eq, %iota3A, %eq3A_339 : vector<16xi32>
        tpu.vector_store_idx %arg34[%shift_right_logical3A_324, %and3A_326], %add3A_318 masked %eq3A_340 {add = true} : memref<80x128xf32, #tpu.memory_space<vmem>>[vector<16xi32>, vector<16xi32>], vector<16xf32>, vector<16xi1>
        %eq3A_341 = arith.constant 5 : i32
        %eq3A_342 = vector.broadcast %eq3A_341 : i32 to vector<16xi32>
        %eq3A_343 = arith.cmpi eq, %iota3A, %eq3A_342 : vector<16xi32>
        tpu.vector_store_idx %arg34[%shift_right_logical3A_324, %and3A_326], %add3A_318 masked %eq3A_343 {add = true} : memref<80x128xf32, #tpu.memory_space<vmem>>[vector<16xi32>, vector<16xi32>], vector<16xf32>, vector<16xi1>
        %eq3A_344 = arith.constant 6 : i32
        %eq3A_345 = vector.broadcast %eq3A_344 : i32 to vector<16xi32>
        %eq3A_346 = arith.cmpi eq, %iota3A, %eq3A_345 : vector<16xi32>
        tpu.vector_store_idx %arg34[%shift_right_logical3A_324, %and3A_326], %add3A_318 masked %eq3A_346 {add = true} : memref<80x128xf32, #tpu.memory_space<vmem>>[vector<16xi32>, vector<16xi32>], vector<16xf32>, vector<16xi1>
        %eq3A_347 = arith.constant 7 : i32
        %eq3A_348 = vector.broadcast %eq3A_347 : i32 to vector<16xi32>
        %eq3A_349 = arith.cmpi eq, %iota3A, %eq3A_348 : vector<16xi32>
        tpu.vector_store_idx %arg34[%shift_right_logical3A_324, %and3A_326], %add3A_318 masked %eq3A_349 {add = true} : memref<80x128xf32, #tpu.memory_space<vmem>>[vector<16xi32>, vector<16xi32>], vector<16xf32>, vector<16xi1>
        %eq3A_350 = arith.constant 8 : i32
        %eq3A_351 = vector.broadcast %eq3A_350 : i32 to vector<16xi32>
        %eq3A_352 = arith.cmpi eq, %iota3A, %eq3A_351 : vector<16xi32>
        tpu.vector_store_idx %arg34[%shift_right_logical3A_324, %and3A_326], %add3A_318 masked %eq3A_352 {add = true} : memref<80x128xf32, #tpu.memory_space<vmem>>[vector<16xi32>, vector<16xi32>], vector<16xf32>, vector<16xi1>
        %eq3A_353 = arith.constant 9 : i32
        %eq3A_354 = vector.broadcast %eq3A_353 : i32 to vector<16xi32>
        %eq3A_355 = arith.cmpi eq, %iota3A, %eq3A_354 : vector<16xi32>
        tpu.vector_store_idx %arg34[%shift_right_logical3A_324, %and3A_326], %add3A_318 masked %eq3A_355 {add = true} : memref<80x128xf32, #tpu.memory_space<vmem>>[vector<16xi32>, vector<16xi32>], vector<16xf32>, vector<16xi1>
        %eq3A_356 = arith.constant 10 : i32
        %eq3A_357 = vector.broadcast %eq3A_356 : i32 to vector<16xi32>
        %eq3A_358 = arith.cmpi eq, %iota3A, %eq3A_357 : vector<16xi32>
        tpu.vector_store_idx %arg34[%shift_right_logical3A_324, %and3A_326], %add3A_318 masked %eq3A_358 {add = true} : memref<80x128xf32, #tpu.memory_space<vmem>>[vector<16xi32>, vector<16xi32>], vector<16xf32>, vector<16xi1>
        %eq3A_359 = arith.constant 11 : i32
        %eq3A_360 = vector.broadcast %eq3A_359 : i32 to vector<16xi32>
        %eq3A_361 = arith.cmpi eq, %iota3A, %eq3A_360 : vector<16xi32>
        tpu.vector_store_idx %arg34[%shift_right_logical3A_324, %and3A_326], %add3A_318 masked %eq3A_361 {add = true} : memref<80x128xf32, #tpu.memory_space<vmem>>[vector<16xi32>, vector<16xi32>], vector<16xf32>, vector<16xi1>
        %eq3A_362 = arith.constant 12 : i32
        %eq3A_363 = vector.broadcast %eq3A_362 : i32 to vector<16xi32>
        %eq3A_364 = arith.cmpi eq, %iota3A, %eq3A_363 : vector<16xi32>
        tpu.vector_store_idx %arg34[%shift_right_logical3A_324, %and3A_326], %add3A_318 masked %eq3A_364 {add = true} : memref<80x128xf32, #tpu.memory_space<vmem>>[vector<16xi32>, vector<16xi32>], vector<16xf32>, vector<16xi1>
        %eq3A_365 = arith.constant 13 : i32
        %eq3A_366 = vector.broadcast %eq3A_365 : i32 to vector<16xi32>
        %eq3A_367 = arith.cmpi eq, %iota3A, %eq3A_366 : vector<16xi32>
        tpu.vector_store_idx %arg34[%shift_right_logical3A_324, %and3A_326], %add3A_318 masked %eq3A_367 {add = true} : memref<80x128xf32, #tpu.memory_space<vmem>>[vector<16xi32>, vector<16xi32>], vector<16xf32>, vector<16xi1>
        %eq3A_368 = arith.constant 14 : i32
        %eq3A_369 = vector.broadcast %eq3A_368 : i32 to vector<16xi32>
        %eq3A_370 = arith.cmpi eq, %iota3A, %eq3A_369 : vector<16xi32>
        tpu.vector_store_idx %arg34[%shift_right_logical3A_324, %and3A_326], %add3A_318 masked %eq3A_370 {add = true} : memref<80x128xf32, #tpu.memory_space<vmem>>[vector<16xi32>, vector<16xi32>], vector<16xf32>, vector<16xi1>
        %eq3A_371 = arith.constant 15 : i32
        %eq3A_372 = vector.broadcast %eq3A_371 : i32 to vector<16xi32>
        %eq3A_373 = arith.cmpi eq, %iota3A, %eq3A_372 : vector<16xi32>
        tpu.vector_store_idx %arg34[%shift_right_logical3A_324, %and3A_326], %add3A_318 masked %eq3A_373 {add = true} : memref<80x128xf32, #tpu.memory_space<vmem>>[vector<16xi32>, vector<16xi32>], vector<16xf32>, vector<16xi1>
        %scan3A_374 = arith.constant 0 : i32
        scf.yield %scan3A_374 : i32
      }
      %scan3A_214 = arith.constant 2 : i32
      %dma_start3A_215 = arith.constant 0 : i32
      %dma_start3A_216 = arith.constant 0 : i32
      %dma_start3A_217 = tpu.memref_slice %arg35[%dma_start3A_215, %dma_start3A_216] : memref<10240x128xf32, #tpu.memory_space<vmem_shared>> -> memref<10240x128xf32, #tpu.memory_space<vmem_shared>>
      tpu.enqueue_indirect_dma source(%arg32 : memref<32x128xf32, #tpu.memory_space<vmem>>) target(%dma_start3A_217 : memref<10240x128xf32, #tpu.memory_space<vmem_shared>>) offsets(%arg24 : memref<32xi32, #tpu.memory_space<vmem>>) semaphore(%arg40 : memref<!tpu.dma_semaphore, #tpu.memory_space<semaphore_mem>>) {add = true}
      %mul3A_218 = arith.constant 2 : i32
      %mul3A_219 = arith.muli %scan3A_151, %mul3A_218 : i32
      %add3A_220 = arith.constant 1 : i32
      %add3A_221 = arith.addi %mul3A_219, %add3A_220 : i32
      %dma_wait3A_222 = arith.constant 0 : i32
      %dma_wait3A_223 = arith.constant 0 : i32
      %dma_wait3A_224 = tpu.memref_slice %arg2[%dma_wait3A_222, %dma_wait3A_223] : memref<10000x256xf32, #tpu.memory_space<hbm>> -> memref<32x256xf32, #tpu.memory_space<hbm>>
      %dma_wait3A_225 = arith.constant 0 : i32
      %dma_wait3A_226 = arith.constant 0 : i32
      %dma_wait3A_227 = tpu.memref_slice %arg2[%dma_wait3A_225, %dma_wait3A_226] : memref<10000x256xf32, #tpu.memory_space<hbm>> -> memref<32x256xf32, #tpu.memory_space<hbm>>
      tpu.wait_dma2 semaphore(%arg39 : memref<!tpu.dma_semaphore, #tpu.memory_space<semaphore_mem>>) src(%dma_wait3A_227 : memref<32x256xf32, #tpu.memory_space<hbm>>) dst(%arg29 : memref<32x256xf32, #tpu.memory_space<vmem>>)
      %dma_wait3A_228 = arith.constant 0 : i32
      %dma_wait3A_229 = arith.constant 0 : i32
      %dma_wait3A_230 = tpu.memref_slice %arg3[%dma_wait3A_228, %dma_wait3A_229] : memref<10000x128xf32, #tpu.memory_space<hbm>> -> memref<32x128xf32, #tpu.memory_space<hbm>>
      %dma_wait3A_231 = arith.constant 0 : i32
      %dma_wait3A_232 = arith.constant 0 : i32
      %dma_wait3A_233 = tpu.memref_slice %arg3[%dma_wait3A_231, %dma_wait3A_232] : memref<10000x128xf32, #tpu.memory_space<hbm>> -> memref<32x128xf32, #tpu.memory_space<hbm>>
      tpu.wait_dma2 semaphore(%arg39 : memref<!tpu.dma_semaphore, #tpu.memory_space<semaphore_mem>>) src(%dma_wait3A_233 : memref<32x128xf32, #tpu.memory_space<hbm>>) dst(%arg31 : memref<32x128xf32, #tpu.memory_space<vmem>>)
      %add3A_234 = arith.constant 1 : i32
      %add3A_235 = arith.addi %add3A_221, %add3A_234 : i32
      %lt3A_236 = arith.constant 313 : i32
      %lt3A_237 = arith.cmpi slt, %add3A_235, %lt3A_236 : i32
      %convert_element_type3A_238 = arith.extui %lt3A_237 : i1 to i32
      %cond3A_239 = arith.constant 0 : i32
      %cond3A_240 = arith.cmpi ne, %convert_element_type3A_238, %cond3A_239 : i32
      scf.if %cond3A_240 {
        %dma_wait3A_290 = arith.constant 0 : i32
        %dma_wait3A_291 = arith.constant 0 : i32
        %dma_wait3A_292 = arith.constant 0 : i32
        %dma_wait3A_293 = tpu.memref_slice %arg4[%dma_wait3A_290, %dma_wait3A_291, %dma_wait3A_292] : memref<32x313x32xi32, #tpu.memory_space<hbm>> -> memref<1x1x32xi32, #tpu.memory_space<hbm>>
        %dma_wait3A_294 = tpu.memref_squeeze %dma_wait3A_293 : memref<1x1x32xi32, #tpu.memory_space<hbm>> -> memref<32xi32, #tpu.memory_space<hbm>>
        %dma_wait3A_295 = arith.constant 0 : i32
        %dma_wait3A_296 = tpu.memref_slice %arg4[%dma_wait3A_290, %dma_wait3A_291, %dma_wait3A_295] : memref<32x313x32xi32, #tpu.memory_space<hbm>> -> memref<1x1x32xi32, #tpu.memory_space<hbm>>
        %dma_wait3A_297 = tpu.memref_squeeze %dma_wait3A_296 : memref<1x1x32xi32, #tpu.memory_space<hbm>> -> memref<32xi32, #tpu.memory_space<hbm>>
        tpu.wait_dma2 semaphore(%arg36 : memref<!tpu.dma_semaphore, #tpu.memory_space<semaphore_mem>>) src(%dma_wait3A_297 : memref<32xi32, #tpu.memory_space<hbm>>) dst(%arg18 : memref<32xi32, #tpu.memory_space<vmem>>)
        %dma_wait3A_298 = arith.constant 0 : i32
        %dma_wait3A_299 = arith.constant 0 : i32
        %dma_wait3A_300 = arith.constant 0 : i32
        %dma_wait3A_301 = tpu.memref_slice %arg5[%dma_wait3A_298, %dma_wait3A_299, %dma_wait3A_300] : memref<32x313x32xi32, #tpu.memory_space<hbm>> -> memref<1x1x32xi32, #tpu.memory_space<hbm>>
        %dma_wait3A_302 = tpu.memref_squeeze %dma_wait3A_301 : memref<1x1x32xi32, #tpu.memory_space<hbm>> -> memref<32xi32, #tpu.memory_space<hbm>>
        %dma_wait3A_303 = arith.constant 0 : i32
        %dma_wait3A_304 = tpu.memref_slice %arg5[%dma_wait3A_298, %dma_wait3A_299, %dma_wait3A_303] : memref<32x313x32xi32, #tpu.memory_space<hbm>> -> memref<1x1x32xi32, #tpu.memory_space<hbm>>
        %dma_wait3A_305 = tpu.memref_squeeze %dma_wait3A_304 : memref<1x1x32xi32, #tpu.memory_space<hbm>> -> memref<32xi32, #tpu.memory_space<hbm>>
        tpu.wait_dma2 semaphore(%arg36 : memref<!tpu.dma_semaphore, #tpu.memory_space<semaphore_mem>>) src(%dma_wait3A_305 : memref<32xi32, #tpu.memory_space<hbm>>) dst(%arg20 : memref<32xi32, #tpu.memory_space<vmem>>)
        %dma_wait3A_306 = arith.constant 0 : i32
        %dma_wait3A_307 = arith.constant 0 : i32
        %dma_wait3A_308 = arith.constant 0 : i32
        %dma_wait3A_309 = tpu.memref_slice %arg6[%dma_wait3A_306, %dma_wait3A_307, %dma_wait3A_308] : memref<32x313x32xi32, #tpu.memory_space<hbm>> -> memref<1x1x32xi32, #tpu.memory_space<hbm>>
        %dma_wait3A_310 = tpu.memref_squeeze %dma_wait3A_309 : memref<1x1x32xi32, #tpu.memory_space<hbm>> -> memref<32xi32, #tpu.memory_space<hbm>>
        %dma_wait3A_311 = arith.constant 0 : i32
        %dma_wait3A_312 = tpu.memref_slice %arg6[%dma_wait3A_306, %dma_wait3A_307, %dma_wait3A_311] : memref<32x313x32xi32, #tpu.memory_space<hbm>> -> memref<1x1x32xi32, #tpu.memory_space<hbm>>
        %dma_wait3A_313 = tpu.memref_squeeze %dma_wait3A_312 : memref<1x1x32xi32, #tpu.memory_space<hbm>> -> memref<32xi32, #tpu.memory_space<hbm>>
        tpu.wait_dma2 semaphore(%arg36 : memref<!tpu.dma_semaphore, #tpu.memory_space<semaphore_mem>>) src(%dma_wait3A_313 : memref<32xi32, #tpu.memory_space<hbm>>) dst(%arg22 : memref<32xi32, #tpu.memory_space<vmem>>)
        %dma_start3A_314 = arith.constant 0 : i32
        %dma_start3A_315 = arith.constant 0 : i32
        %dma_start3A_316 = tpu.memref_slice %arg2[%dma_start3A_314, %dma_start3A_315] : memref<10000x256xf32, #tpu.memory_space<hbm>> -> memref<10000x256xf32, #tpu.memory_space<hbm>>
        tpu.enqueue_indirect_dma source(%dma_start3A_316 : memref<10000x256xf32, #tpu.memory_space<hbm>>) target(%arg28 : memref<32x256xf32, #tpu.memory_space<vmem>>) offsets(%arg18 : memref<32xi32, #tpu.memory_space<vmem>>) semaphore(%arg38 : memref<!tpu.dma_semaphore, #tpu.memory_space<semaphore_mem>>)
        %dma_start3A_317 = arith.constant 0 : i32
        %dma_start3A_318 = arith.constant 0 : i32
        %dma_start3A_319 = tpu.memref_slice %arg3[%dma_start3A_317, %dma_start3A_318] : memref<10000x128xf32, #tpu.memory_space<hbm>> -> memref<10000x128xf32, #tpu.memory_space<hbm>>
        tpu.enqueue_indirect_dma source(%dma_start3A_319 : memref<10000x128xf32, #tpu.memory_space<hbm>>) target(%arg30 : memref<32x128xf32, #tpu.memory_space<vmem>>) offsets(%arg18 : memref<32xi32, #tpu.memory_space<vmem>>) semaphore(%arg38 : memref<!tpu.dma_semaphore, #tpu.memory_space<semaphore_mem>>)
      } else {
      }
      %ge3A_241 = arith.constant 2 : i32
      %ge3A_242 = arith.cmpi sge, %add3A_221, %ge3A_241 : i32
      %convert_element_type3A_243 = arith.extui %ge3A_242 : i1 to i32
      %cond3A_244 = arith.constant 0 : i32
      %cond3A_245 = arith.cmpi ne, %convert_element_type3A_243, %cond3A_244 : i32
      scf.if %cond3A_245 {
        %dma_wait3A_290 = arith.constant 0 : i32
        %dma_wait3A_291 = arith.constant 0 : i32
        %dma_wait3A_292 = tpu.memref_slice %arg35[%dma_wait3A_290, %dma_wait3A_291] : memref<10240x128xf32, #tpu.memory_space<vmem_shared>> -> memref<10240x128xf32, #tpu.memory_space<vmem_shared>>
        tpu.wait_indirect_dma semaphore(%arg41 : memref<!tpu.dma_semaphore, #tpu.memory_space<semaphore_mem>>) src(%arg33 : memref<32x128xf32, #tpu.memory_space<vmem>>) dst(%dma_wait3A_292 : memref<10240x128xf32, #tpu.memory_space<vmem_shared>>)
      } else {
      }
      %add3A_246 = arith.constant 0 : i32
      %add3A_247 = vector.broadcast %add3A_246 : i32 to vector<16xi32>
      %add3A_248 = arith.addi %iota3A, %add3A_247 : vector<16xi32>
      %gather3A_249 = tpu.vector_load_idx %arg21[%add3A_248] : memref<32xi32, #tpu.memory_space<vmem>>[vector<16xi32>], vector<16xi32>,
      tpu.vector_store_idx %arg25[%add3A_248], %gather3A_249 : memref<32xi32, #tpu.memory_space<vmem>>[vector<16xi32>], vector<16xi32>,
      %gather3A_250 = tpu.vector_load_idx %arg23[%add3A_248] : memref<32xi32, #tpu.memory_space<vmem>>[vector<16xi32>], vector<16xi32>,
      tpu.vector_store_idx %arg26[%add3A_248], %gather3A_250 : memref<48xi32, #tpu.memory_space<vmem>>[vector<16xi32>], vector<16xi32>,
      %add3A_251 = arith.constant 16 : i32
      %add3A_252 = vector.broadcast %add3A_251 : i32 to vector<16xi32>
      %add3A_253 = arith.addi %iota3A, %add3A_252 : vector<16xi32>
      %gather3A_254 = tpu.vector_load_idx %arg21[%add3A_253] : memref<32xi32, #tpu.memory_space<vmem>>[vector<16xi32>], vector<16xi32>,
      tpu.vector_store_idx %arg25[%add3A_253], %gather3A_254 : memref<32xi32, #tpu.memory_space<vmem>>[vector<16xi32>], vector<16xi32>,
      %gather3A_255 = tpu.vector_load_idx %arg23[%add3A_253] : memref<32xi32, #tpu.memory_space<vmem>>[vector<16xi32>], vector<16xi32>,
      tpu.vector_store_idx %arg26[%add3A_253], %gather3A_255 : memref<48xi32, #tpu.memory_space<vmem>>[vector<16xi32>], vector<16xi32>,
      %add3A_256 = arith.constant 2 : i32
      %add3A_257 = arith.addi %add3A_221, %add3A_256 : i32
      %lt3A_258 = arith.constant 313 : i32
      %lt3A_259 = arith.cmpi slt, %add3A_257, %lt3A_258 : i32
      %convert_element_type3A_260 = arith.extui %lt3A_259 : i1 to i32
      %cond3A_261 = arith.constant 0 : i32
      %cond3A_262 = arith.cmpi ne, %convert_element_type3A_260, %cond3A_261 : i32
      scf.if %cond3A_262 {
        %add3A_290 = arith.constant 2 : i32
        %add3A_291 = arith.addi %add3A_221, %add3A_290 : i32
        %dma_start3A_292 = arith.constant 0 : i32
        %dma_start3A_293 = tpu.memref_slice %arg4[%add3A, %add3A_291, %dma_start3A_292] : memref<32x313x32xi32, #tpu.memory_space<hbm>> -> memref<1x1x32xi32, #tpu.memory_space<hbm>>
        %dma_start3A_294 = tpu.memref_squeeze %dma_start3A_293 : memref<1x1x32xi32, #tpu.memory_space<hbm>> -> memref<32xi32, #tpu.memory_space<hbm>>
        %dma_start3A_295 = arith.constant 0 : i32
        %dma_start3A_296 = tpu.memref_slice %arg4[%add3A, %add3A_291, %dma_start3A_295] : memref<32x313x32xi32, #tpu.memory_space<hbm>> -> memref<1x1x32xi32, #tpu.memory_space<hbm>>
        %dma_start3A_297 = tpu.memref_squeeze %dma_start3A_296 : memref<1x1x32xi32, #tpu.memory_space<hbm>> -> memref<32xi32, #tpu.memory_space<hbm>>
        tpu.enqueue_dma source(%dma_start3A_297 : memref<32xi32, #tpu.memory_space<hbm>>) target(%arg19 : memref<32xi32, #tpu.memory_space<vmem>>) target_semaphore(%arg37 : memref<!tpu.dma_semaphore, #tpu.memory_space<semaphore_mem>>)
        %dma_start3A_298 = arith.constant 0 : i32
        %dma_start3A_299 = tpu.memref_slice %arg5[%add3A, %add3A_291, %dma_start3A_298] : memref<32x313x32xi32, #tpu.memory_space<hbm>> -> memref<1x1x32xi32, #tpu.memory_space<hbm>>
        %dma_start3A_300 = tpu.memref_squeeze %dma_start3A_299 : memref<1x1x32xi32, #tpu.memory_space<hbm>> -> memref<32xi32, #tpu.memory_space<hbm>>
        %dma_start3A_301 = arith.constant 0 : i32
        %dma_start3A_302 = tpu.memref_slice %arg5[%add3A, %add3A_291, %dma_start3A_301] : memref<32x313x32xi32, #tpu.memory_space<hbm>> -> memref<1x1x32xi32, #tpu.memory_space<hbm>>
        %dma_start3A_303 = tpu.memref_squeeze %dma_start3A_302 : memref<1x1x32xi32, #tpu.memory_space<hbm>> -> memref<32xi32, #tpu.memory_space<hbm>>
        tpu.enqueue_dma source(%dma_start3A_303 : memref<32xi32, #tpu.memory_space<hbm>>) target(%arg21 : memref<32xi32, #tpu.memory_space<vmem>>) target_semaphore(%arg37 : memref<!tpu.dma_semaphore, #tpu.memory_space<semaphore_mem>>)
        %dma_start3A_304 = arith.constant 0 : i32
        %dma_start3A_305 = tpu.memref_slice %arg6[%add3A, %add3A_291, %dma_start3A_304] : memref<32x313x32xi32, #tpu.memory_space<hbm>> -> memref<1x1x32xi32, #tpu.memory_space<hbm>>
        %dma_start3A_306 = tpu.memref_squeeze %dma_start3A_305 : memref<1x1x32xi32, #tpu.memory_space<hbm>> -> memref<32xi32, #tpu.memory_space<hbm>>
        %dma_start3A_307 = arith.constant 0 : i32
        %dma_start3A_308 = tpu.memref_slice %arg6[%add3A, %add3A_291, %dma_start3A_307] : memref<32x313x32xi32, #tpu.memory_space<hbm>> -> memref<1x1x32xi32, #tpu.memory_space<hbm>>
        %dma_start3A_309 = tpu.memref_squeeze %dma_start3A_308 : memref<1x1x32xi32, #tpu.memory_space<hbm>> -> memref<32xi32, #tpu.memory_space<hbm>>
        tpu.enqueue_dma source(%dma_start3A_309 : memref<32xi32, #tpu.memory_space<hbm>>) target(%arg23 : memref<32xi32, #tpu.memory_space<vmem>>) target_semaphore(%arg37 : memref<!tpu.dma_semaphore, #tpu.memory_space<semaphore_mem>>)
      } else {
      }
      %get3A_263 = arith.constant 0 : index
      %get3A_264 = tpu.vector_load %arg16[%get3A_263] {strides = array<i32>} : memref<128xf32, #tpu.memory_space<vmem>>, vector<16xf32>,
      %get3A_265 = arith.constant 16 : index
      %get3A_266 = tpu.vector_load %arg16[%get3A_265] {strides = array<i32>} : memref<128xf32, #tpu.memory_space<vmem>>, vector<16xf32>,
      %get3A_267 = arith.constant 32 : index
      %get3A_268 = tpu.vector_load %arg16[%get3A_267] {strides = array<i32>} : memref<128xf32, #tpu.memory_space<vmem>>, vector<16xf32>,
      %get3A_269 = arith.constant 48 : index
      %get3A_270 = tpu.vector_load %arg16[%get3A_269] {strides = array<i32>} : memref<128xf32, #tpu.memory_space<vmem>>, vector<16xf32>,
      %get3A_271 = arith.constant 64 : index
      %get3A_272 = tpu.vector_load %arg16[%get3A_271] {strides = array<i32>} : memref<128xf32, #tpu.memory_space<vmem>>, vector<16xf32>,
      %get3A_273 = arith.constant 80 : index
      %get3A_274 = tpu.vector_load %arg16[%get3A_273] {strides = array<i32>} : memref<128xf32, #tpu.memory_space<vmem>>, vector<16xf32>,
      %get3A_275 = arith.constant 96 : index
      %get3A_276 = tpu.vector_load %arg16[%get3A_275] {strides = array<i32>} : memref<128xf32, #tpu.memory_space<vmem>>, vector<16xf32>,
      %get3A_277 = arith.constant 112 : index
      %get3A_278 = tpu.vector_load %arg16[%get3A_277] {strides = array<i32>} : memref<128xf32, #tpu.memory_space<vmem>>, vector<16xf32>,
      %scan3A_279 = arith.constant 0 : i32
      %scan3A_280 = arith.constant 0 : i32
      %scan3A_281 = arith.constant 2 : i32
      %scan3A_282 = arith.addi %scan3A_280, %scan3A_281 : i32
      %scan3A_283 = arith.constant 1 : i32
      %scan3A_284 = scf.for %scan3A_290 = %scan3A_280 to %scan3A_282 step %scan3A_283 iter_args(%scan3A_291 = %scan3A_279) -> (i32)  : i32 {
        %mul3A_292 = arith.constant 16 : i32
        %mul3A_293 = arith.muli %scan3A_290, %mul3A_292 : i32
        %add3A_294 = vector.broadcast %mul3A_293 : i32 to vector<16xi32>
        %add3A_295 = arith.addi %iota3A, %add3A_294 : vector<16xi32>
        %gather3A_296 = tpu.vector_load_idx %arg25[%add3A_295] : memref<32xi32, #tpu.memory_space<vmem>>[vector<16xi32>], vector<16xi32>,
        %broadcast_in_dim3A_297 = arith.constant 0.000000e+00 : f32
        %broadcast_in_dim3A_298 = vector.broadcast %broadcast_in_dim3A_297 : f32 to vector<16xf32>
        %parallel_loop3A = arith.constant 0 : i32
        %parallel_loop3A_299 = arith.constant 16 : i32
        %parallel_loop3A_300 = arith.constant 1 : i32
        %parallel_loop3A_301 = scf.for %parallel_loop3A_375 = %parallel_loop3A to %parallel_loop3A_299 step %parallel_loop3A_300 iter_args(%parallel_loop3A_376 = %broadcast_in_dim3A_298) -> (vector<16xf32>)  : i32 {
          %parallel_loop3A_377 = arith.addi %mul3A_293, %parallel_loop3A_375 : i32
          %parallel_loop3A_378 = arith.index_cast %parallel_loop3A_377 : i32 to index
          %parallel_loop3A_379 = tpu.vector_load %arg26[%parallel_loop3A_378] {strides = array<i32>} : memref<48xi32, #tpu.memory_space<vmem>>, vector<16xi32>,
          %parallel_loop3A_380 = vector.extract_strided_slice %parallel_loop3A_379 {offsets = [0], sizes = [1], strides = [1]} : vector<16xi32> to vector<1xi32>
          %parallel_loop3A_381 = vector.extract %parallel_loop3A_380[0] : i32 from vector<1xi32>
          %parallel_loop3A_382 = arith.constant 0.000000e+00 : f32
          %parallel_loop3A_383 = vector.broadcast %parallel_loop3A_382 : f32 to vector<16xf32>
          %parallel_loop3A_384 = arith.index_cast %parallel_loop3A_377 : i32 to index
          %parallel_loop3A_385 = arith.constant 0 : index
          %parallel_loop3A_386 = tpu.vector_load %arg29[%parallel_loop3A_384, %parallel_loop3A_385] {strides = array<i32>} : memref<32x256xf32, #tpu.memory_space<vmem>>, vector<16xf32>,
          %parallel_loop3A_387 = arith.index_cast %parallel_loop3A_377 : i32 to index
          %parallel_loop3A_388 = arith.constant 0 : index
          %parallel_loop3A_389 = tpu.vector_load %arg31[%parallel_loop3A_387, %parallel_loop3A_388] {strides = array<i32>} : memref<32x128xf32, #tpu.memory_space<vmem>>, vector<16xf32>,
          %parallel_loop3A_390 = arith.addf %parallel_loop3A_386, %parallel_loop3A_389 : vector<16xf32>
          %parallel_loop3A_391 = arith.index_cast %parallel_loop3A_381 : i32 to index
          %parallel_loop3A_392 = arith.constant 0 : index
          %parallel_loop3A_393 = tpu.vector_load %arg14[%parallel_loop3A_391, %parallel_loop3A_392] {strides = array<i32>} : memref<16x128xf32, #tpu.memory_space<vmem>>, vector<16xf32>,
          %parallel_loop3A_394 = arith.addf %parallel_loop3A_390, %parallel_loop3A_393 : vector<16xf32>
          %parallel_loop3A_395 = arith.mulf %parallel_loop3A_394, %parallel_loop3A_394 : vector<16xf32>
          %parallel_loop3A_396 = arith.constant 0.0356774069 : f32
          %parallel_loop3A_397 = vector.broadcast %parallel_loop3A_396 : f32 to vector<16xf32>
          %parallel_loop3A_398 = arith.mulf %parallel_loop3A_397, %parallel_loop3A_395 : vector<16xf32>
          %parallel_loop3A_399 = arith.constant 0.797884583 : f32
          %parallel_loop3A_400 = vector.broadcast %parallel_loop3A_399 : f32 to vector<16xf32>
          %parallel_loop3A_401 = arith.addf %parallel_loop3A_400, %parallel_loop3A_398 : vector<16xf32>
          %parallel_loop3A_402 = arith.mulf %parallel_loop3A_394, %parallel_loop3A_401 : vector<16xf32>
          %parallel_loop3A_403 = arith.constant 5.000000e-01 : f32
          %parallel_loop3A_404 = vector.broadcast %parallel_loop3A_403 : f32 to vector<16xf32>
          %parallel_loop3A_405 = arith.mulf %parallel_loop3A_404, %parallel_loop3A_394 : vector<16xf32>
          %parallel_loop3A_406 = arith.constant 2.000000e+00 : f32
          %parallel_loop3A_407 = vector.broadcast %parallel_loop3A_406 : f32 to vector<16xf32>
          %parallel_loop3A_408 = arith.mulf %parallel_loop3A_407, %parallel_loop3A_402 : vector<16xf32>
          %parallel_loop3A_409 = math.exp %parallel_loop3A_408 : vector<16xf32>
          %parallel_loop3A_410 = arith.constant 1.000000e+00 : f32
          %parallel_loop3A_411 = vector.broadcast %parallel_loop3A_410 : f32 to vector<16xf32>
          %parallel_loop3A_412 = arith.addf %parallel_loop3A_409, %parallel_loop3A_411 : vector<16xf32>
          %parallel_loop3A_413 = arith.constant 2.000000e+00 : f32
          %parallel_loop3A_414 = vector.broadcast %parallel_loop3A_413 : f32 to vector<16xf32>
          %parallel_loop3A_415 = arith.divf %parallel_loop3A_414, %parallel_loop3A_412 : vector<16xf32>
          %parallel_loop3A_416 = arith.constant 2.000000e+00 : f32
          %parallel_loop3A_417 = vector.broadcast %parallel_loop3A_416 : f32 to vector<16xf32>
          %parallel_loop3A_418 = arith.subf %parallel_loop3A_417, %parallel_loop3A_415 : vector<16xf32>
          %parallel_loop3A_419 = arith.mulf %parallel_loop3A_405, %parallel_loop3A_418 : vector<16xf32>
          %parallel_loop3A_420 = arith.mulf %parallel_loop3A_419, %get3A_264 : vector<16xf32>
          %parallel_loop3A_421 = arith.addf %parallel_loop3A_383, %parallel_loop3A_420 : vector<16xf32>
          %parallel_loop3A_422 = arith.index_cast %parallel_loop3A_377 : i32 to index
          %parallel_loop3A_423 = arith.constant 16 : index
          %parallel_loop3A_424 = tpu.vector_load %arg29[%parallel_loop3A_422, %parallel_loop3A_423] {strides = array<i32>} : memref<32x256xf32, #tpu.memory_space<vmem>>, vector<16xf32>,
          %parallel_loop3A_425 = arith.index_cast %parallel_loop3A_377 : i32 to index
          %parallel_loop3A_426 = arith.constant 16 : index
          %parallel_loop3A_427 = tpu.vector_load %arg31[%parallel_loop3A_425, %parallel_loop3A_426] {strides = array<i32>} : memref<32x128xf32, #tpu.memory_space<vmem>>, vector<16xf32>,
          %parallel_loop3A_428 = arith.addf %parallel_loop3A_424, %parallel_loop3A_427 : vector<16xf32>
          %parallel_loop3A_429 = arith.index_cast %parallel_loop3A_381 : i32 to index
          %parallel_loop3A_430 = arith.constant 16 : index
          %parallel_loop3A_431 = tpu.vector_load %arg14[%parallel_loop3A_429, %parallel_loop3A_430] {strides = array<i32>} : memref<16x128xf32, #tpu.memory_space<vmem>>, vector<16xf32>,
          %parallel_loop3A_432 = arith.addf %parallel_loop3A_428, %parallel_loop3A_431 : vector<16xf32>
          %parallel_loop3A_433 = arith.mulf %parallel_loop3A_432, %parallel_loop3A_432 : vector<16xf32>
          %parallel_loop3A_434 = arith.constant 0.0356774069 : f32
          %parallel_loop3A_435 = vector.broadcast %parallel_loop3A_434 : f32 to vector<16xf32>
          %parallel_loop3A_436 = arith.mulf %parallel_loop3A_435, %parallel_loop3A_433 : vector<16xf32>
          %parallel_loop3A_437 = arith.constant 0.797884583 : f32
          %parallel_loop3A_438 = vector.broadcast %parallel_loop3A_437 : f32 to vector<16xf32>
          %parallel_loop3A_439 = arith.addf %parallel_loop3A_438, %parallel_loop3A_436 : vector<16xf32>
          %parallel_loop3A_440 = arith.mulf %parallel_loop3A_432, %parallel_loop3A_439 : vector<16xf32>
          %parallel_loop3A_441 = arith.constant 5.000000e-01 : f32
          %parallel_loop3A_442 = vector.broadcast %parallel_loop3A_441 : f32 to vector<16xf32>
          %parallel_loop3A_443 = arith.mulf %parallel_loop3A_442, %parallel_loop3A_432 : vector<16xf32>
          %parallel_loop3A_444 = arith.constant 2.000000e+00 : f32
          %parallel_loop3A_445 = vector.broadcast %parallel_loop3A_444 : f32 to vector<16xf32>
          %parallel_loop3A_446 = arith.mulf %parallel_loop3A_445, %parallel_loop3A_440 : vector<16xf32>
          %parallel_loop3A_447 = math.exp %parallel_loop3A_446 : vector<16xf32>
          %parallel_loop3A_448 = arith.constant 1.000000e+00 : f32
          %parallel_loop3A_449 = vector.broadcast %parallel_loop3A_448 : f32 to vector<16xf32>
          %parallel_loop3A_450 = arith.addf %parallel_loop3A_447, %parallel_loop3A_449 : vector<16xf32>
          %parallel_loop3A_451 = arith.constant 2.000000e+00 : f32
          %parallel_loop3A_452 = vector.broadcast %parallel_loop3A_451 : f32 to vector<16xf32>
          %parallel_loop3A_453 = arith.divf %parallel_loop3A_452, %parallel_loop3A_450 : vector<16xf32>
          %parallel_loop3A_454 = arith.constant 2.000000e+00 : f32
          %parallel_loop3A_455 = vector.broadcast %parallel_loop3A_454 : f32 to vector<16xf32>
          %parallel_loop3A_456 = arith.subf %parallel_loop3A_455, %parallel_loop3A_453 : vector<16xf32>
          %parallel_loop3A_457 = arith.mulf %parallel_loop3A_443, %parallel_loop3A_456 : vector<16xf32>
          %parallel_loop3A_458 = arith.mulf %parallel_loop3A_457, %get3A_266 : vector<16xf32>
          %parallel_loop3A_459 = arith.addf %parallel_loop3A_421, %parallel_loop3A_458 : vector<16xf32>
          %parallel_loop3A_460 = arith.index_cast %parallel_loop3A_377 : i32 to index
          %parallel_loop3A_461 = arith.constant 32 : index
          %parallel_loop3A_462 = tpu.vector_load %arg29[%parallel_loop3A_460, %parallel_loop3A_461] {strides = array<i32>} : memref<32x256xf32, #tpu.memory_space<vmem>>, vector<16xf32>,
          %parallel_loop3A_463 = arith.index_cast %parallel_loop3A_377 : i32 to index
          %parallel_loop3A_464 = arith.constant 32 : index
          %parallel_loop3A_465 = tpu.vector_load %arg31[%parallel_loop3A_463, %parallel_loop3A_464] {strides = array<i32>} : memref<32x128xf32, #tpu.memory_space<vmem>>, vector<16xf32>,
          %parallel_loop3A_466 = arith.addf %parallel_loop3A_462, %parallel_loop3A_465 : vector<16xf32>
          %parallel_loop3A_467 = arith.index_cast %parallel_loop3A_381 : i32 to index
          %parallel_loop3A_468 = arith.constant 32 : index
          %parallel_loop3A_469 = tpu.vector_load %arg14[%parallel_loop3A_467, %parallel_loop3A_468] {strides = array<i32>} : memref<16x128xf32, #tpu.memory_space<vmem>>, vector<16xf32>,
          %parallel_loop3A_470 = arith.addf %parallel_loop3A_466, %parallel_loop3A_469 : vector<16xf32>
          %parallel_loop3A_471 = arith.mulf %parallel_loop3A_470, %parallel_loop3A_470 : vector<16xf32>
          %parallel_loop3A_472 = arith.constant 0.0356774069 : f32
          %parallel_loop3A_473 = vector.broadcast %parallel_loop3A_472 : f32 to vector<16xf32>
          %parallel_loop3A_474 = arith.mulf %parallel_loop3A_473, %parallel_loop3A_471 : vector<16xf32>
          %parallel_loop3A_475 = arith.constant 0.797884583 : f32
          %parallel_loop3A_476 = vector.broadcast %parallel_loop3A_475 : f32 to vector<16xf32>
          %parallel_loop3A_477 = arith.addf %parallel_loop3A_476, %parallel_loop3A_474 : vector<16xf32>
          %parallel_loop3A_478 = arith.mulf %parallel_loop3A_470, %parallel_loop3A_477 : vector<16xf32>
          %parallel_loop3A_479 = arith.constant 5.000000e-01 : f32
          %parallel_loop3A_480 = vector.broadcast %parallel_loop3A_479 : f32 to vector<16xf32>
          %parallel_loop3A_481 = arith.mulf %parallel_loop3A_480, %parallel_loop3A_470 : vector<16xf32>
          %parallel_loop3A_482 = arith.constant 2.000000e+00 : f32
          %parallel_loop3A_483 = vector.broadcast %parallel_loop3A_482 : f32 to vector<16xf32>
          %parallel_loop3A_484 = arith.mulf %parallel_loop3A_483, %parallel_loop3A_478 : vector<16xf32>
          %parallel_loop3A_485 = math.exp %parallel_loop3A_484 : vector<16xf32>
          %parallel_loop3A_486 = arith.constant 1.000000e+00 : f32
          %parallel_loop3A_487 = vector.broadcast %parallel_loop3A_486 : f32 to vector<16xf32>
          %parallel_loop3A_488 = arith.addf %parallel_loop3A_485, %parallel_loop3A_487 : vector<16xf32>
          %parallel_loop3A_489 = arith.constant 2.000000e+00 : f32
          %parallel_loop3A_490 = vector.broadcast %parallel_loop3A_489 : f32 to vector<16xf32>
          %parallel_loop3A_491 = arith.divf %parallel_loop3A_490, %parallel_loop3A_488 : vector<16xf32>
          %parallel_loop3A_492 = arith.constant 2.000000e+00 : f32
          %parallel_loop3A_493 = vector.broadcast %parallel_loop3A_492 : f32 to vector<16xf32>
          %parallel_loop3A_494 = arith.subf %parallel_loop3A_493, %parallel_loop3A_491 : vector<16xf32>
          %parallel_loop3A_495 = arith.mulf %parallel_loop3A_481, %parallel_loop3A_494 : vector<16xf32>
          %parallel_loop3A_496 = arith.mulf %parallel_loop3A_495, %get3A_268 : vector<16xf32>
          %parallel_loop3A_497 = arith.addf %parallel_loop3A_459, %parallel_loop3A_496 : vector<16xf32>
          %parallel_loop3A_498 = arith.index_cast %parallel_loop3A_377 : i32 to index
          %parallel_loop3A_499 = arith.constant 48 : index
          %parallel_loop3A_500 = tpu.vector_load %arg29[%parallel_loop3A_498, %parallel_loop3A_499] {strides = array<i32>} : memref<32x256xf32, #tpu.memory_space<vmem>>, vector<16xf32>,
          %parallel_loop3A_501 = arith.index_cast %parallel_loop3A_377 : i32 to index
          %parallel_loop3A_502 = arith.constant 48 : index
          %parallel_loop3A_503 = tpu.vector_load %arg31[%parallel_loop3A_501, %parallel_loop3A_502] {strides = array<i32>} : memref<32x128xf32, #tpu.memory_space<vmem>>, vector<16xf32>,
          %parallel_loop3A_504 = arith.addf %parallel_loop3A_500, %parallel_loop3A_503 : vector<16xf32>
          %parallel_loop3A_505 = arith.index_cast %parallel_loop3A_381 : i32 to index
          %parallel_loop3A_506 = arith.constant 48 : index
          %parallel_loop3A_507 = tpu.vector_load %arg14[%parallel_loop3A_505, %parallel_loop3A_506] {strides = array<i32>} : memref<16x128xf32, #tpu.memory_space<vmem>>, vector<16xf32>,
          %parallel_loop3A_508 = arith.addf %parallel_loop3A_504, %parallel_loop3A_507 : vector<16xf32>
          %parallel_loop3A_509 = arith.mulf %parallel_loop3A_508, %parallel_loop3A_508 : vector<16xf32>
          %parallel_loop3A_510 = arith.constant 0.0356774069 : f32
          %parallel_loop3A_511 = vector.broadcast %parallel_loop3A_510 : f32 to vector<16xf32>
          %parallel_loop3A_512 = arith.mulf %parallel_loop3A_511, %parallel_loop3A_509 : vector<16xf32>
          %parallel_loop3A_513 = arith.constant 0.797884583 : f32
          %parallel_loop3A_514 = vector.broadcast %parallel_loop3A_513 : f32 to vector<16xf32>
          %parallel_loop3A_515 = arith.addf %parallel_loop3A_514, %parallel_loop3A_512 : vector<16xf32>
          %parallel_loop3A_516 = arith.mulf %parallel_loop3A_508, %parallel_loop3A_515 : vector<16xf32>
          %parallel_loop3A_517 = arith.constant 5.000000e-01 : f32
          %parallel_loop3A_518 = vector.broadcast %parallel_loop3A_517 : f32 to vector<16xf32>
          %parallel_loop3A_519 = arith.mulf %parallel_loop3A_518, %parallel_loop3A_508 : vector<16xf32>
          %parallel_loop3A_520 = arith.constant 2.000000e+00 : f32
          %parallel_loop3A_521 = vector.broadcast %parallel_loop3A_520 : f32 to vector<16xf32>
          %parallel_loop3A_522 = arith.mulf %parallel_loop3A_521, %parallel_loop3A_516 : vector<16xf32>
          %parallel_loop3A_523 = math.exp %parallel_loop3A_522 : vector<16xf32>
          %parallel_loop3A_524 = arith.constant 1.000000e+00 : f32
          %parallel_loop3A_525 = vector.broadcast %parallel_loop3A_524 : f32 to vector<16xf32>
          %parallel_loop3A_526 = arith.addf %parallel_loop3A_523, %parallel_loop3A_525 : vector<16xf32>
          %parallel_loop3A_527 = arith.constant 2.000000e+00 : f32
          %parallel_loop3A_528 = vector.broadcast %parallel_loop3A_527 : f32 to vector<16xf32>
          %parallel_loop3A_529 = arith.divf %parallel_loop3A_528, %parallel_loop3A_526 : vector<16xf32>
          %parallel_loop3A_530 = arith.constant 2.000000e+00 : f32
          %parallel_loop3A_531 = vector.broadcast %parallel_loop3A_530 : f32 to vector<16xf32>
          %parallel_loop3A_532 = arith.subf %parallel_loop3A_531, %parallel_loop3A_529 : vector<16xf32>
          %parallel_loop3A_533 = arith.mulf %parallel_loop3A_519, %parallel_loop3A_532 : vector<16xf32>
          %parallel_loop3A_534 = arith.mulf %parallel_loop3A_533, %get3A_270 : vector<16xf32>
          %parallel_loop3A_535 = arith.addf %parallel_loop3A_497, %parallel_loop3A_534 : vector<16xf32>
          %parallel_loop3A_536 = arith.index_cast %parallel_loop3A_377 : i32 to index
          %parallel_loop3A_537 = arith.constant 64 : index
          %parallel_loop3A_538 = tpu.vector_load %arg29[%parallel_loop3A_536, %parallel_loop3A_537] {strides = array<i32>} : memref<32x256xf32, #tpu.memory_space<vmem>>, vector<16xf32>,
          %parallel_loop3A_539 = arith.index_cast %parallel_loop3A_377 : i32 to index
          %parallel_loop3A_540 = arith.constant 64 : index
          %parallel_loop3A_541 = tpu.vector_load %arg31[%parallel_loop3A_539, %parallel_loop3A_540] {strides = array<i32>} : memref<32x128xf32, #tpu.memory_space<vmem>>, vector<16xf32>,
          %parallel_loop3A_542 = arith.addf %parallel_loop3A_538, %parallel_loop3A_541 : vector<16xf32>
          %parallel_loop3A_543 = arith.index_cast %parallel_loop3A_381 : i32 to index
          %parallel_loop3A_544 = arith.constant 64 : index
          %parallel_loop3A_545 = tpu.vector_load %arg14[%parallel_loop3A_543, %parallel_loop3A_544] {strides = array<i32>} : memref<16x128xf32, #tpu.memory_space<vmem>>, vector<16xf32>,
          %parallel_loop3A_546 = arith.addf %parallel_loop3A_542, %parallel_loop3A_545 : vector<16xf32>
          %parallel_loop3A_547 = arith.mulf %parallel_loop3A_546, %parallel_loop3A_546 : vector<16xf32>
          %parallel_loop3A_548 = arith.constant 0.0356774069 : f32
          %parallel_loop3A_549 = vector.broadcast %parallel_loop3A_548 : f32 to vector<16xf32>
          %parallel_loop3A_550 = arith.mulf %parallel_loop3A_549, %parallel_loop3A_547 : vector<16xf32>
          %parallel_loop3A_551 = arith.constant 0.797884583 : f32
          %parallel_loop3A_552 = vector.broadcast %parallel_loop3A_551 : f32 to vector<16xf32>
          %parallel_loop3A_553 = arith.addf %parallel_loop3A_552, %parallel_loop3A_550 : vector<16xf32>
          %parallel_loop3A_554 = arith.mulf %parallel_loop3A_546, %parallel_loop3A_553 : vector<16xf32>
          %parallel_loop3A_555 = arith.constant 5.000000e-01 : f32
          %parallel_loop3A_556 = vector.broadcast %parallel_loop3A_555 : f32 to vector<16xf32>
          %parallel_loop3A_557 = arith.mulf %parallel_loop3A_556, %parallel_loop3A_546 : vector<16xf32>
          %parallel_loop3A_558 = arith.constant 2.000000e+00 : f32
          %parallel_loop3A_559 = vector.broadcast %parallel_loop3A_558 : f32 to vector<16xf32>
          %parallel_loop3A_560 = arith.mulf %parallel_loop3A_559, %parallel_loop3A_554 : vector<16xf32>
          %parallel_loop3A_561 = math.exp %parallel_loop3A_560 : vector<16xf32>
          %parallel_loop3A_562 = arith.constant 1.000000e+00 : f32
          %parallel_loop3A_563 = vector.broadcast %parallel_loop3A_562 : f32 to vector<16xf32>
          %parallel_loop3A_564 = arith.addf %parallel_loop3A_561, %parallel_loop3A_563 : vector<16xf32>
          %parallel_loop3A_565 = arith.constant 2.000000e+00 : f32
          %parallel_loop3A_566 = vector.broadcast %parallel_loop3A_565 : f32 to vector<16xf32>
          %parallel_loop3A_567 = arith.divf %parallel_loop3A_566, %parallel_loop3A_564 : vector<16xf32>
          %parallel_loop3A_568 = arith.constant 2.000000e+00 : f32
          %parallel_loop3A_569 = vector.broadcast %parallel_loop3A_568 : f32 to vector<16xf32>
          %parallel_loop3A_570 = arith.subf %parallel_loop3A_569, %parallel_loop3A_567 : vector<16xf32>
          %parallel_loop3A_571 = arith.mulf %parallel_loop3A_557, %parallel_loop3A_570 : vector<16xf32>
          %parallel_loop3A_572 = arith.mulf %parallel_loop3A_571, %get3A_272 : vector<16xf32>
          %parallel_loop3A_573 = arith.addf %parallel_loop3A_535, %parallel_loop3A_572 : vector<16xf32>
          %parallel_loop3A_574 = arith.index_cast %parallel_loop3A_377 : i32 to index
          %parallel_loop3A_575 = arith.constant 80 : index
          %parallel_loop3A_576 = tpu.vector_load %arg29[%parallel_loop3A_574, %parallel_loop3A_575] {strides = array<i32>} : memref<32x256xf32, #tpu.memory_space<vmem>>, vector<16xf32>,
          %parallel_loop3A_577 = arith.index_cast %parallel_loop3A_377 : i32 to index
          %parallel_loop3A_578 = arith.constant 80 : index
          %parallel_loop3A_579 = tpu.vector_load %arg31[%parallel_loop3A_577, %parallel_loop3A_578] {strides = array<i32>} : memref<32x128xf32, #tpu.memory_space<vmem>>, vector<16xf32>,
          %parallel_loop3A_580 = arith.addf %parallel_loop3A_576, %parallel_loop3A_579 : vector<16xf32>
          %parallel_loop3A_581 = arith.index_cast %parallel_loop3A_381 : i32 to index
          %parallel_loop3A_582 = arith.constant 80 : index
          %parallel_loop3A_583 = tpu.vector_load %arg14[%parallel_loop3A_581, %parallel_loop3A_582] {strides = array<i32>} : memref<16x128xf32, #tpu.memory_space<vmem>>, vector<16xf32>,
          %parallel_loop3A_584 = arith.addf %parallel_loop3A_580, %parallel_loop3A_583 : vector<16xf32>
          %parallel_loop3A_585 = arith.mulf %parallel_loop3A_584, %parallel_loop3A_584 : vector<16xf32>
          %parallel_loop3A_586 = arith.constant 0.0356774069 : f32
          %parallel_loop3A_587 = vector.broadcast %parallel_loop3A_586 : f32 to vector<16xf32>
          %parallel_loop3A_588 = arith.mulf %parallel_loop3A_587, %parallel_loop3A_585 : vector<16xf32>
          %parallel_loop3A_589 = arith.constant 0.797884583 : f32
          %parallel_loop3A_590 = vector.broadcast %parallel_loop3A_589 : f32 to vector<16xf32>
          %parallel_loop3A_591 = arith.addf %parallel_loop3A_590, %parallel_loop3A_588 : vector<16xf32>
          %parallel_loop3A_592 = arith.mulf %parallel_loop3A_584, %parallel_loop3A_591 : vector<16xf32>
          %parallel_loop3A_593 = arith.constant 5.000000e-01 : f32
          %parallel_loop3A_594 = vector.broadcast %parallel_loop3A_593 : f32 to vector<16xf32>
          %parallel_loop3A_595 = arith.mulf %parallel_loop3A_594, %parallel_loop3A_584 : vector<16xf32>
          %parallel_loop3A_596 = arith.constant 2.000000e+00 : f32
          %parallel_loop3A_597 = vector.broadcast %parallel_loop3A_596 : f32 to vector<16xf32>
          %parallel_loop3A_598 = arith.mulf %parallel_loop3A_597, %parallel_loop3A_592 : vector<16xf32>
          %parallel_loop3A_599 = math.exp %parallel_loop3A_598 : vector<16xf32>
          %parallel_loop3A_600 = arith.constant 1.000000e+00 : f32
          %parallel_loop3A_601 = vector.broadcast %parallel_loop3A_600 : f32 to vector<16xf32>
          %parallel_loop3A_602 = arith.addf %parallel_loop3A_599, %parallel_loop3A_601 : vector<16xf32>
          %parallel_loop3A_603 = arith.constant 2.000000e+00 : f32
          %parallel_loop3A_604 = vector.broadcast %parallel_loop3A_603 : f32 to vector<16xf32>
          %parallel_loop3A_605 = arith.divf %parallel_loop3A_604, %parallel_loop3A_602 : vector<16xf32>
          %parallel_loop3A_606 = arith.constant 2.000000e+00 : f32
          %parallel_loop3A_607 = vector.broadcast %parallel_loop3A_606 : f32 to vector<16xf32>
          %parallel_loop3A_608 = arith.subf %parallel_loop3A_607, %parallel_loop3A_605 : vector<16xf32>
          %parallel_loop3A_609 = arith.mulf %parallel_loop3A_595, %parallel_loop3A_608 : vector<16xf32>
          %parallel_loop3A_610 = arith.mulf %parallel_loop3A_609, %get3A_274 : vector<16xf32>
          %parallel_loop3A_611 = arith.addf %parallel_loop3A_573, %parallel_loop3A_610 : vector<16xf32>
          %parallel_loop3A_612 = arith.index_cast %parallel_loop3A_377 : i32 to index
          %parallel_loop3A_613 = arith.constant 96 : index
          %parallel_loop3A_614 = tpu.vector_load %arg29[%parallel_loop3A_612, %parallel_loop3A_613] {strides = array<i32>} : memref<32x256xf32, #tpu.memory_space<vmem>>, vector<16xf32>,
          %parallel_loop3A_615 = arith.index_cast %parallel_loop3A_377 : i32 to index
          %parallel_loop3A_616 = arith.constant 96 : index
          %parallel_loop3A_617 = tpu.vector_load %arg31[%parallel_loop3A_615, %parallel_loop3A_616] {strides = array<i32>} : memref<32x128xf32, #tpu.memory_space<vmem>>, vector<16xf32>,
          %parallel_loop3A_618 = arith.addf %parallel_loop3A_614, %parallel_loop3A_617 : vector<16xf32>
          %parallel_loop3A_619 = arith.index_cast %parallel_loop3A_381 : i32 to index
          %parallel_loop3A_620 = arith.constant 96 : index
          %parallel_loop3A_621 = tpu.vector_load %arg14[%parallel_loop3A_619, %parallel_loop3A_620] {strides = array<i32>} : memref<16x128xf32, #tpu.memory_space<vmem>>, vector<16xf32>,
          %parallel_loop3A_622 = arith.addf %parallel_loop3A_618, %parallel_loop3A_621 : vector<16xf32>
          %parallel_loop3A_623 = arith.mulf %parallel_loop3A_622, %parallel_loop3A_622 : vector<16xf32>
          %parallel_loop3A_624 = arith.constant 0.0356774069 : f32
          %parallel_loop3A_625 = vector.broadcast %parallel_loop3A_624 : f32 to vector<16xf32>
          %parallel_loop3A_626 = arith.mulf %parallel_loop3A_625, %parallel_loop3A_623 : vector<16xf32>
          %parallel_loop3A_627 = arith.constant 0.797884583 : f32
          %parallel_loop3A_628 = vector.broadcast %parallel_loop3A_627 : f32 to vector<16xf32>
          %parallel_loop3A_629 = arith.addf %parallel_loop3A_628, %parallel_loop3A_626 : vector<16xf32>
          %parallel_loop3A_630 = arith.mulf %parallel_loop3A_622, %parallel_loop3A_629 : vector<16xf32>
          %parallel_loop3A_631 = arith.constant 5.000000e-01 : f32
          %parallel_loop3A_632 = vector.broadcast %parallel_loop3A_631 : f32 to vector<16xf32>
          %parallel_loop3A_633 = arith.mulf %parallel_loop3A_632, %parallel_loop3A_622 : vector<16xf32>
          %parallel_loop3A_634 = arith.constant 2.000000e+00 : f32
          %parallel_loop3A_635 = vector.broadcast %parallel_loop3A_634 : f32 to vector<16xf32>
          %parallel_loop3A_636 = arith.mulf %parallel_loop3A_635, %parallel_loop3A_630 : vector<16xf32>
          %parallel_loop3A_637 = math.exp %parallel_loop3A_636 : vector<16xf32>
          %parallel_loop3A_638 = arith.constant 1.000000e+00 : f32
          %parallel_loop3A_639 = vector.broadcast %parallel_loop3A_638 : f32 to vector<16xf32>
          %parallel_loop3A_640 = arith.addf %parallel_loop3A_637, %parallel_loop3A_639 : vector<16xf32>
          %parallel_loop3A_641 = arith.constant 2.000000e+00 : f32
          %parallel_loop3A_642 = vector.broadcast %parallel_loop3A_641 : f32 to vector<16xf32>
          %parallel_loop3A_643 = arith.divf %parallel_loop3A_642, %parallel_loop3A_640 : vector<16xf32>
          %parallel_loop3A_644 = arith.constant 2.000000e+00 : f32
          %parallel_loop3A_645 = vector.broadcast %parallel_loop3A_644 : f32 to vector<16xf32>
          %parallel_loop3A_646 = arith.subf %parallel_loop3A_645, %parallel_loop3A_643 : vector<16xf32>
          %parallel_loop3A_647 = arith.mulf %parallel_loop3A_633, %parallel_loop3A_646 : vector<16xf32>
          %parallel_loop3A_648 = arith.mulf %parallel_loop3A_647, %get3A_276 : vector<16xf32>
          %parallel_loop3A_649 = arith.addf %parallel_loop3A_611, %parallel_loop3A_648 : vector<16xf32>
          %parallel_loop3A_650 = arith.index_cast %parallel_loop3A_377 : i32 to index
          %parallel_loop3A_651 = arith.constant 112 : index
          %parallel_loop3A_652 = tpu.vector_load %arg29[%parallel_loop3A_650, %parallel_loop3A_651] {strides = array<i32>} : memref<32x256xf32, #tpu.memory_space<vmem>>, vector<16xf32>,
          %parallel_loop3A_653 = arith.index_cast %parallel_loop3A_377 : i32 to index
          %parallel_loop3A_654 = arith.constant 112 : index
          %parallel_loop3A_655 = tpu.vector_load %arg31[%parallel_loop3A_653, %parallel_loop3A_654] {strides = array<i32>} : memref<32x128xf32, #tpu.memory_space<vmem>>, vector<16xf32>,
          %parallel_loop3A_656 = arith.addf %parallel_loop3A_652, %parallel_loop3A_655 : vector<16xf32>
          %parallel_loop3A_657 = arith.index_cast %parallel_loop3A_381 : i32 to index
          %parallel_loop3A_658 = arith.constant 112 : index
          %parallel_loop3A_659 = tpu.vector_load %arg14[%parallel_loop3A_657, %parallel_loop3A_658] {strides = array<i32>} : memref<16x128xf32, #tpu.memory_space<vmem>>, vector<16xf32>,
          %parallel_loop3A_660 = arith.addf %parallel_loop3A_656, %parallel_loop3A_659 : vector<16xf32>
          %parallel_loop3A_661 = arith.mulf %parallel_loop3A_660, %parallel_loop3A_660 : vector<16xf32>
          %parallel_loop3A_662 = arith.constant 0.0356774069 : f32
          %parallel_loop3A_663 = vector.broadcast %parallel_loop3A_662 : f32 to vector<16xf32>
          %parallel_loop3A_664 = arith.mulf %parallel_loop3A_663, %parallel_loop3A_661 : vector<16xf32>
          %parallel_loop3A_665 = arith.constant 0.797884583 : f32
          %parallel_loop3A_666 = vector.broadcast %parallel_loop3A_665 : f32 to vector<16xf32>
          %parallel_loop3A_667 = arith.addf %parallel_loop3A_666, %parallel_loop3A_664 : vector<16xf32>
          %parallel_loop3A_668 = arith.mulf %parallel_loop3A_660, %parallel_loop3A_667 : vector<16xf32>
          %parallel_loop3A_669 = arith.constant 5.000000e-01 : f32
          %parallel_loop3A_670 = vector.broadcast %parallel_loop3A_669 : f32 to vector<16xf32>
          %parallel_loop3A_671 = arith.mulf %parallel_loop3A_670, %parallel_loop3A_660 : vector<16xf32>
          %parallel_loop3A_672 = arith.constant 2.000000e+00 : f32
          %parallel_loop3A_673 = vector.broadcast %parallel_loop3A_672 : f32 to vector<16xf32>
          %parallel_loop3A_674 = arith.mulf %parallel_loop3A_673, %parallel_loop3A_668 : vector<16xf32>
          %parallel_loop3A_675 = math.exp %parallel_loop3A_674 : vector<16xf32>
          %parallel_loop3A_676 = arith.constant 1.000000e+00 : f32
          %parallel_loop3A_677 = vector.broadcast %parallel_loop3A_676 : f32 to vector<16xf32>
          %parallel_loop3A_678 = arith.addf %parallel_loop3A_675, %parallel_loop3A_677 : vector<16xf32>
          %parallel_loop3A_679 = arith.constant 2.000000e+00 : f32
          %parallel_loop3A_680 = vector.broadcast %parallel_loop3A_679 : f32 to vector<16xf32>
          %parallel_loop3A_681 = arith.divf %parallel_loop3A_680, %parallel_loop3A_678 : vector<16xf32>
          %parallel_loop3A_682 = arith.constant 2.000000e+00 : f32
          %parallel_loop3A_683 = vector.broadcast %parallel_loop3A_682 : f32 to vector<16xf32>
          %parallel_loop3A_684 = arith.subf %parallel_loop3A_683, %parallel_loop3A_681 : vector<16xf32>
          %parallel_loop3A_685 = arith.mulf %parallel_loop3A_671, %parallel_loop3A_684 : vector<16xf32>
          %parallel_loop3A_686 = arith.mulf %parallel_loop3A_685, %get3A_278 : vector<16xf32>
          %parallel_loop3A_687 = arith.addf %parallel_loop3A_649, %parallel_loop3A_686 : vector<16xf32>
          %parallel_loop3A_688 = vector.broadcast %parallel_loop3A_375 : i32 to vector<16xi32>
          %parallel_loop3A_689 = arith.cmpi eq, %iota3A, %parallel_loop3A_688 : vector<16xi32>
          %parallel_loop3A_690 = arith.constant true
          %parallel_loop3A_691 = vector.broadcast %parallel_loop3A_690 : i1 to vector<16xi1>
          %parallel_loop3A_692 = tpu.scan <sum>, %parallel_loop3A_687 masked %parallel_loop3A_691 : vector<16xf32>, vector<16xi1> -> vector<16xf32>
          %parallel_loop3A_693 = vector.extract %parallel_loop3A_692[15] : f32 from vector<16xf32>
          %parallel_loop3A_694 = arith.constant 0.000000e+00 : f32
          %parallel_loop3A_695 = vector.broadcast %parallel_loop3A_693 : f32 to vector<16xf32>
          %parallel_loop3A_696 = vector.broadcast %parallel_loop3A_694 : f32 to vector<16xf32>
          %parallel_loop3A_697 = arith.select %parallel_loop3A_689, %parallel_loop3A_695, %parallel_loop3A_696 : vector<16xi1>, vector<16xf32>
          %parallel_loop3A_698 = arith.addf %parallel_loop3A_376, %parallel_loop3A_697 : vector<16xf32>
          scf.yield %parallel_loop3A_698 : vector<16xf32>
        } {sc.loop_unroll_factor = 2 : i64, sc.parallel_access}
        %add3A_302 = vector.broadcast %squeeze3A : f32 to vector<16xf32>
        %add3A_303 = arith.addf %parallel_loop3A_301, %add3A_302 : vector<16xf32>
        %mul3A_304 = arith.constant 2.000000e+00 : f32
        %mul3A_305 = vector.broadcast %mul3A_304 : f32 to vector<16xf32>
        %mul3A_306 = arith.mulf %mul3A_305, %add3A_303 : vector<16xf32>
        %exp3A = math.exp %mul3A_306 : vector<16xf32>
        %add3A_307 = arith.constant 1.000000e+00 : f32
        %add3A_308 = vector.broadcast %add3A_307 : f32 to vector<16xf32>
        %add3A_309 = arith.addf %exp3A, %add3A_308 : vector<16xf32>
        %div3A = arith.constant 2.000000e+00 : f32
        %div3A_310 = vector.broadcast %div3A : f32 to vector<16xf32>
        %div3A_311 = arith.divf %div3A_310, %add3A_309 : vector<16xf32>
        %sub3A = arith.constant 1.000000e+00 : f32
        %sub3A_312 = vector.broadcast %sub3A : f32 to vector<16xf32>
        %sub3A_313 = arith.subf %sub3A_312, %div3A_311 : vector<16xf32>
        %mul3A_314 = vector.broadcast %squeeze3A_12 : f32 to vector<16xf32>
        %mul3A_315 = arith.mulf %mul3A_314, %sub3A_313 : vector<16xf32>
        %add3A_316 = arith.constant 1.000000e+00 : f32
        %add3A_317 = vector.broadcast %add3A_316 : f32 to vector<16xf32>
        %add3A_318 = arith.addf %add3A_317, %mul3A_315 : vector<16xf32>
        %swap3A = arith.constant 0 : index
        %swap3A_319 = tpu.vector_load %arg27[%swap3A] {strides = array<i32>} : memref<32xf32, #tpu.memory_space<vmem>>, vector<16xf32>,
        tpu.vector_store %arg27[%swap3A], %add3A_318 {strides = array<i32>} : memref<32xf32, #tpu.memory_space<vmem>>, vector<16xf32>,
        %parallel_loop3A_320 = arith.constant 0 : i32
        %parallel_loop3A_321 = arith.constant 16 : i32
        %parallel_loop3A_322 = arith.constant 1 : i32
        scf.for %parallel_loop3A_375 = %parallel_loop3A_320 to %parallel_loop3A_321 step %parallel_loop3A_322  : i32 {
          %parallel_loop3A_376 = arith.addi %mul3A_293, %parallel_loop3A_375 : i32
          %parallel_loop3A_377 = arith.index_cast %parallel_loop3A_376 : i32 to index
          %parallel_loop3A_378 = tpu.vector_load %arg26[%parallel_loop3A_377] {strides = array<i32>} : memref<48xi32, #tpu.memory_space<vmem>>, vector<16xi32>,
          %parallel_loop3A_379 = vector.extract_strided_slice %parallel_loop3A_378 {offsets = [0], sizes = [1], strides = [1]} : vector<16xi32> to vector<1xi32>
          %parallel_loop3A_380 = vector.extract %parallel_loop3A_379[0] : i32 from vector<1xi32>
          %parallel_loop3A_381 = arith.index_cast %parallel_loop3A_375 : i32 to index
          %parallel_loop3A_382 = tpu.vector_load %arg27[%parallel_loop3A_381] {strides = array<i32>} : memref<32xf32, #tpu.memory_space<vmem>>, vector<16xf32>,
          %parallel_loop3A_383 = vector.extract_strided_slice %parallel_loop3A_382 {offsets = [0], sizes = [1], strides = [1]} : vector<16xf32> to vector<1xf32>
          %parallel_loop3A_384 = vector.extract %parallel_loop3A_383[0] : f32 from vector<1xf32>
          %parallel_loop3A_385 = arith.index_cast %parallel_loop3A_376 : i32 to index
          %parallel_loop3A_386 = arith.constant 128 : index
          %parallel_loop3A_387 = tpu.vector_load %arg29[%parallel_loop3A_385, %parallel_loop3A_386] {strides = array<i32>} : memref<32x256xf32, #tpu.memory_space<vmem>>, vector<16xf32>,
          %parallel_loop3A_388 = arith.index_cast %parallel_loop3A_380 : i32 to index
          %parallel_loop3A_389 = arith.constant 0 : index
          %parallel_loop3A_390 = tpu.vector_load %arg15[%parallel_loop3A_388, %parallel_loop3A_389] {strides = array<i32>} : memref<16x128xf32, #tpu.memory_space<vmem>>, vector<16xf32>,
          %parallel_loop3A_391 = arith.addf %parallel_loop3A_387, %parallel_loop3A_390 : vector<16xf32>
          %parallel_loop3A_392 = vector.broadcast %parallel_loop3A_384 : f32 to vector<16xf32>
          %parallel_loop3A_393 = arith.mulf %parallel_loop3A_391, %parallel_loop3A_392 : vector<16xf32>
          %parallel_loop3A_394 = arith.index_cast %parallel_loop3A_376 : i32 to index
          %parallel_loop3A_395 = arith.constant 0 : index
          %parallel_loop3A_396 = tpu.vector_load %arg33[%parallel_loop3A_394, %parallel_loop3A_395] {strides = array<i32>} : memref<32x128xf32, #tpu.memory_space<vmem>>, vector<16xf32>,
          tpu.vector_store %arg33[%parallel_loop3A_394, %parallel_loop3A_395], %parallel_loop3A_393 {strides = array<i32>} : memref<32x128xf32, #tpu.memory_space<vmem>>, vector<16xf32>,
          %parallel_loop3A_397 = arith.index_cast %parallel_loop3A_376 : i32 to index
          %parallel_loop3A_398 = arith.constant 144 : index
          %parallel_loop3A_399 = tpu.vector_load %arg29[%parallel_loop3A_397, %parallel_loop3A_398] {strides = array<i32>} : memref<32x256xf32, #tpu.memory_space<vmem>>, vector<16xf32>,
          %parallel_loop3A_400 = arith.index_cast %parallel_loop3A_380 : i32 to index
          %parallel_loop3A_401 = arith.constant 16 : index
          %parallel_loop3A_402 = tpu.vector_load %arg15[%parallel_loop3A_400, %parallel_loop3A_401] {strides = array<i32>} : memref<16x128xf32, #tpu.memory_space<vmem>>, vector<16xf32>,
          %parallel_loop3A_403 = arith.addf %parallel_loop3A_399, %parallel_loop3A_402 : vector<16xf32>
          %parallel_loop3A_404 = vector.broadcast %parallel_loop3A_384 : f32 to vector<16xf32>
          %parallel_loop3A_405 = arith.mulf %parallel_loop3A_403, %parallel_loop3A_404 : vector<16xf32>
          %parallel_loop3A_406 = arith.index_cast %parallel_loop3A_376 : i32 to index
          %parallel_loop3A_407 = arith.constant 16 : index
          %parallel_loop3A_408 = tpu.vector_load %arg33[%parallel_loop3A_406, %parallel_loop3A_407] {strides = array<i32>} : memref<32x128xf32, #tpu.memory_space<vmem>>, vector<16xf32>,
          tpu.vector_store %arg33[%parallel_loop3A_406, %parallel_loop3A_407], %parallel_loop3A_405 {strides = array<i32>} : memref<32x128xf32, #tpu.memory_space<vmem>>, vector<16xf32>,
          %parallel_loop3A_409 = arith.index_cast %parallel_loop3A_376 : i32 to index
          %parallel_loop3A_410 = arith.constant 160 : index
          %parallel_loop3A_411 = tpu.vector_load %arg29[%parallel_loop3A_409, %parallel_loop3A_410] {strides = array<i32>} : memref<32x256xf32, #tpu.memory_space<vmem>>, vector<16xf32>,
          %parallel_loop3A_412 = arith.index_cast %parallel_loop3A_380 : i32 to index
          %parallel_loop3A_413 = arith.constant 32 : index
          %parallel_loop3A_414 = tpu.vector_load %arg15[%parallel_loop3A_412, %parallel_loop3A_413] {strides = array<i32>} : memref<16x128xf32, #tpu.memory_space<vmem>>, vector<16xf32>,
          %parallel_loop3A_415 = arith.addf %parallel_loop3A_411, %parallel_loop3A_414 : vector<16xf32>
          %parallel_loop3A_416 = vector.broadcast %parallel_loop3A_384 : f32 to vector<16xf32>
          %parallel_loop3A_417 = arith.mulf %parallel_loop3A_415, %parallel_loop3A_416 : vector<16xf32>
          %parallel_loop3A_418 = arith.index_cast %parallel_loop3A_376 : i32 to index
          %parallel_loop3A_419 = arith.constant 32 : index
          %parallel_loop3A_420 = tpu.vector_load %arg33[%parallel_loop3A_418, %parallel_loop3A_419] {strides = array<i32>} : memref<32x128xf32, #tpu.memory_space<vmem>>, vector<16xf32>,
          tpu.vector_store %arg33[%parallel_loop3A_418, %parallel_loop3A_419], %parallel_loop3A_417 {strides = array<i32>} : memref<32x128xf32, #tpu.memory_space<vmem>>, vector<16xf32>,
          %parallel_loop3A_421 = arith.index_cast %parallel_loop3A_376 : i32 to index
          %parallel_loop3A_422 = arith.constant 176 : index
          %parallel_loop3A_423 = tpu.vector_load %arg29[%parallel_loop3A_421, %parallel_loop3A_422] {strides = array<i32>} : memref<32x256xf32, #tpu.memory_space<vmem>>, vector<16xf32>,
          %parallel_loop3A_424 = arith.index_cast %parallel_loop3A_380 : i32 to index
          %parallel_loop3A_425 = arith.constant 48 : index
          %parallel_loop3A_426 = tpu.vector_load %arg15[%parallel_loop3A_424, %parallel_loop3A_425] {strides = array<i32>} : memref<16x128xf32, #tpu.memory_space<vmem>>, vector<16xf32>,
          %parallel_loop3A_427 = arith.addf %parallel_loop3A_423, %parallel_loop3A_426 : vector<16xf32>
          %parallel_loop3A_428 = vector.broadcast %parallel_loop3A_384 : f32 to vector<16xf32>
          %parallel_loop3A_429 = arith.mulf %parallel_loop3A_427, %parallel_loop3A_428 : vector<16xf32>
          %parallel_loop3A_430 = arith.index_cast %parallel_loop3A_376 : i32 to index
          %parallel_loop3A_431 = arith.constant 48 : index
          %parallel_loop3A_432 = tpu.vector_load %arg33[%parallel_loop3A_430, %parallel_loop3A_431] {strides = array<i32>} : memref<32x128xf32, #tpu.memory_space<vmem>>, vector<16xf32>,
          tpu.vector_store %arg33[%parallel_loop3A_430, %parallel_loop3A_431], %parallel_loop3A_429 {strides = array<i32>} : memref<32x128xf32, #tpu.memory_space<vmem>>, vector<16xf32>,
          %parallel_loop3A_433 = arith.index_cast %parallel_loop3A_376 : i32 to index
          %parallel_loop3A_434 = arith.constant 192 : index
          %parallel_loop3A_435 = tpu.vector_load %arg29[%parallel_loop3A_433, %parallel_loop3A_434] {strides = array<i32>} : memref<32x256xf32, #tpu.memory_space<vmem>>, vector<16xf32>,
          %parallel_loop3A_436 = arith.index_cast %parallel_loop3A_380 : i32 to index
          %parallel_loop3A_437 = arith.constant 64 : index
          %parallel_loop3A_438 = tpu.vector_load %arg15[%parallel_loop3A_436, %parallel_loop3A_437] {strides = array<i32>} : memref<16x128xf32, #tpu.memory_space<vmem>>, vector<16xf32>,
          %parallel_loop3A_439 = arith.addf %parallel_loop3A_435, %parallel_loop3A_438 : vector<16xf32>
          %parallel_loop3A_440 = vector.broadcast %parallel_loop3A_384 : f32 to vector<16xf32>
          %parallel_loop3A_441 = arith.mulf %parallel_loop3A_439, %parallel_loop3A_440 : vector<16xf32>
          %parallel_loop3A_442 = arith.index_cast %parallel_loop3A_376 : i32 to index
          %parallel_loop3A_443 = arith.constant 64 : index
          %parallel_loop3A_444 = tpu.vector_load %arg33[%parallel_loop3A_442, %parallel_loop3A_443] {strides = array<i32>} : memref<32x128xf32, #tpu.memory_space<vmem>>, vector<16xf32>,
          tpu.vector_store %arg33[%parallel_loop3A_442, %parallel_loop3A_443], %parallel_loop3A_441 {strides = array<i32>} : memref<32x128xf32, #tpu.memory_space<vmem>>, vector<16xf32>,
          %parallel_loop3A_445 = arith.index_cast %parallel_loop3A_376 : i32 to index
          %parallel_loop3A_446 = arith.constant 208 : index
          %parallel_loop3A_447 = tpu.vector_load %arg29[%parallel_loop3A_445, %parallel_loop3A_446] {strides = array<i32>} : memref<32x256xf32, #tpu.memory_space<vmem>>, vector<16xf32>,
          %parallel_loop3A_448 = arith.index_cast %parallel_loop3A_380 : i32 to index
          %parallel_loop3A_449 = arith.constant 80 : index
          %parallel_loop3A_450 = tpu.vector_load %arg15[%parallel_loop3A_448, %parallel_loop3A_449] {strides = array<i32>} : memref<16x128xf32, #tpu.memory_space<vmem>>, vector<16xf32>,
          %parallel_loop3A_451 = arith.addf %parallel_loop3A_447, %parallel_loop3A_450 : vector<16xf32>
          %parallel_loop3A_452 = vector.broadcast %parallel_loop3A_384 : f32 to vector<16xf32>
          %parallel_loop3A_453 = arith.mulf %parallel_loop3A_451, %parallel_loop3A_452 : vector<16xf32>
          %parallel_loop3A_454 = arith.index_cast %parallel_loop3A_376 : i32 to index
          %parallel_loop3A_455 = arith.constant 80 : index
          %parallel_loop3A_456 = tpu.vector_load %arg33[%parallel_loop3A_454, %parallel_loop3A_455] {strides = array<i32>} : memref<32x128xf32, #tpu.memory_space<vmem>>, vector<16xf32>,
          tpu.vector_store %arg33[%parallel_loop3A_454, %parallel_loop3A_455], %parallel_loop3A_453 {strides = array<i32>} : memref<32x128xf32, #tpu.memory_space<vmem>>, vector<16xf32>,
          %parallel_loop3A_457 = arith.index_cast %parallel_loop3A_376 : i32 to index
          %parallel_loop3A_458 = arith.constant 224 : index
          %parallel_loop3A_459 = tpu.vector_load %arg29[%parallel_loop3A_457, %parallel_loop3A_458] {strides = array<i32>} : memref<32x256xf32, #tpu.memory_space<vmem>>, vector<16xf32>,
          %parallel_loop3A_460 = arith.index_cast %parallel_loop3A_380 : i32 to index
          %parallel_loop3A_461 = arith.constant 96 : index
          %parallel_loop3A_462 = tpu.vector_load %arg15[%parallel_loop3A_460, %parallel_loop3A_461] {strides = array<i32>} : memref<16x128xf32, #tpu.memory_space<vmem>>, vector<16xf32>,
          %parallel_loop3A_463 = arith.addf %parallel_loop3A_459, %parallel_loop3A_462 : vector<16xf32>
          %parallel_loop3A_464 = vector.broadcast %parallel_loop3A_384 : f32 to vector<16xf32>
          %parallel_loop3A_465 = arith.mulf %parallel_loop3A_463, %parallel_loop3A_464 : vector<16xf32>
          %parallel_loop3A_466 = arith.index_cast %parallel_loop3A_376 : i32 to index
          %parallel_loop3A_467 = arith.constant 96 : index
          %parallel_loop3A_468 = tpu.vector_load %arg33[%parallel_loop3A_466, %parallel_loop3A_467] {strides = array<i32>} : memref<32x128xf32, #tpu.memory_space<vmem>>, vector<16xf32>,
          tpu.vector_store %arg33[%parallel_loop3A_466, %parallel_loop3A_467], %parallel_loop3A_465 {strides = array<i32>} : memref<32x128xf32, #tpu.memory_space<vmem>>, vector<16xf32>,
          %parallel_loop3A_469 = arith.index_cast %parallel_loop3A_376 : i32 to index
          %parallel_loop3A_470 = arith.constant 240 : index
          %parallel_loop3A_471 = tpu.vector_load %arg29[%parallel_loop3A_469, %parallel_loop3A_470] {strides = array<i32>} : memref<32x256xf32, #tpu.memory_space<vmem>>, vector<16xf32>,
          %parallel_loop3A_472 = arith.index_cast %parallel_loop3A_380 : i32 to index
          %parallel_loop3A_473 = arith.constant 112 : index
          %parallel_loop3A_474 = tpu.vector_load %arg15[%parallel_loop3A_472, %parallel_loop3A_473] {strides = array<i32>} : memref<16x128xf32, #tpu.memory_space<vmem>>, vector<16xf32>,
          %parallel_loop3A_475 = arith.addf %parallel_loop3A_471, %parallel_loop3A_474 : vector<16xf32>
          %parallel_loop3A_476 = vector.broadcast %parallel_loop3A_384 : f32 to vector<16xf32>
          %parallel_loop3A_477 = arith.mulf %parallel_loop3A_475, %parallel_loop3A_476 : vector<16xf32>
          %parallel_loop3A_478 = arith.index_cast %parallel_loop3A_376 : i32 to index
          %parallel_loop3A_479 = arith.constant 112 : index
          %parallel_loop3A_480 = tpu.vector_load %arg33[%parallel_loop3A_478, %parallel_loop3A_479] {strides = array<i32>} : memref<32x128xf32, #tpu.memory_space<vmem>>, vector<16xf32>,
          tpu.vector_store %arg33[%parallel_loop3A_478, %parallel_loop3A_479], %parallel_loop3A_477 {strides = array<i32>} : memref<32x128xf32, #tpu.memory_space<vmem>>, vector<16xf32>,
        } {sc.loop_unroll_factor = 4 : i64, sc.parallel_access}
        %shift_right_logical3A = arith.constant 7 : i32
        %shift_right_logical3A_323 = vector.broadcast %shift_right_logical3A : i32 to vector<16xi32>
        %shift_right_logical3A_324 = arith.shrui %gather3A_296, %shift_right_logical3A_323 : vector<16xi32>
        %and3A = arith.constant 127 : i32
        %and3A_325 = vector.broadcast %and3A : i32 to vector<16xi32>
        %and3A_326 = arith.andi %gather3A_296, %and3A_325 : vector<16xi32>
        %eq3A = arith.constant 0 : i32
        %eq3A_327 = vector.broadcast %eq3A : i32 to vector<16xi32>
        %eq3A_328 = arith.cmpi eq, %iota3A, %eq3A_327 : vector<16xi32>
        tpu.vector_store_idx %arg34[%shift_right_logical3A_324, %and3A_326], %add3A_318 masked %eq3A_328 {add = true} : memref<80x128xf32, #tpu.memory_space<vmem>>[vector<16xi32>, vector<16xi32>], vector<16xf32>, vector<16xi1>
        %eq3A_329 = arith.constant 1 : i32
        %eq3A_330 = vector.broadcast %eq3A_329 : i32 to vector<16xi32>
        %eq3A_331 = arith.cmpi eq, %iota3A, %eq3A_330 : vector<16xi32>
        tpu.vector_store_idx %arg34[%shift_right_logical3A_324, %and3A_326], %add3A_318 masked %eq3A_331 {add = true} : memref<80x128xf32, #tpu.memory_space<vmem>>[vector<16xi32>, vector<16xi32>], vector<16xf32>, vector<16xi1>
        %eq3A_332 = arith.constant 2 : i32
        %eq3A_333 = vector.broadcast %eq3A_332 : i32 to vector<16xi32>
        %eq3A_334 = arith.cmpi eq, %iota3A, %eq3A_333 : vector<16xi32>
        tpu.vector_store_idx %arg34[%shift_right_logical3A_324, %and3A_326], %add3A_318 masked %eq3A_334 {add = true} : memref<80x128xf32, #tpu.memory_space<vmem>>[vector<16xi32>, vector<16xi32>], vector<16xf32>, vector<16xi1>
        %eq3A_335 = arith.constant 3 : i32
        %eq3A_336 = vector.broadcast %eq3A_335 : i32 to vector<16xi32>
        %eq3A_337 = arith.cmpi eq, %iota3A, %eq3A_336 : vector<16xi32>
        tpu.vector_store_idx %arg34[%shift_right_logical3A_324, %and3A_326], %add3A_318 masked %eq3A_337 {add = true} : memref<80x128xf32, #tpu.memory_space<vmem>>[vector<16xi32>, vector<16xi32>], vector<16xf32>, vector<16xi1>
        %eq3A_338 = arith.constant 4 : i32
        %eq3A_339 = vector.broadcast %eq3A_338 : i32 to vector<16xi32>
        %eq3A_340 = arith.cmpi eq, %iota3A, %eq3A_339 : vector<16xi32>
        tpu.vector_store_idx %arg34[%shift_right_logical3A_324, %and3A_326], %add3A_318 masked %eq3A_340 {add = true} : memref<80x128xf32, #tpu.memory_space<vmem>>[vector<16xi32>, vector<16xi32>], vector<16xf32>, vector<16xi1>
        %eq3A_341 = arith.constant 5 : i32
        %eq3A_342 = vector.broadcast %eq3A_341 : i32 to vector<16xi32>
        %eq3A_343 = arith.cmpi eq, %iota3A, %eq3A_342 : vector<16xi32>
        tpu.vector_store_idx %arg34[%shift_right_logical3A_324, %and3A_326], %add3A_318 masked %eq3A_343 {add = true} : memref<80x128xf32, #tpu.memory_space<vmem>>[vector<16xi32>, vector<16xi32>], vector<16xf32>, vector<16xi1>
        %eq3A_344 = arith.constant 6 : i32
        %eq3A_345 = vector.broadcast %eq3A_344 : i32 to vector<16xi32>
        %eq3A_346 = arith.cmpi eq, %iota3A, %eq3A_345 : vector<16xi32>
        tpu.vector_store_idx %arg34[%shift_right_logical3A_324, %and3A_326], %add3A_318 masked %eq3A_346 {add = true} : memref<80x128xf32, #tpu.memory_space<vmem>>[vector<16xi32>, vector<16xi32>], vector<16xf32>, vector<16xi1>
        %eq3A_347 = arith.constant 7 : i32
        %eq3A_348 = vector.broadcast %eq3A_347 : i32 to vector<16xi32>
        %eq3A_349 = arith.cmpi eq, %iota3A, %eq3A_348 : vector<16xi32>
        tpu.vector_store_idx %arg34[%shift_right_logical3A_324, %and3A_326], %add3A_318 masked %eq3A_349 {add = true} : memref<80x128xf32, #tpu.memory_space<vmem>>[vector<16xi32>, vector<16xi32>], vector<16xf32>, vector<16xi1>
        %eq3A_350 = arith.constant 8 : i32
        %eq3A_351 = vector.broadcast %eq3A_350 : i32 to vector<16xi32>
        %eq3A_352 = arith.cmpi eq, %iota3A, %eq3A_351 : vector<16xi32>
        tpu.vector_store_idx %arg34[%shift_right_logical3A_324, %and3A_326], %add3A_318 masked %eq3A_352 {add = true} : memref<80x128xf32, #tpu.memory_space<vmem>>[vector<16xi32>, vector<16xi32>], vector<16xf32>, vector<16xi1>
        %eq3A_353 = arith.constant 9 : i32
        %eq3A_354 = vector.broadcast %eq3A_353 : i32 to vector<16xi32>
        %eq3A_355 = arith.cmpi eq, %iota3A, %eq3A_354 : vector<16xi32>
        tpu.vector_store_idx %arg34[%shift_right_logical3A_324, %and3A_326], %add3A_318 masked %eq3A_355 {add = true} : memref<80x128xf32, #tpu.memory_space<vmem>>[vector<16xi32>, vector<16xi32>], vector<16xf32>, vector<16xi1>
        %eq3A_356 = arith.constant 10 : i32
        %eq3A_357 = vector.broadcast %eq3A_356 : i32 to vector<16xi32>
        %eq3A_358 = arith.cmpi eq, %iota3A, %eq3A_357 : vector<16xi32>
        tpu.vector_store_idx %arg34[%shift_right_logical3A_324, %and3A_326], %add3A_318 masked %eq3A_358 {add = true} : memref<80x128xf32, #tpu.memory_space<vmem>>[vector<16xi32>, vector<16xi32>], vector<16xf32>, vector<16xi1>
        %eq3A_359 = arith.constant 11 : i32
        %eq3A_360 = vector.broadcast %eq3A_359 : i32 to vector<16xi32>
        %eq3A_361 = arith.cmpi eq, %iota3A, %eq3A_360 : vector<16xi32>
        tpu.vector_store_idx %arg34[%shift_right_logical3A_324, %and3A_326], %add3A_318 masked %eq3A_361 {add = true} : memref<80x128xf32, #tpu.memory_space<vmem>>[vector<16xi32>, vector<16xi32>], vector<16xf32>, vector<16xi1>
        %eq3A_362 = arith.constant 12 : i32
        %eq3A_363 = vector.broadcast %eq3A_362 : i32 to vector<16xi32>
        %eq3A_364 = arith.cmpi eq, %iota3A, %eq3A_363 : vector<16xi32>
        tpu.vector_store_idx %arg34[%shift_right_logical3A_324, %and3A_326], %add3A_318 masked %eq3A_364 {add = true} : memref<80x128xf32, #tpu.memory_space<vmem>>[vector<16xi32>, vector<16xi32>], vector<16xf32>, vector<16xi1>
        %eq3A_365 = arith.constant 13 : i32
        %eq3A_366 = vector.broadcast %eq3A_365 : i32 to vector<16xi32>
        %eq3A_367 = arith.cmpi eq, %iota3A, %eq3A_366 : vector<16xi32>
        tpu.vector_store_idx %arg34[%shift_right_logical3A_324, %and3A_326], %add3A_318 masked %eq3A_367 {add = true} : memref<80x128xf32, #tpu.memory_space<vmem>>[vector<16xi32>, vector<16xi32>], vector<16xf32>, vector<16xi1>
        %eq3A_368 = arith.constant 14 : i32
        %eq3A_369 = vector.broadcast %eq3A_368 : i32 to vector<16xi32>
        %eq3A_370 = arith.cmpi eq, %iota3A, %eq3A_369 : vector<16xi32>
        tpu.vector_store_idx %arg34[%shift_right_logical3A_324, %and3A_326], %add3A_318 masked %eq3A_370 {add = true} : memref<80x128xf32, #tpu.memory_space<vmem>>[vector<16xi32>, vector<16xi32>], vector<16xf32>, vector<16xi1>
        %eq3A_371 = arith.constant 15 : i32
        %eq3A_372 = vector.broadcast %eq3A_371 : i32 to vector<16xi32>
        %eq3A_373 = arith.cmpi eq, %iota3A, %eq3A_372 : vector<16xi32>
        tpu.vector_store_idx %arg34[%shift_right_logical3A_324, %and3A_326], %add3A_318 masked %eq3A_373 {add = true} : memref<80x128xf32, #tpu.memory_space<vmem>>[vector<16xi32>, vector<16xi32>], vector<16xf32>, vector<16xi1>
        %scan3A_374 = arith.constant 0 : i32
        scf.yield %scan3A_374 : i32
      }
      %scan3A_285 = arith.constant 2 : i32
      %dma_start3A_286 = arith.constant 0 : i32
      %dma_start3A_287 = arith.constant 0 : i32
      %dma_start3A_288 = tpu.memref_slice %arg35[%dma_start3A_286, %dma_start3A_287] : memref<10240x128xf32, #tpu.memory_space<vmem_shared>> -> memref<10240x128xf32, #tpu.memory_space<vmem_shared>>
      tpu.enqueue_indirect_dma source(%arg33 : memref<32x128xf32, #tpu.memory_space<vmem>>) target(%dma_start3A_288 : memref<10240x128xf32, #tpu.memory_space<vmem_shared>>) offsets(%arg25 : memref<32xi32, #tpu.memory_space<vmem>>) semaphore(%arg41 : memref<!tpu.dma_semaphore, #tpu.memory_space<semaphore_mem>>) {add = true}
      %scan3A_289 = arith.constant 0 : i32
      scf.yield %scan3A_289 : i32
    }
    %scan3A_89 = arith.constant 156 : i32
    %dma_wait3A_90 = arith.constant 0 : i32
    %dma_wait3A_91 = arith.constant 0 : i32
    %dma_wait3A_92 = tpu.memref_slice %arg2[%dma_wait3A_90, %dma_wait3A_91] : memref<10000x256xf32, #tpu.memory_space<hbm>> -> memref<32x256xf32, #tpu.memory_space<hbm>>
    %dma_wait3A_93 = arith.constant 0 : i32
    %dma_wait3A_94 = arith.constant 0 : i32
    %dma_wait3A_95 = tpu.memref_slice %arg2[%dma_wait3A_93, %dma_wait3A_94] : memref<10000x256xf32, #tpu.memory_space<hbm>> -> memref<32x256xf32, #tpu.memory_space<hbm>>
    tpu.wait_dma2 semaphore(%arg38 : memref<!tpu.dma_semaphore, #tpu.memory_space<semaphore_mem>>) src(%dma_wait3A_95 : memref<32x256xf32, #tpu.memory_space<hbm>>) dst(%arg28 : memref<32x256xf32, #tpu.memory_space<vmem>>)
    %dma_wait3A_96 = arith.constant 0 : i32
    %dma_wait3A_97 = arith.constant 0 : i32
    %dma_wait3A_98 = tpu.memref_slice %arg3[%dma_wait3A_96, %dma_wait3A_97] : memref<10000x128xf32, #tpu.memory_space<hbm>> -> memref<32x128xf32, #tpu.memory_space<hbm>>
    %dma_wait3A_99 = arith.constant 0 : i32
    %dma_wait3A_100 = arith.constant 0 : i32
    %dma_wait3A_101 = tpu.memref_slice %arg3[%dma_wait3A_99, %dma_wait3A_100] : memref<10000x128xf32, #tpu.memory_space<hbm>> -> memref<32x128xf32, #tpu.memory_space<hbm>>
    tpu.wait_dma2 semaphore(%arg38 : memref<!tpu.dma_semaphore, #tpu.memory_space<semaphore_mem>>) src(%dma_wait3A_101 : memref<32x128xf32, #tpu.memory_space<hbm>>) dst(%arg30 : memref<32x128xf32, #tpu.memory_space<vmem>>)
    %dma_wait3A_102 = arith.constant 0 : i32
    %dma_wait3A_103 = arith.constant 0 : i32
    %dma_wait3A_104 = tpu.memref_slice %arg35[%dma_wait3A_102, %dma_wait3A_103] : memref<10240x128xf32, #tpu.memory_space<vmem_shared>> -> memref<10240x128xf32, #tpu.memory_space<vmem_shared>>
    tpu.wait_indirect_dma semaphore(%arg40 : memref<!tpu.dma_semaphore, #tpu.memory_space<semaphore_mem>>) src(%arg32 : memref<32x128xf32, #tpu.memory_space<vmem>>) dst(%dma_wait3A_104 : memref<10240x128xf32, #tpu.memory_space<vmem_shared>>)
    %add3A_105 = arith.constant 0 : i32
    %add3A_106 = vector.broadcast %add3A_105 : i32 to vector<16xi32>
    %add3A_107 = arith.addi %iota3A, %add3A_106 : vector<16xi32>
    %gather3A = tpu.vector_load_idx %arg20[%add3A_107] : memref<32xi32, #tpu.memory_space<vmem>>[vector<16xi32>], vector<16xi32>,
    tpu.vector_store_idx %arg24[%add3A_107], %gather3A : memref<32xi32, #tpu.memory_space<vmem>>[vector<16xi32>], vector<16xi32>,
    %gather3A_108 = tpu.vector_load_idx %arg22[%add3A_107] : memref<32xi32, #tpu.memory_space<vmem>>[vector<16xi32>], vector<16xi32>,
    tpu.vector_store_idx %arg26[%add3A_107], %gather3A_108 : memref<48xi32, #tpu.memory_space<vmem>>[vector<16xi32>], vector<16xi32>,
    %add3A_109 = arith.constant 16 : i32
    %add3A_110 = vector.broadcast %add3A_109 : i32 to vector<16xi32>
    %add3A_111 = arith.addi %iota3A, %add3A_110 : vector<16xi32>
    %gather3A_112 = tpu.vector_load_idx %arg20[%add3A_111] : memref<32xi32, #tpu.memory_space<vmem>>[vector<16xi32>], vector<16xi32>,
    tpu.vector_store_idx %arg24[%add3A_111], %gather3A_112 : memref<32xi32, #tpu.memory_space<vmem>>[vector<16xi32>], vector<16xi32>,
    %gather3A_113 = tpu.vector_load_idx %arg22[%add3A_111] : memref<32xi32, #tpu.memory_space<vmem>>[vector<16xi32>], vector<16xi32>,
    tpu.vector_store_idx %arg26[%add3A_111], %gather3A_113 : memref<48xi32, #tpu.memory_space<vmem>>[vector<16xi32>], vector<16xi32>,
    %get3A_114 = arith.constant 0 : index
    %get3A_115 = tpu.vector_load %arg16[%get3A_114] {strides = array<i32>} : memref<128xf32, #tpu.memory_space<vmem>>, vector<16xf32>,
    %get3A_116 = arith.constant 16 : index
    %get3A_117 = tpu.vector_load %arg16[%get3A_116] {strides = array<i32>} : memref<128xf32, #tpu.memory_space<vmem>>, vector<16xf32>,
    %get3A_118 = arith.constant 32 : index
    %get3A_119 = tpu.vector_load %arg16[%get3A_118] {strides = array<i32>} : memref<128xf32, #tpu.memory_space<vmem>>, vector<16xf32>,
    %get3A_120 = arith.constant 48 : index
    %get3A_121 = tpu.vector_load %arg16[%get3A_120] {strides = array<i32>} : memref<128xf32, #tpu.memory_space<vmem>>, vector<16xf32>,
    %get3A_122 = arith.constant 64 : index
    %get3A_123 = tpu.vector_load %arg16[%get3A_122] {strides = array<i32>} : memref<128xf32, #tpu.memory_space<vmem>>, vector<16xf32>,
    %get3A_124 = arith.constant 80 : index
    %get3A_125 = tpu.vector_load %arg16[%get3A_124] {strides = array<i32>} : memref<128xf32, #tpu.memory_space<vmem>>, vector<16xf32>,
    %get3A_126 = arith.constant 96 : index
    %get3A_127 = tpu.vector_load %arg16[%get3A_126] {strides = array<i32>} : memref<128xf32, #tpu.memory_space<vmem>>, vector<16xf32>,
    %get3A_128 = arith.constant 112 : index
    %get3A_129 = tpu.vector_load %arg16[%get3A_128] {strides = array<i32>} : memref<128xf32, #tpu.memory_space<vmem>>, vector<16xf32>,
    %scan3A_130 = arith.constant 0 : i32
    %scan3A_131 = arith.constant 0 : i32
    %scan3A_132 = arith.constant 2 : i32
    %scan3A_133 = arith.addi %scan3A_131, %scan3A_132 : i32
    %scan3A_134 = arith.constant 1 : i32
    %scan3A_135 = scf.for %scan3A_151 = %scan3A_131 to %scan3A_133 step %scan3A_134 iter_args(%scan3A_152 = %scan3A_130) -> (i32)  : i32 {
      %mul3A_153 = arith.constant 16 : i32
      %mul3A_154 = arith.muli %scan3A_151, %mul3A_153 : i32
      %add3A_155 = vector.broadcast %mul3A_154 : i32 to vector<16xi32>
      %add3A_156 = arith.addi %iota3A, %add3A_155 : vector<16xi32>
      %gather3A_157 = tpu.vector_load_idx %arg24[%add3A_156] : memref<32xi32, #tpu.memory_space<vmem>>[vector<16xi32>], vector<16xi32>,
      %broadcast_in_dim3A_158 = arith.constant 0.000000e+00 : f32
      %broadcast_in_dim3A_159 = vector.broadcast %broadcast_in_dim3A_158 : f32 to vector<16xf32>
      %parallel_loop3A = arith.constant 0 : i32
      %parallel_loop3A_160 = arith.constant 16 : i32
      %parallel_loop3A_161 = arith.constant 1 : i32
      %parallel_loop3A_162 = scf.for %parallel_loop3A_236 = %parallel_loop3A to %parallel_loop3A_160 step %parallel_loop3A_161 iter_args(%parallel_loop3A_237 = %broadcast_in_dim3A_159) -> (vector<16xf32>)  : i32 {
        %parallel_loop3A_238 = arith.addi %mul3A_154, %parallel_loop3A_236 : i32
        %parallel_loop3A_239 = arith.index_cast %parallel_loop3A_238 : i32 to index
        %parallel_loop3A_240 = tpu.vector_load %arg26[%parallel_loop3A_239] {strides = array<i32>} : memref<48xi32, #tpu.memory_space<vmem>>, vector<16xi32>,
        %parallel_loop3A_241 = vector.extract_strided_slice %parallel_loop3A_240 {offsets = [0], sizes = [1], strides = [1]} : vector<16xi32> to vector<1xi32>
        %parallel_loop3A_242 = vector.extract %parallel_loop3A_241[0] : i32 from vector<1xi32>
        %parallel_loop3A_243 = arith.constant 0.000000e+00 : f32
        %parallel_loop3A_244 = vector.broadcast %parallel_loop3A_243 : f32 to vector<16xf32>
        %parallel_loop3A_245 = arith.index_cast %parallel_loop3A_238 : i32 to index
        %parallel_loop3A_246 = arith.constant 0 : index
        %parallel_loop3A_247 = tpu.vector_load %arg28[%parallel_loop3A_245, %parallel_loop3A_246] {strides = array<i32>} : memref<32x256xf32, #tpu.memory_space<vmem>>, vector<16xf32>,
        %parallel_loop3A_248 = arith.index_cast %parallel_loop3A_238 : i32 to index
        %parallel_loop3A_249 = arith.constant 0 : index
        %parallel_loop3A_250 = tpu.vector_load %arg30[%parallel_loop3A_248, %parallel_loop3A_249] {strides = array<i32>} : memref<32x128xf32, #tpu.memory_space<vmem>>, vector<16xf32>,
        %parallel_loop3A_251 = arith.addf %parallel_loop3A_247, %parallel_loop3A_250 : vector<16xf32>
        %parallel_loop3A_252 = arith.index_cast %parallel_loop3A_242 : i32 to index
        %parallel_loop3A_253 = arith.constant 0 : index
        %parallel_loop3A_254 = tpu.vector_load %arg14[%parallel_loop3A_252, %parallel_loop3A_253] {strides = array<i32>} : memref<16x128xf32, #tpu.memory_space<vmem>>, vector<16xf32>,
        %parallel_loop3A_255 = arith.addf %parallel_loop3A_251, %parallel_loop3A_254 : vector<16xf32>
        %parallel_loop3A_256 = arith.mulf %parallel_loop3A_255, %parallel_loop3A_255 : vector<16xf32>
        %parallel_loop3A_257 = arith.constant 0.0356774069 : f32
        %parallel_loop3A_258 = vector.broadcast %parallel_loop3A_257 : f32 to vector<16xf32>
        %parallel_loop3A_259 = arith.mulf %parallel_loop3A_258, %parallel_loop3A_256 : vector<16xf32>
        %parallel_loop3A_260 = arith.constant 0.797884583 : f32
        %parallel_loop3A_261 = vector.broadcast %parallel_loop3A_260 : f32 to vector<16xf32>
        %parallel_loop3A_262 = arith.addf %parallel_loop3A_261, %parallel_loop3A_259 : vector<16xf32>
        %parallel_loop3A_263 = arith.mulf %parallel_loop3A_255, %parallel_loop3A_262 : vector<16xf32>
        %parallel_loop3A_264 = arith.constant 5.000000e-01 : f32
        %parallel_loop3A_265 = vector.broadcast %parallel_loop3A_264 : f32 to vector<16xf32>
        %parallel_loop3A_266 = arith.mulf %parallel_loop3A_265, %parallel_loop3A_255 : vector<16xf32>
        %parallel_loop3A_267 = arith.constant 2.000000e+00 : f32
        %parallel_loop3A_268 = vector.broadcast %parallel_loop3A_267 : f32 to vector<16xf32>
        %parallel_loop3A_269 = arith.mulf %parallel_loop3A_268, %parallel_loop3A_263 : vector<16xf32>
        %parallel_loop3A_270 = math.exp %parallel_loop3A_269 : vector<16xf32>
        %parallel_loop3A_271 = arith.constant 1.000000e+00 : f32
        %parallel_loop3A_272 = vector.broadcast %parallel_loop3A_271 : f32 to vector<16xf32>
        %parallel_loop3A_273 = arith.addf %parallel_loop3A_270, %parallel_loop3A_272 : vector<16xf32>
        %parallel_loop3A_274 = arith.constant 2.000000e+00 : f32
        %parallel_loop3A_275 = vector.broadcast %parallel_loop3A_274 : f32 to vector<16xf32>
        %parallel_loop3A_276 = arith.divf %parallel_loop3A_275, %parallel_loop3A_273 : vector<16xf32>
        %parallel_loop3A_277 = arith.constant 2.000000e+00 : f32
        %parallel_loop3A_278 = vector.broadcast %parallel_loop3A_277 : f32 to vector<16xf32>
        %parallel_loop3A_279 = arith.subf %parallel_loop3A_278, %parallel_loop3A_276 : vector<16xf32>
        %parallel_loop3A_280 = arith.mulf %parallel_loop3A_266, %parallel_loop3A_279 : vector<16xf32>
        %parallel_loop3A_281 = arith.mulf %parallel_loop3A_280, %get3A_115 : vector<16xf32>
        %parallel_loop3A_282 = arith.addf %parallel_loop3A_244, %parallel_loop3A_281 : vector<16xf32>
        %parallel_loop3A_283 = arith.index_cast %parallel_loop3A_238 : i32 to index
        %parallel_loop3A_284 = arith.constant 16 : index
        %parallel_loop3A_285 = tpu.vector_load %arg28[%parallel_loop3A_283, %parallel_loop3A_284] {strides = array<i32>} : memref<32x256xf32, #tpu.memory_space<vmem>>, vector<16xf32>,
        %parallel_loop3A_286 = arith.index_cast %parallel_loop3A_238 : i32 to index
        %parallel_loop3A_287 = arith.constant 16 : index
        %parallel_loop3A_288 = tpu.vector_load %arg30[%parallel_loop3A_286, %parallel_loop3A_287] {strides = array<i32>} : memref<32x128xf32, #tpu.memory_space<vmem>>, vector<16xf32>,
        %parallel_loop3A_289 = arith.addf %parallel_loop3A_285, %parallel_loop3A_288 : vector<16xf32>
        %parallel_loop3A_290 = arith.index_cast %parallel_loop3A_242 : i32 to index
        %parallel_loop3A_291 = arith.constant 16 : index
        %parallel_loop3A_292 = tpu.vector_load %arg14[%parallel_loop3A_290, %parallel_loop3A_291] {strides = array<i32>} : memref<16x128xf32, #tpu.memory_space<vmem>>, vector<16xf32>,
        %parallel_loop3A_293 = arith.addf %parallel_loop3A_289, %parallel_loop3A_292 : vector<16xf32>
        %parallel_loop3A_294 = arith.mulf %parallel_loop3A_293, %parallel_loop3A_293 : vector<16xf32>
        %parallel_loop3A_295 = arith.constant 0.0356774069 : f32
        %parallel_loop3A_296 = vector.broadcast %parallel_loop3A_295 : f32 to vector<16xf32>
        %parallel_loop3A_297 = arith.mulf %parallel_loop3A_296, %parallel_loop3A_294 : vector<16xf32>
        %parallel_loop3A_298 = arith.constant 0.797884583 : f32
        %parallel_loop3A_299 = vector.broadcast %parallel_loop3A_298 : f32 to vector<16xf32>
        %parallel_loop3A_300 = arith.addf %parallel_loop3A_299, %parallel_loop3A_297 : vector<16xf32>
        %parallel_loop3A_301 = arith.mulf %parallel_loop3A_293, %parallel_loop3A_300 : vector<16xf32>
        %parallel_loop3A_302 = arith.constant 5.000000e-01 : f32
        %parallel_loop3A_303 = vector.broadcast %parallel_loop3A_302 : f32 to vector<16xf32>
        %parallel_loop3A_304 = arith.mulf %parallel_loop3A_303, %parallel_loop3A_293 : vector<16xf32>
        %parallel_loop3A_305 = arith.constant 2.000000e+00 : f32
        %parallel_loop3A_306 = vector.broadcast %parallel_loop3A_305 : f32 to vector<16xf32>
        %parallel_loop3A_307 = arith.mulf %parallel_loop3A_306, %parallel_loop3A_301 : vector<16xf32>
        %parallel_loop3A_308 = math.exp %parallel_loop3A_307 : vector<16xf32>
        %parallel_loop3A_309 = arith.constant 1.000000e+00 : f32
        %parallel_loop3A_310 = vector.broadcast %parallel_loop3A_309 : f32 to vector<16xf32>
        %parallel_loop3A_311 = arith.addf %parallel_loop3A_308, %parallel_loop3A_310 : vector<16xf32>
        %parallel_loop3A_312 = arith.constant 2.000000e+00 : f32
        %parallel_loop3A_313 = vector.broadcast %parallel_loop3A_312 : f32 to vector<16xf32>
        %parallel_loop3A_314 = arith.divf %parallel_loop3A_313, %parallel_loop3A_311 : vector<16xf32>
        %parallel_loop3A_315 = arith.constant 2.000000e+00 : f32
        %parallel_loop3A_316 = vector.broadcast %parallel_loop3A_315 : f32 to vector<16xf32>
        %parallel_loop3A_317 = arith.subf %parallel_loop3A_316, %parallel_loop3A_314 : vector<16xf32>
        %parallel_loop3A_318 = arith.mulf %parallel_loop3A_304, %parallel_loop3A_317 : vector<16xf32>
        %parallel_loop3A_319 = arith.mulf %parallel_loop3A_318, %get3A_117 : vector<16xf32>
        %parallel_loop3A_320 = arith.addf %parallel_loop3A_282, %parallel_loop3A_319 : vector<16xf32>
        %parallel_loop3A_321 = arith.index_cast %parallel_loop3A_238 : i32 to index
        %parallel_loop3A_322 = arith.constant 32 : index
        %parallel_loop3A_323 = tpu.vector_load %arg28[%parallel_loop3A_321, %parallel_loop3A_322] {strides = array<i32>} : memref<32x256xf32, #tpu.memory_space<vmem>>, vector<16xf32>,
        %parallel_loop3A_324 = arith.index_cast %parallel_loop3A_238 : i32 to index
        %parallel_loop3A_325 = arith.constant 32 : index
        %parallel_loop3A_326 = tpu.vector_load %arg30[%parallel_loop3A_324, %parallel_loop3A_325] {strides = array<i32>} : memref<32x128xf32, #tpu.memory_space<vmem>>, vector<16xf32>,
        %parallel_loop3A_327 = arith.addf %parallel_loop3A_323, %parallel_loop3A_326 : vector<16xf32>
        %parallel_loop3A_328 = arith.index_cast %parallel_loop3A_242 : i32 to index
        %parallel_loop3A_329 = arith.constant 32 : index
        %parallel_loop3A_330 = tpu.vector_load %arg14[%parallel_loop3A_328, %parallel_loop3A_329] {strides = array<i32>} : memref<16x128xf32, #tpu.memory_space<vmem>>, vector<16xf32>,
        %parallel_loop3A_331 = arith.addf %parallel_loop3A_327, %parallel_loop3A_330 : vector<16xf32>
        %parallel_loop3A_332 = arith.mulf %parallel_loop3A_331, %parallel_loop3A_331 : vector<16xf32>
        %parallel_loop3A_333 = arith.constant 0.0356774069 : f32
        %parallel_loop3A_334 = vector.broadcast %parallel_loop3A_333 : f32 to vector<16xf32>
        %parallel_loop3A_335 = arith.mulf %parallel_loop3A_334, %parallel_loop3A_332 : vector<16xf32>
        %parallel_loop3A_336 = arith.constant 0.797884583 : f32
        %parallel_loop3A_337 = vector.broadcast %parallel_loop3A_336 : f32 to vector<16xf32>
        %parallel_loop3A_338 = arith.addf %parallel_loop3A_337, %parallel_loop3A_335 : vector<16xf32>
        %parallel_loop3A_339 = arith.mulf %parallel_loop3A_331, %parallel_loop3A_338 : vector<16xf32>
        %parallel_loop3A_340 = arith.constant 5.000000e-01 : f32
        %parallel_loop3A_341 = vector.broadcast %parallel_loop3A_340 : f32 to vector<16xf32>
        %parallel_loop3A_342 = arith.mulf %parallel_loop3A_341, %parallel_loop3A_331 : vector<16xf32>
        %parallel_loop3A_343 = arith.constant 2.000000e+00 : f32
        %parallel_loop3A_344 = vector.broadcast %parallel_loop3A_343 : f32 to vector<16xf32>
        %parallel_loop3A_345 = arith.mulf %parallel_loop3A_344, %parallel_loop3A_339 : vector<16xf32>
        %parallel_loop3A_346 = math.exp %parallel_loop3A_345 : vector<16xf32>
        %parallel_loop3A_347 = arith.constant 1.000000e+00 : f32
        %parallel_loop3A_348 = vector.broadcast %parallel_loop3A_347 : f32 to vector<16xf32>
        %parallel_loop3A_349 = arith.addf %parallel_loop3A_346, %parallel_loop3A_348 : vector<16xf32>
        %parallel_loop3A_350 = arith.constant 2.000000e+00 : f32
        %parallel_loop3A_351 = vector.broadcast %parallel_loop3A_350 : f32 to vector<16xf32>
        %parallel_loop3A_352 = arith.divf %parallel_loop3A_351, %parallel_loop3A_349 : vector<16xf32>
        %parallel_loop3A_353 = arith.constant 2.000000e+00 : f32
        %parallel_loop3A_354 = vector.broadcast %parallel_loop3A_353 : f32 to vector<16xf32>
        %parallel_loop3A_355 = arith.subf %parallel_loop3A_354, %parallel_loop3A_352 : vector<16xf32>
        %parallel_loop3A_356 = arith.mulf %parallel_loop3A_342, %parallel_loop3A_355 : vector<16xf32>
        %parallel_loop3A_357 = arith.mulf %parallel_loop3A_356, %get3A_119 : vector<16xf32>
        %parallel_loop3A_358 = arith.addf %parallel_loop3A_320, %parallel_loop3A_357 : vector<16xf32>
        %parallel_loop3A_359 = arith.index_cast %parallel_loop3A_238 : i32 to index
        %parallel_loop3A_360 = arith.constant 48 : index
        %parallel_loop3A_361 = tpu.vector_load %arg28[%parallel_loop3A_359, %parallel_loop3A_360] {strides = array<i32>} : memref<32x256xf32, #tpu.memory_space<vmem>>, vector<16xf32>,
        %parallel_loop3A_362 = arith.index_cast %parallel_loop3A_238 : i32 to index
        %parallel_loop3A_363 = arith.constant 48 : index
        %parallel_loop3A_364 = tpu.vector_load %arg30[%parallel_loop3A_362, %parallel_loop3A_363] {strides = array<i32>} : memref<32x128xf32, #tpu.memory_space<vmem>>, vector<16xf32>,
        %parallel_loop3A_365 = arith.addf %parallel_loop3A_361, %parallel_loop3A_364 : vector<16xf32>
        %parallel_loop3A_366 = arith.index_cast %parallel_loop3A_242 : i32 to index
        %parallel_loop3A_367 = arith.constant 48 : index
        %parallel_loop3A_368 = tpu.vector_load %arg14[%parallel_loop3A_366, %parallel_loop3A_367] {strides = array<i32>} : memref<16x128xf32, #tpu.memory_space<vmem>>, vector<16xf32>,
        %parallel_loop3A_369 = arith.addf %parallel_loop3A_365, %parallel_loop3A_368 : vector<16xf32>
        %parallel_loop3A_370 = arith.mulf %parallel_loop3A_369, %parallel_loop3A_369 : vector<16xf32>
        %parallel_loop3A_371 = arith.constant 0.0356774069 : f32
        %parallel_loop3A_372 = vector.broadcast %parallel_loop3A_371 : f32 to vector<16xf32>
        %parallel_loop3A_373 = arith.mulf %parallel_loop3A_372, %parallel_loop3A_370 : vector<16xf32>
        %parallel_loop3A_374 = arith.constant 0.797884583 : f32
        %parallel_loop3A_375 = vector.broadcast %parallel_loop3A_374 : f32 to vector<16xf32>
        %parallel_loop3A_376 = arith.addf %parallel_loop3A_375, %parallel_loop3A_373 : vector<16xf32>
        %parallel_loop3A_377 = arith.mulf %parallel_loop3A_369, %parallel_loop3A_376 : vector<16xf32>
        %parallel_loop3A_378 = arith.constant 5.000000e-01 : f32
        %parallel_loop3A_379 = vector.broadcast %parallel_loop3A_378 : f32 to vector<16xf32>
        %parallel_loop3A_380 = arith.mulf %parallel_loop3A_379, %parallel_loop3A_369 : vector<16xf32>
        %parallel_loop3A_381 = arith.constant 2.000000e+00 : f32
        %parallel_loop3A_382 = vector.broadcast %parallel_loop3A_381 : f32 to vector<16xf32>
        %parallel_loop3A_383 = arith.mulf %parallel_loop3A_382, %parallel_loop3A_377 : vector<16xf32>
        %parallel_loop3A_384 = math.exp %parallel_loop3A_383 : vector<16xf32>
        %parallel_loop3A_385 = arith.constant 1.000000e+00 : f32
        %parallel_loop3A_386 = vector.broadcast %parallel_loop3A_385 : f32 to vector<16xf32>
        %parallel_loop3A_387 = arith.addf %parallel_loop3A_384, %parallel_loop3A_386 : vector<16xf32>
        %parallel_loop3A_388 = arith.constant 2.000000e+00 : f32
        %parallel_loop3A_389 = vector.broadcast %parallel_loop3A_388 : f32 to vector<16xf32>
        %parallel_loop3A_390 = arith.divf %parallel_loop3A_389, %parallel_loop3A_387 : vector<16xf32>
        %parallel_loop3A_391 = arith.constant 2.000000e+00 : f32
        %parallel_loop3A_392 = vector.broadcast %parallel_loop3A_391 : f32 to vector<16xf32>
        %parallel_loop3A_393 = arith.subf %parallel_loop3A_392, %parallel_loop3A_390 : vector<16xf32>
        %parallel_loop3A_394 = arith.mulf %parallel_loop3A_380, %parallel_loop3A_393 : vector<16xf32>
        %parallel_loop3A_395 = arith.mulf %parallel_loop3A_394, %get3A_121 : vector<16xf32>
        %parallel_loop3A_396 = arith.addf %parallel_loop3A_358, %parallel_loop3A_395 : vector<16xf32>
        %parallel_loop3A_397 = arith.index_cast %parallel_loop3A_238 : i32 to index
        %parallel_loop3A_398 = arith.constant 64 : index
        %parallel_loop3A_399 = tpu.vector_load %arg28[%parallel_loop3A_397, %parallel_loop3A_398] {strides = array<i32>} : memref<32x256xf32, #tpu.memory_space<vmem>>, vector<16xf32>,
        %parallel_loop3A_400 = arith.index_cast %parallel_loop3A_238 : i32 to index
        %parallel_loop3A_401 = arith.constant 64 : index
        %parallel_loop3A_402 = tpu.vector_load %arg30[%parallel_loop3A_400, %parallel_loop3A_401] {strides = array<i32>} : memref<32x128xf32, #tpu.memory_space<vmem>>, vector<16xf32>,
        %parallel_loop3A_403 = arith.addf %parallel_loop3A_399, %parallel_loop3A_402 : vector<16xf32>
        %parallel_loop3A_404 = arith.index_cast %parallel_loop3A_242 : i32 to index
        %parallel_loop3A_405 = arith.constant 64 : index
        %parallel_loop3A_406 = tpu.vector_load %arg14[%parallel_loop3A_404, %parallel_loop3A_405] {strides = array<i32>} : memref<16x128xf32, #tpu.memory_space<vmem>>, vector<16xf32>,
        %parallel_loop3A_407 = arith.addf %parallel_loop3A_403, %parallel_loop3A_406 : vector<16xf32>
        %parallel_loop3A_408 = arith.mulf %parallel_loop3A_407, %parallel_loop3A_407 : vector<16xf32>
        %parallel_loop3A_409 = arith.constant 0.0356774069 : f32
        %parallel_loop3A_410 = vector.broadcast %parallel_loop3A_409 : f32 to vector<16xf32>
        %parallel_loop3A_411 = arith.mulf %parallel_loop3A_410, %parallel_loop3A_408 : vector<16xf32>
        %parallel_loop3A_412 = arith.constant 0.797884583 : f32
        %parallel_loop3A_413 = vector.broadcast %parallel_loop3A_412 : f32 to vector<16xf32>
        %parallel_loop3A_414 = arith.addf %parallel_loop3A_413, %parallel_loop3A_411 : vector<16xf32>
        %parallel_loop3A_415 = arith.mulf %parallel_loop3A_407, %parallel_loop3A_414 : vector<16xf32>
        %parallel_loop3A_416 = arith.constant 5.000000e-01 : f32
        %parallel_loop3A_417 = vector.broadcast %parallel_loop3A_416 : f32 to vector<16xf32>
        %parallel_loop3A_418 = arith.mulf %parallel_loop3A_417, %parallel_loop3A_407 : vector<16xf32>
        %parallel_loop3A_419 = arith.constant 2.000000e+00 : f32
        %parallel_loop3A_420 = vector.broadcast %parallel_loop3A_419 : f32 to vector<16xf32>
        %parallel_loop3A_421 = arith.mulf %parallel_loop3A_420, %parallel_loop3A_415 : vector<16xf32>
        %parallel_loop3A_422 = math.exp %parallel_loop3A_421 : vector<16xf32>
        %parallel_loop3A_423 = arith.constant 1.000000e+00 : f32
        %parallel_loop3A_424 = vector.broadcast %parallel_loop3A_423 : f32 to vector<16xf32>
        %parallel_loop3A_425 = arith.addf %parallel_loop3A_422, %parallel_loop3A_424 : vector<16xf32>
        %parallel_loop3A_426 = arith.constant 2.000000e+00 : f32
        %parallel_loop3A_427 = vector.broadcast %parallel_loop3A_426 : f32 to vector<16xf32>
        %parallel_loop3A_428 = arith.divf %parallel_loop3A_427, %parallel_loop3A_425 : vector<16xf32>
        %parallel_loop3A_429 = arith.constant 2.000000e+00 : f32
        %parallel_loop3A_430 = vector.broadcast %parallel_loop3A_429 : f32 to vector<16xf32>
        %parallel_loop3A_431 = arith.subf %parallel_loop3A_430, %parallel_loop3A_428 : vector<16xf32>
        %parallel_loop3A_432 = arith.mulf %parallel_loop3A_418, %parallel_loop3A_431 : vector<16xf32>
        %parallel_loop3A_433 = arith.mulf %parallel_loop3A_432, %get3A_123 : vector<16xf32>
        %parallel_loop3A_434 = arith.addf %parallel_loop3A_396, %parallel_loop3A_433 : vector<16xf32>
        %parallel_loop3A_435 = arith.index_cast %parallel_loop3A_238 : i32 to index
        %parallel_loop3A_436 = arith.constant 80 : index
        %parallel_loop3A_437 = tpu.vector_load %arg28[%parallel_loop3A_435, %parallel_loop3A_436] {strides = array<i32>} : memref<32x256xf32, #tpu.memory_space<vmem>>, vector<16xf32>,
        %parallel_loop3A_438 = arith.index_cast %parallel_loop3A_238 : i32 to index
        %parallel_loop3A_439 = arith.constant 80 : index
        %parallel_loop3A_440 = tpu.vector_load %arg30[%parallel_loop3A_438, %parallel_loop3A_439] {strides = array<i32>} : memref<32x128xf32, #tpu.memory_space<vmem>>, vector<16xf32>,
        %parallel_loop3A_441 = arith.addf %parallel_loop3A_437, %parallel_loop3A_440 : vector<16xf32>
        %parallel_loop3A_442 = arith.index_cast %parallel_loop3A_242 : i32 to index
        %parallel_loop3A_443 = arith.constant 80 : index
        %parallel_loop3A_444 = tpu.vector_load %arg14[%parallel_loop3A_442, %parallel_loop3A_443] {strides = array<i32>} : memref<16x128xf32, #tpu.memory_space<vmem>>, vector<16xf32>,
        %parallel_loop3A_445 = arith.addf %parallel_loop3A_441, %parallel_loop3A_444 : vector<16xf32>
        %parallel_loop3A_446 = arith.mulf %parallel_loop3A_445, %parallel_loop3A_445 : vector<16xf32>
        %parallel_loop3A_447 = arith.constant 0.0356774069 : f32
        %parallel_loop3A_448 = vector.broadcast %parallel_loop3A_447 : f32 to vector<16xf32>
        %parallel_loop3A_449 = arith.mulf %parallel_loop3A_448, %parallel_loop3A_446 : vector<16xf32>
        %parallel_loop3A_450 = arith.constant 0.797884583 : f32
        %parallel_loop3A_451 = vector.broadcast %parallel_loop3A_450 : f32 to vector<16xf32>
        %parallel_loop3A_452 = arith.addf %parallel_loop3A_451, %parallel_loop3A_449 : vector<16xf32>
        %parallel_loop3A_453 = arith.mulf %parallel_loop3A_445, %parallel_loop3A_452 : vector<16xf32>
        %parallel_loop3A_454 = arith.constant 5.000000e-01 : f32
        %parallel_loop3A_455 = vector.broadcast %parallel_loop3A_454 : f32 to vector<16xf32>
        %parallel_loop3A_456 = arith.mulf %parallel_loop3A_455, %parallel_loop3A_445 : vector<16xf32>
        %parallel_loop3A_457 = arith.constant 2.000000e+00 : f32
        %parallel_loop3A_458 = vector.broadcast %parallel_loop3A_457 : f32 to vector<16xf32>
        %parallel_loop3A_459 = arith.mulf %parallel_loop3A_458, %parallel_loop3A_453 : vector<16xf32>
        %parallel_loop3A_460 = math.exp %parallel_loop3A_459 : vector<16xf32>
        %parallel_loop3A_461 = arith.constant 1.000000e+00 : f32
        %parallel_loop3A_462 = vector.broadcast %parallel_loop3A_461 : f32 to vector<16xf32>
        %parallel_loop3A_463 = arith.addf %parallel_loop3A_460, %parallel_loop3A_462 : vector<16xf32>
        %parallel_loop3A_464 = arith.constant 2.000000e+00 : f32
        %parallel_loop3A_465 = vector.broadcast %parallel_loop3A_464 : f32 to vector<16xf32>
        %parallel_loop3A_466 = arith.divf %parallel_loop3A_465, %parallel_loop3A_463 : vector<16xf32>
        %parallel_loop3A_467 = arith.constant 2.000000e+00 : f32
        %parallel_loop3A_468 = vector.broadcast %parallel_loop3A_467 : f32 to vector<16xf32>
        %parallel_loop3A_469 = arith.subf %parallel_loop3A_468, %parallel_loop3A_466 : vector<16xf32>
        %parallel_loop3A_470 = arith.mulf %parallel_loop3A_456, %parallel_loop3A_469 : vector<16xf32>
        %parallel_loop3A_471 = arith.mulf %parallel_loop3A_470, %get3A_125 : vector<16xf32>
        %parallel_loop3A_472 = arith.addf %parallel_loop3A_434, %parallel_loop3A_471 : vector<16xf32>
        %parallel_loop3A_473 = arith.index_cast %parallel_loop3A_238 : i32 to index
        %parallel_loop3A_474 = arith.constant 96 : index
        %parallel_loop3A_475 = tpu.vector_load %arg28[%parallel_loop3A_473, %parallel_loop3A_474] {strides = array<i32>} : memref<32x256xf32, #tpu.memory_space<vmem>>, vector<16xf32>,
        %parallel_loop3A_476 = arith.index_cast %parallel_loop3A_238 : i32 to index
        %parallel_loop3A_477 = arith.constant 96 : index
        %parallel_loop3A_478 = tpu.vector_load %arg30[%parallel_loop3A_476, %parallel_loop3A_477] {strides = array<i32>} : memref<32x128xf32, #tpu.memory_space<vmem>>, vector<16xf32>,
        %parallel_loop3A_479 = arith.addf %parallel_loop3A_475, %parallel_loop3A_478 : vector<16xf32>
        %parallel_loop3A_480 = arith.index_cast %parallel_loop3A_242 : i32 to index
        %parallel_loop3A_481 = arith.constant 96 : index
        %parallel_loop3A_482 = tpu.vector_load %arg14[%parallel_loop3A_480, %parallel_loop3A_481] {strides = array<i32>} : memref<16x128xf32, #tpu.memory_space<vmem>>, vector<16xf32>,
        %parallel_loop3A_483 = arith.addf %parallel_loop3A_479, %parallel_loop3A_482 : vector<16xf32>
        %parallel_loop3A_484 = arith.mulf %parallel_loop3A_483, %parallel_loop3A_483 : vector<16xf32>
        %parallel_loop3A_485 = arith.constant 0.0356774069 : f32
        %parallel_loop3A_486 = vector.broadcast %parallel_loop3A_485 : f32 to vector<16xf32>
        %parallel_loop3A_487 = arith.mulf %parallel_loop3A_486, %parallel_loop3A_484 : vector<16xf32>
        %parallel_loop3A_488 = arith.constant 0.797884583 : f32
        %parallel_loop3A_489 = vector.broadcast %parallel_loop3A_488 : f32 to vector<16xf32>
        %parallel_loop3A_490 = arith.addf %parallel_loop3A_489, %parallel_loop3A_487 : vector<16xf32>
        %parallel_loop3A_491 = arith.mulf %parallel_loop3A_483, %parallel_loop3A_490 : vector<16xf32>
        %parallel_loop3A_492 = arith.constant 5.000000e-01 : f32
        %parallel_loop3A_493 = vector.broadcast %parallel_loop3A_492 : f32 to vector<16xf32>
        %parallel_loop3A_494 = arith.mulf %parallel_loop3A_493, %parallel_loop3A_483 : vector<16xf32>
        %parallel_loop3A_495 = arith.constant 2.000000e+00 : f32
        %parallel_loop3A_496 = vector.broadcast %parallel_loop3A_495 : f32 to vector<16xf32>
        %parallel_loop3A_497 = arith.mulf %parallel_loop3A_496, %parallel_loop3A_491 : vector<16xf32>
        %parallel_loop3A_498 = math.exp %parallel_loop3A_497 : vector<16xf32>
        %parallel_loop3A_499 = arith.constant 1.000000e+00 : f32
        %parallel_loop3A_500 = vector.broadcast %parallel_loop3A_499 : f32 to vector<16xf32>
        %parallel_loop3A_501 = arith.addf %parallel_loop3A_498, %parallel_loop3A_500 : vector<16xf32>
        %parallel_loop3A_502 = arith.constant 2.000000e+00 : f32
        %parallel_loop3A_503 = vector.broadcast %parallel_loop3A_502 : f32 to vector<16xf32>
        %parallel_loop3A_504 = arith.divf %parallel_loop3A_503, %parallel_loop3A_501 : vector<16xf32>
        %parallel_loop3A_505 = arith.constant 2.000000e+00 : f32
        %parallel_loop3A_506 = vector.broadcast %parallel_loop3A_505 : f32 to vector<16xf32>
        %parallel_loop3A_507 = arith.subf %parallel_loop3A_506, %parallel_loop3A_504 : vector<16xf32>
        %parallel_loop3A_508 = arith.mulf %parallel_loop3A_494, %parallel_loop3A_507 : vector<16xf32>
        %parallel_loop3A_509 = arith.mulf %parallel_loop3A_508, %get3A_127 : vector<16xf32>
        %parallel_loop3A_510 = arith.addf %parallel_loop3A_472, %parallel_loop3A_509 : vector<16xf32>
        %parallel_loop3A_511 = arith.index_cast %parallel_loop3A_238 : i32 to index
        %parallel_loop3A_512 = arith.constant 112 : index
        %parallel_loop3A_513 = tpu.vector_load %arg28[%parallel_loop3A_511, %parallel_loop3A_512] {strides = array<i32>} : memref<32x256xf32, #tpu.memory_space<vmem>>, vector<16xf32>,
        %parallel_loop3A_514 = arith.index_cast %parallel_loop3A_238 : i32 to index
        %parallel_loop3A_515 = arith.constant 112 : index
        %parallel_loop3A_516 = tpu.vector_load %arg30[%parallel_loop3A_514, %parallel_loop3A_515] {strides = array<i32>} : memref<32x128xf32, #tpu.memory_space<vmem>>, vector<16xf32>,
        %parallel_loop3A_517 = arith.addf %parallel_loop3A_513, %parallel_loop3A_516 : vector<16xf32>
        %parallel_loop3A_518 = arith.index_cast %parallel_loop3A_242 : i32 to index
        %parallel_loop3A_519 = arith.constant 112 : index
        %parallel_loop3A_520 = tpu.vector_load %arg14[%parallel_loop3A_518, %parallel_loop3A_519] {strides = array<i32>} : memref<16x128xf32, #tpu.memory_space<vmem>>, vector<16xf32>,
        %parallel_loop3A_521 = arith.addf %parallel_loop3A_517, %parallel_loop3A_520 : vector<16xf32>
        %parallel_loop3A_522 = arith.mulf %parallel_loop3A_521, %parallel_loop3A_521 : vector<16xf32>
        %parallel_loop3A_523 = arith.constant 0.0356774069 : f32
        %parallel_loop3A_524 = vector.broadcast %parallel_loop3A_523 : f32 to vector<16xf32>
        %parallel_loop3A_525 = arith.mulf %parallel_loop3A_524, %parallel_loop3A_522 : vector<16xf32>
        %parallel_loop3A_526 = arith.constant 0.797884583 : f32
        %parallel_loop3A_527 = vector.broadcast %parallel_loop3A_526 : f32 to vector<16xf32>
        %parallel_loop3A_528 = arith.addf %parallel_loop3A_527, %parallel_loop3A_525 : vector<16xf32>
        %parallel_loop3A_529 = arith.mulf %parallel_loop3A_521, %parallel_loop3A_528 : vector<16xf32>
        %parallel_loop3A_530 = arith.constant 5.000000e-01 : f32
        %parallel_loop3A_531 = vector.broadcast %parallel_loop3A_530 : f32 to vector<16xf32>
        %parallel_loop3A_532 = arith.mulf %parallel_loop3A_531, %parallel_loop3A_521 : vector<16xf32>
        %parallel_loop3A_533 = arith.constant 2.000000e+00 : f32
        %parallel_loop3A_534 = vector.broadcast %parallel_loop3A_533 : f32 to vector<16xf32>
        %parallel_loop3A_535 = arith.mulf %parallel_loop3A_534, %parallel_loop3A_529 : vector<16xf32>
        %parallel_loop3A_536 = math.exp %parallel_loop3A_535 : vector<16xf32>
        %parallel_loop3A_537 = arith.constant 1.000000e+00 : f32
        %parallel_loop3A_538 = vector.broadcast %parallel_loop3A_537 : f32 to vector<16xf32>
        %parallel_loop3A_539 = arith.addf %parallel_loop3A_536, %parallel_loop3A_538 : vector<16xf32>
        %parallel_loop3A_540 = arith.constant 2.000000e+00 : f32
        %parallel_loop3A_541 = vector.broadcast %parallel_loop3A_540 : f32 to vector<16xf32>
        %parallel_loop3A_542 = arith.divf %parallel_loop3A_541, %parallel_loop3A_539 : vector<16xf32>
        %parallel_loop3A_543 = arith.constant 2.000000e+00 : f32
        %parallel_loop3A_544 = vector.broadcast %parallel_loop3A_543 : f32 to vector<16xf32>
        %parallel_loop3A_545 = arith.subf %parallel_loop3A_544, %parallel_loop3A_542 : vector<16xf32>
        %parallel_loop3A_546 = arith.mulf %parallel_loop3A_532, %parallel_loop3A_545 : vector<16xf32>
        %parallel_loop3A_547 = arith.mulf %parallel_loop3A_546, %get3A_129 : vector<16xf32>
        %parallel_loop3A_548 = arith.addf %parallel_loop3A_510, %parallel_loop3A_547 : vector<16xf32>
        %parallel_loop3A_549 = vector.broadcast %parallel_loop3A_236 : i32 to vector<16xi32>
        %parallel_loop3A_550 = arith.cmpi eq, %iota3A, %parallel_loop3A_549 : vector<16xi32>
        %parallel_loop3A_551 = arith.constant true
        %parallel_loop3A_552 = vector.broadcast %parallel_loop3A_551 : i1 to vector<16xi1>
        %parallel_loop3A_553 = tpu.scan <sum>, %parallel_loop3A_548 masked %parallel_loop3A_552 : vector<16xf32>, vector<16xi1> -> vector<16xf32>
        %parallel_loop3A_554 = vector.extract %parallel_loop3A_553[15] : f32 from vector<16xf32>
        %parallel_loop3A_555 = arith.constant 0.000000e+00 : f32
        %parallel_loop3A_556 = vector.broadcast %parallel_loop3A_554 : f32 to vector<16xf32>
        %parallel_loop3A_557 = vector.broadcast %parallel_loop3A_555 : f32 to vector<16xf32>
        %parallel_loop3A_558 = arith.select %parallel_loop3A_550, %parallel_loop3A_556, %parallel_loop3A_557 : vector<16xi1>, vector<16xf32>
        %parallel_loop3A_559 = arith.addf %parallel_loop3A_237, %parallel_loop3A_558 : vector<16xf32>
        scf.yield %parallel_loop3A_559 : vector<16xf32>
      } {sc.loop_unroll_factor = 2 : i64, sc.parallel_access}
      %add3A_163 = vector.broadcast %squeeze3A : f32 to vector<16xf32>
      %add3A_164 = arith.addf %parallel_loop3A_162, %add3A_163 : vector<16xf32>
      %mul3A_165 = arith.constant 2.000000e+00 : f32
      %mul3A_166 = vector.broadcast %mul3A_165 : f32 to vector<16xf32>
      %mul3A_167 = arith.mulf %mul3A_166, %add3A_164 : vector<16xf32>
      %exp3A = math.exp %mul3A_167 : vector<16xf32>
      %add3A_168 = arith.constant 1.000000e+00 : f32
      %add3A_169 = vector.broadcast %add3A_168 : f32 to vector<16xf32>
      %add3A_170 = arith.addf %exp3A, %add3A_169 : vector<16xf32>
      %div3A = arith.constant 2.000000e+00 : f32
      %div3A_171 = vector.broadcast %div3A : f32 to vector<16xf32>
      %div3A_172 = arith.divf %div3A_171, %add3A_170 : vector<16xf32>
      %sub3A = arith.constant 1.000000e+00 : f32
      %sub3A_173 = vector.broadcast %sub3A : f32 to vector<16xf32>
      %sub3A_174 = arith.subf %sub3A_173, %div3A_172 : vector<16xf32>
      %mul3A_175 = vector.broadcast %squeeze3A_12 : f32 to vector<16xf32>
      %mul3A_176 = arith.mulf %mul3A_175, %sub3A_174 : vector<16xf32>
      %add3A_177 = arith.constant 1.000000e+00 : f32
      %add3A_178 = vector.broadcast %add3A_177 : f32 to vector<16xf32>
      %add3A_179 = arith.addf %add3A_178, %mul3A_176 : vector<16xf32>
      %swap3A = arith.constant 0 : index
      %swap3A_180 = tpu.vector_load %arg27[%swap3A] {strides = array<i32>} : memref<32xf32, #tpu.memory_space<vmem>>, vector<16xf32>,
      tpu.vector_store %arg27[%swap3A], %add3A_179 {strides = array<i32>} : memref<32xf32, #tpu.memory_space<vmem>>, vector<16xf32>,
      %parallel_loop3A_181 = arith.constant 0 : i32
      %parallel_loop3A_182 = arith.constant 16 : i32
      %parallel_loop3A_183 = arith.constant 1 : i32
      scf.for %parallel_loop3A_236 = %parallel_loop3A_181 to %parallel_loop3A_182 step %parallel_loop3A_183  : i32 {
        %parallel_loop3A_237 = arith.addi %mul3A_154, %parallel_loop3A_236 : i32
        %parallel_loop3A_238 = arith.index_cast %parallel_loop3A_237 : i32 to index
        %parallel_loop3A_239 = tpu.vector_load %arg26[%parallel_loop3A_238] {strides = array<i32>} : memref<48xi32, #tpu.memory_space<vmem>>, vector<16xi32>,
        %parallel_loop3A_240 = vector.extract_strided_slice %parallel_loop3A_239 {offsets = [0], sizes = [1], strides = [1]} : vector<16xi32> to vector<1xi32>
        %parallel_loop3A_241 = vector.extract %parallel_loop3A_240[0] : i32 from vector<1xi32>
        %parallel_loop3A_242 = arith.index_cast %parallel_loop3A_236 : i32 to index
        %parallel_loop3A_243 = tpu.vector_load %arg27[%parallel_loop3A_242] {strides = array<i32>} : memref<32xf32, #tpu.memory_space<vmem>>, vector<16xf32>,
        %parallel_loop3A_244 = vector.extract_strided_slice %parallel_loop3A_243 {offsets = [0], sizes = [1], strides = [1]} : vector<16xf32> to vector<1xf32>
        %parallel_loop3A_245 = vector.extract %parallel_loop3A_244[0] : f32 from vector<1xf32>
        %parallel_loop3A_246 = arith.index_cast %parallel_loop3A_237 : i32 to index
        %parallel_loop3A_247 = arith.constant 128 : index
        %parallel_loop3A_248 = tpu.vector_load %arg28[%parallel_loop3A_246, %parallel_loop3A_247] {strides = array<i32>} : memref<32x256xf32, #tpu.memory_space<vmem>>, vector<16xf32>,
        %parallel_loop3A_249 = arith.index_cast %parallel_loop3A_241 : i32 to index
        %parallel_loop3A_250 = arith.constant 0 : index
        %parallel_loop3A_251 = tpu.vector_load %arg15[%parallel_loop3A_249, %parallel_loop3A_250] {strides = array<i32>} : memref<16x128xf32, #tpu.memory_space<vmem>>, vector<16xf32>,
        %parallel_loop3A_252 = arith.addf %parallel_loop3A_248, %parallel_loop3A_251 : vector<16xf32>
        %parallel_loop3A_253 = vector.broadcast %parallel_loop3A_245 : f32 to vector<16xf32>
        %parallel_loop3A_254 = arith.mulf %parallel_loop3A_252, %parallel_loop3A_253 : vector<16xf32>
        %parallel_loop3A_255 = arith.index_cast %parallel_loop3A_237 : i32 to index
        %parallel_loop3A_256 = arith.constant 0 : index
        %parallel_loop3A_257 = tpu.vector_load %arg32[%parallel_loop3A_255, %parallel_loop3A_256] {strides = array<i32>} : memref<32x128xf32, #tpu.memory_space<vmem>>, vector<16xf32>,
        tpu.vector_store %arg32[%parallel_loop3A_255, %parallel_loop3A_256], %parallel_loop3A_254 {strides = array<i32>} : memref<32x128xf32, #tpu.memory_space<vmem>>, vector<16xf32>,
        %parallel_loop3A_258 = arith.index_cast %parallel_loop3A_237 : i32 to index
        %parallel_loop3A_259 = arith.constant 144 : index
        %parallel_loop3A_260 = tpu.vector_load %arg28[%parallel_loop3A_258, %parallel_loop3A_259] {strides = array<i32>} : memref<32x256xf32, #tpu.memory_space<vmem>>, vector<16xf32>,
        %parallel_loop3A_261 = arith.index_cast %parallel_loop3A_241 : i32 to index
        %parallel_loop3A_262 = arith.constant 16 : index
        %parallel_loop3A_263 = tpu.vector_load %arg15[%parallel_loop3A_261, %parallel_loop3A_262] {strides = array<i32>} : memref<16x128xf32, #tpu.memory_space<vmem>>, vector<16xf32>,
        %parallel_loop3A_264 = arith.addf %parallel_loop3A_260, %parallel_loop3A_263 : vector<16xf32>
        %parallel_loop3A_265 = vector.broadcast %parallel_loop3A_245 : f32 to vector<16xf32>
        %parallel_loop3A_266 = arith.mulf %parallel_loop3A_264, %parallel_loop3A_265 : vector<16xf32>
        %parallel_loop3A_267 = arith.index_cast %parallel_loop3A_237 : i32 to index
        %parallel_loop3A_268 = arith.constant 16 : index
        %parallel_loop3A_269 = tpu.vector_load %arg32[%parallel_loop3A_267, %parallel_loop3A_268] {strides = array<i32>} : memref<32x128xf32, #tpu.memory_space<vmem>>, vector<16xf32>,
        tpu.vector_store %arg32[%parallel_loop3A_267, %parallel_loop3A_268], %parallel_loop3A_266 {strides = array<i32>} : memref<32x128xf32, #tpu.memory_space<vmem>>, vector<16xf32>,
        %parallel_loop3A_270 = arith.index_cast %parallel_loop3A_237 : i32 to index
        %parallel_loop3A_271 = arith.constant 160 : index
        %parallel_loop3A_272 = tpu.vector_load %arg28[%parallel_loop3A_270, %parallel_loop3A_271] {strides = array<i32>} : memref<32x256xf32, #tpu.memory_space<vmem>>, vector<16xf32>,
        %parallel_loop3A_273 = arith.index_cast %parallel_loop3A_241 : i32 to index
        %parallel_loop3A_274 = arith.constant 32 : index
        %parallel_loop3A_275 = tpu.vector_load %arg15[%parallel_loop3A_273, %parallel_loop3A_274] {strides = array<i32>} : memref<16x128xf32, #tpu.memory_space<vmem>>, vector<16xf32>,
        %parallel_loop3A_276 = arith.addf %parallel_loop3A_272, %parallel_loop3A_275 : vector<16xf32>
        %parallel_loop3A_277 = vector.broadcast %parallel_loop3A_245 : f32 to vector<16xf32>
        %parallel_loop3A_278 = arith.mulf %parallel_loop3A_276, %parallel_loop3A_277 : vector<16xf32>
        %parallel_loop3A_279 = arith.index_cast %parallel_loop3A_237 : i32 to index
        %parallel_loop3A_280 = arith.constant 32 : index
        %parallel_loop3A_281 = tpu.vector_load %arg32[%parallel_loop3A_279, %parallel_loop3A_280] {strides = array<i32>} : memref<32x128xf32, #tpu.memory_space<vmem>>, vector<16xf32>,
        tpu.vector_store %arg32[%parallel_loop3A_279, %parallel_loop3A_280], %parallel_loop3A_278 {strides = array<i32>} : memref<32x128xf32, #tpu.memory_space<vmem>>, vector<16xf32>,
        %parallel_loop3A_282 = arith.index_cast %parallel_loop3A_237 : i32 to index
        %parallel_loop3A_283 = arith.constant 176 : index
        %parallel_loop3A_284 = tpu.vector_load %arg28[%parallel_loop3A_282, %parallel_loop3A_283] {strides = array<i32>} : memref<32x256xf32, #tpu.memory_space<vmem>>, vector<16xf32>,
        %parallel_loop3A_285 = arith.index_cast %parallel_loop3A_241 : i32 to index
        %parallel_loop3A_286 = arith.constant 48 : index
        %parallel_loop3A_287 = tpu.vector_load %arg15[%parallel_loop3A_285, %parallel_loop3A_286] {strides = array<i32>} : memref<16x128xf32, #tpu.memory_space<vmem>>, vector<16xf32>,
        %parallel_loop3A_288 = arith.addf %parallel_loop3A_284, %parallel_loop3A_287 : vector<16xf32>
        %parallel_loop3A_289 = vector.broadcast %parallel_loop3A_245 : f32 to vector<16xf32>
        %parallel_loop3A_290 = arith.mulf %parallel_loop3A_288, %parallel_loop3A_289 : vector<16xf32>
        %parallel_loop3A_291 = arith.index_cast %parallel_loop3A_237 : i32 to index
        %parallel_loop3A_292 = arith.constant 48 : index
        %parallel_loop3A_293 = tpu.vector_load %arg32[%parallel_loop3A_291, %parallel_loop3A_292] {strides = array<i32>} : memref<32x128xf32, #tpu.memory_space<vmem>>, vector<16xf32>,
        tpu.vector_store %arg32[%parallel_loop3A_291, %parallel_loop3A_292], %parallel_loop3A_290 {strides = array<i32>} : memref<32x128xf32, #tpu.memory_space<vmem>>, vector<16xf32>,
        %parallel_loop3A_294 = arith.index_cast %parallel_loop3A_237 : i32 to index
        %parallel_loop3A_295 = arith.constant 192 : index
        %parallel_loop3A_296 = tpu.vector_load %arg28[%parallel_loop3A_294, %parallel_loop3A_295] {strides = array<i32>} : memref<32x256xf32, #tpu.memory_space<vmem>>, vector<16xf32>,
        %parallel_loop3A_297 = arith.index_cast %parallel_loop3A_241 : i32 to index
        %parallel_loop3A_298 = arith.constant 64 : index
        %parallel_loop3A_299 = tpu.vector_load %arg15[%parallel_loop3A_297, %parallel_loop3A_298] {strides = array<i32>} : memref<16x128xf32, #tpu.memory_space<vmem>>, vector<16xf32>,
        %parallel_loop3A_300 = arith.addf %parallel_loop3A_296, %parallel_loop3A_299 : vector<16xf32>
        %parallel_loop3A_301 = vector.broadcast %parallel_loop3A_245 : f32 to vector<16xf32>
        %parallel_loop3A_302 = arith.mulf %parallel_loop3A_300, %parallel_loop3A_301 : vector<16xf32>
        %parallel_loop3A_303 = arith.index_cast %parallel_loop3A_237 : i32 to index
        %parallel_loop3A_304 = arith.constant 64 : index
        %parallel_loop3A_305 = tpu.vector_load %arg32[%parallel_loop3A_303, %parallel_loop3A_304] {strides = array<i32>} : memref<32x128xf32, #tpu.memory_space<vmem>>, vector<16xf32>,
        tpu.vector_store %arg32[%parallel_loop3A_303, %parallel_loop3A_304], %parallel_loop3A_302 {strides = array<i32>} : memref<32x128xf32, #tpu.memory_space<vmem>>, vector<16xf32>,
        %parallel_loop3A_306 = arith.index_cast %parallel_loop3A_237 : i32 to index
        %parallel_loop3A_307 = arith.constant 208 : index
        %parallel_loop3A_308 = tpu.vector_load %arg28[%parallel_loop3A_306, %parallel_loop3A_307] {strides = array<i32>} : memref<32x256xf32, #tpu.memory_space<vmem>>, vector<16xf32>,
        %parallel_loop3A_309 = arith.index_cast %parallel_loop3A_241 : i32 to index
        %parallel_loop3A_310 = arith.constant 80 : index
        %parallel_loop3A_311 = tpu.vector_load %arg15[%parallel_loop3A_309, %parallel_loop3A_310] {strides = array<i32>} : memref<16x128xf32, #tpu.memory_space<vmem>>, vector<16xf32>,
        %parallel_loop3A_312 = arith.addf %parallel_loop3A_308, %parallel_loop3A_311 : vector<16xf32>
        %parallel_loop3A_313 = vector.broadcast %parallel_loop3A_245 : f32 to vector<16xf32>
        %parallel_loop3A_314 = arith.mulf %parallel_loop3A_312, %parallel_loop3A_313 : vector<16xf32>
        %parallel_loop3A_315 = arith.index_cast %parallel_loop3A_237 : i32 to index
        %parallel_loop3A_316 = arith.constant 80 : index
        %parallel_loop3A_317 = tpu.vector_load %arg32[%parallel_loop3A_315, %parallel_loop3A_316] {strides = array<i32>} : memref<32x128xf32, #tpu.memory_space<vmem>>, vector<16xf32>,
        tpu.vector_store %arg32[%parallel_loop3A_315, %parallel_loop3A_316], %parallel_loop3A_314 {strides = array<i32>} : memref<32x128xf32, #tpu.memory_space<vmem>>, vector<16xf32>,
        %parallel_loop3A_318 = arith.index_cast %parallel_loop3A_237 : i32 to index
        %parallel_loop3A_319 = arith.constant 224 : index
        %parallel_loop3A_320 = tpu.vector_load %arg28[%parallel_loop3A_318, %parallel_loop3A_319] {strides = array<i32>} : memref<32x256xf32, #tpu.memory_space<vmem>>, vector<16xf32>,
        %parallel_loop3A_321 = arith.index_cast %parallel_loop3A_241 : i32 to index
        %parallel_loop3A_322 = arith.constant 96 : index
        %parallel_loop3A_323 = tpu.vector_load %arg15[%parallel_loop3A_321, %parallel_loop3A_322] {strides = array<i32>} : memref<16x128xf32, #tpu.memory_space<vmem>>, vector<16xf32>,
        %parallel_loop3A_324 = arith.addf %parallel_loop3A_320, %parallel_loop3A_323 : vector<16xf32>
        %parallel_loop3A_325 = vector.broadcast %parallel_loop3A_245 : f32 to vector<16xf32>
        %parallel_loop3A_326 = arith.mulf %parallel_loop3A_324, %parallel_loop3A_325 : vector<16xf32>
        %parallel_loop3A_327 = arith.index_cast %parallel_loop3A_237 : i32 to index
        %parallel_loop3A_328 = arith.constant 96 : index
        %parallel_loop3A_329 = tpu.vector_load %arg32[%parallel_loop3A_327, %parallel_loop3A_328] {strides = array<i32>} : memref<32x128xf32, #tpu.memory_space<vmem>>, vector<16xf32>,
        tpu.vector_store %arg32[%parallel_loop3A_327, %parallel_loop3A_328], %parallel_loop3A_326 {strides = array<i32>} : memref<32x128xf32, #tpu.memory_space<vmem>>, vector<16xf32>,
        %parallel_loop3A_330 = arith.index_cast %parallel_loop3A_237 : i32 to index
        %parallel_loop3A_331 = arith.constant 240 : index
        %parallel_loop3A_332 = tpu.vector_load %arg28[%parallel_loop3A_330, %parallel_loop3A_331] {strides = array<i32>} : memref<32x256xf32, #tpu.memory_space<vmem>>, vector<16xf32>,
        %parallel_loop3A_333 = arith.index_cast %parallel_loop3A_241 : i32 to index
        %parallel_loop3A_334 = arith.constant 112 : index
        %parallel_loop3A_335 = tpu.vector_load %arg15[%parallel_loop3A_333, %parallel_loop3A_334] {strides = array<i32>} : memref<16x128xf32, #tpu.memory_space<vmem>>, vector<16xf32>,
        %parallel_loop3A_336 = arith.addf %parallel_loop3A_332, %parallel_loop3A_335 : vector<16xf32>
        %parallel_loop3A_337 = vector.broadcast %parallel_loop3A_245 : f32 to vector<16xf32>
        %parallel_loop3A_338 = arith.mulf %parallel_loop3A_336, %parallel_loop3A_337 : vector<16xf32>
        %parallel_loop3A_339 = arith.index_cast %parallel_loop3A_237 : i32 to index
        %parallel_loop3A_340 = arith.constant 112 : index
        %parallel_loop3A_341 = tpu.vector_load %arg32[%parallel_loop3A_339, %parallel_loop3A_340] {strides = array<i32>} : memref<32x128xf32, #tpu.memory_space<vmem>>, vector<16xf32>,
        tpu.vector_store %arg32[%parallel_loop3A_339, %parallel_loop3A_340], %parallel_loop3A_338 {strides = array<i32>} : memref<32x128xf32, #tpu.memory_space<vmem>>, vector<16xf32>,
      } {sc.loop_unroll_factor = 4 : i64, sc.parallel_access}
      %shift_right_logical3A = arith.constant 7 : i32
      %shift_right_logical3A_184 = vector.broadcast %shift_right_logical3A : i32 to vector<16xi32>
      %shift_right_logical3A_185 = arith.shrui %gather3A_157, %shift_right_logical3A_184 : vector<16xi32>
      %and3A = arith.constant 127 : i32
      %and3A_186 = vector.broadcast %and3A : i32 to vector<16xi32>
      %and3A_187 = arith.andi %gather3A_157, %and3A_186 : vector<16xi32>
      %eq3A = arith.constant 0 : i32
      %eq3A_188 = vector.broadcast %eq3A : i32 to vector<16xi32>
      %eq3A_189 = arith.cmpi eq, %iota3A, %eq3A_188 : vector<16xi32>
      tpu.vector_store_idx %arg34[%shift_right_logical3A_185, %and3A_187], %add3A_179 masked %eq3A_189 {add = true} : memref<80x128xf32, #tpu.memory_space<vmem>>[vector<16xi32>, vector<16xi32>], vector<16xf32>, vector<16xi1>
      %eq3A_190 = arith.constant 1 : i32
      %eq3A_191 = vector.broadcast %eq3A_190 : i32 to vector<16xi32>
      %eq3A_192 = arith.cmpi eq, %iota3A, %eq3A_191 : vector<16xi32>
      tpu.vector_store_idx %arg34[%shift_right_logical3A_185, %and3A_187], %add3A_179 masked %eq3A_192 {add = true} : memref<80x128xf32, #tpu.memory_space<vmem>>[vector<16xi32>, vector<16xi32>], vector<16xf32>, vector<16xi1>
      %eq3A_193 = arith.constant 2 : i32
      %eq3A_194 = vector.broadcast %eq3A_193 : i32 to vector<16xi32>
      %eq3A_195 = arith.cmpi eq, %iota3A, %eq3A_194 : vector<16xi32>
      tpu.vector_store_idx %arg34[%shift_right_logical3A_185, %and3A_187], %add3A_179 masked %eq3A_195 {add = true} : memref<80x128xf32, #tpu.memory_space<vmem>>[vector<16xi32>, vector<16xi32>], vector<16xf32>, vector<16xi1>
      %eq3A_196 = arith.constant 3 : i32
      %eq3A_197 = vector.broadcast %eq3A_196 : i32 to vector<16xi32>
      %eq3A_198 = arith.cmpi eq, %iota3A, %eq3A_197 : vector<16xi32>
      tpu.vector_store_idx %arg34[%shift_right_logical3A_185, %and3A_187], %add3A_179 masked %eq3A_198 {add = true} : memref<80x128xf32, #tpu.memory_space<vmem>>[vector<16xi32>, vector<16xi32>], vector<16xf32>, vector<16xi1>
      %eq3A_199 = arith.constant 4 : i32
      %eq3A_200 = vector.broadcast %eq3A_199 : i32 to vector<16xi32>
      %eq3A_201 = arith.cmpi eq, %iota3A, %eq3A_200 : vector<16xi32>
      tpu.vector_store_idx %arg34[%shift_right_logical3A_185, %and3A_187], %add3A_179 masked %eq3A_201 {add = true} : memref<80x128xf32, #tpu.memory_space<vmem>>[vector<16xi32>, vector<16xi32>], vector<16xf32>, vector<16xi1>
      %eq3A_202 = arith.constant 5 : i32
      %eq3A_203 = vector.broadcast %eq3A_202 : i32 to vector<16xi32>
      %eq3A_204 = arith.cmpi eq, %iota3A, %eq3A_203 : vector<16xi32>
      tpu.vector_store_idx %arg34[%shift_right_logical3A_185, %and3A_187], %add3A_179 masked %eq3A_204 {add = true} : memref<80x128xf32, #tpu.memory_space<vmem>>[vector<16xi32>, vector<16xi32>], vector<16xf32>, vector<16xi1>
      %eq3A_205 = arith.constant 6 : i32
      %eq3A_206 = vector.broadcast %eq3A_205 : i32 to vector<16xi32>
      %eq3A_207 = arith.cmpi eq, %iota3A, %eq3A_206 : vector<16xi32>
      tpu.vector_store_idx %arg34[%shift_right_logical3A_185, %and3A_187], %add3A_179 masked %eq3A_207 {add = true} : memref<80x128xf32, #tpu.memory_space<vmem>>[vector<16xi32>, vector<16xi32>], vector<16xf32>, vector<16xi1>
      %eq3A_208 = arith.constant 7 : i32
      %eq3A_209 = vector.broadcast %eq3A_208 : i32 to vector<16xi32>
      %eq3A_210 = arith.cmpi eq, %iota3A, %eq3A_209 : vector<16xi32>
      tpu.vector_store_idx %arg34[%shift_right_logical3A_185, %and3A_187], %add3A_179 masked %eq3A_210 {add = true} : memref<80x128xf32, #tpu.memory_space<vmem>>[vector<16xi32>, vector<16xi32>], vector<16xf32>, vector<16xi1>
      %eq3A_211 = arith.constant 8 : i32
      %eq3A_212 = vector.broadcast %eq3A_211 : i32 to vector<16xi32>
      %eq3A_213 = arith.cmpi eq, %iota3A, %eq3A_212 : vector<16xi32>
      tpu.vector_store_idx %arg34[%shift_right_logical3A_185, %and3A_187], %add3A_179 masked %eq3A_213 {add = true} : memref<80x128xf32, #tpu.memory_space<vmem>>[vector<16xi32>, vector<16xi32>], vector<16xf32>, vector<16xi1>
      %eq3A_214 = arith.constant 9 : i32
      %eq3A_215 = vector.broadcast %eq3A_214 : i32 to vector<16xi32>
      %eq3A_216 = arith.cmpi eq, %iota3A, %eq3A_215 : vector<16xi32>
      tpu.vector_store_idx %arg34[%shift_right_logical3A_185, %and3A_187], %add3A_179 masked %eq3A_216 {add = true} : memref<80x128xf32, #tpu.memory_space<vmem>>[vector<16xi32>, vector<16xi32>], vector<16xf32>, vector<16xi1>
      %eq3A_217 = arith.constant 10 : i32
      %eq3A_218 = vector.broadcast %eq3A_217 : i32 to vector<16xi32>
      %eq3A_219 = arith.cmpi eq, %iota3A, %eq3A_218 : vector<16xi32>
      tpu.vector_store_idx %arg34[%shift_right_logical3A_185, %and3A_187], %add3A_179 masked %eq3A_219 {add = true} : memref<80x128xf32, #tpu.memory_space<vmem>>[vector<16xi32>, vector<16xi32>], vector<16xf32>, vector<16xi1>
      %eq3A_220 = arith.constant 11 : i32
      %eq3A_221 = vector.broadcast %eq3A_220 : i32 to vector<16xi32>
      %eq3A_222 = arith.cmpi eq, %iota3A, %eq3A_221 : vector<16xi32>
      tpu.vector_store_idx %arg34[%shift_right_logical3A_185, %and3A_187], %add3A_179 masked %eq3A_222 {add = true} : memref<80x128xf32, #tpu.memory_space<vmem>>[vector<16xi32>, vector<16xi32>], vector<16xf32>, vector<16xi1>
      %eq3A_223 = arith.constant 12 : i32
      %eq3A_224 = vector.broadcast %eq3A_223 : i32 to vector<16xi32>
      %eq3A_225 = arith.cmpi eq, %iota3A, %eq3A_224 : vector<16xi32>
      tpu.vector_store_idx %arg34[%shift_right_logical3A_185, %and3A_187], %add3A_179 masked %eq3A_225 {add = true} : memref<80x128xf32, #tpu.memory_space<vmem>>[vector<16xi32>, vector<16xi32>], vector<16xf32>, vector<16xi1>
      %eq3A_226 = arith.constant 13 : i32
      %eq3A_227 = vector.broadcast %eq3A_226 : i32 to vector<16xi32>
      %eq3A_228 = arith.cmpi eq, %iota3A, %eq3A_227 : vector<16xi32>
      tpu.vector_store_idx %arg34[%shift_right_logical3A_185, %and3A_187], %add3A_179 masked %eq3A_228 {add = true} : memref<80x128xf32, #tpu.memory_space<vmem>>[vector<16xi32>, vector<16xi32>], vector<16xf32>, vector<16xi1>
      %eq3A_229 = arith.constant 14 : i32
      %eq3A_230 = vector.broadcast %eq3A_229 : i32 to vector<16xi32>
      %eq3A_231 = arith.cmpi eq, %iota3A, %eq3A_230 : vector<16xi32>
      tpu.vector_store_idx %arg34[%shift_right_logical3A_185, %and3A_187], %add3A_179 masked %eq3A_231 {add = true} : memref<80x128xf32, #tpu.memory_space<vmem>>[vector<16xi32>, vector<16xi32>], vector<16xf32>, vector<16xi1>
      %eq3A_232 = arith.constant 15 : i32
      %eq3A_233 = vector.broadcast %eq3A_232 : i32 to vector<16xi32>
      %eq3A_234 = arith.cmpi eq, %iota3A, %eq3A_233 : vector<16xi32>
      tpu.vector_store_idx %arg34[%shift_right_logical3A_185, %and3A_187], %add3A_179 masked %eq3A_234 {add = true} : memref<80x128xf32, #tpu.memory_space<vmem>>[vector<16xi32>, vector<16xi32>], vector<16xf32>, vector<16xi1>
      %scan3A_235 = arith.constant 0 : i32
      scf.yield %scan3A_235 : i32
    }
    %scan3A_136 = arith.constant 2 : i32
    %dma_start3A_137 = arith.constant 0 : i32
    %dma_start3A_138 = arith.constant 0 : i32
    %dma_start3A_139 = tpu.memref_slice %arg35[%dma_start3A_137, %dma_start3A_138] : memref<10240x128xf32, #tpu.memory_space<vmem_shared>> -> memref<10240x128xf32, #tpu.memory_space<vmem_shared>>
    tpu.enqueue_indirect_dma source(%arg32 : memref<32x128xf32, #tpu.memory_space<vmem>>) target(%dma_start3A_139 : memref<10240x128xf32, #tpu.memory_space<vmem_shared>>) offsets(%arg24 : memref<32xi32, #tpu.memory_space<vmem>>) semaphore(%arg40 : memref<!tpu.dma_semaphore, #tpu.memory_space<semaphore_mem>>) {add = true}
    %dma_wait3A_140 = arith.constant 0 : i32
    %dma_wait3A_141 = arith.constant 0 : i32
    %dma_wait3A_142 = tpu.memref_slice %arg35[%dma_wait3A_140, %dma_wait3A_141] : memref<10240x128xf32, #tpu.memory_space<vmem_shared>> -> memref<10240x128xf32, #tpu.memory_space<vmem_shared>>
    tpu.wait_indirect_dma semaphore(%arg41 : memref<!tpu.dma_semaphore, #tpu.memory_space<semaphore_mem>>) src(%arg33 : memref<32x128xf32, #tpu.memory_space<vmem>>) dst(%dma_wait3A_142 : memref<10240x128xf32, #tpu.memory_space<vmem_shared>>)
    %dma_wait3A_143 = arith.constant 0 : i32
    %dma_wait3A_144 = arith.constant 0 : i32
    %dma_wait3A_145 = tpu.memref_slice %arg35[%dma_wait3A_143, %dma_wait3A_144] : memref<10240x128xf32, #tpu.memory_space<vmem_shared>> -> memref<10240x128xf32, #tpu.memory_space<vmem_shared>>
    tpu.wait_indirect_dma semaphore(%arg40 : memref<!tpu.dma_semaphore, #tpu.memory_space<semaphore_mem>>) src(%arg32 : memref<32x128xf32, #tpu.memory_space<vmem>>) dst(%dma_wait3A_145 : memref<10240x128xf32, #tpu.memory_space<vmem_shared>>)
    %barrier3A_146 = arith.constant 0 : index
    tpu.barrier barrier_id(%barrier3A_146)
    %mul3A_147 = arith.constant 640 : i32
    %mul3A_148 = arith.muli %arg1, %mul3A_147 : i32
    %mul3A_149 = arith.constant 640 : i32
    %mul3A_150 = arith.muli %arg1, %mul3A_149 : i32
    "tpu.region"() ({
      %run_scoped3A = tpu.sem_alloc : memref<!tpu.dma_semaphore, #tpu.memory_space<semaphore_mem>>
      %dma_start3A_151 = arith.constant 0 : i32
      %dma_start3A_152 = tpu.memref_slice %arg12[%arg0, %mul3A_150, %dma_start3A_151] : memref<2x10240x128xf32, #tpu.memory_space<hbm>> -> memref<1x640x128xf32, #tpu.memory_space<hbm>>
      %dma_start3A_153 = tpu.memref_squeeze %dma_start3A_152 : memref<1x640x128xf32, #tpu.memory_space<hbm>> -> memref<640x128xf32, #tpu.memory_space<hbm>>
      %dma_start3A_154 = arith.constant 0 : i32
      %dma_start3A_155 = tpu.memref_slice %arg35[%mul3A_148, %dma_start3A_154] : memref<10240x128xf32, #tpu.memory_space<vmem_shared>> -> memref<640x128xf32, #tpu.memory_space<vmem_shared>>
      tpu.enqueue_dma source(%dma_start3A_155 : memref<640x128xf32, #tpu.memory_space<vmem_shared>>) target(%dma_start3A_153 : memref<640x128xf32, #tpu.memory_space<hbm>>) target_semaphore(%run_scoped3A : memref<!tpu.dma_semaphore, #tpu.memory_space<semaphore_mem>>)
      %dma_wait3A_156 = arith.constant 0 : i32
      %dma_wait3A_157 = tpu.memref_slice %arg12[%arg0, %mul3A_150, %dma_wait3A_156] : memref<2x10240x128xf32, #tpu.memory_space<hbm>> -> memref<1x640x128xf32, #tpu.memory_space<hbm>>
      %dma_wait3A_158 = tpu.memref_squeeze %dma_wait3A_157 : memref<1x640x128xf32, #tpu.memory_space<hbm>> -> memref<640x128xf32, #tpu.memory_space<hbm>>
      %dma_wait3A_159 = arith.constant 0 : i32
      %dma_wait3A_160 = tpu.memref_slice %arg35[%mul3A_148, %dma_wait3A_159] : memref<10240x128xf32, #tpu.memory_space<vmem_shared>> -> memref<640x128xf32, #tpu.memory_space<vmem_shared>>
      tpu.wait_dma2 semaphore(%run_scoped3A : memref<!tpu.dma_semaphore, #tpu.memory_space<semaphore_mem>>) src(%dma_wait3A_160 : memref<640x128xf32, #tpu.memory_space<vmem_shared>>) dst(%dma_wait3A_158 : memref<640x128xf32, #tpu.memory_space<hbm>>)
      tpu.yield
    }) : () -> ()
    "tpu.region"() ({
      %run_scoped3A = tpu.sem_alloc : memref<!tpu.dma_semaphore, #tpu.memory_space<semaphore_mem>>
      %dma_start3A_151 = arith.constant 0 : i32
      %dma_start3A_152 = arith.constant 0 : i32
      %dma_start3A_153 = tpu.memref_slice %arg13[%add3A, %dma_start3A_151, %dma_start3A_152] : memref<32x80x128xf32, #tpu.memory_space<hbm>> -> memref<1x80x128xf32, #tpu.memory_space<hbm>>
      %dma_start3A_154 = tpu.memref_squeeze %dma_start3A_153 : memref<1x80x128xf32, #tpu.memory_space<hbm>> -> memref<80x128xf32, #tpu.memory_space<hbm>>
      %dma_start3A_155 = arith.constant 0 : i32
      %dma_start3A_156 = arith.constant 0 : i32
      %dma_start3A_157 = tpu.memref_slice %arg13[%add3A, %dma_start3A_155, %dma_start3A_156] : memref<32x80x128xf32, #tpu.memory_space<hbm>> -> memref<1x80x128xf32, #tpu.memory_space<hbm>>
      %dma_start3A_158 = tpu.memref_squeeze %dma_start3A_157 : memref<1x80x128xf32, #tpu.memory_space<hbm>> -> memref<80x128xf32, #tpu.memory_space<hbm>>
      tpu.enqueue_dma source(%arg34 : memref<80x128xf32, #tpu.memory_space<vmem>>) target(%dma_start3A_158 : memref<80x128xf32, #tpu.memory_space<hbm>>) target_semaphore(%run_scoped3A : memref<!tpu.dma_semaphore, #tpu.memory_space<semaphore_mem>>)
      %dma_wait3A_159 = arith.constant 0 : i32
      %dma_wait3A_160 = arith.constant 0 : i32
      %dma_wait3A_161 = tpu.memref_slice %arg13[%add3A, %dma_wait3A_159, %dma_wait3A_160] : memref<32x80x128xf32, #tpu.memory_space<hbm>> -> memref<1x80x128xf32, #tpu.memory_space<hbm>>
      %dma_wait3A_162 = tpu.memref_squeeze %dma_wait3A_161 : memref<1x80x128xf32, #tpu.memory_space<hbm>> -> memref<80x128xf32, #tpu.memory_space<hbm>>
      %dma_wait3A_163 = arith.constant 0 : i32
      %dma_wait3A_164 = arith.constant 0 : i32
      %dma_wait3A_165 = tpu.memref_slice %arg13[%add3A, %dma_wait3A_163, %dma_wait3A_164] : memref<32x80x128xf32, #tpu.memory_space<hbm>> -> memref<1x80x128xf32, #tpu.memory_space<hbm>>
      %dma_wait3A_166 = tpu.memref_squeeze %dma_wait3A_165 : memref<1x80x128xf32, #tpu.memory_space<hbm>> -> memref<80x128xf32, #tpu.memory_space<hbm>>
      tpu.wait_dma2 semaphore(%run_scoped3A : memref<!tpu.dma_semaphore, #tpu.memory_space<semaphore_mem>>) src(%arg34 : memref<80x128xf32, #tpu.memory_space<vmem>>) dst(%dma_wait3A_166 : memref<80x128xf32, #tpu.memory_space<hbm>>)
      tpu.yield
    }) : () -> ()
    return
  }
}

module attributes {stable_mosaic.version = 14 : i64} {
  func.func @_stage1_body(%arg0: i32, %arg1: memref<400x128xf32, #tpu.memory_space<vmem>>, %arg2: memref<128x256xf32, #tpu.memory_space<vmem>>, %arg3: memref<128x128xf32, #tpu.memory_space<vmem>>, %arg4: memref<400x256xf32, #tpu.memory_space<vmem>>, %arg5: memref<400x128xf32, #tpu.memory_space<vmem>>) attributes {dimension_semantics = [#tpu.dimension_semantics<arbitrary>], iteration_bounds = array<i64: 25>, scalar_prefetch = 0 : i64, scratch_operands = 0 : i64, tpu.core_type = #tpu.core_type<tc>, window_params = [{transform_indices = @transform_0, window_bounds = array<i64: 400, 128>}, {pipeline_mode = #tpu.pipeline_mode<synchronous>, transform_indices = @transform_1, window_bounds = array<i64: 128, 256>}, {pipeline_mode = #tpu.pipeline_mode<synchronous>, transform_indices = @transform_2, window_bounds = array<i64: 128, 128>}, {transform_indices = @transform_3, window_bounds = array<i64: 400, 256>}, {transform_indices = @transform_4, window_bounds = array<i64: 400, 128>}]} {
    %get3A = arith.constant 0 : index
    %get3A_0 = arith.constant 0 : index
    %get3A_1 = vector.load %arg1[%get3A, %get3A_0] : memref<400x128xf32, #tpu.memory_space<vmem>>, vector<400x128xf32>
    %get3A_2 = arith.constant 0 : index
    %get3A_3 = arith.constant 0 : index
    %get3A_4 = vector.load %arg2[%get3A_2, %get3A_3] : memref<128x256xf32, #tpu.memory_space<vmem>>, vector<128x256xf32>
    %dot_general3A = arith.constant dense<0.000000e+00> : vector<400x256xf32>
    %dot_general3A_5 = tpu.matmul %get3A_1, %get3A_4, %dot_general3A {dimension_numbers = #tpu.dot_dimension_numbers<[1], [0], [0], [1], [0, 0, 1, 1], [], []>, transpose_lhs_hint = false} : vector<400x128xf32>, vector<128x256xf32>, vector<400x256xf32> -> vector<400x256xf32>
    %swap3A = arith.constant 0 : index
    %swap3A_6 = arith.constant 0 : index
    %swap3A_7 = vector.load %arg4[%swap3A, %swap3A_6] : memref<400x256xf32, #tpu.memory_space<vmem>>, vector<400x256xf32>
    tpu.vector_store %arg4[%swap3A, %swap3A_6], %dot_general3A_5 {strides = array<i32>} : memref<400x256xf32, #tpu.memory_space<vmem>>, vector<400x256xf32>,
    %get3A_8 = arith.constant 0 : index
    %get3A_9 = arith.constant 0 : index
    %get3A_10 = vector.load %arg3[%get3A_8, %get3A_9] : memref<128x128xf32, #tpu.memory_space<vmem>>, vector<128x128xf32>
    %dot_general3A_11 = arith.constant dense<0.000000e+00> : vector<400x128xf32>
    %dot_general3A_12 = tpu.matmul %get3A_1, %get3A_10, %dot_general3A_11 {dimension_numbers = #tpu.dot_dimension_numbers<[1], [0], [0], [1], [0, 0, 1, 1], [], []>, transpose_lhs_hint = false} : vector<400x128xf32>, vector<128x128xf32>, vector<400x128xf32> -> vector<400x128xf32>
    %swap3A_13 = arith.constant 0 : index
    %swap3A_14 = arith.constant 0 : index
    %swap3A_15 = vector.load %arg5[%swap3A_13, %swap3A_14] : memref<400x128xf32, #tpu.memory_space<vmem>>, vector<400x128xf32>
    tpu.vector_store %arg5[%swap3A_13, %swap3A_14], %dot_general3A_12 {strides = array<i32>} : memref<400x128xf32, #tpu.memory_space<vmem>>, vector<400x128xf32>,
    return
  }
  func.func @transform_0(%arg0: i32) -> (i32, i32) {
    %c0_i32 = arith.constant 0 : i32
    %c0_i32_0 = arith.constant 0 : i32
    return %arg0, %c0_i32 : i32, i32
  }
  func.func @transform_1(%arg0: i32) -> (i32, i32) {
    %c0_i32 = arith.constant 0 : i32
    %c0_i32_0 = arith.constant 0 : i32
    %c0_i32_1 = arith.constant 0 : i32
    return %c0_i32, %c0_i32_0 : i32, i32
  }
  func.func @transform_2(%arg0: i32) -> (i32, i32) {
    %c0_i32 = arith.constant 0 : i32
    %c0_i32_0 = arith.constant 0 : i32
    %c0_i32_1 = arith.constant 0 : i32
    return %c0_i32, %c0_i32_0 : i32, i32
  }
  func.func @transform_3(%arg0: i32) -> (i32, i32) {
    %c0_i32 = arith.constant 0 : i32
    %c0_i32_0 = arith.constant 0 : i32
    return %arg0, %c0_i32 : i32, i32
  }
  func.func @transform_4(%arg0: i32) -> (i32, i32) {
    %c0_i32 = arith.constant 0 : i32
    %c0_i32_0 = arith.constant 0 : i32
    return %arg0, %c0_i32 : i32, i32
  }
}

module attributes {stable_mosaic.version = 14 : i64} {
  func.func @_stage3_body(%arg0: i32, %arg1: memref<400x128xf32, #tpu.memory_space<vmem>>, %arg2: memref<400x128xf32, #tpu.memory_space<vmem>>, %arg3: memref<400x32xf32, #tpu.memory_space<vmem>>, %arg4: memref<400x128xf32, #tpu.memory_space<vmem>>, %arg5: memref<128x128xf32, #tpu.memory_space<vmem>>, %arg6: memref<128x128xf32, #tpu.memory_space<vmem>>, %arg7: memref<1x128xf32, #tpu.memory_space<vmem>>, %arg8: memref<128x128xf32, #tpu.memory_space<vmem>>, %arg9: memref<1x128xf32, #tpu.memory_space<vmem>>, %arg10: memref<1x128xf32, #tpu.memory_space<vmem>>, %arg11: memref<1x128xf32, #tpu.memory_space<vmem>>, %arg12: memref<400x128xf32, #tpu.memory_space<vmem>>) attributes {dimension_semantics = [#tpu.dimension_semantics<arbitrary>], iteration_bounds = array<i64: 25>, scalar_prefetch = 0 : i64, scratch_operands = 0 : i64, tpu.core_type = #tpu.core_type<tc>, window_params = [{transform_indices = @transform_0, window_bounds = array<i64: 400, 128>}, {transform_indices = @transform_1, window_bounds = array<i64: 400, 128>}, {transform_indices = @transform_2, window_bounds = array<i64: 400, 32>}, {transform_indices = @transform_3, window_bounds = array<i64: 400, 128>}, {pipeline_mode = #tpu.pipeline_mode<synchronous>, transform_indices = @transform_4, window_bounds = array<i64: 128, 128>}, {pipeline_mode = #tpu.pipeline_mode<synchronous>, transform_indices = @transform_5, window_bounds = array<i64: 128, 128>}, {pipeline_mode = #tpu.pipeline_mode<synchronous>, transform_indices = @transform_6, window_bounds = array<i64: 1, 128>}, {pipeline_mode = #tpu.pipeline_mode<synchronous>, transform_indices = @transform_7, window_bounds = array<i64: 128, 128>}, {pipeline_mode = #tpu.pipeline_mode<synchronous>, transform_indices = @transform_8, window_bounds = array<i64: 1, 128>}, {pipeline_mode = #tpu.pipeline_mode<synchronous>, transform_indices = @transform_9, window_bounds = array<i64: 1, 128>}, {pipeline_mode = #tpu.pipeline_mode<synchronous>, transform_indices = @transform_10, window_bounds = array<i64: 1, 128>}, {transform_indices = @transform_11, window_bounds = array<i64: 400, 128>}]} {
    %get3A = arith.constant 0 : index
    %get3A_0 = arith.constant 0 : index
    %get3A_1 = vector.load %arg1[%get3A, %get3A_0] : memref<400x128xf32, #tpu.memory_space<vmem>>, vector<400x128xf32>
    %get3A_2 = arith.constant 0 : index
    %get3A_3 = arith.constant 0 : index
    %get3A_4 = vector.load %arg2[%get3A_2, %get3A_3] : memref<400x128xf32, #tpu.memory_space<vmem>>, vector<400x128xf32>
    %add3A = arith.addf %get3A_1, %get3A_4 : vector<400x128xf32>
    %get3A_5 = arith.constant 0 : index
    %get3A_6 = arith.constant 0 : index
    %get3A_7 = vector.load %arg3[%get3A_5, %get3A_6] : memref<400x32xf32, #tpu.memory_space<vmem>>, vector<400x32xf32>
    %reduce_sum3A = arith.constant dense<0.000000e+00> : vector<400xf32>
    %reduce_sum3A_8 = vector.multi_reduction <add>, %get3A_7, %reduce_sum3A [1] : vector<400x32xf32> to vector<400xf32>
    %broadcast_in_dim3A = vector.shape_cast %reduce_sum3A_8 : vector<400xf32> to vector<400x1xf32>
    %max3A = arith.constant 1.000000e+00 : f32
    %max3A_9 = vector.broadcast %max3A : f32 to vector<400x1xf32>
    %max3A_10 = arith.maximumf %broadcast_in_dim3A, %max3A_9 : vector<400x1xf32>
    %div3A = vector.broadcast %max3A_10 : vector<400x1xf32> to vector<400x128xf32>
    %div3A_11 = arith.divf %add3A, %div3A : vector<400x128xf32>
    %get3A_12 = arith.constant 0 : index
    %get3A_13 = arith.constant 0 : index
    %get3A_14 = vector.load %arg4[%get3A_12, %get3A_13] : memref<400x128xf32, #tpu.memory_space<vmem>>, vector<400x128xf32>
    %get3A_15 = arith.constant 0 : index
    %get3A_16 = arith.constant 0 : index
    %get3A_17 = vector.load %arg5[%get3A_15, %get3A_16] : memref<128x128xf32, #tpu.memory_space<vmem>>, vector<128x128xf32>
    %dot_general3A = arith.constant dense<0.000000e+00> : vector<400x128xf32>
    %dot_general3A_18 = tpu.matmul %get3A_14, %get3A_17, %dot_general3A {dimension_numbers = #tpu.dot_dimension_numbers<[1], [0], [0], [1], [0, 0, 1, 1], [], []>, transpose_lhs_hint = false} : vector<400x128xf32>, vector<128x128xf32>, vector<400x128xf32> -> vector<400x128xf32>
    %get3A_19 = arith.constant 0 : index
    %get3A_20 = arith.constant 0 : index
    %get3A_21 = vector.load %arg6[%get3A_19, %get3A_20] : memref<128x128xf32, #tpu.memory_space<vmem>>, vector<128x128xf32>
    %dot_general3A_22 = arith.constant dense<0.000000e+00> : vector<400x128xf32>
    %dot_general3A_23 = tpu.matmul %div3A_11, %get3A_21, %dot_general3A_22 {dimension_numbers = #tpu.dot_dimension_numbers<[1], [0], [0], [1], [0, 0, 1, 1], [], []>, transpose_lhs_hint = false} : vector<400x128xf32>, vector<128x128xf32>, vector<400x128xf32> -> vector<400x128xf32>
    %add3A_24 = arith.addf %dot_general3A_18, %dot_general3A_23 : vector<400x128xf32>
    %get3A_25 = arith.constant 0 : index
    %get3A_26 = arith.constant 0 : index
    %get3A_27 = vector.load %arg7[%get3A_25, %get3A_26] : memref<1x128xf32, #tpu.memory_space<vmem>>, vector<1x128xf32>
    %add3A_28 = vector.broadcast %get3A_27 : vector<1x128xf32> to vector<400x128xf32>
    %add3A_29 = arith.addf %add3A_24, %add3A_28 : vector<400x128xf32>
    %mul3A = arith.constant 5.000000e-01 : f32
    %mul3A_30 = vector.broadcast %mul3A : f32 to vector<400x128xf32>
    %mul3A_31 = arith.mulf %mul3A_30, %add3A_29 : vector<400x128xf32>
    %mul3A_32 = arith.constant 0.707106769 : f32
    %mul3A_33 = vector.broadcast %mul3A_32 : f32 to vector<400x128xf32>
    %mul3A_34 = arith.mulf %add3A_29, %mul3A_33 : vector<400x128xf32>
    %erf3A = math.erf %mul3A_34 : vector<400x128xf32>
    %add3A_35 = arith.constant 1.000000e+00 : f32
    %add3A_36 = vector.broadcast %add3A_35 : f32 to vector<400x128xf32>
    %add3A_37 = arith.addf %add3A_36, %erf3A : vector<400x128xf32>
    %mul3A_38 = arith.mulf %mul3A_31, %add3A_37 : vector<400x128xf32>
    %get3A_39 = arith.constant 0 : index
    %get3A_40 = arith.constant 0 : index
    %get3A_41 = vector.load %arg8[%get3A_39, %get3A_40] : memref<128x128xf32, #tpu.memory_space<vmem>>, vector<128x128xf32>
    %dot_general3A_42 = arith.constant dense<0.000000e+00> : vector<400x128xf32>
    %dot_general3A_43 = tpu.matmul %mul3A_38, %get3A_41, %dot_general3A_42 {dimension_numbers = #tpu.dot_dimension_numbers<[1], [0], [0], [1], [0, 0, 1, 1], [], []>, transpose_lhs_hint = false} : vector<400x128xf32>, vector<128x128xf32>, vector<400x128xf32> -> vector<400x128xf32>
    %add3A_44 = arith.addf %get3A_14, %dot_general3A_43 : vector<400x128xf32>
    %get3A_45 = arith.constant 0 : index
    %get3A_46 = arith.constant 0 : index
    %get3A_47 = vector.load %arg9[%get3A_45, %get3A_46] : memref<1x128xf32, #tpu.memory_space<vmem>>, vector<1x128xf32>
    %add3A_48 = vector.broadcast %get3A_47 : vector<1x128xf32> to vector<400x128xf32>
    %add3A_49 = arith.addf %add3A_44, %add3A_48 : vector<400x128xf32>
    %reduce_sum3A_50 = arith.constant dense<0.000000e+00> : vector<400xf32>
    %reduce_sum3A_51 = vector.multi_reduction <add>, %add3A_49, %reduce_sum3A_50 [1] : vector<400x128xf32> to vector<400xf32>
    %broadcast_in_dim3A_52 = vector.shape_cast %reduce_sum3A_51 : vector<400xf32> to vector<400x1xf32>
    %div3A_53 = arith.constant 1.280000e+02 : f32
    %div3A_54 = vector.broadcast %div3A_53 : f32 to vector<400x1xf32>
    %div3A_55 = arith.divf %broadcast_in_dim3A_52, %div3A_54 : vector<400x1xf32>
    %sub3A = vector.broadcast %div3A_55 : vector<400x1xf32> to vector<400x128xf32>
    %sub3A_56 = arith.subf %add3A_49, %sub3A : vector<400x128xf32>
    %integer_pow3A = arith.mulf %sub3A_56, %sub3A_56 : vector<400x128xf32>
    %reduce_sum3A_57 = arith.constant dense<0.000000e+00> : vector<400xf32>
    %reduce_sum3A_58 = vector.multi_reduction <add>, %integer_pow3A, %reduce_sum3A_57 [1] : vector<400x128xf32> to vector<400xf32>
    %broadcast_in_dim3A_59 = vector.shape_cast %reduce_sum3A_58 : vector<400xf32> to vector<400x1xf32>
    %div3A_60 = arith.constant 1.280000e+02 : f32
    %div3A_61 = vector.broadcast %div3A_60 : f32 to vector<400x1xf32>
    %div3A_62 = arith.divf %broadcast_in_dim3A_59, %div3A_61 : vector<400x1xf32>
    %sub3A_63 = vector.broadcast %div3A_55 : vector<400x1xf32> to vector<400x128xf32>
    %sub3A_64 = arith.subf %add3A_49, %sub3A_63 : vector<400x128xf32>
    %add3A_65 = arith.constant 9.99999974E-6 : f32
    %add3A_66 = vector.broadcast %add3A_65 : f32 to vector<400x1xf32>
    %add3A_67 = arith.addf %div3A_62, %add3A_66 : vector<400x1xf32>
    %sqrt3A = math.sqrt %add3A_67 : vector<400x1xf32>
    %div3A_68 = vector.broadcast %sqrt3A : vector<400x1xf32> to vector<400x128xf32>
    %div3A_69 = arith.divf %sub3A_64, %div3A_68 : vector<400x128xf32>
    %get3A_70 = arith.constant 0 : index
    %get3A_71 = arith.constant 0 : index
    %get3A_72 = vector.load %arg10[%get3A_70, %get3A_71] : memref<1x128xf32, #tpu.memory_space<vmem>>, vector<1x128xf32>
    %mul3A_73 = vector.broadcast %get3A_72 : vector<1x128xf32> to vector<400x128xf32>
    %mul3A_74 = arith.mulf %div3A_69, %mul3A_73 : vector<400x128xf32>
    %get3A_75 = arith.constant 0 : index
    %get3A_76 = arith.constant 0 : index
    %get3A_77 = vector.load %arg11[%get3A_75, %get3A_76] : memref<1x128xf32, #tpu.memory_space<vmem>>, vector<1x128xf32>
    %add3A_78 = vector.broadcast %get3A_77 : vector<1x128xf32> to vector<400x128xf32>
    %add3A_79 = arith.addf %mul3A_74, %add3A_78 : vector<400x128xf32>
    %swap3A = arith.constant 0 : index
    %swap3A_80 = arith.constant 0 : index
    %swap3A_81 = vector.load %arg12[%swap3A, %swap3A_80] : memref<400x128xf32, #tpu.memory_space<vmem>>, vector<400x128xf32>
    tpu.vector_store %arg12[%swap3A, %swap3A_80], %add3A_79 {strides = array<i32>} : memref<400x128xf32, #tpu.memory_space<vmem>>, vector<400x128xf32>,
    return
  }
  func.func @transform_0(%arg0: i32) -> (i32, i32) {
    %c0_i32 = arith.constant 0 : i32
    %c0_i32_0 = arith.constant 0 : i32
    return %arg0, %c0_i32 : i32, i32
  }
  func.func @transform_1(%arg0: i32) -> (i32, i32) {
    %c0_i32 = arith.constant 0 : i32
    %c0_i32_0 = arith.constant 0 : i32
    return %arg0, %c0_i32 : i32, i32
  }
  func.func @transform_2(%arg0: i32) -> (i32, i32) {
    %c0_i32 = arith.constant 0 : i32
    %c0_i32_0 = arith.constant 0 : i32
    return %arg0, %c0_i32 : i32, i32
  }
  func.func @transform_3(%arg0: i32) -> (i32, i32) {
    %c0_i32 = arith.constant 0 : i32
    %c0_i32_0 = arith.constant 0 : i32
    return %arg0, %c0_i32 : i32, i32
  }
  func.func @transform_4(%arg0: i32) -> (i32, i32) {
    %c0_i32 = arith.constant 0 : i32
    %c0_i32_0 = arith.constant 0 : i32
    %c0_i32_1 = arith.constant 0 : i32
    return %c0_i32, %c0_i32_0 : i32, i32
  }
  func.func @transform_5(%arg0: i32) -> (i32, i32) {
    %c0_i32 = arith.constant 0 : i32
    %c0_i32_0 = arith.constant 0 : i32
    %c0_i32_1 = arith.constant 0 : i32
    return %c0_i32, %c0_i32_0 : i32, i32
  }
  func.func @transform_6(%arg0: i32) -> (i32, i32) {
    %c0_i32 = arith.constant 0 : i32
    %c0_i32_0 = arith.constant 0 : i32
    %c0_i32_1 = arith.constant 0 : i32
    return %c0_i32, %c0_i32_0 : i32, i32
  }
  func.func @transform_7(%arg0: i32) -> (i32, i32) {
    %c0_i32 = arith.constant 0 : i32
    %c0_i32_0 = arith.constant 0 : i32
    %c0_i32_1 = arith.constant 0 : i32
    return %c0_i32, %c0_i32_0 : i32, i32
  }
  func.func @transform_8(%arg0: i32) -> (i32, i32) {
    %c0_i32 = arith.constant 0 : i32
    %c0_i32_0 = arith.constant 0 : i32
    %c0_i32_1 = arith.constant 0 : i32
    return %c0_i32, %c0_i32_0 : i32, i32
  }
  func.func @transform_9(%arg0: i32) -> (i32, i32) {
    %c0_i32 = arith.constant 0 : i32
    %c0_i32_0 = arith.constant 0 : i32
    %c0_i32_1 = arith.constant 0 : i32
    return %c0_i32, %c0_i32_0 : i32, i32
  }
  func.func @transform_10(%arg0: i32) -> (i32, i32) {
    %c0_i32 = arith.constant 0 : i32
    %c0_i32_0 = arith.constant 0 : i32
    %c0_i32_1 = arith.constant 0 : i32
    return %c0_i32, %c0_i32_0 : i32, i32
  }
  func.func @transform_11(%arg0: i32) -> (i32, i32) {
    %c0_i32 = arith.constant 0 : i32
    %c0_i32_0 = arith.constant 0 : i32
    return %arg0, %c0_i32 : i32, i32
  }
}

</mosaic_0001>

<sc_bundles>
// kernel: kernel.5.cloned.1.call-start
scs
__scs_entry_jumppad:
0x0: {  	(pc) =	sbr.rel $0x88, $3  }
0x1: {  	(tag) =	ssettag $0x0;
	lr =	simm.s32 $0x1  }
0x2: {  	[smem:$0x3F87] =	sst lr;
	_ =	strace $0xD0000000  }
0x3: {  	_ = 	snop  }
0x4: {  	_ = 	snop  }
0x5: {  	_ = 	snop  }
0x6: {  	_ = 	snop  }
0x7: {  	_ = 	snop  }
__scs_overlays_trampoline_lowered:
0x8: {  	[smem:$0x3F96] =	sst s0  }
0x9: {  	[smem:$0x3F97] =	sst s1  }
0xa: {  	[smem:$0x3F98] =	sst s2  }
0xb: {  	[smem:$0x3F99] =	sst s3  }
0xc: {  	[smem:$0x3F9A] =	sst s4  }
0xd: {  	[smem:$0x3F9B] =	sst s5  }
0xe: {  	[smem:$0x3F9C] =	sst s6  }
0xf: {  	[smem:$0x3F9D] =	sst s7  }
0x10: {  	[smem:$0x3F9E] =	sst s8  }
0x11: {  	[smem:$0x3F9F] =	sst s9;
	s0 =	simm.s32 @!p0 $0x0  }
0x12: {  	s1 =	sld [smem:$0x3F85];
	s0 =	simm.s32 @p0 $0x1  }
0x13: {  	[smem:$0x3FA0] =	sst s0;
	s0 =	simm.s32 @!p1 $0x0  }
0x14: {  	s2 =	sld [smem:$0x3F84];
	s0 =	simm.s32 @p1 $0x1  }
0x15: {  	[smem:$0x3FA1] =	sst s0;
	s0 =	simm.s32 @!p2 $0x0  }
0x16: {  	s3 =	sld [smem:$0x3FDB];
	s0 =	simm.s32 @p2 $0x1  }
0x17: {  	s4 =	simm.s32 $0x1BF5;
	[smem:$0x3FA3] =	sst s0  }
0x18: {  	s0 =	sld [smem:$0x3F86];
	_ =	swait.ge [sflag:s4], $0x0  }
0x19: {  	s7 =	sld [smem:$0x3F87]  }
0x1a: {  	s8 =	sadd.s32 $0xFFFFE003, lr  }
0x1b: {  	s9 =	sadd.s32 $0xFFFFFEF7, lr;
	s5 =	simm.s32 $0xFFFFFFFF;
	p2 =	slt.u32 s8, $0xFFFFF086  }
0x1c: {  	p1 =	slt.u32 s9, $0xF7A;
	s5 =	simm.s32 @!p2 $0x0  }
0x1d: {  	s5 =	simm.s32 @p1 $0x1;
	p0 =	seq.s32 s7, s2  }
0x1e: {  	s7 =	smul.u32 @!p0 $0xF7A, s2;
	p2 =	seq.s32 @!p0 s5, $0x0  }
0x1f: {  	s9 =	smul.u32 $0xF7A, s1;
	s8 =	simm.s32 @!p0 $0x1BF5;
	p2 =	por !p2, p0  }
0x20: {  	[sflag:s8] =	ssyncset.s32 @!p0 $0xFFFFF086;
	s6 =	sadd.s32 @!p0 s3, s7;
	s7 =	simm.s32 @!p0 $0x108  }
0x21: {  	s3 =	sadd.s32 s3, s9;
	s6 =	sadd.s32 @!p0 $0x88, s6;
	s7 =	simm.s32 @p2 $0x1082  }
0x22: {  	[simem:s7], [sflag:s8] =	dma.local @!p0 [hbm:s6], $0xF7A  }
0x23: {  	s9 =	sor.u32 $0xD0000000, s2;
	s6 =	simm.s32 $0x108;
	_ =	swait.ge @!p0 [sflag:s8], $0x0  }
0x24: {  	s3 =	sadd.s32 $0x88, s3;
	s6 =	simm.s32 @!p1 $0x1082;
	[sflag:s4] =	ssyncset.s32 $0xFFFFF086  }
0x25: {  	[simem:s6], [sflag:s4] =	dma.local [hbm:s3], $0xF7A  }
0x26: {  	[smem:$0x3F87] =	sst s1;
	(tag) =	ssettag s2;
	_ =	strace s9  }
0x27: {  	s1 =	sld [smem:$0x3F97]  }
0x28: {  	s2 =	sld [smem:$0x3F98]  }
0x29: {  	s4 =	sld [smem:$0x3F9A]  }
0x2a: {  	p0 =	seq.s32 s5, $0x0;
	s5 =	sld [smem:$0x3F9B]  }
0x2b: {  	s6 =	sld [smem:$0x3F9C]  }
0x2c: {  	s7 =	sld [smem:$0x3F9D]  }
0x2d: {  	s3 =	simm.s32 $0x108;
	s8 =	sld [smem:$0x3F9E]  }
0x2e: {  	s3 =	simm.s32 @!p0 $0x1082;
	s9 =	sld [smem:$0x3F9F]  }
0x2f: {  	lr =	sadd.s32 s0, s3;
	s0 =	sld [smem:$0x3F96]  }
0x30: {  	s3 =	sld [smem:$0x3F99]  }
0x31: {  	[smem:$0x3FA2] =	sst s10  }
0x32: {  	s10 =	sld [smem:$0x3FA0];
	_ =	sdelay $0x3  }
0x33: {  	p0 =	seq.s32 s10, $0x1;
	s10 =	sld [smem:$0x3FA2];
	_ =	sdelay $0x3  }
0x34: {  	[smem:$0x3FA2] =	sst s10  }
0x35: {  	s10 =	sld [smem:$0x3FA1];
	_ =	sdelay $0x3  }
0x36: {  	p1 =	seq.s32 s10, $0x1;
	s10 =	sld [smem:$0x3FA2];
	_ =	sdelay $0x3  }
0x37: {  	[smem:$0x3FA2] =	sst s10  }
0x38: {  	s10 =	sld [smem:$0x3FA3]  }
0x39: {  	_ = 	snop;
	(pc) =	sbr.ind lr, $3  }
0x3a: {  	_ = 	snop  }
0x3b: {  	_ = 	snop  }
0x3c: {  	p2 =	seq.s32 s10, $0x1;
	s10 =	sld [smem:$0x3FA2]  }
0x3d: {  	_ =	shalt  }
0x3e: {  	_ =	shalt  }
0x3f: {  	_ =	shalt  }
0x40: {  	_ =	shalt  }
0x41: {  	_ =	shalt  }
0x42: {  	_ =	shalt  }
0x43: {  	_ =	shalt  }
0x44: {  	_ =	shalt  }
0x45: {  	_ =	shalt  }
0x46: {  	_ =	shalt  }
0x47: {  	_ =	shalt  }
0x48: {  	_ =	shalt  }
0x49: {  	_ =	shalt  }
0x4a: {  	_ =	shalt  }
0x4b: {  	_ =	shalt  }
0x4c: {  	_ =	shalt  }
0x4d: {  	_ =	shalt  }
0x4e: {  	_ =	shalt  }
0x4f: {  	_ =	shalt  }
0x50: {  	_ =	shalt  }
0x51: {  	_ =	shalt  }
0x52: {  	_ =	shalt  }
0x53: {  	_ =	shalt  }
0x54: {  	_ =	shalt  }
0x55: {  	_ =	shalt  }
0x56: {  	_ =	shalt  }
0x57: {  	_ =	shalt  }
0x58: {  	_ =	shalt  }
0x59: {  	_ =	shalt  }
0x5a: {  	_ =	shalt  }
0x5b: {  	_ =	shalt  }
0x5c: {  	_ =	shalt  }
0x5d: {  	_ =	shalt  }
0x5e: {  	_ =	shalt  }
0x5f: {  	_ =	shalt  }
0x60: {  	_ =	shalt  }
0x61: {  	_ =	shalt  }
0x62: {  	_ =	shalt  }
0x63: {  	_ =	shalt  }
0x64: {  	_ =	shalt  }
0x65: {  	_ =	shalt  }
0x66: {  	_ =	shalt  }
0x67: {  	_ =	shalt  }
0x68: {  	_ =	shalt  }
0x69: {  	_ =	shalt  }
0x6a: {  	_ =	shalt  }
0x6b: {  	_ =	shalt  }
0x6c: {  	_ =	shalt  }
0x6d: {  	_ =	shalt  }
0x6e: {  	_ =	shalt  }
0x6f: {  	_ =	shalt  }
0x70: {  	_ =	shalt  }
0x71: {  	_ =	shalt  }
0x72: {  	_ =	shalt  }
0x73: {  	_ =	shalt  }
0x74: {  	_ =	shalt  }
0x75: {  	_ =	shalt  }
0x76: {  	_ =	shalt  }
0x77: {  	_ =	shalt  }
0x78: {  	_ =	shalt  }
0x79: {  	_ =	shalt  }
0x7a: {  	_ =	shalt  }
0x7b: {  	_ =	shalt  }
0x7c: {  	_ =	shalt  }
0x7d: {  	_ =	shalt  }
0x7e: {  	_ =	shalt  }
0x7f: {  	_ =	shalt  }
0x80: {  	_ =	shalt  }
0x81: {  	_ =	shalt  }
0x82: {  	_ =	shalt  }
0x83: {  	_ =	shalt  }
0x84: {  	_ =	shalt  }
0x85: {  	_ =	shalt  }
0x86: {  	_ =	shalt  }
0x87: {  	_ =	shalt  }
.Lfunc_end0:
.L_simem_size_0:
called_computation_lowered:
.L_overlay_start_0:
0x88: {  	s2 =	sld [smem:$0x3FD9]  }
0x89: {  	s3 =	sld [smem:$0x3FFE];
	_ =	sdelay $0x1  }
0x8a: {  	s1 =	srdreg.scid  }
0x8b: {  	s0 =	sand.u32 $0x1, s1  }
0x8c: {  	s17 =	sshll.u32 s0, $0xA;
	s2 =	sadd.s32 s3, s2  }
0x8d: {  	s2 =	sadd.s32 s2, s17  }
0x8e: {  	[smem:$0x3FAE] =	sst s2  }
0x8f: {  	_ = 	snop  }
0x90: {  	s2 =	sld [smem:$0x3FC0]  }
0x91: {  	s18 =	sld [smem:$0x3FD0];
	(tm) =	ssettm $0x1  }
0x92: {  	s4 =	sld [smem:$0x3FFB];
	_ =	sdelay $0x3  }
0x93: {  	_ =	strace s4  }
0x94: {  	s4 =	sld [smem:$0x3FFC];
	_ =	sdelay $0x3  }
0x95: {  	_ =	strace s4  }
0x96: {  	s4 =	sld [smem:$0x3FFD];
	_ =	sdelay $0x3  }
0x97: {  	_ =	strace s4  }
0x98: {  	_ =	strace $0x8FFFFFFF  }
0x99: {  	s19 =	sld [smem:$0x3FDB];
	_ =	sdelay $0x1  }
0x9a: {  	s5 =	simm.s32 $_scs_section_size  }
0x9b: {  	s6 =	simm.s32 $_size__tile_overlayer_lowered;
	s7 =	simm.s32 $_tile_overlayer_lowered  }
0x9c: {  	s22 =	simm.s32 $0x1BFF;
	s21 =	sshll.u32 s7, $0x1;
	s4 =	sadd.s32 s5, s19  }
0x9d: {  	s8 =	simm.s32 $0x0;
	s20 =	sshll.u32 s6, $0x1;
	s6 =	sadd.s32 s21, s4  }
0x9e: {  	[timem:s8], [sflag:s22] =	dma.local [hbm:s6], s20  }
0x9f: {  	_ =	swait.ge [sflag:s22], s20  }
0xa0: {  	s5 =	ssub.s32 $0x0, s20;
	[sflag:s22] =	ssyncset.done $0x0  }
0xa1: {  	[sflag:s22] =	ssyncadd.s32 s5;
	_ =	sdelay $0x1  }
0xa2: {  	s23 =	simm.s32 $0x1B8B  }
0xa3: {  	_ =	swait.ge [sflag:s23], $0x1  }
0xa4: {  	[sflag:s23] =	ssyncset.done $0x0  }
0xa5: {  	s25 =	simm.s32 $0x1B8E;
	s24 =	sld [smem:$0x3FFE];
	[sflag:s23] =	ssyncadd.s32 $0xFFFFFFFF  }
0xa6: {  	s26 =	simm.s32 $execute0_lowered;
	[smem:$0x3FD2] =	sst s25  }
0xa7: {  	s6 =	sshll.u32 s26, $0x1;
	_ =	strace $0x80000046;
	[dreg:$0x1] =	wrdreg $0xFFFFFFFF  }
0xa8: {  	s28 =	simm.s32 $_size_execute0_lowered;
	s4 =	sadd.s32 s4, s6;
	[dreg:$0x0] =	wrdreg $0x0  }
0xa9: {  	s6 =	sshll.u32 s28, $0x1;
	[dreg:$0x2] =	wrdreg s4  }
0xaa: {  	[dreg:$0x3] =	wrdreg s6  }
0xab: {  	[dreg:$0x4] =	wrdreg $0xC0  }
0xac: {  	_ =	task [dreg:s8], $0x5FFFF  }
0xad: {  	[dreg:$0x1] =	wrdreg $0xFFFFFFFF  }
0xae: {  	[dreg:$0x0] =	wrdreg $0x60  }
0xaf: {  	[dreg:$0x2] =	wrdreg s24  }
0xb0: {  	[dreg:$0x3] =	wrdreg s18  }
0xb1: {  	[dreg:$0x4] =	wrdreg s2  }
0xb2: {  	[dreg:$0x5] =	wrdreg $0xBE000  }
0xb3: {  	[dreg:$0x6] =	wrdreg $0x9  }
0xb4: {  	_ =	task.clear_ibuf [dreg:s8], $0x7FFFF;
	_ =	strace $0x90000046  }
0xb5: {  	s29 =	simm.s32 $0x9;
	_ =	strace $0x80000048  }
0xb6: {  	_ =	swait.ge [sflag:s29], $0x1  }
0xb7: {  	[sflag:s29] =	ssyncadd.s32 $0xFFFFFFFF  }
0xb8: {  	_ =	strace $0x90000048  }
0xb9: {  	_ =	sfence  }
0xba: {  	s30 =	sld [smem:$0x0];
	_ =	sdelay $0x2  }
0xbb: {  	s31 =	sshll.u32 s1, $0xD;
	s1 =	sshrl.u32 s1, $0x2  }
0xbc: {  	s3 =	sand.u32 $0x4000, s31;
	s1 =	sadd.s32 s1, s30  }
0xbd: {  	s0 =	sor.u32 s3, s0;
	s1 =	sshll.u32 s1, $0x11  }
0xbe: {  	s0 =	sor.u32 s1, s0  }
0xbf: {  	s0 =	sadd.s32 $0x8F2B, s0  }
0xc0: {  	[sflag:s0] =	ssyncadd.remote.s32 $0x1  }
0xc1: {  	_ =	sfence.sel $0xFFFF  }
0xc2: {  	[dreg:$0x0] =	wrdreg $0xFFFFFFFF;
	(pc) =	sbr.abs _section_cstart, $3  }
0xc3: {  	[dreg:$0x1] =	wrdreg $0xFFFFFFFF  }
0xc4: {  	_ =	task.clear_ibuf [dreg:s8], $0x2FFFF;
	_ =	strace $0x9FFFFFFF  }
0xc5: {  	(tm) =	ssettm $0x7FFFFFFF  }
tec
execute0_lowered:
.L_overlay_start_1:
0x0: {  	(tag) =	ssettag $0x1  }
0x1: {  	s0 =	rddreg [dreg:$0x0]  }
0x2: {  	s4 =	rddreg [dreg:$0x3];
	s6 =	simm.s32 $0x0  }
0x3: {  	[smem:$0x7FF] =	sst s6;
	s1 =	sadd.s32 $0x7C600, s0  }
0x4: {  	s5 =	sadd.s32 $0x7C000, s0;
	_ =	strace $0x80000047;
	[dreg:$0x5] =	wrdreg s1  }
0x5: {  	s15 =	srdreg.scid;
	s7 =	sadd.s32 $0x7C200, s0;
	[dreg:$0x9] =	wrdreg s5  }
0x6: {  	s8 =	stileid.u32;
	s17 =	sadd.s32 $0x7C400, s0;
	[dreg:$0xa] =	wrdreg s7  }
0x7: {  	s9 =	sadd.s32 $0x2C000, s0;
	s12 =	sadd.s32 $0xCA800, s0;
	[dreg:$0xb] =	wrdreg s17  }
0x8: {  	s10 =	sadd.s32 $0x4000, s0;
	s11 =	sadd.s32 $0x54000, s0;
	[dreg:$0xc] =	wrdreg s12  }
0x9: {  	s3 =	sshll.u32 s8, $0x1;
	s16 =	smul.u32 $0x14000, s8;
	[dreg:$0x6] =	wrdreg s9  }
0xa: {  	s19 =	smul.u32 $0x50000, s8;
	s1 =	sand.u32 $0x1, s15;
	[dreg:$0x7] =	wrdreg s10  }
0xb: {  	[dreg:$0x8] =	wrdreg s11;
	s2 =	smul.u32 $0x140000, s1;
	s3 =	sor.u32 s1, s3  }
0xc: {  	s1 =	ssub.s32 $0x2, s1;
	s22 =	sshrl.u32 s19, $0x2;
	s18 =	smul.u32 $0x500, s3  }
0xd: {  	s20 =	smul.u32 $0xA000, s3;
	s21 =	sshrl.u32 s1, $0x1;
	s3 =	sadd.s32 s22, s4  }
0xe: {  	s2 =	sadd.s32 s16, s2;
	s1 =	ssub.s32 s1, s21;
	[dreg:$0xe] =	wrdreg s3  }
0xf: {  	[dreg:$0xd] =	wrdreg s20;
	s23 =	sshrl.u32 s20, $0x3;
	s31 =	smax.u32 s1, $0x1  }
0x10: {  	v0 =	vlaneseq.u32;
	s2 =	sshrl.u32 s2, $0x3;
	s24 =	sadd.s32 s9, s23;
	[dreg:$0x17] =	wrdreg s31  }
0x11: {  	v3 =	vshrl.u32 v0, $0x3;
	v2 =	vand.u32 $0x7, v0;
	s20 =	simm.s32 $0x1480;
	s26 =	sadd.s32 s10, s23;
	[dreg:$0xf] =	wrdreg s24  }
0x12: {  	v1 =	vimm.f32 $0.0e+00;
	vm0 =	vmmov $0xffff;
	[tilespmem:$0x1FFB0] =	vst v2;
	v2 =	vmul.u32 $0x8, v3;
	s25 =	sor.u32 $0x10, s23;
	s28 =	sadd.s32 s11, s23;
	[dreg:$0x10] =	wrdreg s26  }
0x13: {  	vm2 =	vcmask $0xB08;
	vm3 =	vcmask $0xF0C;
	vm4 =	vcmask $0x1310;
	s1 =	simm.s32 $0x0;
	[dreg:$0x11] =	wrdreg s28;
	s29 =	sadd.s32 s9, s25  }
0x14: {  	vm5 =	vcmask $0x1714;
	vm6 =	vcmask $0x1B18;
	[tilespmem:$0x1FFC0] =	vst v2;
	v2 =	vimm.s32 $0x0;
	s2 =	sadd.s32 s2, s0;
	s30 =	sadd.s32 s10, s25;
	[dreg:$0x12] =	wrdreg s29  }
0x15: {  	vm7 =	vcmask $0x1F1C;
	vm8 =	vcmask $0x2320;
	v2 =	vsel vm0, $0xFFFFFFFF, v2;
	s0 =	sadd.s32 s18, s0;
	s3 =	sadd.s32 s11, s25;
	[dreg:$0x13] =	wrdreg s30  }
0x16: {  	vm9 =	vcmask $0x2724;
	vm10 =	vcmask $0x2B28;
	[tilespmem:$0x1FFD0] =	vst v2;
	v2 =	vor.u32 $0x8, v0;
	s23 =	simm.s32 $0x1400;
	s2 =	sadd.s32 $0xCD000, s2;
	[dreg:$0x14] =	wrdreg s3  }
0x17: {  	vm11 =	vcmask $0x2F2C;
	vm12 =	vcmask $0x3330;
	[tilespmem:$0x1FFE0] =	vst v2;
	v2 =	vor.u32 $0x10, v0;
	s0 =	sadd.s32 $0x11D000, s0;
	s25 =	simm.s32 $0x9600;
	[dreg:$0x15] =	wrdreg s2  }
0x18: {  	vm13 =	vcmask $0x3734;
	vm14 =	vcmask $0x3B38;
	vm15 =	vcmask $0x3F3C;
	[tilespmem:$0x1FFF0] =	vst v2;
	[dreg:$0x16] =	wrdreg s0;
	s2 =	simm.s32 $0x7;
	s3 =	simm.s32 $0x20  }
.LBB2_1:
0x19: {  	[dreg:$0x18] =	wrdreg s1  }
0x1a: {  	s0 =	rddreg [dreg:$0x9]  }
0x1b: {  	[tilespmem:s6], [sflag:$0x7] =	stream.linear.gather [hbm4b:s0+s6], $0x800, $0x38;
	[tilespmem:$0x1FE00] =	vst v63  }
0x1c: {  	_ =	swait.ge [sflag:s2], $0x800  }
0x1d: {  	[sflag:s2] =	ssyncset.done $0x0  }
0x1e: {  	s26 =	simm.s32 $0x800;
	s24 =	rddreg [dreg:$0xa];
	[sflag:s2] =	ssyncadd.s32 $0xFFFFF800  }
0x1f: {  	[tilespmem:s26], [sflag:$0x7] =	stream.linear.gather [hbm4b:s24+s6], $0x800, $0x38;
	[tilespmem:$0x1FE00] =	vst v63  }
0x20: {  	_ =	swait.ge [sflag:s2], $0x800  }
0x21: {  	[sflag:s2] =	ssyncset.done $0x0  }
0x22: {  	[sflag:s2] =	ssyncadd.s32 $0xFFFFF800  }
0x23: {  	s29 =	simm.s32 $0x1000;
	s28 =	rddreg [dreg:$0x2]  }
0x24: {  	[tilespmem:s29], [sflag:$0x7] =	stream.linear.gather [hbm4b:s28+s6], $0x80, $0x38;
	[tilespmem:$0x1FE00] =	vst v63  }
0x25: {  	_ =	swait.ge [sflag:s2], $0x80  }
0x26: {  	[sflag:s2] =	ssyncset.done $0x0  }
0x27: {  	s31 =	simm.s32 $0x1080;
	s30 =	rddreg [dreg:$0xb];
	[sflag:s2] =	ssyncadd.s32 $0xFFFFFF80  }
0x28: {  	[tilespmem:s31], [sflag:$0x7] =	stream.linear.gather [hbm4b:s30+s6], $0x80, $0x38;
	[tilespmem:$0x1FE00] =	vst v63  }
0x29: {  	_ =	swait.ge [sflag:s2], $0x80  }
0x2a: {  	[sflag:s2] =	ssyncset.done $0x0  }
0x2b: {  	s1 =	simm.s32 $0x200;
	s0 =	simm.s32 $0x0;
	[sflag:s2] =	ssyncadd.s32 $0xFFFFFF80  }
.LBB2_2:
0x2c: {  	p0 =	sne.s32 s1, $0x9E00;
	[tilespmem:s0+$0x9670] =	vst v1  }
0x2d: {  	[tilespmem:s0+$0x9600] =	vst v1  }
0x2e: {  	[tilespmem:s0+$0x9610] =	vst v1  }
.Ltmp0:
0x2f: {  	[tilespmem:s0+$0x9620] =	vst v1;
	(pc) =	sbr.rel @p0 .LBB2_2-.Ltmp0, $4  }
0x30: {  	[tilespmem:s0+$0x9630] =	vst v1  }
0x31: {  	[tilespmem:s0+$0x9640] =	vst v1  }
0x32: {  	[tilespmem:s0+$0x9650] =	vst v1  }
0x33: {  	[tilespmem:s0+$0x9660] =	vst v1;
	s0 =	sshra.s32 s1, $0x2;
	s1 =	sadd.s32 $0x200, s1  }
0x34: {  	[tilespmem:s0+$0x9670] =	vst v1  }
0x35: {  	[tilespmem:s0+$0x9600] =	vst v1  }
0x36: {  	[tilespmem:s0+$0x9610] =	vst v1  }
0x37: {  	[tilespmem:s0+$0x9620] =	vst v1  }
0x38: {  	[tilespmem:s0+$0x9630] =	vst v1;
	s1 =	stileid.u32;
	s5 =	rddreg [dreg:$0xe]  }
0x39: {  	[tilespmem:s0+$0x9640] =	vst v1;
	s6 =	rddreg [dreg:$0xc];
	s1 =	sshll.u32 s1, $0x6;
	s4 =	sshrl.u32 s5, $0x3  }
0x3a: {  	[tilespmem:s0+$0x9650] =	vst v1;
	s1 =	sor.u32 $0x1C07, s1;
	[dreg:$0x1a] =	wrdreg s4  }
0x3b: {  	[tilespmem:s0+$0x9660] =	vst v1;
	[dreg:$0x19] =	wrdreg s1  }
0x3c: {  	[spmem:s4], [sflag:s1] =	dma.local [hbm:s6], $0x2800  }
0x3d: {  	_ =	swait.ge [sflag:s2], $0x2800  }
0x3e: {  	[sflag:s2] =	ssyncset.done $0x0  }
0x3f: {  	[sflag:s2] =	ssyncadd.s32 $0xFFFFD800  }
0x40: {  	[bflag:$0x0] =	sbarrier.arrive $0xFFFF  }
0x41: {  	s7 =	simm.s32 $0x0;
	s9 =	simm.s32 $0x1100;
	s8 =	rddreg [dreg:$0xf]  }
0x42: {  	v7 =	vld [tilespmem:$0x1080];
	[tilespmem:s9], [sflag:$0x1] =	stream.linear.gather [hbm4b:s8+s7], $0x80, $0x38  }
0x43: {  	s11 =	simm.s32 $0x1200;
	s10 =	rddreg [dreg:$0x10]  }
0x44: {  	[tilespmem:s11], [sflag:$0x1] =	stream.linear.gather [hbm4b:s10+s7], $0x80, $0x38;
	[tilespmem:$0x1FE00] =	vst v63  }
0x45: {  	s13 =	simm.s32 $0x1300;
	s12 =	rddreg [dreg:$0x11]  }
0x46: {  	[tilespmem:s13], [sflag:$0x1] =	stream.linear.gather [hbm4b:s12+s7], $0x80, $0x38;
	[tilespmem:$0x1FE00] =	vst v63  }
0x47: {  	s15 =	simm.s32 $0x1180;
	s14 =	rddreg [dreg:$0x12]  }
0x48: {  	[tilespmem:s15], [sflag:$0x2] =	stream.linear.gather [hbm4b:s14+s7], $0x80, $0x38;
	[tilespmem:$0x1FE00] =	vst v63  }
0x49: {  	s17 =	simm.s32 $0x1280;
	s16 =	rddreg [dreg:$0x13]  }
0x4a: {  	[tilespmem:s17], [sflag:$0x2] =	stream.linear.gather [hbm4b:s16+s7], $0x80, $0x38;
	[tilespmem:$0x1FE00] =	vst v63  }
0x4b: {  	s19 =	simm.s32 $0x1380;
	s21 =	simm.s32 $0x1;
	s18 =	rddreg [dreg:$0x14]  }
0x4c: {  	[tilespmem:s19], [sflag:$0x2] =	stream.linear.gather [hbm4b:s18+s7], $0x80, $0x38;
	[tilespmem:$0x1FE00] =	vst v63  }
0x4d: {  	_ =	swait.ge [sflag:s21], $0x80  }
0x4e: {  	[sflag:s21] =	ssyncset.done $0x0  }
0x4f: {  	[sflag:s21] =	ssyncadd.s32 $0xFFFFFF80  }
0x50: {  	_ =	swait.ge [sflag:s21], $0x80  }
0x51: {  	[sflag:s21] =	ssyncset.done $0x0  }
0x52: {  	[sflag:s21] =	ssyncadd.s32 $0xFFFFFF80  }
0x53: {  	_ =	swait.ge [sflag:s21], $0x80  }
0x54: {  	[sflag:s21] =	ssyncset.done $0x0  }
0x55: {  	[sflag:s21] =	ssyncadd.s32 $0xFFFFFF80  }
0x56: {  	v6 =	vld [tilespmem:$0x1100];
	_ =	sdelay $0x2  }
0x57: {  	v2 =	vld [tilespmem:$0x1FFB0]  }
0x58: {  	v3 =	vld [tilespmem:$0x1FFC0]  }
0x59: {  	v4 =	vld [tilespmem:$0x1FFE0];
	v8 =	vshll.u32 v6, $0x1  }
0x5a: {  	v6 =	vand.u32 $0x7, v6;
	v8 =	vand.u32 $0xFFFFFFF0, v8  }
0x5b: {  	v6 =	vor.u32 v6, v8  }
0x5c: {  	v8 =	vperm.xlane v6, v2  }
0x5d: {  	v5 =	vld [tilespmem:$0x1FFD0]  }
0x5e: {  	v6 =	vperm.xlane v6, v4;
	v8 =	vadd.s32 v3, v8;
	_ =	sdelay $0x1  }
0x5f: {  	v6 =	vadd.s32 v3, v6;
	_ =	sdelay $0x1  }
0x60: {  	s24 =	simm.s32 $0x1600;
	s22 =	rddreg [dreg:$0x5];
	vm0 =	vnez.u8 v5  }
0x61: {  	[tilespmem:s24], [sflag:$0x3] =	stream.indirect_vreg.gather [hbm4b:s22+s7], $0x80, v8, vm0, $0xb8;
	[tilespmem:$0x1FE00] =	vst v63  }
0x62: {  	s26 =	simm.s32 $0x1E00  }
0x63: {  	[tilespmem:s26], [sflag:$0x3] =	stream.indirect_vreg.gather [hbm4b:s22+s7], $0x80, v6, vm0, $0xb8;
	[tilespmem:$0x1FE00] =	vst v63  }
0x64: {  	v6 =	vld [tilespmem:$0x1110];
	_ =	sdelay $0x4  }
0x65: {  	v8 =	vshll.u32 v6, $0x1  }
0x66: {  	v6 =	vand.u32 $0x7, v6;
	v8 =	vand.u32 $0xFFFFFFF0, v8  }
0x67: {  	v6 =	vor.u32 v6, v8  }
0x68: {  	v8 =	vperm.xlane v6, v2;
	_ =	sdelay $0x1  }
0x69: {  	v6 =	vperm.xlane v6, v4;
	v8 =	vadd.s32 v3, v8;
	_ =	sdelay $0x1  }
0x6a: {  	v6 =	vadd.s32 v3, v6;
	_ =	sdelay $0x1  }
0x6b: {  	s28 =	simm.s32 $0x2600  }
0x6c: {  	[tilespmem:s28], [sflag:$0x3] =	stream.indirect_vreg.gather [hbm4b:s22+s7], $0x80, v8, vm0, $0xb8;
	[tilespmem:$0x1FE00] =	vst v63  }
0x6d: {  	s29 =	simm.s32 $0x2E00;
	v2 =	vbroadcast v7, $0x0  }
0x6e: {  	[tilespmem:s29], [sflag:$0x3] =	stream.indirect_vreg.gather [hbm4b:s22+s7], $0x80, v6, vm0, $0xb8;
	[tilespmem:$0x1FE00] =	vst v63  }
0x6f: {  	s31 =	simm.s32 $0x5600;
	s30 =	rddreg [dreg:$0x1];
	[tilespmem:$0x1FFA0] =	vst v2;
	s7 =	simm.s32 $0x0  }
0x70: {  	v7 =	vbroadcast v7, $0x1;
	[tilespmem:s31], [sflag:$0x3] =	stream.indirect.gather [hbm4b:s30+s3], $0x80, s9, s3, $0xb8;
	[tilespmem:$0x1FE00] =	vst v63  }
.LBB2_4:
0x71: {  	s0 =	simm.s32 $0x3  }
0x72: {  	_ =	swait.ge [sflag:s0], $0x2000  }
0x73: {  	[sflag:s0] =	ssyncset.done $0x0  }
0x74: {  	[sflag:s0] =	ssyncadd.s32 $0xFFFFE000  }
0x75: {  	_ =	swait.ge [sflag:s0], $0x1000  }
0x76: {  	[sflag:s0] =	ssyncset.done $0x0  }
0x77: {  	s12 =	simm.s32 $0x2;
	[sflag:s0] =	ssyncadd.s32 $0xFFFFF000  }
0x78: {  	_ =	swait.ge [sflag:s12], $0x80  }
0x79: {  	[sflag:s12] =	ssyncset.done $0x0  }
0x7a: {  	[sflag:s12] =	ssyncadd.s32 $0xFFFFFF80  }
0x7b: {  	_ =	swait.ge [sflag:s12], $0x80  }
0x7c: {  	[sflag:s12] =	ssyncset.done $0x0  }
0x7d: {  	[sflag:s12] =	ssyncadd.s32 $0xFFFFFF80  }
0x7e: {  	_ =	swait.ge [sflag:s12], $0x80  }
0x7f: {  	[sflag:s12] =	ssyncset.done $0x0  }
0x80: {  	[sflag:s12] =	ssyncadd.s32 $0xFFFFFF80  }
0x81: {  	v8 =	vld [tilespmem:$0x1180];
	_ =	sdelay $0x2  }
0x82: {  	v2 =	vld [tilespmem:$0x1FFB0]  }
0x83: {  	v3 =	vld [tilespmem:$0x1FFC0]  }
0x84: {  	v4 =	vld [tilespmem:$0x1FFE0];
	v9 =	vshll.u32 v8, $0x1  }
0x85: {  	v8 =	vand.u32 $0x7, v8;
	v9 =	vand.u32 $0xFFFFFFF0, v9  }
0x86: {  	v8 =	vor.u32 v8, v9  }
0x87: {  	v9 =	vperm.xlane v8, v2  }
0x88: {  	v5 =	vld [tilespmem:$0x1FFD0]  }
0x89: {  	v8 =	vperm.xlane v8, v4;
	v9 =	vadd.s32 v3, v9;
	_ =	sdelay $0x1  }
0x8a: {  	v8 =	vadd.s32 v3, v8;
	_ =	sdelay $0x1  }
0x8b: {  	s21 =	simm.s32 $0x0;
	s1 =	simm.s32 $0x3600;
	s13 =	rddreg [dreg:$0x5];
	vm0 =	vnez.u8 v5  }
0x8c: {  	[tilespmem:s1], [sflag:$0x4] =	stream.indirect_vreg.gather [hbm4b:s13+s21], $0x80, v9, vm0, $0xb8;
	[tilespmem:$0x1FE00] =	vst v63  }
0x8d: {  	s14 =	simm.s32 $0x3E00  }
0x8e: {  	[tilespmem:s14], [sflag:$0x4] =	stream.indirect_vreg.gather [hbm4b:s13+s21], $0x80, v8, vm0, $0xb8;
	[tilespmem:$0x1FE00] =	vst v63  }
0x8f: {  	v8 =	vld [tilespmem:$0x1190];
	_ =	sdelay $0x4  }
0x90: {  	v9 =	vshll.u32 v8, $0x1  }
0x91: {  	v8 =	vand.u32 $0x7, v8;
	v9 =	vand.u32 $0xFFFFFFF0, v9  }
0x92: {  	v8 =	vor.u32 v8, v9  }
0x93: {  	v9 =	vperm.xlane v8, v2;
	_ =	sdelay $0x1  }
0x94: {  	v8 =	vperm.xlane v8, v4;
	v9 =	vadd.s32 v3, v9;
	_ =	sdelay $0x1  }
0x95: {  	v8 =	vadd.s32 v3, v8;
	_ =	sdelay $0x1  }
0x96: {  	s15 =	simm.s32 $0x4600  }
0x97: {  	[tilespmem:s15], [sflag:$0x4] =	stream.indirect_vreg.gather [hbm4b:s13+s21], $0x80, v9, vm0, $0xb8;
	[tilespmem:$0x1FE00] =	vst v63  }
0x98: {  	s16 =	simm.s32 $0x4E00;
	s18 =	simm.s32 $0x1180;
	p0 =	seq.s32 s7, $0x0  }
0x99: {  	[tilespmem:s16], [sflag:$0x4] =	stream.indirect_vreg.gather [hbm4b:s13+s21], $0x80, v8, vm0, $0xb8;
	[tilespmem:$0x1FE00] =	vst v63  }
0x9a: {  	s2 =	simm.s32 $0x6600;
	s0 =	simm.s32 @!p0 $0x5;
	s17 =	rddreg [dreg:$0x1]  }
0x9b: {  	[tilespmem:s2], [sflag:$0x4] =	stream.indirect.gather [hbm4b:s17+s3], $0x80, s18, s3, $0xb8;
	[tilespmem:$0x1FE00] =	vst v63  }
0x9c: {  	_ =	swait.ge @!p0 [sflag:s0], $0x1000  }
0x9d: {  	[sflag:s0] =	ssyncset.done @!p0 $0x0  }
0x9e: {  	s4 =	simm.s32 $0x1200;
	[sflag:s0] =	ssyncadd.s32 @!p0 $0xFFFFF000  }
0x9f: {  	v8 =	vld.idx.msk [tilespmem:v0+s4+$0x0], $0xffff;
	_ =	sdelay $0x3  }
0xa0: {  	v2 =	vld [tilespmem:$0x1FFF0]  }
0xa1: {  	s5 =	simm.s32 $0x1300;
	[tilespmem:v0+s23+$0x0] =	vst.idx.msk $0xffff, v8  }
0xa2: {  	v8 =	vld.idx.msk [tilespmem:v0+s5+$0x0], $0xffff;
	_ =	sdelay $0x3  }
0xa3: {  	s6 =	simm.s32 $0x1500  }
0xa4: {  	[tilespmem:v0+s6+$0x0] =	vst.idx.msk $0xffff, v8  }
0xa5: {  	v8 =	vld.idx.msk [tilespmem:v2+s4+$0x0], $0xffff;
	_ =	sdelay $0x4  }
0xa6: {  	s2 =	sshll.u32 s7, $0x8;
	[tilespmem:v2+s23+$0x0] =	vst.idx.msk $0xffff, v8  }
0xa7: {  	s19 =	sadd.s32 $0x100, s2;
	v8 =	vld.idx.msk [tilespmem:v2+s5+$0x0], $0xffff  }
0xa8: {  	s22 =	sand.u32 $0x1FC00, s19;
	s24 =	rddreg [dreg:$0xd]  }
0xa9: {  	s1 =	sadd.s32 s24, s22;
	s0 =	sand.u32 $0x300, s19  }
0xaa: {  	s0 =	sor.u32 s0, s1  }
0xab: {  	s28 =	simm.s32 $0x1100;
	s26 =	rddreg [dreg:$0x6];
	s0 =	sshrl.u32 s0, $0x3  }
0xac: {  	s29 =	simm.s32 $0x0;
	s30 =	rddreg [dreg:$0x7];
	s1 =	sadd.s32 s26, s0;
	[tilespmem:v2+s6+$0x0] =	vst.idx.msk $0xffff, v8  }
0xad: {  	[tilespmem:s28], [sflag:$0x1] =	stream.linear.gather [hbm4b:s1+s29], $0x80, $0x38;
	[tilespmem:$0x1FE00] =	vst v63  }
0xae: {  	s31 =	rddreg [dreg:$0x8];
	s1 =	sadd.s32 s30, s0  }
0xaf: {  	[tilespmem:s4], [sflag:$0x1] =	stream.linear.gather [hbm4b:s1+s29], $0x80, $0x38;
	[tilespmem:$0x1FE00] =	vst v63  }
0xb0: {  	s0 =	sadd.s32 s31, s0  }
0xb1: {  	[tilespmem:s5], [sflag:$0x1] =	stream.linear.gather [hbm4b:s0+s29], $0x80, $0x38;
	[tilespmem:$0x1FE00] =	vst v63  }
0xb2: {  	v8 =	vld [tilespmem:$0x1000]  }
0xb3: {  	v9 =	vld [tilespmem:$0x1010]  }
0xb4: {  	v10 =	vld [tilespmem:$0x1020]  }
0xb5: {  	v11 =	vld [tilespmem:$0x1030]  }
0xb6: {  	v12 =	vld [tilespmem:$0x1040]  }
0xb7: {  	v13 =	vld [tilespmem:$0x1050]  }
0xb8: {  	v14 =	vld [tilespmem:$0x1060]  }
0xb9: {  	p2 =	por $0x1, $0x1;
	[dreg:$0x1b] =	wrdreg s7;
	s26 =	simm.s32 $0x0;
	v15 =	vld [tilespmem:$0x1070]  }
.LBB2_5:
0xba: {  	s0 =	sshll.u32 s26, $0x9  }
0xbb: {  	s10 =	sshra.s32 s0, $0x2  }
0xbc: {  	s1 =	sadd.s32 $0x5680, s10  }
0xbd: {  	v16 =	vld [tilespmem:s1+$0x70]  }
0xbe: {  	v17 =	vld [tilespmem:s1+$0xFFFFFFF0]  }
0xbf: {  	v18 =	vld [tilespmem:s1+$0x60]  }
0xc0: {  	v19 =	vld [tilespmem:s1+$0xFFFFFFE0]  }
0xc1: {  	v20 =	vld [tilespmem:s1+$0x50]  }
0xc2: {  	v21 =	vld [tilespmem:s1+$0xFFFFFFD0]  }
0xc3: {  	v22 =	vld [tilespmem:s1+$0x40]  }
0xc4: {  	v23 =	vld [tilespmem:s1+$0xFFFFFFC0]  }
0xc5: {  	s11 =	sshll.u32 s26, $0x2;
	v24 =	vld [tilespmem:s1+$0x30]  }
0xc6: {  	s11 =	sshra.s32 s11, $0x2;
	v25 =	vld [tilespmem:s1+$0xFFFFFFB0]  }
0xc7: {  	s0 =	sadd.s32 $0x1501, s11;
	v26 =	vld [tilespmem:s1+$0x20]  }
0xc8: {  	v27 =	vld [tilespmem:s0+$0x0]  }
0xc9: {  	v28 =	vld [tilespmem:s0+$0xFFFFFFFF]  }
0xca: {  	v29 =	vld [tilespmem:s1+$0xFFFFFFA0]  }
0xcb: {  	s5 =	sshll.u32 s26, $0x8;
	s3 =	simm.s32 $0x0;
	v30 =	vld [tilespmem:s1+$0x10]  }
0xcc: {  	s7 =	sand.u32 $0x1800, s5;
	s8 =	sand.u32 $0x300, s3;
	v31 =	vld [tilespmem:s1+$0xFFFFFF90]  }
0xcd: {  	s7 =	sor.u32 s8, s7;
	v32 =	vld [tilespmem:s1+$0x0];
	(v2sf) =	vpush v27, $0x0  }
0xce: {  	v33 =	vld [tilespmem:s7+$0x1660]  }
0xcf: {  	v34 =	vld [tilespmem:s7+$0x1650]  }
0xd0: {  	v35 =	vld [tilespmem:s7+$0x1640]  }
0xd1: {  	v36 =	vld [tilespmem:s7+$0x1630]  }
0xd2: {  	s9 =	simm.s32 $0x80;
	s12 =	sadd.s32 $0x100, s5;
	v37 =	vld [tilespmem:s7+$0x1620];
	(v2sf) =	vpush v28, $0x0  }
0xd3: {  	s9 =	sand.u32 $0x380, s9;
	s8 =	sand.u32 $0x1800, s12;
	v38 =	vld [tilespmem:s7+$0x1610]  }
0xd4: {  	v39 =	vld [tilespmem:s7+$0x1600];
	s13 =	sor.u32 s9, s8  }
0xd5: {  	v40 =	vld [tilespmem:s13+$0x1670]  }
0xd6: {  	v41 =	vld [tilespmem:s13+$0x1660]  }
0xd7: {  	v42 =	vld [tilespmem:s13+$0x1650]  }
0xd8: {  	v43 =	vld [tilespmem:s13+$0x1640]  }
0xd9: {  	v44 =	vld [tilespmem:s13+$0x1630]  }
0xda: {  	v45 =	vld [tilespmem:s13+$0x1620]  }
0xdb: {  	v46 =	vld [tilespmem:s13+$0x1610]  }
0xdc: {  	v47 =	vld [tilespmem:s13+$0x1600];
	s14 =	spop (v2sf)  }
0xdd: {  	v27 =	vld [tilespmem:s1+$0xFFFFFF80];
	s8 =	sshll.u32 s14, $0x9  }
0xde: {  	v28 =	vld [tilespmem:s7+$0x1670];
	s8 =	sshra.s32 s8, $0x2  }
0xdf: {  	v19 =	vadd.f32 v19, v33;
	v48 =	vld [tilespmem:s8+$0x70]  }
0xe0: {  	v21 =	vadd.f32 v21, v34;
	v23 =	vadd.f32 v23, v35;
	v57 =	vld [tilespmem:s8+$0x60]  }
0xe1: {  	v59 =	vadd.f32 v25, v36;
	v60 =	vadd.f32 v29, v37;
	s15 =	spop (v2sf);
	v25 =	vld [tilespmem:s8+$0x50]  }
0xe2: {  	v37 =	vadd.f32 v31, v38;
	v16 =	vadd.f32 v16, v40;
	s16 =	sshll.u32 s15, $0x9;
	v62 =	vld [tilespmem:s8+$0x40]  }
0xe3: {  	v20 =	vadd.f32 v20, v42;
	v18 =	vadd.f32 v18, v41;
	s7 =	sshra.s32 s16, $0x2;
	v51 =	vld [tilespmem:s8+$0x30]  }
0xe4: {  	v24 =	vadd.f32 v24, v44;
	v22 =	vadd.f32 v22, v43;
	v49 =	vld [tilespmem:s7+$0x70]  }
0xe5: {  	v50 =	vadd.f32 v30, v46;
	v52 =	vadd.f32 v26, v45;
	v61 =	vld [tilespmem:s7+$0x50]  }
0xe6: {  	v32 =	vadd.f32 v32, v47;
	v38 =	vadd.f32 v27, v39;
	v53 =	vld [tilespmem:s7+$0x30]  }
0xe7: {  	v17 =	vadd.f32 v17, v28;
	v63 =	vld [tilespmem:s7+$0x40];
	v31 =	vadd.f32 v48, v16  }
0xe8: {  	v58 =	vld [tilespmem:s7+$0x60];
	v29 =	vadd.f32 v57, v18;
	v27 =	vadd.f32 v25, v20  }
0xe9: {  	v25 =	vadd.f32 v62, v22;
	v22 =	vadd.f32 v51, v24  }
0xea: {  	v55 =	vld [tilespmem:s8+$0x0];
	v28 =	vadd.f32 v49, v17;
	v26 =	vadd.f32 v61, v21;
	v56 =	vmul.f32 v31, v31  }
0xeb: {  	v16 =	vld [tilespmem:s8+$0x20];
	v18 =	vadd.f32 v53, v59;
	v59 =	vmul.f32 v29, v29;
	v61 =	vmul.f32 v27, v27  }
0xec: {  	v54 =	vld [tilespmem:s7+$0x10];
	v23 =	vadd.f32 v63, v23;
	v63 =	vmul.f32 v25, v25;
	v49 =	vmul.f32 v22, v22  }
0xed: {  	v57 =	vld [tilespmem:s7+$0x0];
	v30 =	vadd.f32 v58, v19;
	v58 =	vmul.f32 v28, v28;
	v62 =	vmul.f32 v26, v26  }
0xee: {  	v17 =	vld [tilespmem:s7+$0x20];
	v48 =	vmul.f32 v23, v23;
	v45 =	vmul.f32 v18, v18  }
0xef: {  	v24 =	vadd.f32 v55, v32;
	v21 =	vld [tilespmem:s8+$0x10];
	v35 =	vmul.f32 $3.567740690e-02, v56;
	v41 =	vmul.f32 $3.567740690e-02, v59  }
0xf0: {  	v43 =	vmul.f32 $3.567740690e-02, v61;
	v42 =	vmul.f32 $3.567740690e-02, v63;
	v19 =	vadd.f32 v16, v52  }
0xf1: {  	v16 =	vadd.f32 v54, v37;
	v54 =	vmul.f32 v24, v24;
	v40 =	vmul.f32 $3.567740690e-02, v58  }
0xf2: {  	v44 =	vmul.f32 $3.567740690e-02, v62;
	v33 =	vmul.f32 $3.567740690e-02, v48  }
0xf3: {  	v37 =	vmul.f32 $3.567740690e-02, v49;
	v45 =	vmul.f32 $3.567740690e-02, v45;
	v20 =	vadd.f32 v17, v60  }
0xf4: {  	v60 =	vmul.f32 v30, v30;
	v21 =	vadd.f32 v21, v50;
	v17 =	vadd.f32 v57, v38  }
0xf5: {  	v35 =	vadd.f32 $7.978845830e-01, v35;
	v41 =	vadd.f32 $7.978845830e-01, v41;
	v50 =	vmul.f32 v19, v19  }
0xf6: {  	v43 =	vadd.f32 $7.978845830e-01, v43;
	v53 =	vmul.f32 v16, v16;
	v46 =	vmul.f32 $3.567740690e-02, v54  }
0xf7: {  	v42 =	vadd.f32 $7.978845830e-01, v42;
	v51 =	vmul.f32 v20, v20;
	v52 =	vmul.f32 v21, v21  }
0xf8: {  	v40 =	vadd.f32 $7.978845830e-01, v40;
	v55 =	vmul.f32 v17, v17;
	v36 =	vmul.f32 $3.567740690e-02, v60  }
0xf9: {  	v44 =	vadd.f32 $7.978845830e-01, v44;
	v35 =	vmul.f32 v35, v31;
	v57 =	vmul.f32 v41, v29  }
0xfa: {  	v33 =	vadd.f32 $7.978845830e-01, v33;
	v43 =	vmul.f32 v43, v27;
	v32 =	vmul.f32 $3.567740690e-02, v50  }
0xfb: {  	v45 =	vadd.f32 $7.978845830e-01, v45;
	v39 =	vmul.f32 $3.567740690e-02, v53;
	v56 =	vmul.f32 v40, v28  }
0xfc: {  	v37 =	vadd.f32 $7.978845830e-01, v37;
	v44 =	vmul.f32 v44, v26;
	v33 =	vmul.f32 v33, v23  }
0xfd: {  	v46 =	vadd.f32 $7.978845830e-01, v46;
	v50 =	vmul.f32 v42, v25;
	v45 =	vmul.f32 v45, v18  }
0xfe: {  	s18 =	simm.s32 $0x100;
	s15 =	sadd.s32 $0x200, s5;
	v37 =	vmul.f32 v37, v22;
	v34 =	vmul.f32 $3.567740690e-02, v51;
	v36 =	vadd.f32 $7.978845830e-01, v36  }
0xff: {  	s19 =	sand.u32 $0x300, s18;
	s17 =	sand.u32 $0x1800, s15;
	v38 =	vmul.f32 $3.567740690e-02, v52;
	v35 =	vadd.f32 v35, v35;
	v58 =	vadd.f32 v57, v57  }
0x100: {  	s12 =	sadd.s32 $0x100, s1;
	s1 =	sadd.s32 $0x2, s0;
	s0 =	sor.u32 s19, s17;
	v47 =	vmul.f32 $3.567740690e-02, v55;
	v54 =	vadd.f32 v43, v43;
	v32 =	vadd.f32 $7.978845830e-01, v32  }
0x101: {  	v4 =	vld [tilespmem:s0+$0x1600];
	v39 =	vadd.f32 $7.978845830e-01, v39;
	v48 =	vadd.f32 v56, v56;
	v53 =	vmul.f32 v46, v24  }
0x102: {  	v49 =	vld [tilespmem:s12+$0xFFFFFFD0];
	v50 =	vadd.f32 v50, v50;
	v36 =	vmul.f32 v36, v30;
	v35 =	vmul.f32 $1.442695020e+00, v35  }
0x103: {  	v41 =	vld [tilespmem:s12+$0x60];
	v33 =	vadd.f32 v33, v33;
	v46 =	vmul.f32 $1.442695020e+00, v58;
	v54 =	vmul.f32 $1.442695020e+00, v54  }
0x104: {  	v40 =	vld [tilespmem:s12+$0x70];
	v37 =	vadd.f32 v37, v37;
	v32 =	vmul.f32 v32, v19;
	v39 =	vmul.f32 v39, v16  }
0x105: {  	v42 =	vld [tilespmem:s12+$0x50];
	v45 =	vadd.f32 v45, v45;
	v48 =	vmul.f32 $1.442695020e+00, v48;
	v50 =	vmul.f32 $1.442695020e+00, v50  }
0x106: {  	v51 =	vld [tilespmem:s12+$0xFFFFFFF0];
	v33 =	vmul.f32 $1.442695020e+00, v33;
	v37 =	vmul.f32 $1.442695020e+00, v37;
	v36 =	vadd.f32 v36, v36  }
0x107: {  	v52 =	vld [tilespmem:s12+$0xFFFFFFE0];
	v34 =	vadd.f32 $7.978845830e-01, v34;
	v45 =	vmul.f32 $1.442695020e+00, v45;
	(erf) = vpow2.f32 v35  }
0x108: {  	v43 =	vld [tilespmem:s12+$0x40];
	v59 =	vadd.f32 v44, v44;
	(erf) = vpow2.f32 v48;
	v36 =	vmul.f32 $1.442695020e+00, v36  }
0x109: {  	v55 =	vld [tilespmem:s12+$0x0];
	v38 =	vadd.f32 $7.978845830e-01, v38;
	v34 =	vmul.f32 v34, v20;
	(erf) = vpow2.f32 v46  }
0x10a: {  	v44 =	vld [tilespmem:s12+$0x30];
	v47 =	vadd.f32 $7.978845830e-01, v47;
	v35 =	vmul.f32 $1.442695020e+00, v59;
	(erf) = vpow2.f32 v36  }
0x10b: {  	v56 =	vld [tilespmem:s1+$0xFFFFFFFF];
	v38 =	vmul.f32 v38, v21;
	(erf) = vpow2.f32 v54  }
0x10c: {  	v58 =	vld [tilespmem:s0+$0x1660];
	v47 =	vmul.f32 v47, v17;
	v34 =	vadd.f32 v34, v34;
	(erf) = vpow2.f32 v35  }
0x10d: {  	v48 =	vld [tilespmem:s12+$0xFFFFFFC0];
	v32 =	vadd.f32 v32, v32;
	v60 =	vadd.f32 v38, v38;
	(erf) = vpow2.f32 v50  }
0x10e: {  	v61 =	vadd.f32 v39, v39;
	v46 =	vld [tilespmem:s12+$0x20];
	v34 =	vmul.f32 $1.442695020e+00, v34;
	(erf) = vpow2.f32 v33  }
0x10f: {  	v32 =	vmul.f32 $1.442695020e+00, v32;
	v36 =	vld [tilespmem:s12+$0xFFFFFFB0];
	(erf) = vpow2.f32 v37  }
0x110: {  	v47 =	vadd.f32 v47, v47;
	v54 =	vld [tilespmem:s12+$0xFFFFFF90];
	v62 =	vpop (erf);
	v37 =	vmul.f32 $1.442695020e+00, v61;
	(erf) = vpow2.f32 v45  }
0x111: {  	v63 =	vadd.f32 v53, v53;
	v35 =	vld [tilespmem:s12+$0xFFFFFFA0];
	v33 =	vmul.f32 $1.442695020e+00, v60;
	v60 =	vpop (erf);
	(erf) = vpow2.f32 v32  }
0x112: {  	v47 =	vmul.f32 $1.442695020e+00, v47;
	v32 =	vld [tilespmem:s1+$0x0];
	(erf) = vpow2.f32 v34;
	v34 =	vpop (erf)  }
0x113: {  	v39 =	vmul.f32 $1.442695020e+00, v63;
	v50 =	vld [tilespmem:s12+$0x10];
	v57 =	vpop (erf);
	(erf) = vpow2.f32 v33  }
0x114: {  	v27 =	vmul.f32 $5.000000000e-01, v27;
	v53 =	vadd.f32 $1.000000000e+00, v60;
	v33 =	vld [tilespmem:s0+$0x1670];
	(erf) = vpow2.f32 v37;
	v37 =	vpop (erf)  }
0x115: {  	v26 =	vmul.f32 $5.000000000e-01, v26;
	v45 =	vld [tilespmem:s12+$0xFFFFFF80];
	v38 =	vadd.f32 $1.000000000e+00, v62;
	v59 =	vpop (erf);
	(erf) = vpow2.f32 v39  }
0x116: {  	v25 =	vmul.f32 $5.000000000e-01, v25;
	v62 =	vld [tilespmem:s0+$0x1630];
	v34 =	vadd.f32 $1.000000000e+00, v34;
	(erf) = vpow2.f32 v47;
	v47 =	vpop (erf)  }
0x117: {  	v60 =	vld [tilespmem:s0+$0x1640];
	v37 =	vadd.f32 $1.000000000e+00, v37;
	(v2sf) =	vpush v32, $0x0;
	v61 =	vpop (erf);
	(erf) = vrcp.f32 v38  }
0x118: {  	s24 =	simm.s32 $0x180;
	s22 =	sadd.s32 $0x100, s15;
	v39 =	vld [tilespmem:s0+$0x1650];
	v59 =	vadd.f32 $1.000000000e+00, v59;
	v38 =	vadd.f32 $1.000000000e+00, v57;
	(erf) = vrcp.f32 v53;
	v53 =	vpop (erf)  }
0x119: {  	s7 =	sand.u32 $0x1800, s22;
	s8 =	sand.u32 $0x380, s24;
	v57 =	vld [tilespmem:s0+$0x1620];
	(v2sf) =	vpush v56, $0x0;
	v32 =	vadd.f32 v51, v33;
	v63 =	vpop (erf);
	(erf) = vrcp.f32 v34  }
0x11a: {  	s28 =	sor.u32 s8, s7;
	v61 =	vadd.f32 $1.000000000e+00, v61;
	v33 =	vadd.f32 v52, v58;
	v34 =	vld [tilespmem:s0+$0x1610];
	(erf) = vrcp.f32 v38;
	v2 =	vpop (erf)  }
0x11b: {  	v51 =	vld [tilespmem:s28+$0x1670];
	v53 =	vadd.f32 $1.000000000e+00, v53;
	v38 =	vadd.f32 $1.000000000e+00, v47;
	v47 =	vpop (erf);
	(erf) = vrcp.f32 v37  }
0x11c: {  	v52 =	vld [tilespmem:s28+$0x1660];
	v37 =	vadd.f32 v48, v60;
	(erf) = vrcp.f32 v59;
	v56 =	vpop (erf);
	v59 =	vadd.f32 $1.000000000e+00, v63  }
0x11d: {  	v48 =	vld [tilespmem:s28+$0x1640];
	v2 =	vadd.f32 $1.000000000e+00, v2;
	v58 =	vpop (erf);
	(erf) = vrcp.f32 v38;
	v38 =	vadd.f32 v49, v39  }
0x11e: {  	v49 =	vld [tilespmem:s28+$0x1650];
	v39 =	vadd.f32 v36, v62;
	v36 =	vadd.f32 v35, v57;
	(erf) = vrcp.f32 v61;
	v61 =	vpop (erf)  }
0x11f: {  	v35 =	vadd.f32 v54, v34;
	v34 =	vadd.f32 v45, v4;
	v4 =	vld [tilespmem:s28+$0x1600];
	v60 =	vpop (erf);
	(erf) = vrcp.f32 v53  }
0x120: {  	v47 =	vadd.f32 $1.000000000e+00, v47;
	v54 =	vadd.f32 $1.000000000e+00, v58;
	v53 =	vld [tilespmem:s28+$0x1630];
	(erf) = vrcp.f32 v59;
	v59 =	vpop (erf)  }
0x121: {  	v57 =	vld [tilespmem:s28+$0x1620];
	v56 =	vadd.f32 $1.000000000e+00, v56;
	v51 =	vadd.f32 v40, v51;
	v62 =	vpop (erf);
	(erf) = vrcp.f32 v2  }
0x122: {  	v61 =	vadd.f32 $1.000000000e+00, v61;
	v60 =	vadd.f32 $1.000000000e+00, v60;
	v2 =	vld [tilespmem:s28+$0x1610];
	(erf) = vrcp.f32 v47;
	v58 =	vpop (erf)  }
0x123: {  	v45 =	vadd.f32 v42, v49;
	v47 =	vadd.f32 v41, v52;
	v63 =	vpop (erf);
	(erf) = vrcp.f32 v56  }
0x124: {  	v40 =	vadd.f32 v55, v4;
	v55 =	vadd.f32 v58, v58;
	(erf) = vrcp.f32 v54;
	v54 =	vpop (erf)  }
0x125: {  	v42 =	vadd.f32 v44, v53;
	v44 =	vadd.f32 v43, v48;
	v49 =	vpop (erf);
	(erf) = vrcp.f32 v61  }
0x126: {  	v4 =	vmul.f32 $5.000000000e-01, v28;
	v43 =	vadd.f32 v46, v57;
	v46 =	vadd.f32 v62, v62;
	v48 =	vpop (erf)  }
0x127: {  	(erf) = vrcp.f32 v60;
	v41 =	vadd.f32 v50, v2;
	v2 =	vmul.f32 $5.000000000e-01, v31;
	v31 =	vpop (erf)  }
0x128: {  	v28 =	vmul.f32 $5.000000000e-01, v29;
	v53 =	vadd.f32 v63, v63;
	v54 =	vadd.f32 v54, v54;
	v29 =	vpop (erf)  }
0x129: {  	v23 =	vmul.f32 $5.000000000e-01, v23;
	v55 =	vsub.f32 $2.000000000e+00, v55;
	v50 =	vadd.f32 v59, v59;
	v62 =	vpop (erf)  }
0x12a: {  	v22 =	vmul.f32 $5.000000000e-01, v22;
	v49 =	vadd.f32 v49, v49;
	v46 =	vsub.f32 $2.000000000e+00, v46;
	v60 =	vpop (erf)  }
0x12b: {  	v18 =	vmul.f32 $5.000000000e-01, v18;
	v53 =	vsub.f32 $2.000000000e+00, v53;
	v48 =	vadd.f32 v48, v48;
	v61 =	vpop (erf)  }
0x12c: {  	v24 =	vmul.f32 $5.000000000e-01, v24;
	v54 =	vsub.f32 $2.000000000e+00, v54;
	v31 =	vadd.f32 v31, v31;
	v58 =	vpop (erf)  }
0x12d: {  	v30 =	vmul.f32 $5.000000000e-01, v30;
	v50 =	vsub.f32 $2.000000000e+00, v50;
	v49 =	vsub.f32 $2.000000000e+00, v49;
	v59 =	vpop (erf)  }
0x12e: {  	v19 =	vmul.f32 $5.000000000e-01, v19;
	v29 =	vadd.f32 v29, v29;
	v56 =	vadd.f32 v60, v60;
	v60 =	vpop (erf)  }
0x12f: {  	v16 =	vmul.f32 $5.000000000e-01, v16;
	v48 =	vsub.f32 $2.000000000e+00, v48;
	v60 =	vadd.f32 v60, v60  }
0x130: {  	v20 =	vmul.f32 $5.000000000e-01, v20;
	v52 =	vadd.f32 v62, v62;
	v57 =	vadd.f32 v61, v61;
	v61 =	vpop (erf)  }
0x131: {  	v21 =	vmul.f32 $5.000000000e-01, v21;
	v61 =	vadd.f32 v61, v61;
	v60 =	vsub.f32 $2.000000000e+00, v60  }
0x132: {  	v17 =	vmul.f32 $5.000000000e-01, v17;
	v31 =	vsub.f32 $2.000000000e+00, v31;
	v58 =	vadd.f32 v58, v58  }
0x133: {  	v59 =	vadd.f32 v59, v59;
	v24 =	vmul.f32 v60, v24;
	v60 =	vsub.f32 $2.000000000e+00, v61  }
0x134: {  	v4 =	vmul.f32 v46, v4;
	v29 =	vsub.f32 $2.000000000e+00, v29;
	v58 =	vsub.f32 $2.000000000e+00, v58  }
0x135: {  	v52 =	vsub.f32 $2.000000000e+00, v52;
	v62 =	vsub.f32 $2.000000000e+00, v59;
	v17 =	vmul.f32 v60, v17  }
0x136: {  	v56 =	vsub.f32 $2.000000000e+00, v56;
	v21 =	vmul.f32 v58, v21;
	v24 =	vmul.f32 v24, v8  }
0x137: {  	v63 =	vsub.f32 $2.000000000e+00, v57;
	v16 =	vmul.f32 v62, v16;
	v17 =	vmul.f32 v17, v8  }
0x138: {  	v19 =	vmul.f32 v56, v19;
	v21 =	vmul.f32 v21, v9;
	v24 =	vadd.f32 $0.0e+00, v24  }
0x139: {  	v20 =	vmul.f32 v63, v20;
	v16 =	vmul.f32 v16, v9;
	v17 =	vadd.f32 $0.0e+00, v17  }
0x13a: {  	v22 =	vmul.f32 v29, v22;
	v19 =	vmul.f32 v19, v10;
	v21 =	vadd.f32 v21, v24  }
0x13b: {  	s29 =	spop (v2sf);
	v18 =	vmul.f32 v52, v18;
	v16 =	vadd.f32 v16, v17;
	v17 =	vmul.f32 v20, v10  }
0x13c: {  	s30 =	spop (v2sf);
	s0 =	sshll.u32 s29, $0x9;
	v19 =	vadd.f32 v19, v21;
	v21 =	vmul.f32 v22, v11;
	v22 =	vmul.f32 v48, v25  }
0x13d: {  	s7 =	sshll.u32 s30, $0x9;
	s0 =	sshra.s32 s0, $0x2;
	v16 =	vadd.f32 v17, v16;
	v17 =	vmul.f32 v18, v11;
	v18 =	vmul.f32 v31, v23  }
0x13e: {  	s7 =	sshra.s32 s7, $0x2;
	v24 =	vld [tilespmem:s0+$0x70];
	v19 =	vadd.f32 v21, v19;
	v21 =	vmul.f32 v22, v12;
	v22 =	vmul.f32 v54, v27  }
0x13f: {  	v20 =	vld [tilespmem:s7+$0x70];
	v16 =	vadd.f32 v17, v16;
	v17 =	vmul.f32 v18, v12;
	v18 =	vmul.f32 v49, v26  }
0x140: {  	v25 =	vld [tilespmem:s0+$0x60];
	v19 =	vadd.f32 v21, v19;
	v21 =	vmul.f32 v22, v13;
	v22 =	vmul.f32 v55, v28  }
0x141: {  	v29 =	vld [tilespmem:s7+$0x40];
	v16 =	vadd.f32 v17, v16;
	v17 =	vmul.f32 v18, v13;
	v18 =	vmul.f32 v53, v30  }
0x142: {  	v2 =	vmul.f32 v50, v2;
	v23 =	vld [tilespmem:s7+$0x60];
	v19 =	vadd.f32 v21, v19;
	v21 =	vmul.f32 v22, v14  }
0x143: {  	v27 =	vld [tilespmem:s0+$0x50];
	v26 =	vadd.f32 v24, v51;
	v16 =	vadd.f32 v17, v16;
	v17 =	vmul.f32 v18, v14  }
0x144: {  	v2 =	vmul.f32 v2, v15;
	v57 =	vld [tilespmem:s0+$0x0];
	v31 =	vadd.f32 v20, v32;
	v19 =	vadd.f32 v21, v19  }
0x145: {  	v4 =	vmul.f32 v4, v15;
	v28 =	vld [tilespmem:s7+$0x50];
	v32 =	vadd.f32 v25, v47;
	v16 =	vadd.f32 v17, v16  }
0x146: {  	v20 =	vld [tilespmem:s0+$0x20];
	v25 =	vadd.f32 v29, v37;
	v2 =	vadd.f32 v2, v19  }
0x147: {  	v22 =	vld [tilespmem:s0+$0x40];
	v58 =	vmul.f32 v26, v26;
	v33 =	vadd.f32 v23, v33;
	v4 =	vadd.f32 v4, v16  }
0x148: {  	v30 =	vadd.f32 v27, v45;
	v27 =	vld [tilespmem:s0+$0x10];
	v59 =	vmul.f32 v31, v31;
	v60 =	vmul.f32 v32, v32;
	(xrf2) =	vadd.scan.msk.f32 $0xffff, v2  }
0x149: {  	v46 =	vmul.f32 v25, v25;
	v18 =	vld [tilespmem:s7+$0x30];
	v47 =	vmul.f32 $3.567740690e-02, v58;
	(xrf2) =	vadd.scan.msk.f32 $0xffff, v4  }
0x14a: {  	v21 =	vld [tilespmem:s0+$0x30];
	v28 =	vadd.f32 v28, v38;
	v61 =	vmul.f32 v33, v33;
	v62 =	vmul.f32 v30, v30  }
0x14b: {  	v51 =	vmul.f32 $3.567740690e-02, v59;
	v48 =	vmul.f32 $3.567740690e-02, v60;
	v17 =	vld [tilespmem:s7+$0x20];
	v23 =	vadd.f32 v20, v43  }
0x14c: {  	v29 =	vadd.f32 v22, v44;
	v63 =	vmul.f32 v28, v28;
	v50 =	vmul.f32 $3.567740690e-02, v61;
	v2 =	vld [tilespmem:s7+$0x10]  }
0x14d: {  	v49 =	vmul.f32 $3.567740690e-02, v62;
	v16 =	vor.u32 s26, v0;
	v20 =	vadd.f32 v27, v41;
	v4 =	vld [tilespmem:s7+$0x0]  }
0x14e: {  	v27 =	vadd.f32 v57, v40;
	v19 =	vadd.f32 v18, v39;
	v43 =	vmul.f32 v29, v29  }
0x14f: {  	v24 =	vadd.f32 v21, v42;
	v42 =	vmul.f32 v23, v23;
	v52 =	vmul.f32 $3.567740690e-02, v63  }
0x150: {  	v40 =	vmul.f32 v20, v20;
	v37 =	vmul.f32 v27, v27;
	v22 =	vadd.f32 v17, v36  }
0x151: {  	v45 =	vmul.f32 v24, v24;
	v44 =	vmul.f32 v19, v19;
	v18 =	vadd.f32 v2, v35  }
0x152: {  	s31 =	simm.s32 $0x1;
	v17 =	vimm.f32 $0.0e+00;
	v41 =	vmul.f32 v22, v22;
	v21 =	vadd.f32 v4, v34;
	v34, _, _ =	vpop (xrf2)  }
0x153: {  	v2 =	vmov s3;
	v35 =	vmov s31;
	v39 =	vmul.f32 v18, v18;
	v4, _, _ =	vpop (xrf2)  }
0x154: {  	p1 =	por p2, p2;
	s26 =	simm.s32 $0x4;
	v16 =	vld.idx.msk [tilespmem:v16+s23+$0x0], $0xffff;
	s3 =	simm.s32 $0x2;
	vm0 =	veq.s32 v2, v0;
	v38 =	vmul.f32 v21, v21;
	v36 =	vbroadcast v4, $0xF  }
.LBB2_6:
0x155: {  	p2 =	slt.u32 s26, $0xE;
	v2 =	vmul.f32 $3.567740690e-02, v46;
	v4 =	vmul.f32 $3.567740690e-02, v43;
	vm1 =	veq.s32 v35, v0  }
0x156: {  	v35 =	vmul.f32 $3.567740690e-02, v45;
	v34 =	vbroadcast v34, $0xF;
	v36 =	vnsel vm0, $0x0, v36  }
0x157: {  	v43 =	vmul.f32 $3.567740690e-02, v44;
	v42 =	vmul.f32 $3.567740690e-02, v42;
	v17 =	vadd.f32 v36, v17  }
0x158: {  	v44 =	vadd.f32 $7.978845830e-01, v47;
	v36 =	vadd.f32 $7.978845830e-01, v51;
	v34 =	vnsel vm1, $0x0, v34  }
0x159: {  	v41 =	vmul.f32 $3.567740690e-02, v41;
	v45 =	vadd.f32 $7.978845830e-01, v48;
	v17 =	vadd.f32 v34, v17  }
0x15a: {  	v40 =	vmul.f32 $3.567740690e-02, v40;
	v46 =	vadd.f32 $7.978845830e-01, v49;
	v34 =	vadd.f32 $7.978845830e-01, v50  }
0x15b: {  	v39 =	vmul.f32 $3.567740690e-02, v39;
	v47 =	vadd.f32 $7.978845830e-01, v52;
	v4 =	vadd.f32 $7.978845830e-01, v4  }
0x15c: {  	v37 =	vmul.f32 $3.567740690e-02, v37;
	v2 =	vadd.f32 $7.978845830e-01, v2;
	v35 =	vadd.f32 $7.978845830e-01, v35  }
0x15d: {  	v38 =	vmul.f32 $3.567740690e-02, v38;
	v43 =	vadd.f32 $7.978845830e-01, v43;
	v48 =	vadd.f32 $7.978845830e-01, v42  }
0x15e: {  	v41 =	vadd.f32 $7.978845830e-01, v41;
	v44 =	vmul.f32 v44, v26;
	v36 =	vmul.f32 v36, v31  }
0x15f: {  	v40 =	vadd.f32 $7.978845830e-01, v40;
	v45 =	vmul.f32 v45, v32;
	v49 =	vmul.f32 v34, v33  }
0x160: {  	v39 =	vadd.f32 $7.978845830e-01, v39;
	v46 =	vmul.f32 v46, v30;
	v47 =	vmul.f32 v47, v28  }
0x161: {  	s12 =	sadd.s32 $0x100, s12;
	v37 =	vadd.f32 $7.978845830e-01, v37;
	v2 =	vmul.f32 v2, v25;
	v4 =	vmul.f32 v4, v29  }
0x162: {  	v38 =	vadd.f32 $7.978845830e-01, v38;
	v50 =	vmul.f32 v43, v19;
	v51 =	vmul.f32 v35, v24;
	v42 =	vld [tilespmem:s12+$0x70]  }
0x163: {  	v41 =	vmul.f32 v41, v22;
	v48 =	vmul.f32 v48, v23;
	v44 =	vadd.f32 v44, v44;
	v34 =	vld [tilespmem:s12+$0xFFFFFFF0]  }
0x164: {  	v53 =	vmul.f32 v39, v18;
	v40 =	vmul.f32 v40, v20;
	v36 =	vadd.f32 v36, v36;
	v43 =	vld [tilespmem:s12+$0x60]  }
0x165: {  	v54 =	vmul.f32 v37, v27;
	v39 =	vadd.f32 v45, v45;
	v45 =	vmul.f32 $1.442695020e+00, v44;
	v35 =	vld [tilespmem:s12+$0xFFFFFFE0]  }
0x166: {  	v38 =	vmul.f32 v38, v21;
	v49 =	vadd.f32 v49, v49;
	v36 =	vmul.f32 $1.442695020e+00, v36;
	v44 =	vld [tilespmem:s12+$0x50]  }
0x167: {  	v52 =	vadd.f32 v46, v46;
	v55 =	vmul.f32 $1.442695020e+00, v39;
	v37 =	vld [tilespmem:s12+$0xFFFFFFD0];
	(erf) = vpow2.f32 v45  }
0x168: {  	v47 =	vadd.f32 v47, v47;
	v49 =	vmul.f32 $1.442695020e+00, v49;
	v46 =	vld [tilespmem:s12+$0x40];
	(erf) = vpow2.f32 v36  }
0x169: {  	v4 =	vadd.f32 v4, v4;
	v36 =	vmul.f32 $1.442695020e+00, v52;
	v39 =	vld [tilespmem:s12+$0xFFFFFFC0];
	(erf) = vpow2.f32 v55  }
0x16a: {  	v2 =	vadd.f32 v2, v2;
	v47 =	vmul.f32 $1.442695020e+00, v47;
	v45 =	vld [tilespmem:s12+$0x30];
	(erf) = vpow2.f32 v49  }
0x16b: {  	v51 =	vadd.f32 v51, v51;
	v4 =	vmul.f32 $1.442695020e+00, v4;
	v55 =	vld [tilespmem:s12+$0xFFFFFFB0];
	(erf) = vpow2.f32 v36  }
0x16c: {  	v2 =	vmul.f32 $1.442695020e+00, v2;
	v36 =	vadd.f32 v50, v50;
	v49 =	vld [tilespmem:s12+$0x20];
	(erf) = vpow2.f32 v47  }
0x16d: {  	v48 =	vadd.f32 v48, v48;
	v50 =	vmul.f32 $1.442695020e+00, v51;
	v47 =	vld [tilespmem:s12+$0xFFFFFFA0];
	(erf) = vpow2.f32 v4  }
0x16e: {  	v4 =	vadd.f32 v41, v41;
	v3 =	vmul.f32 $1.442695020e+00, v36;
	v51 =	vld [tilespmem:s12+$0x10];
	(erf) = vpow2.f32 v2  }
0x16f: {  	v40 =	vadd.f32 v40, v40;
	v41 =	vmul.f32 $1.442695020e+00, v48;
	v2 =	vld [tilespmem:s12+$0xFFFFFF90];
	(erf) = vpow2.f32 v50  }
0x170: {  	v48 =	vadd.f32 v53, v53;
	v5 =	vmul.f32 $1.442695020e+00, v4;
	v52 =	vld [tilespmem:s12+$0x0];
	(erf) = vpow2.f32 v3;
	v36 =	vpop (erf)  }
0x171: {  	s15 =	sadd.s32 $0x200, s15;
	s18 =	sadd.s32 $0x100, s18;
	s1 =	sadd.s32 $0x2, s1;
	v40 =	vmul.f32 $1.442695020e+00, v40;
	v53 =	vadd.f32 v54, v54;
	v50 =	vld [tilespmem:s12+$0xFFFFFF80];
	v54 =	vpop (erf);
	(erf) = vpow2.f32 v41  }
0x172: {  	s0 =	sand.u32 $0x1800, s15;
	s7 =	sand.u32 $0x300, s18;
	v38 =	vadd.f32 v38, v38;
	v3 =	vmul.f32 $1.442695020e+00, v48;
	v41 =	vld [tilespmem:s1+$0x0];
	(erf) = vpow2.f32 v5;
	v4 =	vpop (erf)  }
0x173: {  	s0 =	sor.u32 s7, s0;
	v53 =	vmul.f32 $1.442695020e+00, v53;
	v56 =	vld [tilespmem:s1+$0xFFFFFFFF];
	v57 =	vpop (erf);
	(erf) = vpow2.f32 v40  }
0x174: {  	v5 =	vmul.f32 $1.442695020e+00, v38;
	v40 =	vld [tilespmem:s0+$0x1670];
	(erf) = vpow2.f32 v3;
	v48 =	vpop (erf)  }
0x175: {  	v36 =	vadd.f32 $1.000000000e+00, v36;
	v58 =	vld [tilespmem:s0+$0x1660];
	v59 =	vpop (erf);
	(erf) = vpow2.f32 v53  }
0x176: {  	v3 =	vadd.f32 $1.000000000e+00, v54;
	v53 =	vld [tilespmem:s0+$0x1650];
	(erf) = vpow2.f32 v5;
	v38 =	vpop (erf)  }
0x177: {  	v4 =	vadd.f32 $1.000000000e+00, v4;
	v60 =	vld [tilespmem:s0+$0x1640];
	v61 =	vpop (erf);
	(erf) = vrcp.f32 v36  }
0x178: {  	v36 =	vadd.f32 $1.000000000e+00, v57;
	v62 =	vld [tilespmem:s0+$0x1630];
	(erf) = vrcp.f32 v3;
	v54 =	vpop (erf)  }
0x179: {  	s8 =	sadd.s32 $0x80, s18;
	s7 =	sadd.s32 $0x100, s15;
	v48 =	vadd.f32 $1.000000000e+00, v48;
	v57 =	vld [tilespmem:s0+$0x1620];
	v63 =	vpop (erf);
	(erf) = vrcp.f32 v4  }
0x17a: {  	s8 =	sand.u32 $0x380, s8;
	s7 =	sand.u32 $0x1800, s7;
	v4 =	vld [tilespmem:s0+$0x1610];
	(v2sf) =	vpush v41, $0x0;
	v41 =	vadd.f32 $1.000000000e+00, v59;
	(erf) = vrcp.f32 v36;
	v59 =	vpop (erf)  }
0x17b: {  	v38 =	vadd.f32 $1.000000000e+00, v38;
	v3 =	vld [tilespmem:s0+$0x1600];
	s0 =	sor.u32 s8, s7;
	(v2sf) =	vpush v56, $0x0;
	v56 =	vpop (erf);
	(erf) = vrcp.f32 v48  }
0x17c: {  	v40 =	vadd.f32 v34, v40;
	v34 =	vadd.f32 $1.000000000e+00, v61;
	v48 =	vld [tilespmem:s0+$0x1670];
	(erf) = vrcp.f32 v41;
	v61 =	vpop (erf)  }
0x17d: {  	v36 =	vadd.f32 v35, v58;
	v35 =	vadd.f32 $1.000000000e+00, v54;
	v58 =	vld [tilespmem:s0+$0x1660];
	v54 =	vpop (erf);
	(erf) = vrcp.f32 v38  }
0x17e: {  	v38 =	vadd.f32 v37, v53;
	v37 =	vadd.f32 $1.000000000e+00, v63;
	v53 =	vld [tilespmem:s0+$0x1650];
	(erf) = vrcp.f32 v34;
	v63 =	vpop (erf)  }
0x17f: {  	v39 =	vadd.f32 v39, v60;
	v34 =	vadd.f32 $1.000000000e+00, v59;
	v60 =	vld [tilespmem:s0+$0x1640];
	v59 =	vpop (erf);
	(erf) = vrcp.f32 v35  }
0x180: {  	v56 =	vadd.f32 $1.000000000e+00, v56;
	v41 =	vadd.f32 v55, v62;
	v55 =	vld [tilespmem:s0+$0x1630];
	(erf) = vrcp.f32 v37;
	v62 =	vpop (erf)  }
0x181: {  	v37 =	vadd.f32 v47, v57;
	v47 =	vadd.f32 $1.000000000e+00, v61;
	v57 =	vld [tilespmem:s0+$0x1620];
	v61 =	vpop (erf);
	(erf) = vrcp.f32 v34  }
0x182: {  	v5 =	vadd.f32 $1.000000000e+00, v54;
	v35 =	vadd.f32 v2, v4;
	v2 =	vld [tilespmem:s0+$0x1610];
	(erf) = vrcp.f32 v56;
	v54 =	vpop (erf)  }
0x183: {  	v34 =	vadd.f32 v50, v3;
	v56 =	vadd.f32 $1.000000000e+00, v63;
	v3 =	vld [tilespmem:s0+$0x1600];
	v63 =	vpop (erf);
	(erf) = vrcp.f32 v47  }
0x184: {  	v50 =	vadd.f32 v42, v48;
	v42 =	vadd.f32 $1.000000000e+00, v59;
	(erf) = vrcp.f32 v5;
	v4 =	vpop (erf)  }
0x185: {  	v48 =	vadd.f32 v43, v58;
	v47 =	vadd.f32 v44, v53;
	v53 =	vpop (erf);
	(erf) = vrcp.f32 v56  }
0x186: {  	v46 =	vadd.f32 v46, v60;
	v45 =	vadd.f32 v45, v55;
	(erf) = vrcp.f32 v42;
	v55 =	vpop (erf)  }
0x187: {  	v26 =	vmul.f32 $5.000000000e-01, v26;
	v44 =	vadd.f32 v49, v57;
	v43 =	vadd.f32 v51, v2;
	v2 =	vpop (erf)  }
0x188: {  	v31 =	vmul.f32 $5.000000000e-01, v31;
	v42 =	vadd.f32 v52, v3;
	v3 =	vmul.f32 $5.000000000e-01, v32;
	v49 =	vpop (erf)  }
0x189: {  	v51 =	vadd.f32 v62, v62;
	v32 =	vmul.f32 $5.000000000e-01, v33;
	v33 =	vadd.f32 v61, v61;
	s0 =	spop (v2sf);
	v52 =	vpop (erf)  }
0x18a: {  	v30 =	vmul.f32 $5.000000000e-01, v30;
	v54 =	vadd.f32 v54, v54;
	v56 =	vadd.f32 v63, v63;
	s7 =	spop (v2sf);
	v57 =	vpop (erf)  }
0x18b: {  	v28 =	vmul.f32 $5.000000000e-01, v28;
	v4 =	vadd.f32 v4, v4;
	v53 =	vadd.f32 v53, v53;
	v58 =	vpop (erf)  }
0x18c: {  	v29 =	vmul.f32 $5.000000000e-01, v29;
	v55 =	vadd.f32 v55, v55;
	v2 =	vadd.f32 v2, v2;
	v59 =	vpop (erf)  }
0x18d: {  	v25 =	vmul.f32 $5.000000000e-01, v25;
	v49 =	vadd.f32 v49, v49;
	v52 =	vadd.f32 v52, v52;
	v60 =	vpop (erf)  }
0x18e: {  	v24 =	vmul.f32 $5.000000000e-01, v24;
	v57 =	vadd.f32 v57, v57;
	v58 =	vadd.f32 v58, v58;
	v61 =	vpop (erf)  }
0x18f: {  	v19 =	vmul.f32 $5.000000000e-01, v19;
	v59 =	vadd.f32 v59, v59;
	v60 =	vadd.f32 v60, v60;
	v62 =	vpop (erf)  }
0x190: {  	v23 =	vmul.f32 $5.000000000e-01, v23;
	v61 =	vadd.f32 v61, v61;
	v62 =	vadd.f32 v62, v62  }
0x191: {  	v22 =	vmul.f32 $5.000000000e-01, v22;
	v51 =	vsub.f32 $2.000000000e+00, v51;
	v33 =	vsub.f32 $2.000000000e+00, v33  }
0x192: {  	v20 =	vmul.f32 $5.000000000e-01, v20;
	v54 =	vsub.f32 $2.000000000e+00, v54;
	v56 =	vsub.f32 $2.000000000e+00, v56  }
0x193: {  	v27 =	vmul.f32 $5.000000000e-01, v27;
	v4 =	vsub.f32 $2.000000000e+00, v4;
	v61 =	vsub.f32 $2.000000000e+00, v61  }
0x194: {  	v18 =	vmul.f32 $5.000000000e-01, v18;
	v53 =	vsub.f32 $2.000000000e+00, v53;
	v55 =	vsub.f32 $2.000000000e+00, v55  }
0x195: {  	v2 =	vsub.f32 $2.000000000e+00, v2;
	v59 =	vsub.f32 $2.000000000e+00, v59;
	v27 =	vmul.f32 v61, v27  }
0x196: {  	v21 =	vmul.f32 $5.000000000e-01, v21;
	v49 =	vsub.f32 $2.000000000e+00, v49;
	v61 =	vsub.f32 $2.000000000e+00, v62  }
0x197: {  	v57 =	vsub.f32 $2.000000000e+00, v57;
	v20 =	vmul.f32 v59, v20;
	v27 =	vmul.f32 v27, v8  }
0x198: {  	v52 =	vsub.f32 $2.000000000e+00, v52;
	v59 =	vsub.f32 $2.000000000e+00, v60;
	v21 =	vmul.f32 v61, v21  }
0x199: {  	v23 =	vmul.f32 v57, v23;
	v20 =	vmul.f32 v20, v9;
	v27 =	vadd.f32 $0.0e+00, v27  }
0x19a: {  	v57 =	vsub.f32 $2.000000000e+00, v58;
	v18 =	vmul.f32 v59, v18;
	v21 =	vmul.f32 v21, v8  }
0x19b: {  	v24 =	vmul.f32 v49, v24;
	v23 =	vmul.f32 v23, v10;
	v20 =	vadd.f32 v20, v27  }
0x19c: {  	s0 =	sshll.u32 s0, $0x9;
	v22 =	vmul.f32 v57, v22;
	v18 =	vmul.f32 v18, v9;
	v21 =	vadd.f32 $0.0e+00, v21  }
0x19d: {  	s8 =	sshll.u32 s7, $0x9;
	s7 =	sshra.s32 s0, $0x2;
	v20 =	vadd.f32 v23, v20;
	v23 =	vmul.f32 v24, v11;
	v24 =	vmul.f32 v55, v29  }
0x19e: {  	s0 =	sshra.s32 s8, $0x2;
	v19 =	vmul.f32 v52, v19;
	v18 =	vadd.f32 v18, v21;
	v21 =	vmul.f32 v22, v10;
	v27 =	vld [tilespmem:s7+$0x70]  }
0x19f: {  	v4 =	vmul.f32 v4, v30;
	v20 =	vadd.f32 v23, v20;
	v23 =	vmul.f32 v24, v12;
	v22 =	vld [tilespmem:s0+$0x70]  }
0x1a0: {  	v2 =	vmul.f32 v2, v25;
	v19 =	vmul.f32 v19, v11;
	v18 =	vadd.f32 v21, v18;
	v24 =	vld [tilespmem:s7+$0x60]  }
0x1a1: {  	v3 =	vmul.f32 v54, v3;
	v4 =	vmul.f32 v4, v13;
	v20 =	vadd.f32 v23, v20;
	v21 =	vld [tilespmem:s0+$0x60]  }
0x1a2: {  	v2 =	vmul.f32 v2, v12;
	v18 =	vadd.f32 v19, v18;
	v19 =	vmul.f32 v53, v28;
	v23 =	vld [tilespmem:s7+$0x50]  }
0x1a3: {  	v3 =	vmul.f32 v3, v14;
	v4 =	vadd.f32 v4, v20;
	v20 =	vmul.f32 v51, v26;
	v25 =	vld [tilespmem:s0+$0x50]  }
0x1a4: {  	v2 =	vadd.f32 v2, v18;
	v18 =	vmul.f32 v19, v13;
	v19 =	vmul.f32 v56, v32;
	v29 =	vld [tilespmem:s7+$0x40]  }
0x1a5: {  	v26 =	vadd.f32 v27, v50;
	v3 =	vadd.f32 v3, v4;
	v4 =	vmul.f32 v20, v15;
	v49 =	vld [tilespmem:s0+$0x40]  }
0x1a6: {  	v2 =	vadd.f32 v18, v2;
	v18 =	vmul.f32 v19, v14;
	v19 =	vmul.f32 v33, v31;
	v20 =	vld [tilespmem:s7+$0x30]  }
0x1a7: {  	v31 =	vadd.f32 v22, v40;
	v3 =	vadd.f32 v4, v3;
	v27 =	vld [tilespmem:s0+$0x30]  }
0x1a8: {  	v32 =	vadd.f32 v24, v48;
	v2 =	vadd.f32 v18, v2;
	v18 =	vmul.f32 v19, v15;
	v4 =	vld [tilespmem:s7+$0x20]  }
0x1a9: {  	v33 =	vadd.f32 v21, v36;
	v30 =	vadd.f32 v23, v47;
	v22 =	vld [tilespmem:s0+$0x20];
	(xrf2) =	vadd.scan.msk.f32 $0xffff, v3  }
0x1aa: {  	v2 =	vadd.f32 v18, v2;
	v28 =	vadd.f32 v25, v38;
	v3 =	vld [tilespmem:s7+$0x10]  }
0x1ab: {  	v29 =	vadd.f32 v29, v46;
	v25 =	vadd.f32 v49, v39;
	v18 =	vld [tilespmem:s0+$0x10]  }
0x1ac: {  	v36 =	vmul.f32 v26, v26;
	v24 =	vadd.f32 v20, v45;
	v19 =	vadd.f32 v27, v41;
	v21 =	vld [tilespmem:s7+$0x0];
	(xrf2) =	vadd.scan.msk.f32 $0xffff, v2  }
0x1ad: {  	v48 =	vmul.f32 v31, v31;
	v2 =	vld [tilespmem:s0+$0x0];
	v23 =	vadd.f32 v4, v44;
	v4 =	vmul.f32 v32, v32  }
0x1ae: {  	v52 =	vmul.f32 v30, v30;
	v49 =	vmul.f32 v33, v33;
	v22 =	vadd.f32 v22, v37  }
0x1af: {  	v53 =	vmul.f32 v28, v28;
	v20 =	vadd.f32 v3, v43;
	v43 =	vmul.f32 v29, v29  }
0x1b0: {  	v46 =	vmul.f32 v25, v25;
	v45 =	vmul.f32 v24, v24;
	v18 =	vadd.f32 v18, v35  }
0x1b1: {  	v44 =	vmul.f32 v19, v19;
	v27 =	vadd.f32 v21, v42;
	v42 =	vmul.f32 v23, v23  }
0x1b2: {  	v41 =	vmul.f32 v22, v22;
	v40 =	vmul.f32 v20, v20;
	v21 =	vadd.f32 v2, v34  }
.Ltmp1:
0x1b3: {  	v39 =	vmul.f32 v18, v18;
	v37 =	vmul.f32 v27, v27;
	v34, _, _ =	vpop (xrf2);
	(pc) =	sbr.rel @p2 .LBB2_6-.Ltmp1, $4  }
0x1b4: {  	v47 =	vmul.f32 $3.567740690e-02, v36;
	v38 =	vmul.f32 v21, v21  }
0x1b5: {  	v51 =	vmul.f32 $3.567740690e-02, v48;
	s0 =	sadd.s32 $0x1, s3;
	v48 =	vmul.f32 $3.567740690e-02, v4;
	v2 =	vmov s3;
	s3 =	smov.u32 s26  }
0x1b6: {  	v50 =	vmul.f32 $3.567740690e-02, v49;
	v49 =	vmul.f32 $3.567740690e-02, v52;
	v35 =	vmov s0;
	v3, _, _ =	vpop (xrf2)  }
0x1b7: {  	v52 =	vmul.f32 $3.567740690e-02, v53;
	s26 =	sadd.s32 $0x2, s26;
	vm0 =	veq.s32 v2, v0;
	v36 =	vbroadcast v3, $0xF  }
0x1b8: {  	v2 =	vmul.f32 $3.567740690e-02, v46  }
0x1b9: {  	v3 =	vmul.f32 $3.567740690e-02, v43;
	v4 =	vmul.f32 $3.567740690e-02, v45  }
0x1ba: {  	v56 =	vmul.f32 $3.567740690e-02, v44;
	v42 =	vmul.f32 $3.567740690e-02, v42  }
0x1bb: {  	v57 =	vadd.f32 $7.978845830e-01, v51;
	v58 =	vadd.f32 $7.978845830e-01, v47;
	v41 =	vmul.f32 $3.567740690e-02, v41  }
0x1bc: {  	v59 =	vadd.f32 $7.978845830e-01, v48;
	v60 =	vadd.f32 $7.978845830e-01, v50;
	v40 =	vmul.f32 $3.567740690e-02, v40  }
0x1bd: {  	v61 =	vadd.f32 $7.978845830e-01, v49;
	v39 =	vmul.f32 $3.567740690e-02, v39;
	v62 =	vadd.f32 $7.978845830e-01, v52  }
0x1be: {  	v37 =	vmul.f32 $3.567740690e-02, v37;
	v3 =	vadd.f32 $7.978845830e-01, v3;
	v2 =	vadd.f32 $7.978845830e-01, v2  }
0x1bf: {  	v38 =	vmul.f32 $3.567740690e-02, v38;
	v4 =	vadd.f32 $7.978845830e-01, v4;
	v43 =	vadd.f32 $7.978845830e-01, v56  }
0x1c0: {  	v42 =	vadd.f32 $7.978845830e-01, v42;
	v44 =	vmul.f32 v57, v31;
	v45 =	vmul.f32 v58, v26  }
0x1c1: {  	v41 =	vadd.f32 $7.978845830e-01, v41;
	v47 =	vmul.f32 v60, v33;
	v46 =	vmul.f32 v59, v32  }
0x1c2: {  	v40 =	vadd.f32 $7.978845830e-01, v40;
	v48 =	vmul.f32 v61, v30;
	v49 =	vmul.f32 v62, v28  }
0x1c3: {  	v39 =	vadd.f32 $7.978845830e-01, v39;
	v2 =	vmul.f32 v2, v25;
	v3 =	vmul.f32 v3, v29  }
0x1c4: {  	v37 =	vadd.f32 $7.978845830e-01, v37;
	v43 =	vmul.f32 v43, v19;
	v4 =	vmul.f32 v4, v24  }
0x1c5: {  	v38 =	vadd.f32 $7.978845830e-01, v38;
	v41 =	vmul.f32 v41, v22;
	v42 =	vmul.f32 v42, v23  }
0x1c6: {  	v45 =	vadd.f32 v45, v45;
	v39 =	vmul.f32 v39, v18;
	v44 =	vadd.f32 v44, v44  }
0x1c7: {  	v40 =	vmul.f32 v40, v20;
	v37 =	vmul.f32 v37, v27;
	v46 =	vadd.f32 v46, v46  }
0x1c8: {  	v38 =	vmul.f32 v38, v21;
	v47 =	vadd.f32 v47, v47;
	v45 =	vmul.f32 $1.442695020e+00, v45  }
0x1c9: {  	v48 =	vadd.f32 v48, v48;
	v44 =	vmul.f32 $1.442695020e+00, v44;
	v46 =	vmul.f32 $1.442695020e+00, v46  }
0x1ca: {  	v63 =	vadd.f32 v49, v49;
	v47 =	vmul.f32 $1.442695020e+00, v47;
	(erf) = vpow2.f32 v45  }
0x1cb: {  	v3 =	vadd.f32 v3, v3;
	v49 =	vmul.f32 $1.442695020e+00, v48;
	(erf) = vpow2.f32 v44  }
0x1cc: {  	v2 =	vadd.f32 v2, v2;
	v45 =	vmul.f32 $1.442695020e+00, v63;
	(erf) = vpow2.f32 v46  }
0x1cd: {  	v4 =	vadd.f32 v4, v4;
	v3 =	vmul.f32 $1.442695020e+00, v3;
	(erf) = vpow2.f32 v47  }
0x1ce: {  	v43 =	vadd.f32 v43, v43;
	v2 =	vmul.f32 $1.442695020e+00, v2;
	(erf) = vpow2.f32 v49  }
0x1cf: {  	v42 =	vadd.f32 v42, v42;
	v4 =	vmul.f32 $1.442695020e+00, v4;
	(erf) = vpow2.f32 v45  }
0x1d0: {  	v50 =	vmul.f32 $1.442695020e+00, v43;
	(erf) = vpow2.f32 v3;
	v3 =	vadd.f32 v41, v41  }
0x1d1: {  	v51 =	vmul.f32 $1.442695020e+00, v42;
	(erf) = vpow2.f32 v2;
	v2 =	vadd.f32 v40, v40  }
0x1d2: {  	(erf) = vpow2.f32 v4;
	v4 =	vadd.f32 v39, v39;
	v3 =	vmul.f32 $1.442695020e+00, v3  }
0x1d3: {  	v37 =	vadd.f32 v37, v37;
	(erf) = vpow2.f32 v50;
	v2 =	vmul.f32 $1.442695020e+00, v2  }
0x1d4: {  	v38 =	vadd.f32 v38, v38;
	v52 =	vpop (erf);
	(erf) = vpow2.f32 v51;
	v4 =	vmul.f32 $1.442695020e+00, v4  }
0x1d5: {  	v37 =	vmul.f32 $1.442695020e+00, v37;
	v53 =	vpop (erf);
	(erf) = vpow2.f32 v3  }
0x1d6: {  	v3 =	vpop (erf);
	(erf) = vpow2.f32 v2;
	v2 =	vmul.f32 $1.442695020e+00, v38  }
0x1d7: {  	v54 =	vpop (erf);
	(erf) = vpow2.f32 v4  }
0x1d8: {  	v55 =	vadd.f32 $1.000000000e+00, v52;
	v4 =	vpop (erf);
	(erf) = vpow2.f32 v37  }
0x1d9: {  	v57 =	vadd.f32 $1.000000000e+00, v53;
	v56 =	vpop (erf);
	(erf) = vpow2.f32 v2  }
0x1da: {  	v3 =	vadd.f32 $1.000000000e+00, v3;
	v2 =	vpop (erf);
	(erf) = vrcp.f32 v55  }
0x1db: {  	v59 =	vadd.f32 $1.000000000e+00, v54;
	v58 =	vpop (erf);
	(erf) = vrcp.f32 v57  }
0x1dc: {  	v4 =	vadd.f32 $1.000000000e+00, v4;
	v60 =	vpop (erf);
	(erf) = vrcp.f32 v3;
	v3 =	vadd.f32 $1.000000000e+00, v56  }
0x1dd: {  	v61 =	vpop (erf);
	(erf) = vrcp.f32 v59  }
0x1de: {  	v2 =	vadd.f32 $1.000000000e+00, v2;
	v62 =	vpop (erf);
	(erf) = vrcp.f32 v4;
	v4 =	vadd.f32 $1.000000000e+00, v58  }
0x1df: {  	v63 =	vpop (erf);
	(erf) = vrcp.f32 v3  }
0x1e0: {  	v37 =	vadd.f32 $1.000000000e+00, v60;
	v3 =	vpop (erf);
	(erf) = vrcp.f32 v2;
	v2 =	vadd.f32 $1.000000000e+00, v61  }
0x1e1: {  	v44 =	vpop (erf);
	(erf) = vrcp.f32 v4  }
0x1e2: {  	v38 =	vadd.f32 $1.000000000e+00, v62;
	v4 =	vpop (erf);
	(erf) = vrcp.f32 v37  }
0x1e3: {  	v46 =	vadd.f32 $1.000000000e+00, v63;
	v45 =	vpop (erf);
	(erf) = vrcp.f32 v2  }
0x1e4: {  	v3 =	vadd.f32 $1.000000000e+00, v3;
	v2 =	vpop (erf);
	(erf) = vrcp.f32 v38  }
0x1e5: {  	v47 =	vpop (erf);
	(erf) = vrcp.f32 v46  }
0x1e6: {  	v48 =	vadd.f32 $1.000000000e+00, v44;
	v49 =	vpop (erf);
	(erf) = vrcp.f32 v3;
	v3 =	vadd.f32 $1.000000000e+00, v45  }
0x1e7: {  	v26 =	vmul.f32 $5.000000000e-01, v26;
	v4 =	vadd.f32 $1.000000000e+00, v4;
	v50 =	vpop (erf)  }
0x1e8: {  	v31 =	vmul.f32 $5.000000000e-01, v31;
	(erf) = vrcp.f32 v48;
	v51 =	vpop (erf)  }
0x1e9: {  	v30 =	vmul.f32 $5.000000000e-01, v30;
	v2 =	vadd.f32 v2, v2;
	(erf) = vrcp.f32 v4;
	v52 =	vpop (erf)  }
0x1ea: {  	v28 =	vmul.f32 $5.000000000e-01, v28;
	v39 =	vadd.f32 v47, v47;
	(erf) = vrcp.f32 v3;
	v3 =	vpop (erf)  }
0x1eb: {  	v29 =	vmul.f32 $5.000000000e-01, v29;
	v37 =	vadd.f32 v49, v49;
	v2 =	vsub.f32 $2.000000000e+00, v2;
	v4 =	vpop (erf)  }
0x1ec: {  	v25 =	vmul.f32 $5.000000000e-01, v25;
	v41 =	vadd.f32 v50, v50;
	v39 =	vsub.f32 $2.000000000e+00, v39;
	v53 =	vpop (erf)  }
0x1ed: {  	v24 =	vmul.f32 $5.000000000e-01, v24;
	v38 =	vadd.f32 v51, v51;
	v37 =	vsub.f32 $2.000000000e+00, v37;
	v54 =	vpop (erf)  }
0x1ee: {  	v19 =	vmul.f32 $5.000000000e-01, v19;
	v40 =	vadd.f32 v52, v52;
	v41 =	vsub.f32 $2.000000000e+00, v41;
	v56 =	vpop (erf)  }
0x1ef: {  	v23 =	vmul.f32 $5.000000000e-01, v23;
	v3 =	vadd.f32 v3, v3;
	v38 =	vsub.f32 $2.000000000e+00, v38;
	v58 =	vpop (erf)  }
0x1f0: {  	v22 =	vmul.f32 $5.000000000e-01, v22;
	v4 =	vadd.f32 v4, v4;
	v40 =	vsub.f32 $2.000000000e+00, v40;
	v59 =	vpop (erf)  }
0x1f1: {  	v27 =	vmul.f32 $5.000000000e-01, v27;
	v42 =	vadd.f32 v53, v53;
	v3 =	vsub.f32 $2.000000000e+00, v3;
	v60 =	vpop (erf)  }
0x1f2: {  	v20 =	vmul.f32 $5.000000000e-01, v20;
	v43 =	vadd.f32 v54, v54;
	v4 =	vsub.f32 $2.000000000e+00, v4;
	v61 =	vpop (erf)  }
0x1f3: {  	v21 =	vmul.f32 $5.000000000e-01, v21;
	v44 =	vadd.f32 v56, v56;
	v62 =	vpop (erf);
	v48 =	vadd.f32 v61, v61  }
0x1f4: {  	v18 =	vmul.f32 $5.000000000e-01, v18;
	v42 =	vsub.f32 $2.000000000e+00, v42;
	v49 =	vadd.f32 v62, v62  }
0x1f5: {  	v55 =	vmul.f32 $5.000000000e-01, v32;
	v46 =	vadd.f32 v59, v59;
	v48 =	vsub.f32 $2.000000000e+00, v48  }
0x1f6: {  	v57 =	vmul.f32 $5.000000000e-01, v33;
	v47 =	vadd.f32 v60, v60;
	v63 =	vsub.f32 $2.000000000e+00, v49  }
0x1f7: {  	v45 =	vadd.f32 v58, v58;
	v46 =	vsub.f32 $2.000000000e+00, v46;
	v27 =	vmul.f32 v48, v27  }
0x1f8: {  	v43 =	vsub.f32 $2.000000000e+00, v43;
	v47 =	vsub.f32 $2.000000000e+00, v47;
	v21 =	vmul.f32 v63, v21  }
0x1f9: {  	v44 =	vsub.f32 $2.000000000e+00, v44;
	v20 =	vmul.f32 v46, v20;
	v27 =	vmul.f32 v27, v8  }
0x1fa: {  	v45 =	vsub.f32 $2.000000000e+00, v45;
	v18 =	vmul.f32 v47, v18;
	v21 =	vmul.f32 v21, v8  }
0x1fb: {  	v23 =	vmul.f32 v44, v23;
	v20 =	vmul.f32 v20, v9;
	v27 =	vadd.f32 $0.0e+00, v27  }
0x1fc: {  	v22 =	vmul.f32 v45, v22;
	v18 =	vmul.f32 v18, v9;
	v21 =	vadd.f32 $0.0e+00, v21  }
0x1fd: {  	v24 =	vmul.f32 v42, v24;
	v23 =	vmul.f32 v23, v10;
	v20 =	vadd.f32 v20, v27  }
0x1fe: {  	v19 =	vmul.f32 v43, v19;
	v18 =	vadd.f32 v18, v21;
	v21 =	vmul.f32 v22, v10  }
0x1ff: {  	v3 =	vmul.f32 v3, v29;
	v22 =	vmul.f32 v24, v11;
	v20 =	vadd.f32 v23, v20  }
0x200: {  	v4 =	vmul.f32 v4, v25;
	v19 =	vmul.f32 v19, v11;
	v18 =	vadd.f32 v21, v18  }
0x201: {  	v3 =	vmul.f32 v3, v12;
	v21 =	vmul.f32 v38, v30;
	v20 =	vadd.f32 v22, v20  }
0x202: {  	v4 =	vmul.f32 v4, v12;
	v18 =	vadd.f32 v19, v18;
	v19 =	vmul.f32 v40, v28  }
0x203: {  	v3 =	vadd.f32 v3, v20;
	v20 =	vmul.f32 v21, v13;
	v21 =	vmul.f32 v37, v55  }
0x204: {  	v4 =	vadd.f32 v4, v18;
	v18 =	vmul.f32 v19, v13;
	v19 =	vmul.f32 v41, v57  }
0x205: {  	v2 =	vmul.f32 v2, v26;
	v3 =	vadd.f32 v20, v3;
	v20 =	vmul.f32 v21, v14  }
0x206: {  	v4 =	vadd.f32 v18, v4;
	v18 =	vmul.f32 v19, v14;
	v19 =	vmul.f32 v39, v31  }
0x207: {  	v2 =	vmul.f32 v2, v15;
	v3 =	vadd.f32 v20, v3  }
0x208: {  	v4 =	vadd.f32 v18, v4;
	v18 =	vmul.f32 v19, v15  }
0x209: {  	v2 =	vadd.f32 v2, v3  }
0x20a: {  	v3 =	vadd.f32 v18, v4  }
0x20b: {  	(xrf2) =	vadd.scan.msk.f32 $0xffff, v2  }
0x20c: {  	(xrf2) =	vadd.scan.msk.f32 $0xffff, v3;
	_ =	sdelay $0x8  }
0x20d: {  	v2 =	vnsel vm0, $0x0, v36;
	v3 =	vbroadcast v34, $0xF;
	v4, _, _ =	vpop (xrf2)  }
0x20e: {  	vm0 =	veq.s32 v35, v0;
	v2 =	vadd.f32 v2, v17;
	v17, _, _ =	vpop (xrf2)  }
0x20f: {  	v18 =	vmov s3;
	v3 =	vnsel vm0, $0x0, v3;
	v17 =	vbroadcast v17, $0xF  }
0x210: {  	s0 =	sadd.s32 $0x1, s3;
	vm0 =	veq.s32 v18, v0;
	v2 =	vadd.f32 v3, v2  }
0x211: {  	v3 =	vmov s0;
	v4 =	vbroadcast v4, $0xF;
	v17 =	vnsel vm0, $0x0, v17  }
0x212: {  	vm0 =	veq.s32 v3, v0;
	v2 =	vadd.f32 v17, v2  }
0x213: {  	v3 =	vnsel vm0, $0x0, v4  }
0x214: {  	v2 =	vadd.f32 v3, v2;
	v3 =	vld [tilespmem:$0x1FFA0];
	_ =	sdelay $0x4  }
0x215: {  	v2 =	vadd.f32 v2, v3;
	_ =	sdelay $0x1  }
0x216: {  	v2 =	vadd.f32 v2, v2;
	_ =	sdelay $0x1  }
0x217: {  	v2 =	vmul.f32 $1.442695020e+00, v2;
	_ =	sdelay $0x1  }
0x218: {  	(erf) = vpow2.f32 v2;
	_ =	sdelay $0x8  }
0x219: {  	v2 =	vpop (erf)  }
0x21a: {  	v2 =	vadd.f32 $1.000000000e+00, v2;
	_ =	sdelay $0x1  }
0x21b: {  	(erf) = vrcp.f32 v2;
	_ =	sdelay $0x8  }
0x21c: {  	v2 =	vpop (erf)  }
0x21d: {  	v2 =	vadd.f32 v2, v2;
	_ =	sdelay $0x1  }
0x21e: {  	v2 =	vsub.f32 $1.000000000e+00, v2;
	_ =	sdelay $0x1  }
0x21f: {  	v2 =	vmul.f32 v2, v7;
	_ =	sdelay $0x1  }
0x220: {  	v17 =	vadd.f32 $1.000000000e+00, v2;
	_ =	sdelay $0x1  }
0x221: {  	s7 =	sadd.s32 $0x1502, s11;
	[tilespmem:$0x1580] =	vst v17  }
0x222: {  	v2 =	vld [tilespmem:s7+$0x1];
	_ =	sdelay $0x4  }
0x223: {  	(v2sf) =	vpush v2, $0x0;
	_ =	sdelay $0x3  }
0x224: {  	v2 =	vld [tilespmem:s7+$0xFFFFFFFE];
	_ =	sdelay $0x3  }
0x225: {  	v3 =	vld [tilespmem:s7+$0xFFFFFFFF]  }
0x226: {  	(v2sf) =	vpush v2, $0x0  }
0x227: {  	v4 =	vld [tilespmem:s7+$0x0];
	_ =	sdelay $0x2  }
0x228: {  	s0 =	sadd.s32 $0x200, s5;
	(v2sf) =	vpush v3, $0x0  }
0x229: {  	s1 =	simm.s32 $0x180;
	s13 =	sadd.s32 $0x100, s0  }
0x22a: {  	s1 =	sand.u32 $0x380, s1;
	s3 =	sand.u32 $0x1800, s13;
	(v2sf) =	vpush v4, $0x0;
	s8 =	spop (v2sf)  }
0x22b: {  	s9 =	sor.u32 s1, s3;
	s14 =	sshll.u32 s8, $0x9  }
0x22c: {  	v2 =	vld [tilespmem:s9+$0x1A00];
	s8 =	sshra.s32 s14, $0x2  }
0x22d: {  	v3 =	vld [tilespmem:s8+$0x800]  }
0x22e: {  	s12 =	simm.s32 $0x1582  }
0x22f: {  	v25 =	vld.msk [tilespmem:s12+$0x1 ss:$0x0], $0xffff  }
0x230: {  	p2 =	por $0x0, $0x0;
	s1 =	simm.s32 $0x1  }
0x231: {  	s1 =	simm.s32 @!p2 $0x0  }
0x232: {  	s1 =	sshll.u32 s1, $0x9;
	v2 =	vadd.f32 v3, v2  }
0x233: {  	s24 =	sadd.s32 s1, s5;
	v18 =	vld.msk [tilespmem:s12+$0xFFFFFFFE ss:$0x0], $0xffff;
	s15 =	spop (v2sf)  }
0x234: {  	s1 =	sor.u32 $0x400, s24;
	v19 =	vld.msk [tilespmem:s12+$0xFFFFFFFF ss:$0x0], $0xffff;
	s3 =	sshll.u32 s15, $0x9;
	v2 =	vmul.f32 v2, v25  }
0x235: {  	s13 =	sshra.s32 s3, $0x2;
	v3 =	vld [tilespmem:s1+$0x1600];
	s1 =	sadd.s32 $0x7700, s10  }
0x236: {  	s18 =	simm.s32 $0x80;
	s19 =	simm.s32 $0x100;
	s16 =	sadd.s32 $0xFFFFFF00, s0;
	v4 =	vld [tilespmem:s13+$0x800];
	[tilespmem:s1+$0x80] =	vst v2  }
0x237: {  	s11 =	sand.u32 $0x280, s18;
	s17 =	spop (v2sf);
	s15 =	sand.u32 $0x1800, s16;
	v2 =	vld [tilespmem:s9+$0x1A10]  }
0x238: {  	s26 =	sand.u32 $0x300, s19;
	s22 =	sor.u32 s11, s15;
	s10 =	sshll.u32 s17, $0x9;
	v20 =	vld [tilespmem:s8+$0x810]  }
0x239: {  	s29 =	sand.u32 $0x1800, s0;
	s14 =	spop (v2sf);
	v22 =	vld [tilespmem:s22+$0x1A00];
	s3 =	sshra.s32 s10, $0x2  }
0x23a: {  	s11 =	sor.u32 s26, s29;
	s14 =	sshll.u32 s14, $0x9;
	v21 =	vld [tilespmem:s3+$0x800]  }
0x23b: {  	v23 =	vld [tilespmem:s11+$0x1A00];
	s10 =	sshra.s32 s14, $0x2;
	v3 =	vadd.f32 v4, v3  }
0x23c: {  	v4 =	vld [tilespmem:s10+$0x800]  }
0x23d: {  	v3 =	vmul.f32 v3, v18;
	v2 =	vadd.f32 v20, v2  }
0x23e: {  	v20 =	vld.msk [tilespmem:s12+$0x0 ss:$0x0], $0xffff  }
0x23f: {  	s4 =	sor.u32 $0x410, s24;
	[tilespmem:s1+$0xFFFFFF00] =	vst v3;
	v3 =	vadd.f32 v21, v22;
	v2 =	vmul.f32 v2, v25  }
0x240: {  	v21 =	vld [tilespmem:s4+$0x1600]  }
0x241: {  	v22 =	vld [tilespmem:s13+$0x810];
	[tilespmem:s1+$0x90] =	vst v2;
	v2 =	vmul.f32 v3, v19;
	v3 =	vadd.f32 v4, v23  }
0x242: {  	v4 =	vld [tilespmem:s9+$0x1A20]  }
0x243: {  	v23 =	vld [tilespmem:s8+$0x820];
	[tilespmem:s1+$0xFFFFFF80] =	vst v2;
	v2 =	vmul.f32 v3, v20  }
0x244: {  	v3 =	vld [tilespmem:s22+$0x1A10]  }
0x245: {  	v24 =	vld [tilespmem:s3+$0x810];
	[tilespmem:s1+$0x0] =	vst v2  }
0x246: {  	v2 =	vadd.f32 v22, v21;
	v21 =	vld [tilespmem:s11+$0x1A10]  }
0x247: {  	v22 =	vld [tilespmem:s10+$0x810]  }
0x248: {  	v2 =	vmul.f32 v2, v18;
	v4 =	vadd.f32 v23, v4  }
0x249: {  	s19 =	sadd.s32 $0x4, s7  }
0x24a: {  	s6 =	sor.u32 $0x420, s24;
	v26 =	vld [tilespmem:s19+$0x1];
	[tilespmem:s1+$0xFFFFFF10] =	vst v2;
	v2 =	vmul.f32 v4, v25;
	v3 =	vadd.f32 v24, v3  }
0x24b: {  	v4 =	vld [tilespmem:s6+$0x1600]  }
0x24c: {  	v23 =	vld [tilespmem:s13+$0x820];
	[tilespmem:s1+$0xA0] =	vst v2;
	v2 =	vmul.f32 v3, v19;
	v3 =	vadd.f32 v22, v21  }
0x24d: {  	v21 =	vld [tilespmem:s9+$0x1A30]  }
0x24e: {  	v22 =	vld [tilespmem:s8+$0x830];
	[tilespmem:s1+$0xFFFFFF90] =	vst v2;
	v2 =	vmul.f32 v3, v20  }
0x24f: {  	v3 =	vld [tilespmem:s22+$0x1A20]  }
0x250: {  	v24 =	vld [tilespmem:s3+$0x820];
	[tilespmem:s1+$0x10] =	vst v2  }
0x251: {  	v2 =	vadd.f32 v23, v4;
	v4 =	vld [tilespmem:s11+$0x1A20]  }
0x252: {  	v23 =	vld [tilespmem:s10+$0x820]  }
0x253: {  	(v2sf) =	vpush v26, $0x0;
	v21 =	vadd.f32 v22, v21;
	v2 =	vmul.f32 v2, v18;
	_ =	sdelay $0x1  }
0x254: {  	s14 =	sor.u32 $0x430, s24;
	v21 =	vmul.f32 v21, v25;
	[tilespmem:s1+$0xFFFFFF20] =	vst v2  }
0x255: {  	v3 =	vadd.f32 v24, v3;
	v2 =	vld [tilespmem:s14+$0x1600]  }
0x256: {  	[tilespmem:s1+$0xB0] =	vst v21;
	v4 =	vadd.f32 v23, v4;
	v23 =	vld [tilespmem:s13+$0x830]  }
0x257: {  	v3 =	vmul.f32 v3, v19;
	v21 =	vld [tilespmem:s9+$0x1A40]  }
0x258: {  	v22 =	vld [tilespmem:s8+$0x840]  }
0x259: {  	[tilespmem:s1+$0xFFFFFFA0] =	vst v3  }
0x25a: {  	v3 =	vmul.f32 v4, v20;
	v4 =	vld [tilespmem:s22+$0x1A30]  }
0x25b: {  	v24 =	vld [tilespmem:s3+$0x830]  }
0x25c: {  	v27 =	vld [tilespmem:s19+$0xFFFFFFFF];
	[tilespmem:s1+$0x20] =	vst v3;
	v2 =	vadd.f32 v23, v2  }
0x25d: {  	v3 =	vld [tilespmem:s11+$0x1A30];
	v21 =	vadd.f32 v22, v21  }
0x25e: {  	v23 =	vld [tilespmem:s19+$0xFFFFFFFE];
	v2 =	vmul.f32 v2, v18  }
0x25f: {  	v22 =	vld [tilespmem:s10+$0x830];
	v21 =	vmul.f32 v21, v25  }
0x260: {  	s15 =	sor.u32 $0x440, s24;
	v4 =	vadd.f32 v24, v4;
	v24 =	vld [tilespmem:s19+$0x0];
	[tilespmem:s1+$0xFFFFFF30] =	vst v2  }
0x261: {  	s26 =	spop (v2sf);
	[tilespmem:s1+$0xC0] =	vst v21;
	v26 =	vld [tilespmem:s15+$0x1600]  }
0x262: {  	s29 =	sshll.u32 s26, $0x9;
	v2 =	vmul.f32 v4, v19;
	v21 =	vld [tilespmem:s9+$0x1A50]  }
0x263: {  	s15 =	sshra.s32 s29, $0x2;
	v4 =	vld [tilespmem:s8+$0x850]  }
0x264: {  	s31 =	sadd.s32 $0x400, s0;
	p2 =	por !p2, !p2;
	v31 =	vld [tilespmem:s15+$0x800];
	[tilespmem:s1+$0xFFFFFFB0] =	vst v2;
	v2 =	vadd.f32 v22, v3  }
0x265: {  	s7 =	simm.s32 $0x1;
	s6 =	sadd.s32 $0xFFFFFF00, s31;
	(v2sf) =	vpush v23, $0x0;
	s29 =	simm.s32 $0x280;
	v3 =	vld [tilespmem:s13+$0x840]  }
0x266: {  	s7 =	simm.s32 @!p2 $0x0;
	s14 =	sand.u32 $0x1800, s6;
	s6 =	sand.u32 $0x280, s29;
	v22 =	vld [tilespmem:s22+$0x1A40];
	v2 =	vmul.f32 v2, v20  }
0x267: {  	s30 =	sadd.s32 $0x400, s5;
	s7 =	sshll.u32 s7, $0x9;
	s28 =	sor.u32 s6, s14;
	v28 =	vld [tilespmem:s3+$0x840]  }
0x268: {  	s5 =	sadd.s32 s7, s30;
	(v2sf) =	vpush v27, $0x0;
	v48 =	vld [tilespmem:s28+$0x1A00];
	v4 =	vadd.f32 v4, v21;
	[tilespmem:s1+$0x30] =	vst v2  }
0x269: {  	s0 =	simm.s32 $0x380;
	s7 =	sor.u32 $0x400, s5;
	s17 =	sadd.s32 $0x100, s31;
	v2 =	vld [tilespmem:s11+$0x1A40]  }
0x26a: {  	s18 =	sand.u32 $0x380, s0;
	v3 =	vadd.f32 v3, v26;
	v26 =	vld [tilespmem:s7+$0x1600];
	s7 =	sand.u32 $0x1800, s17;
	v4 =	vmul.f32 v4, v25  }
0x26b: {  	(v2sf) =	vpush v24, $0x0;
	v24 =	vld [tilespmem:s10+$0x840];
	s18 =	sor.u32 s18, s7  }
0x26c: {  	v21 =	vadd.f32 v28, v22;
	v3 =	vmul.f32 v3, v18;
	v30 =	vld [tilespmem:s18+$0x1A00];
	[tilespmem:s1+$0xD0] =	vst v4  }
0x26d: {  	v4 =	vld [tilespmem:s9+$0x1A60]  }
0x26e: {  	s7 =	simm.s32 $0x1586;
	[tilespmem:s1+$0xFFFFFF40] =	vst v3;
	v3 =	vmul.f32 v21, v19;
	v21 =	vld [tilespmem:s8+$0x860]  }
0x26f: {  	v23 =	vld.msk [tilespmem:s7+$0xFFFFFFFE ss:$0x0], $0xffff  }
0x270: {  	s16 =	sor.u32 $0x450, s24;
	v22 =	vld.msk [tilespmem:s7+$0xFFFFFFFF ss:$0x0], $0xffff  }
0x271: {  	v27 =	vld [tilespmem:s16+$0x1600];
	v2 =	vadd.f32 v24, v2  }
0x272: {  	[tilespmem:s1+$0xFFFFFFC0] =	vst v3;
	v3 =	vld [tilespmem:s13+$0x850]  }
0x273: {  	v2 =	vmul.f32 v2, v20;
	v4 =	vadd.f32 v21, v4;
	v21 =	vld.msk [tilespmem:s7+$0x1 ss:$0x0], $0xffff  }
0x274: {  	v28 =	vld [tilespmem:s22+$0x1A50];
	s4 =	spop (v2sf)  }
0x275: {  	v29 =	vld [tilespmem:s3+$0x850];
	s12 =	sshll.u32 s4, $0x9;
	[tilespmem:s1+$0x40] =	vst v2;
	v4 =	vmul.f32 v4, v25  }
0x276: {  	v30 =	vadd.f32 v31, v30;
	s26 =	sshra.s32 s12, $0x2;
	v50 =	vld [tilespmem:s11+$0x1A50]  }
0x277: {  	s16 =	spop (v2sf);
	v45 =	vld [tilespmem:s26+$0x800];
	[tilespmem:s1+$0xE0] =	vst v4  }
0x278: {  	s16 =	sshll.u32 s16, $0x9;
	v4 =	vld [tilespmem:s9+$0x1A70];
	v30 =	vmul.f32 v30, v21  }
0x279: {  	s12 =	sadd.s32 $0x200, s1;
	v31 =	vld [tilespmem:s8+$0x870];
	s9 =	sshra.s32 s16, $0x2  }
0x27a: {  	s17 =	spop (v2sf);
	v46 =	vld [tilespmem:s9+$0x800];
	[tilespmem:s12+$0x80] =	vst v30  }
0x27b: {  	s4 =	sshll.u32 s17, $0x9;
	s16 =	simm.s32 $0x300;
	v30 =	vld [tilespmem:s18+$0x1A10]  }
0x27c: {  	s17 =	sand.u32 $0x1800, s31;
	s8 =	sshra.s32 s4, $0x2;
	s14 =	sand.u32 $0x300, s16;
	v24 =	vadd.f32 v45, v26;
	v26 =	vld [tilespmem:s15+$0x810]  }
0x27d: {  	v47 =	vld [tilespmem:s8+$0x800];
	s14 =	sor.u32 s14, s17  }
0x27e: {  	v2 =	vadd.f32 v3, v27;
	v49 =	vld [tilespmem:s14+$0x1A00];
	v3 =	vmul.f32 v24, v23  }
0x27f: {  	v24 =	vld.msk [tilespmem:s7+$0x0 ss:$0x0], $0xffff;
	v27 =	vadd.f32 v46, v48  }
0x280: {  	s29 =	sor.u32 $0x410, s5;
	v2 =	vmul.f32 v2, v18;
	[tilespmem:s12+$0xFFFFFF00] =	vst v3;
	v3 =	vld [tilespmem:s10+$0x850]  }
0x281: {  	v51 =	vld [tilespmem:s29+$0x1600];
	v27 =	vmul.f32 v27, v22;
	v26 =	vadd.f32 v26, v30  }
0x282: {  	[tilespmem:s1+$0xFFFFFF50] =	vst v2;
	v2 =	vld [tilespmem:s26+$0x810]  }
0x283: {  	v55 =	vld [tilespmem:s13+$0x860];
	v30 =	vadd.f32 v47, v49;
	[tilespmem:s12+$0xFFFFFF80] =	vst v27;
	v26 =	vmul.f32 v26, v21  }
0x284: {  	v52 =	vld [tilespmem:s28+$0x1A10]  }
0x285: {  	v30 =	vmul.f32 v30, v24;
	v53 =	vld [tilespmem:s9+$0x810];
	v3 =	vadd.f32 v3, v50;
	[tilespmem:s12+$0x90] =	vst v26  }
0x286: {  	v26 =	vadd.f32 v29, v28;
	v28 =	vld [tilespmem:s18+$0x1A20]  }
0x287: {  	[tilespmem:s12+$0x0] =	vst v30;
	v2 =	vadd.f32 v2, v51;
	v29 =	vld [tilespmem:s15+$0x820];
	v3 =	vmul.f32 v3, v20  }
0x288: {  	v30 =	vld [tilespmem:s14+$0x1A10];
	v26 =	vmul.f32 v26, v19  }
0x289: {  	s4 =	sor.u32 $0x460, s24;
	v54 =	vld [tilespmem:s8+$0x810];
	v2 =	vmul.f32 v2, v23;
	[tilespmem:s1+$0x50] =	vst v3  }
0x28a: {  	v27 =	vld [tilespmem:s4+$0x1600];
	[tilespmem:s1+$0xFFFFFFD0] =	vst v26;
	v26 =	vadd.f32 v53, v52  }
0x28b: {  	s6 =	sor.u32 $0x420, s5;
	[tilespmem:s12+$0xFFFFFF10] =	vst v2;
	v61 =	vld [tilespmem:s11+$0x1A60]  }
0x28c: {  	v56 =	vld [tilespmem:s6+$0x1600];
	v26 =	vmul.f32 v26, v22;
	v28 =	vadd.f32 v29, v28  }
0x28d: {  	v29 =	vld [tilespmem:s26+$0x820]  }
0x28e: {  	v2 =	vld [tilespmem:s22+$0x1A60];
	[tilespmem:s12+$0xFFFFFF90] =	vst v26;
	v26 =	vadd.f32 v54, v30;
	v28 =	vmul.f32 v28, v21  }
0x28f: {  	v57 =	vld [tilespmem:s28+$0x1A20]  }
0x290: {  	v58 =	vld [tilespmem:s9+$0x820];
	v26 =	vmul.f32 v26, v24;
	[tilespmem:s12+$0xA0] =	vst v28  }
0x291: {  	v28 =	vld [tilespmem:s18+$0x1A30]  }
0x292: {  	v29 =	vadd.f32 v29, v56;
	[tilespmem:s12+$0x10] =	vst v26;
	v26 =	vld [tilespmem:s15+$0x830]  }
0x293: {  	v59 =	vld [tilespmem:s14+$0x1A20]  }
0x294: {  	v3 =	vadd.f32 v55, v27;
	v27 =	vmul.f32 v29, v23;
	v29 =	vld [tilespmem:s8+$0x820]  }
0x295: {  	v30 =	vld [tilespmem:s3+$0x860];
	v60 =	vadd.f32 v58, v57  }
0x296: {  	s17 =	sor.u32 $0x430, s5;
	v3 =	vmul.f32 v3, v18;
	[tilespmem:s12+$0xFFFFFF20] =	vst v27;
	v27 =	vld [tilespmem:s10+$0x860]  }
0x297: {  	v62 =	vld [tilespmem:s17+$0x1600];
	v32 =	vmul.f32 v60, v22;
	v26 =	vadd.f32 v26, v28  }
0x298: {  	s29 =	sor.u32 $0x470, s24;
	[tilespmem:s1+$0xFFFFFF60] =	vst v3;
	v3 =	vld [tilespmem:s26+$0x830]  }
0x299: {  	[tilespmem:s12+$0xFFFFFFA0] =	vst v32;
	v28 =	vadd.f32 v29, v59;
	v29 =	vmul.f32 v26, v21;
	v26 =	vld [tilespmem:s29+$0x1600]  }
0x29a: {  	v4 =	vadd.f32 v31, v4;
	v32 =	vld [tilespmem:s28+$0x1A30]  }
0x29b: {  	v2 =	vadd.f32 v30, v2;
	v63 =	vld [tilespmem:s9+$0x830];
	v30 =	vmul.f32 v28, v24;
	[tilespmem:s12+$0xB0] =	vst v29  }
0x29c: {  	v4 =	vmul.f32 v4, v25;
	v25 =	vadd.f32 v27, v61;
	v28 =	vld [tilespmem:s18+$0x1A40]  }
0x29d: {  	v2 =	vmul.f32 v2, v19;
	v3 =	vadd.f32 v3, v62;
	[tilespmem:s12+$0x20] =	vst v30;
	v29 =	vld [tilespmem:s15+$0x840]  }
0x29e: {  	[tilespmem:s1+$0xF0] =	vst v4;
	v4 =	vmul.f32 v25, v20;
	v30 =	vld [tilespmem:s14+$0x1A30]  }
0x29f: {  	[tilespmem:s1+$0xFFFFFFE0] =	vst v2;
	v2 =	vmul.f32 v3, v23;
	v31 =	vld [tilespmem:s8+$0x830]  }
0x2a0: {  	v27 =	vld [tilespmem:s13+$0x870];
	[tilespmem:s1+$0x60] =	vst v4;
	v32 =	vadd.f32 v63, v32  }
0x2a1: {  	s24 =	sadd.s32 $0x4, s19;
	s13 =	simm.s32 $0x4;
	v25 =	vld [tilespmem:s22+$0x1A70];
	[tilespmem:s12+$0xFFFFFF30] =	vst v2  }
.LBB2_8:
0x2a2: {  	v2 =	vld [tilespmem:s24+$0x1];
	v3 =	vmul.f32 v32, v22;
	v4 =	vadd.f32 v29, v28  }
0x2a3: {  	v28 =	vld [tilespmem:s24+$0xFFFFFFFE]  }
0x2a4: {  	v29 =	vld [tilespmem:s24+$0xFFFFFFFF];
	[tilespmem:s12+$0xFFFFFFB0] =	vst v3;
	v3 =	vadd.f32 v31, v30;
	v4 =	vmul.f32 v4, v21  }
0x2a5: {  	s16 =	sor.u32 $0x440, s5;
	v30 =	vld [tilespmem:s24+$0x0];
	v26 =	vadd.f32 v27, v26  }
0x2a6: {  	v27 =	vld [tilespmem:s16+$0x1600];
	v3 =	vmul.f32 v3, v24;
	[tilespmem:s12+$0xC0] =	vst v4  }
0x2a7: {  	(v2sf) =	vpush v2, $0x0;
	v2 =	vld [tilespmem:s18+$0x1A50];
	v4 =	vmul.f32 v26, v18;
	v18 =	vmov v23  }
0x2a8: {  	(v2sf) =	vpush v28, $0x0;
	[tilespmem:s12+$0x30] =	vst v3;
	v3 =	vld [tilespmem:s15+$0x850]  }
0x2a9: {  	s13 =	sadd.s32 $0x4, s13;
	(v2sf) =	vpush v29, $0x0;
	v23 =	vld [tilespmem:s26+$0x840];
	[tilespmem:s1+$0xFFFFFF70] =	vst v4  }
0x2aa: {  	p3 =	slt.u32 s13, $0xC;
	(v2sf) =	vpush v30, $0x0;
	v4 =	vld [tilespmem:s28+$0x1A40]  }
0x2ab: {  	v26 =	vld [tilespmem:s9+$0x840]  }
0x2ac: {  	p2 =	por !p2, !p2;
	s16 =	simm.s32 $0x1;
	v28 =	vld [tilespmem:s14+$0x1A40]  }
0x2ad: {  	s16 =	simm.s32 @!p2 $0x0;
	v29 =	vld [tilespmem:s8+$0x840];
	v2 =	vadd.f32 v3, v2  }
0x2ae: {  	s30 =	sadd.s32 $0x400, s30;
	s16 =	sshll.u32 s16, $0x9;
	v3 =	vadd.f32 v23, v27;
	v23 =	vld [tilespmem:s3+$0x870];
	s3 =	smov.u32 s9  }
0x2af: {  	s22 =	sadd.s32 s16, s30;
	v2 =	vmul.f32 v2, v21;
	v27 =	vld [tilespmem:s11+$0x1A70];
	s11 =	smov.u32 s14  }
0x2b0: {  	s9 =	sor.u32 $0x400, s22;
	v3 =	vmul.f32 v3, v18;
	v4 =	vadd.f32 v26, v4;
	v26 =	vld [tilespmem:s10+$0x870];
	s10 =	smov.u32 s8  }
0x2b1: {  	v30 =	vld [tilespmem:s9+$0x1600];
	[tilespmem:s12+$0xD0] =	vst v2  }
0x2b2: {  	[tilespmem:s12+$0xFFFFFF40] =	vst v3;
	v2 =	vmul.f32 v4, v22;
	v3 =	vadd.f32 v29, v28;
	v4 =	vld [tilespmem:s18+$0x1A60]  }
0x2b3: {  	s8 =	sor.u32 $0x450, s5;
	v28 =	vld [tilespmem:s15+$0x860];
	v23 =	vadd.f32 v23, v25  }
0x2b4: {  	s31 =	sadd.s32 $0x400, s31;
	v25 =	vld [tilespmem:s8+$0x1600];
	[tilespmem:s12+$0xFFFFFFC0] =	vst v2;
	v2 =	vmul.f32 v3, v24  }
0x2b5: {  	s0 =	sadd.s32 $0x200, s0;
	s9 =	sadd.s32 $0x100, s31;
	s8 =	sadd.s32 $0xFFFFFF00, s31;
	v3 =	vld [tilespmem:s26+$0x850];
	v23 =	vmul.f32 v23, v19;
	v26 =	vadd.f32 v26, v27;
	v19 =	vmov v22  }
0x2b6: {  	s14 =	sand.u32 $0x380, s0;
	s9 =	sand.u32 $0x1800, s9;
	s16 =	spop (v2sf);
	v27 =	vld [tilespmem:s28+$0x1A50];
	[tilespmem:s12+$0x40] =	vst v2  }
0x2b7: {  	s4 =	sor.u32 s14, s9;
	s9 =	sshll.u32 s16, $0x9;
	s14 =	spop (v2sf);
	v2 =	vld [tilespmem:s3+$0x850];
	[tilespmem:s1+$0xFFFFFFF0] =	vst v23;
	v22 =	vmul.f32 v26, v20;
	v20 =	vmov v24  }
0x2b8: {  	s16 =	sadd.s32 $0xFFFFFF00, s0;
	v24 =	vld [tilespmem:s4+$0x1A00];
	s17 =	sshra.s32 s9, $0x2;
	s9 =	spop (v2sf);
	v4 =	vadd.f32 v28, v4  }
0x2b9: {  	s7 =	sadd.s32 $0x4, s7;
	s19 =	sadd.s32 $0xFFFFFF80, s0;
	v26 =	vld [tilespmem:s17+$0x800];
	s29 =	spop (v2sf);
	[tilespmem:s1+$0x70] =	vst v22  }
0x2ba: {  	s1 =	sshll.u32 s14, $0x9;
	s9 =	sshll.u32 s9, $0x9;
	s29 =	sshll.u32 s29, $0x9;
	v28 =	vld.msk [tilespmem:s7+$0x1 ss:$0x0], $0xffff;
	v3 =	vadd.f32 v3, v25;
	v4 =	vmul.f32 v4, v21  }
0x2bb: {  	s6 =	sand.u32 $0x300, s19;
	s8 =	sand.u32 $0x1800, s8;
	s14 =	sand.u32 $0x280, s16;
	v23 =	vld.msk [tilespmem:s7+$0xFFFFFFFE ss:$0x0], $0xffff  }
0x2bc: {  	s19 =	sshra.s32 s1, $0x2;
	s9 =	sshra.s32 s9, $0x2;
	s1 =	sand.u32 $0x1800, s31;
	v22 =	vld.msk [tilespmem:s7+$0xFFFFFFFF ss:$0x0], $0xffff;
	v3 =	vmul.f32 v3, v18;
	v2 =	vadd.f32 v2, v27;
	[tilespmem:s12+$0xE0] =	vst v4  }
0x2bd: {  	s16 =	sor.u32 s14, s8;
	s14 =	sor.u32 s6, s1;
	s8 =	sshra.s32 s29, $0x2;
	v4 =	vld [tilespmem:s18+$0x1A70]  }
0x2be: {  	s1 =	smov.u32 s12;
	s18 =	smov.u32 s4;
	v24 =	vadd.f32 v26, v24;
	[tilespmem:s12+$0xFFFFFF50] =	vst v3;
	v2 =	vmul.f32 v2, v19;
	v3 =	vld [tilespmem:s15+$0x870];
	s15 =	smov.u32 s17  }
0x2bf: {  	v25 =	vld [tilespmem:s19+$0x800]  }
0x2c0: {  	v26 =	vld [tilespmem:s9+$0x800];
	v24 =	vmul.f32 v24, v28;
	[tilespmem:s12+$0xFFFFFFD0] =	vst v2  }
0x2c1: {  	s12 =	sadd.s32 $0x200, s12;
	v2 =	vld [tilespmem:s8+$0x800]  }
0x2c2: {  	v27 =	vld [tilespmem:s16+$0x1A00];
	[tilespmem:s12+$0x80] =	vst v24  }
0x2c3: {  	v29 =	vld [tilespmem:s18+$0x1A10];
	v3 =	vadd.f32 v3, v4  }
0x2c4: {  	v4 =	vadd.f32 v25, v30;
	v25 =	vld [tilespmem:s15+$0x810]  }
0x2c5: {  	v30 =	vld [tilespmem:s14+$0x1A00];
	v3 =	vmul.f32 v3, v21;
	v21 =	vmov v28  }
0x2c6: {  	v4 =	vmul.f32 v4, v23;
	v24 =	vld.msk [tilespmem:s7+$0x0 ss:$0x0], $0xffff  }
0x2c7: {  	v26 =	vadd.f32 v26, v27;
	v27 =	vld [tilespmem:s11+$0x1A50];
	[tilespmem:s1+$0xF0] =	vst v3  }
0x2c8: {  	s4 =	sor.u32 $0x410, s22;
	[tilespmem:s12+$0xFFFFFF00] =	vst v4;
	v3 =	vld [tilespmem:s10+$0x850]  }
0x2c9: {  	v4 =	vld [tilespmem:s4+$0x1600];
	v26 =	vmul.f32 v26, v22;
	v25 =	vadd.f32 v25, v29  }
0x2ca: {  	s4 =	sor.u32 $0x460, s5;
	v28 =	vld [tilespmem:s19+$0x810];
	v2 =	vadd.f32 v2, v30  }
0x2cb: {  	[tilespmem:s12+$0xFFFFFF80] =	vst v26;
	v25 =	vmul.f32 v25, v21;
	v26 =	vld [tilespmem:s4+$0x1600]  }
0x2cc: {  	v29 =	vld [tilespmem:s16+$0x1A10];
	v2 =	vmul.f32 v2, v24  }
0x2cd: {  	v30 =	vld [tilespmem:s9+$0x810];
	[tilespmem:s12+$0x90] =	vst v25;
	v3 =	vadd.f32 v3, v27  }
0x2ce: {  	[tilespmem:s12+$0x0] =	vst v2;
	v2 =	vld [tilespmem:s18+$0x1A20]  }
0x2cf: {  	v4 =	vadd.f32 v28, v4;
	v25 =	vld [tilespmem:s15+$0x820];
	v3 =	vmul.f32 v3, v20  }
0x2d0: {  	v27 =	vld [tilespmem:s14+$0x1A10]  }
0x2d1: {  	v4 =	vmul.f32 v4, v23;
	v28 =	vld [tilespmem:s8+$0x810];
	[tilespmem:s1+$0x50] =	vst v3  }
0x2d2: {  	v3 =	vadd.f32 v30, v29;
	v29 =	vld [tilespmem:s26+$0x860]  }
0x2d3: {  	s4 =	sor.u32 $0x420, s22;
	[tilespmem:s12+$0xFFFFFF10] =	vst v4;
	v4 =	vld [tilespmem:s28+$0x1A60]  }
0x2d4: {  	v30 =	vld [tilespmem:s4+$0x1600];
	v3 =	vmul.f32 v3, v22;
	v2 =	vadd.f32 v25, v2  }
0x2d5: {  	v25 =	vld [tilespmem:s19+$0x820]  }
0x2d6: {  	[tilespmem:s12+$0xFFFFFF90] =	vst v3;
	v3 =	vadd.f32 v28, v27;
	v2 =	vmul.f32 v2, v21;
	v27 =	vld [tilespmem:s3+$0x860]  }
0x2d7: {  	v28 =	vld [tilespmem:s16+$0x1A20];
	v26 =	vadd.f32 v29, v26  }
0x2d8: {  	v29 =	vld [tilespmem:s9+$0x820];
	v3 =	vmul.f32 v3, v24;
	[tilespmem:s12+$0xA0] =	vst v2  }
0x2d9: {  	v2 =	vld [tilespmem:s18+$0x1A30];
	v26 =	vmul.f32 v26, v18  }
0x2da: {  	v25 =	vadd.f32 v25, v30;
	[tilespmem:s12+$0x10] =	vst v3;
	v3 =	vld [tilespmem:s15+$0x830]  }
0x2db: {  	v30 =	vld [tilespmem:s14+$0x1A20];
	[tilespmem:s1+$0xFFFFFF60] =	vst v26;
	v4 =	vadd.f32 v27, v4  }
0x2dc: {  	v25 =	vmul.f32 v25, v23;
	v26 =	vld [tilespmem:s8+$0x820]  }
0x2dd: {  	v27 =	vadd.f32 v29, v28;
	v4 =	vmul.f32 v4, v19;
	v28 =	vld [tilespmem:s11+$0x1A60]  }
0x2de: {  	s4 =	sor.u32 $0x430, s22;
	[tilespmem:s12+$0xFFFFFF20] =	vst v25;
	v25 =	vld [tilespmem:s10+$0x860]  }
0x2df: {  	v29 =	vld [tilespmem:s4+$0x1600];
	v27 =	vmul.f32 v27, v22;
	v2 =	vadd.f32 v3, v2;
	[tilespmem:s1+$0xFFFFFFE0] =	vst v4  }
0x2e0: {  	s4 =	sor.u32 $0x470, s5;
	s5 =	smov.u32 s22;
	v3 =	vld [tilespmem:s19+$0x830]  }
0x2e1: {  	[tilespmem:s12+$0xFFFFFFA0] =	vst v27;
	v4 =	vadd.f32 v26, v30;
	v2 =	vmul.f32 v2, v21;
	v26 =	vld [tilespmem:s4+$0x1600]  }
0x2e2: {  	v27 =	vld [tilespmem:s16+$0x1A30]  }
0x2e3: {  	v32 =	vld [tilespmem:s9+$0x830];
	v4 =	vmul.f32 v4, v24;
	[tilespmem:s12+$0xB0] =	vst v2;
	v2 =	vadd.f32 v25, v28  }
0x2e4: {  	v28 =	vld [tilespmem:s18+$0x1A40]  }
.Ltmp2:
0x2e5: {  	v3 =	vadd.f32 v3, v29;
	[tilespmem:s12+$0x20] =	vst v4;
	v29 =	vld [tilespmem:s15+$0x840];
	v2 =	vmul.f32 v2, v20;
	(pc) =	sbr.rel @p3 .LBB2_8-.Ltmp2, $4  }
0x2e6: {  	v30 =	vld [tilespmem:s14+$0x1A30]  }
0x2e7: {  	v3 =	vmul.f32 v3, v23;
	v31 =	vld [tilespmem:s8+$0x830];
	[tilespmem:s1+$0x60] =	vst v2  }
0x2e8: {  	v32 =	vadd.f32 v32, v27;
	v27 =	vld [tilespmem:s26+$0x870];
	s26 =	smov.u32 s19  }
0x2e9: {  	s24 =	sadd.s32 $0x4, s24;
	[tilespmem:s12+$0xFFFFFF30] =	vst v3;
	v25 =	vld [tilespmem:s28+$0x1A70];
	s28 =	smov.u32 s16  }
0x2ea: {  	_ =	sdelay $0x1  }
0x2eb: {  	v2 =	vmul.f32 v32, v22;
	s0 =	sor.u32 $0x440, s5;
	v3 =	vadd.f32 v31, v30  }
0x2ec: {  	v4 =	vld [tilespmem:s0+$0x1600]  }
0x2ed: {  	[tilespmem:s12+$0xFFFFFFB0] =	vst v2;
	v2 =	vmul.f32 v3, v24;
	v3 =	vld [tilespmem:s26+$0x840]  }
0x2ee: {  	v42 =	vld [tilespmem:s28+$0x1A40]  }
0x2ef: {  	[tilespmem:s12+$0x30] =	vst v2;
	v2 =	vld [tilespmem:s9+$0x840]  }
0x2f0: {  	v28 =	vadd.f32 v29, v28;
	v43 =	vld [tilespmem:s14+$0x1A40]  }
0x2f1: {  	v44 =	vld [tilespmem:s8+$0x840]  }
0x2f2: {  	v28 =	vmul.f32 v28, v21;
	v3 =	vadd.f32 v3, v4;
	_ =	sdelay $0x1  }
0x2f3: {  	[tilespmem:s12+$0xC0] =	vst v28;
	v3 =	vmul.f32 v3, v23;
	v2 =	vadd.f32 v2, v42  }
0x2f4: {  	v28 =	vld [tilespmem:s15+$0x850]  }
0x2f5: {  	s29 =	sor.u32 $0x450, s5;
	v4 =	vld [tilespmem:s18+$0x1A50];
	[tilespmem:s12+$0xFFFFFF40] =	vst v3;
	v2 =	vmul.f32 v2, v22;
	v3 =	vadd.f32 v44, v43  }
0x2f6: {  	v45 =	vld [tilespmem:s29+$0x1600]  }
0x2f7: {  	[tilespmem:s12+$0xFFFFFFC0] =	vst v2;
	v2 =	vmul.f32 v3, v24;
	v3 =	vld [tilespmem:s26+$0x850]  }
0x2f8: {  	v46 =	vld [tilespmem:s28+$0x1A50]  }
0x2f9: {  	[tilespmem:s12+$0x40] =	vst v2;
	v2 =	vld [tilespmem:s9+$0x850]  }
0x2fa: {  	v4 =	vadd.f32 v28, v4;
	v47 =	vld [tilespmem:s14+$0x1A50]  }
0x2fb: {  	v48 =	vld [tilespmem:s8+$0x850]  }
0x2fc: {  	v4 =	vmul.f32 v4, v21;
	v3 =	vadd.f32 v3, v45;
	_ =	sdelay $0x1  }
0x2fd: {  	[tilespmem:s12+$0xD0] =	vst v4;
	v3 =	vmul.f32 v3, v23;
	v2 =	vadd.f32 v2, v46  }
0x2fe: {  	v4 =	vld [tilespmem:s18+$0x1A60]  }
0x2ff: {  	s30 =	sor.u32 $0x460, s5;
	v49 =	vld [tilespmem:s15+$0x860];
	[tilespmem:s12+$0xFFFFFF50] =	vst v3;
	v2 =	vmul.f32 v2, v22;
	v3 =	vadd.f32 v48, v47  }
0x300: {  	v50 =	vld [tilespmem:s30+$0x1600]  }
0x301: {  	[tilespmem:s12+$0xFFFFFFD0] =	vst v2;
	v2 =	vmul.f32 v3, v24;
	v3 =	vld [tilespmem:s26+$0x860]  }
0x302: {  	v51 =	vld [tilespmem:s28+$0x1A60]  }
0x303: {  	[tilespmem:s12+$0x50] =	vst v2;
	v2 =	vld [tilespmem:s9+$0x860]  }
0x304: {  	v4 =	vadd.f32 v49, v4;
	v52 =	vld [tilespmem:s14+$0x1A60]  }
0x305: {  	v53 =	vld [tilespmem:s8+$0x860]  }
0x306: {  	v54 =	vld [tilespmem:s3+$0x870];
	v4 =	vmul.f32 v4, v21;
	v3 =	vadd.f32 v3, v50  }
0x307: {  	v55 =	vld [tilespmem:s11+$0x1A70]  }
0x308: {  	v33 =	vld [tilespmem:s10+$0x870];
	[tilespmem:s12+$0xE0] =	vst v4;
	v3 =	vmul.f32 v3, v23;
	v2 =	vadd.f32 v2, v51  }
0x309: {  	v4 =	vld [tilespmem:s18+$0x1A70]  }
0x30a: {  	s31 =	sor.u32 $0x470, s5;
	v56 =	vld [tilespmem:s15+$0x870];
	[tilespmem:s12+$0xFFFFFF60] =	vst v3;
	v2 =	vmul.f32 v2, v22;
	v3 =	vadd.f32 v53, v52  }
0x30b: {  	v57 =	vld [tilespmem:s31+$0x1600]  }
0x30c: {  	[tilespmem:s12+$0xFFFFFFE0] =	vst v2;
	v2 =	vmul.f32 v3, v24;
	v3 =	vld [tilespmem:s26+$0x870]  }
0x30d: {  	v58 =	vld [tilespmem:s28+$0x1A70]  }
0x30e: {  	[tilespmem:s12+$0x60] =	vst v2;
	v2 =	vld [tilespmem:s9+$0x870]  }
0x30f: {  	v26 =	vadd.f32 v27, v26;
	v59 =	vld [tilespmem:s14+$0x1A70]  }
0x310: {  	v25 =	vadd.f32 v54, v25;
	v60 =	vld [tilespmem:s8+$0x870]  }
0x311: {  	v18 =	vmul.f32 v26, v18;
	v61 =	vadd.f32 v33, v55  }
0x312: {  	v19 =	vmul.f32 v25, v19;
	v4 =	vadd.f32 v56, v4  }
0x313: {  	[tilespmem:s1+$0xFFFFFF70] =	vst v18;
	v62 =	vmul.f32 v61, v20;
	v3 =	vadd.f32 v3, v57  }
0x314: {  	[tilespmem:s1+$0xFFFFFFF0] =	vst v19;
	v4 =	vmul.f32 v4, v21;
	v2 =	vadd.f32 v2, v58  }
0x315: {  	vm0 =	vcmask $0x704;
	[tilespmem:s1+$0x70] =	vst v62;
	v3 =	vmul.f32 v3, v23;
	v63 =	vadd.f32 v60, v59  }
0x316: {  	[tilespmem:s12+$0xF0] =	vst v4;
	v2 =	vmul.f32 v2, v22  }
0x317: {  	[tilespmem:s12+$0xFFFFFF70] =	vst v3;
	v3 =	vmul.f32 v63, v24  }
0x318: {  	[tilespmem:s12+$0xFFFFFFF0] =	vst v2  }
0x319: {  	[tilespmem:s12+$0x70] =	vst v3  }
0x31a: {  	[tilespmem:v16+s25+$0x0] =	vst.idx.add.f32.msk $0x1, v17  }
0x31b: {  	[tilespmem:v16+s25+$0x0] =	vst.idx.add.f32.msk vm0, v17  }
0x31c: {  	[tilespmem:v16+s25+$0x0] =	vst.idx.add.f32.msk vm2, v17  }
0x31d: {  	[tilespmem:v16+s25+$0x0] =	vst.idx.add.f32.msk vm3, v17  }
0x31e: {  	[tilespmem:v16+s25+$0x0] =	vst.idx.add.f32.msk vm4, v17  }
0x31f: {  	[tilespmem:v16+s25+$0x0] =	vst.idx.add.f32.msk vm5, v17  }
0x320: {  	[tilespmem:v16+s25+$0x0] =	vst.idx.add.f32.msk vm6, v17  }
0x321: {  	[tilespmem:v16+s25+$0x0] =	vst.idx.add.f32.msk vm7, v17  }
0x322: {  	[tilespmem:v16+s25+$0x0] =	vst.idx.add.f32.msk vm8, v17  }
0x323: {  	[tilespmem:v16+s25+$0x0] =	vst.idx.add.f32.msk vm9, v17  }
0x324: {  	[tilespmem:v16+s25+$0x0] =	vst.idx.add.f32.msk vm10, v17  }
.Ltmp3:
0x325: {  	[tilespmem:v16+s25+$0x0] =	vst.idx.add.f32.msk vm11, v17;
	(pc) =	sbr.rel @p1 .LBB2_5-.Ltmp3, $4  }
0x326: {  	[tilespmem:v16+s25+$0x0] =	vst.idx.add.f32.msk vm12, v17  }
0x327: {  	[tilespmem:v16+s25+$0x0] =	vst.idx.add.f32.msk vm13, v17  }
0x328: {  	[tilespmem:v16+s25+$0x0] =	vst.idx.add.f32.msk vm14, v17  }
0x329: {  	p2 =	por $0x0, $0x0;
	s26 =	simm.s32 $0x10;
	[tilespmem:v16+s25+$0x0] =	vst.idx.add.f32.msk vm15, v17  }
0x32a: {  	s0 =	rddreg [dreg:$0x3]  }
0x32b: {  	s3 =	simm.s32 $0x20;
	s1 =	simm.s32 $0x7600;
	s14 =	simm.s32 $0x4  }
0x32c: {  	[spmem:s0] =	stream.indirect.scatter.add.f32 [tilespmem:s1], [sflag:$0x5], $0x80, s23, s3, $0xb8;
	[tilespmem:$0x1FE00] =	vst v63  }
0x32d: {  	_ =	swait.ge [sflag:s14], $0x2000  }
0x32e: {  	[sflag:s14] =	ssyncset.done $0x0  }
0x32f: {  	[sflag:s14] =	ssyncadd.s32 $0xFFFFE000  }
0x330: {  	_ =	swait.ge [sflag:s14], $0x1000  }
0x331: {  	[sflag:s14] =	ssyncset.done $0x0  }
0x332: {  	s15 =	simm.s32 $0x1;
	[sflag:s14] =	ssyncadd.s32 $0xFFFFF000  }
0x333: {  	_ =	swait.ge [sflag:s15], $0x80  }
0x334: {  	[sflag:s15] =	ssyncset.done $0x0  }
0x335: {  	[sflag:s15] =	ssyncadd.s32 $0xFFFFFF80  }
0x336: {  	_ =	swait.ge [sflag:s15], $0x80  }
0x337: {  	[sflag:s15] =	ssyncset.done $0x0  }
0x338: {  	[sflag:s15] =	ssyncadd.s32 $0xFFFFFF80  }
0x339: {  	_ =	swait.ge [sflag:s15], $0x80  }
0x33a: {  	[sflag:s15] =	ssyncset.done $0x0  }
0x33b: {  	[sflag:s15] =	ssyncadd.s32 $0xFFFFFF80  }
0x33c: {  	v2 =	vld [tilespmem:$0x1100];
	_ =	sdelay $0x2  }
0x33d: {  	v4 =	vld [tilespmem:$0x1FFB0]  }
0x33e: {  	v5 =	vld [tilespmem:$0x1FFC0]  }
0x33f: {  	v6 =	vld [tilespmem:$0x1FFE0];
	v3 =	vshll.u32 v2, $0x1  }
0x340: {  	v2 =	vand.u32 $0x7, v2;
	v3 =	vand.u32 $0xFFFFFFF0, v3  }
0x341: {  	v2 =	vor.u32 v2, v3  }
0x342: {  	v3 =	vperm.xlane v2, v4  }
0x343: {  	v8 =	vld [tilespmem:$0x1FFD0]  }
0x344: {  	v2 =	vperm.xlane v2, v6;
	v3 =	vadd.s32 v5, v3;
	_ =	sdelay $0x1  }
0x345: {  	v2 =	vadd.s32 v5, v2;
	_ =	sdelay $0x1  }
0x346: {  	s17 =	simm.s32 $0x1600;
	s16 =	rddreg [dreg:$0x5];
	vm0 =	vnez.u8 v8  }
0x347: {  	[tilespmem:s17], [sflag:$0x3] =	stream.indirect_vreg.gather [hbm4b:s16+s21], $0x80, v3, vm0, $0xb8;
	[tilespmem:$0x1FE00] =	vst v63  }
0x348: {  	s18 =	simm.s32 $0x1E00  }
0x349: {  	[tilespmem:s18], [sflag:$0x3] =	stream.indirect_vreg.gather [hbm4b:s16+s21], $0x80, v2, vm0, $0xb8;
	[tilespmem:$0x1FE00] =	vst v63  }
0x34a: {  	v2 =	vld [tilespmem:$0x1110];
	_ =	sdelay $0x4  }
0x34b: {  	v3 =	vshll.u32 v2, $0x1  }
0x34c: {  	v2 =	vand.u32 $0x7, v2;
	v3 =	vand.u32 $0xFFFFFFF0, v3  }
0x34d: {  	v2 =	vor.u32 v2, v3  }
0x34e: {  	v3 =	vperm.xlane v2, v4;
	_ =	sdelay $0x1  }
0x34f: {  	v2 =	vperm.xlane v2, v6;
	v3 =	vadd.s32 v5, v3;
	_ =	sdelay $0x1  }
0x350: {  	v2 =	vadd.s32 v5, v2;
	_ =	sdelay $0x1  }
0x351: {  	s19 =	simm.s32 $0x2600  }
0x352: {  	[tilespmem:s19], [sflag:$0x3] =	stream.indirect_vreg.gather [hbm4b:s16+s21], $0x80, v3, vm0, $0xb8;
	[tilespmem:$0x1FE00] =	vst v63  }
0x353: {  	s22 =	simm.s32 $0x2E00;
	s26 =	simm.s32 $0x1100  }
0x354: {  	[tilespmem:s22], [sflag:$0x3] =	stream.indirect_vreg.gather [hbm4b:s16+s21], $0x80, v2, vm0, $0xb8;
	[tilespmem:$0x1FE00] =	vst v63  }
0x355: {  	s4 =	simm.s32 $0x5600;
	s0 =	simm.s32 @!p0 $0x6;
	s24 =	rddreg [dreg:$0x1]  }
0x356: {  	[tilespmem:s4], [sflag:$0x3] =	stream.indirect.gather [hbm4b:s24+s3], $0x80, s26, s3, $0xb8;
	[tilespmem:$0x1FE00] =	vst v63  }
0x357: {  	_ =	swait.ge @!p0 [sflag:s0], $0x1000  }
0x358: {  	[sflag:s0] =	ssyncset.done @!p0 $0x0  }
0x359: {  	s28 =	simm.s32 $0x1280;
	[sflag:s0] =	ssyncadd.s32 @!p0 $0xFFFFF000  }
0x35a: {  	v2 =	vld.idx.msk [tilespmem:v0+s28+$0x0], $0xffff;
	_ =	sdelay $0x3  }
0x35b: {  	v3 =	vld [tilespmem:$0x1FFF0]  }
0x35c: {  	s29 =	simm.s32 $0x1380;
	[tilespmem:v0+s20+$0x0] =	vst.idx.msk $0xffff, v2  }
0x35d: {  	v2 =	vld.idx.msk [tilespmem:v0+s29+$0x0], $0xffff;
	_ =	sdelay $0x3  }
0x35e: {  	s30 =	simm.s32 $0x1500  }
0x35f: {  	[tilespmem:v0+s30+$0x0] =	vst.idx.msk $0xffff, v2  }
0x360: {  	v2 =	vld.idx.msk [tilespmem:v3+s28+$0x0], $0xffff;
	_ =	sdelay $0x3  }
0x361: {  	s31 =	rddreg [dreg:$0x1b]  }
0x362: {  	p0 =	seq.s32 s31, $0x9B;
	[tilespmem:v3+s20+$0x0] =	vst.idx.msk $0xffff, v2  }
0x363: {  	s0 =	sadd.s32 @!p0 $0x180, s2;
	v2 =	vld.idx.msk [tilespmem:v3+s29+$0x0], $0xffff  }
0x364: {  	s2 =	rddreg [dreg:$0xd];
	s1 =	sand.u32 @!p0 $0x1FC00, s0  }
0x365: {  	s0 =	sand.u32 @!p0 $0x380, s0;
	s1 =	sadd.s32 @!p0 s2, s1  }
0x366: {  	s0 =	sor.u32 @!p0 s0, s1  }
0x367: {  	s1 =	rddreg [dreg:$0x6];
	s0 =	sshrl.u32 @!p0 s0, $0x3  }
0x368: {  	s3 =	simm.s32 @!p0 $0x1180;
	s2 =	simm.s32 @!p0 $0x0;
	s1 =	sadd.s32 @!p0 s1, s0;
	[tilespmem:v3+s30+$0x0] =	vst.idx.msk $0xffff, v2  }
0x369: {  	[tilespmem:s3], [sflag:$0x2] =	stream.linear.gather @!p0 [hbm4b:s1+s2], $0x80, $0x38;
	[tilespmem:$0x1FE00] =	vst v63  }
0x36a: {  	s1 =	rddreg [dreg:$0x7]  }
0x36b: {  	s3 =	simm.s32 @!p0 $0x1280;
	s1 =	sadd.s32 @!p0 s1, s0  }
0x36c: {  	[tilespmem:s3], [sflag:$0x2] =	stream.linear.gather @!p0 [hbm4b:s1+s2], $0x80, $0x38;
	[tilespmem:$0x1FE00] =	vst v63  }
0x36d: {  	s1 =	rddreg [dreg:$0x8]  }
0x36e: {  	s0 =	sadd.s32 @!p0 s1, s0;
	s1 =	simm.s32 @!p0 $0x1380  }
0x36f: {  	[tilespmem:s1], [sflag:$0x2] =	stream.linear.gather @!p0 [hbm4b:s0+s2], $0x80, $0x38;
	[tilespmem:$0x1FE00] =	vst v63  }
0x370: {  	v8 =	vld [tilespmem:$0x1000]  }
0x371: {  	v9 =	vld [tilespmem:$0x1010]  }
0x372: {  	v10 =	vld [tilespmem:$0x1020]  }
0x373: {  	v11 =	vld [tilespmem:$0x1030]  }
0x374: {  	v12 =	vld [tilespmem:$0x1040]  }
0x375: {  	v13 =	vld [tilespmem:$0x1050]  }
0x376: {  	v14 =	vld [tilespmem:$0x1060]  }
0x377: {  	p1 =	por $0x1, $0x1;
	s3 =	simm.s32 $0x0;
	s2 =	simm.s32 $0x0;
	v15 =	vld [tilespmem:$0x1070]  }
.LBB2_11:
0x378: {  	s0 =	sshll.u32 s3, $0x9  }
0x379: {  	s10 =	sshra.s32 s0, $0x2  }
0x37a: {  	s1 =	sadd.s32 $0x6680, s10  }
0x37b: {  	v2 =	vld [tilespmem:s1+$0x70]  }
0x37c: {  	v3 =	vld [tilespmem:s1+$0xFFFFFFF0]  }
0x37d: {  	v4 =	vld [tilespmem:s1+$0x60]  }
0x37e: {  	v16 =	vld [tilespmem:s1+$0xFFFFFFE0]  }
0x37f: {  	v17 =	vld [tilespmem:s1+$0x50]  }
0x380: {  	v18 =	vld [tilespmem:s1+$0xFFFFFFD0]  }
0x381: {  	v19 =	vld [tilespmem:s1+$0x40]  }
0x382: {  	v20 =	vld [tilespmem:s1+$0xFFFFFFC0]  }
0x383: {  	s14 =	sshll.u32 s3, $0x2;
	v21 =	vld [tilespmem:s1+$0x30]  }
0x384: {  	s11 =	sshra.s32 s14, $0x2;
	v22 =	vld [tilespmem:s1+$0xFFFFFFB0]  }
0x385: {  	s0 =	sadd.s32 $0x1501, s11;
	v23 =	vld [tilespmem:s1+$0x20]  }
0x386: {  	v24 =	vld [tilespmem:s0+$0x0]  }
0x387: {  	v25 =	vld [tilespmem:s0+$0xFFFFFFFF]  }
0x388: {  	v26 =	vld [tilespmem:s1+$0xFFFFFFA0]  }
0x389: {  	s5 =	sshll.u32 s3, $0x8;
	v27 =	vld [tilespmem:s1+$0x10]  }
0x38a: {  	s6 =	sand.u32 $0x300, s2;
	s4 =	sand.u32 $0x1800, s5;
	v28 =	vld [tilespmem:s1+$0xFFFFFF90]  }
0x38b: {  	s4 =	sor.u32 s6, s4;
	v29 =	vld [tilespmem:s1+$0x0];
	(v2sf) =	vpush v24, $0x0  }
0x38c: {  	v30 =	vld [tilespmem:s4+$0x3660]  }
0x38d: {  	v31 =	vld [tilespmem:s4+$0x3650]  }
0x38e: {  	v32 =	vld [tilespmem:s4+$0x3640];
	(v2sf) =	vpush v25, $0x0  }
0x38f: {  	v33 =	vld [tilespmem:s4+$0x3630]  }
0x390: {  	s7 =	simm.s32 $0x80;
	s15 =	sadd.s32 $0x100, s5;
	v34 =	vld [tilespmem:s4+$0x3620]  }
0x391: {  	s7 =	sand.u32 $0x380, s7;
	s6 =	sand.u32 $0x1800, s15;
	v35 =	vld [tilespmem:s4+$0x3610]  }
0x392: {  	v36 =	vld [tilespmem:s4+$0x3600];
	s16 =	sor.u32 s7, s6  }
0x393: {  	v37 =	vld [tilespmem:s16+$0x3670]  }
0x394: {  	v38 =	vld [tilespmem:s16+$0x3660]  }
0x395: {  	v39 =	vld [tilespmem:s16+$0x3650]  }
0x396: {  	v40 =	vld [tilespmem:s16+$0x3640]  }
0x397: {  	v41 =	vld [tilespmem:s16+$0x3630]  }
0x398: {  	v42 =	vld [tilespmem:s16+$0x3620]  }
0x399: {  	v25 =	vld [tilespmem:s4+$0x3670]  }
0x39a: {  	v43 =	vld [tilespmem:s16+$0x3610];
	s17 =	spop (v2sf)  }
0x39b: {  	v44 =	vld [tilespmem:s16+$0x3600];
	s6 =	sshll.u32 s17, $0x9  }
0x39c: {  	v24 =	vld [tilespmem:s1+$0xFFFFFF80];
	s6 =	sshra.s32 s6, $0x2  }
0x39d: {  	v16 =	vadd.f32 v16, v30;
	s18 =	spop (v2sf);
	v45 =	vld [tilespmem:s6+$0x70]  }
0x39e: {  	v18 =	vadd.f32 v18, v31;
	v3 =	vadd.f32 v3, v25;
	s19 =	sshll.u32 s18, $0x9;
	v25 =	vld [tilespmem:s6+$0x60]  }
0x39f: {  	v20 =	vadd.f32 v20, v32;
	v56 =	vadd.f32 v26, v34;
	s4 =	sshra.s32 s19, $0x2;
	v26 =	vld [tilespmem:s6+$0x50]  }
0x3a0: {  	v22 =	vadd.f32 v22, v33;
	v57 =	vadd.f32 v28, v35;
	v46 =	vld [tilespmem:s4+$0x70]  }
0x3a1: {  	v2 =	vadd.f32 v2, v37;
	v58 =	vadd.f32 v24, v36;
	v24 =	vld [tilespmem:s4+$0x50]  }
0x3a2: {  	v17 =	vadd.f32 v17, v39;
	v4 =	vadd.f32 v4, v38;
	v60 =	vld [tilespmem:s4+$0x40]  }
0x3a3: {  	v21 =	vadd.f32 v21, v41;
	v19 =	vadd.f32 v19, v40;
	v48 =	vld [tilespmem:s4+$0x30]  }
0x3a4: {  	v61 =	vadd.f32 v27, v43;
	v63 =	vadd.f32 v23, v42;
	v62 =	vld [tilespmem:s6+$0x30]  }
0x3a5: {  	v47 =	vadd.f32 v29, v44;
	v59 =	vld [tilespmem:s6+$0x40];
	v31 =	vadd.f32 v45, v2  }
0x3a6: {  	v30 =	vld [tilespmem:s4+$0x60];
	v29 =	vadd.f32 v25, v4;
	v27 =	vadd.f32 v26, v17  }
0x3a7: {  	v2 =	vld [tilespmem:s6+$0x20];
	v28 =	vadd.f32 v46, v3;
	v26 =	vadd.f32 v24, v18  }
0x3a8: {  	v4 =	vld [tilespmem:s6+$0x10];
	v23 =	vadd.f32 v60, v20;
	v18 =	vadd.f32 v48, v22;
	v49 =	vmul.f32 v31, v31  }
0x3a9: {  	v17 =	vld [tilespmem:s6+$0x0];
	v22 =	vadd.f32 v62, v21;
	v52 =	vmul.f32 v27, v27;
	v51 =	vmul.f32 v28, v28  }
0x3aa: {  	v50 =	vld [tilespmem:s4+$0x0];
	v25 =	vadd.f32 v59, v19;
	v53 =	vmul.f32 v26, v26;
	v54 =	vmul.f32 v23, v23  }
0x3ab: {  	v3 =	vld [tilespmem:s4+$0x20];
	v30 =	vadd.f32 v30, v16;
	v55 =	vmul.f32 v22, v22;
	v41 =	vmul.f32 v18, v18  }
0x3ac: {  	v35 =	vmul.f32 $3.567740690e-02, v49;
	v32 =	vmul.f32 $3.567740690e-02, v52;
	v19 =	vadd.f32 v2, v63  }
0x3ad: {  	v16 =	vld [tilespmem:s4+$0x10];
	v2 =	vmul.f32 v29, v29;
	v21 =	vadd.f32 v4, v61;
	v4 =	vmul.f32 v25, v25  }
0x3ae: {  	v24 =	vadd.f32 v17, v47;
	v38 =	vmul.f32 $3.567740690e-02, v51;
	v39 =	vmul.f32 $3.567740690e-02, v53  }
0x3af: {  	v17 =	vadd.f32 v50, v58;
	v33 =	vmul.f32 $3.567740690e-02, v54;
	v37 =	vmul.f32 $3.567740690e-02, v55  }
0x3b0: {  	v41 =	vmul.f32 $3.567740690e-02, v41;
	v20 =	vadd.f32 v3, v56;
	v3 =	vmul.f32 v30, v30  }
0x3b1: {  	v56 =	vmul.f32 v19, v19;
	v58 =	vmul.f32 v21, v21  }
0x3b2: {  	v16 =	vadd.f32 v16, v57;
	v60 =	vmul.f32 v24, v24;
	v61 =	vmul.f32 v17, v17  }
0x3b3: {  	v35 =	vadd.f32 $7.978845830e-01, v35;
	v2 =	vmul.f32 $3.567740690e-02, v2;
	v4 =	vmul.f32 $3.567740690e-02, v4  }
0x3b4: {  	v32 =	vadd.f32 $7.978845830e-01, v32;
	v57 =	vmul.f32 v20, v20;
	v59 =	vmul.f32 v16, v16  }
0x3b5: {  	v38 =	vadd.f32 $7.978845830e-01, v38;
	v3 =	vmul.f32 $3.567740690e-02, v3;
	v35 =	vmul.f32 v35, v31  }
0x3b6: {  	v39 =	vadd.f32 $7.978845830e-01, v39;
	v32 =	vmul.f32 v32, v27;
	v27 =	vmul.f32 $5.000000000e-01, v27  }
0x3b7: {  	v33 =	vadd.f32 $7.978845830e-01, v33;
	v40 =	vmul.f32 $3.567740690e-02, v56;
	v36 =	vmul.f32 $3.567740690e-02, v58  }
0x3b8: {  	v41 =	vadd.f32 $7.978845830e-01, v41;
	v43 =	vmul.f32 $3.567740690e-02, v60;
	v44 =	vmul.f32 $3.567740690e-02, v61  }
0x3b9: {  	v37 =	vadd.f32 $7.978845830e-01, v37;
	v38 =	vmul.f32 v38, v28;
	v39 =	vmul.f32 v39, v26  }
0x3ba: {  	v2 =	vadd.f32 $7.978845830e-01, v2;
	v33 =	vmul.f32 v33, v23;
	v47 =	vmul.f32 v41, v18  }
0x3bb: {  	v4 =	vadd.f32 $7.978845830e-01, v4;
	v37 =	vmul.f32 v37, v22;
	v28 =	vmul.f32 $5.000000000e-01, v28  }
0x3bc: {  	v26 =	vmul.f32 $5.000000000e-01, v26;
	v34 =	vmul.f32 $3.567740690e-02, v57;
	v3 =	vadd.f32 $7.978845830e-01, v3  }
0x3bd: {  	v42 =	vmul.f32 $3.567740690e-02, v59;
	v35 =	vadd.f32 v35, v35;
	v32 =	vadd.f32 v32, v32  }
0x3be: {  	s12 =	sadd.s32 $0x100, s1;
	v62 =	vadd.f32 $7.978845830e-01, v40;
	v36 =	vadd.f32 $7.978845830e-01, v36;
	v2 =	vmul.f32 v2, v29  }
0x3bf: {  	v48 =	vld [tilespmem:s12+$0xFFFFFFF0];
	v43 =	vadd.f32 $7.978845830e-01, v43;
	v4 =	vmul.f32 v4, v25;
	v44 =	vadd.f32 $7.978845830e-01, v44  }
0x3c0: {  	v46 =	vld [tilespmem:s12+$0x20];
	v38 =	vadd.f32 v38, v38;
	v63 =	vadd.f32 v39, v39;
	v3 =	vmul.f32 v3, v30  }
0x3c1: {  	v50 =	vld [tilespmem:s12+$0xFFFFFFE0];
	v55 =	vadd.f32 v37, v37;
	v35 =	vmul.f32 $1.442695020e+00, v35;
	v32 =	vmul.f32 $1.442695020e+00, v32  }
0x3c2: {  	v53 =	vld [tilespmem:s12+$0xFFFFFFD0];
	v34 =	vadd.f32 $7.978845830e-01, v34;
	v45 =	vmul.f32 v62, v19;
	v36 =	vmul.f32 v36, v21  }
0x3c3: {  	v41 =	vld [tilespmem:s12+$0x60];
	v42 =	vadd.f32 $7.978845830e-01, v42;
	v51 =	vmul.f32 v43, v24;
	v52 =	vmul.f32 v44, v17  }
0x3c4: {  	v40 =	vld [tilespmem:s12+$0x70];
	v2 =	vadd.f32 v2, v2;
	v38 =	vmul.f32 $1.442695020e+00, v38;
	v54 =	vmul.f32 $1.442695020e+00, v63  }
0x3c5: {  	v39 =	vld [tilespmem:s12+$0xFFFFFFC0];
	v34 =	vmul.f32 v34, v20;
	v49 =	vmul.f32 v42, v16;
	v3 =	vadd.f32 v3, v3  }
0x3c6: {  	v56 =	vadd.f32 v47, v47;
	v47 =	vld [tilespmem:s12+$0xFFFFFFA0];
	(erf) = vpow2.f32 v35;
	v2 =	vmul.f32 $1.442695020e+00, v2  }
0x3c7: {  	s15 =	sadd.s32 $0x200, s5;
	s18 =	simm.s32 $0x100;
	v43 =	vld [tilespmem:s12+$0x40];
	v4 =	vadd.f32 v4, v4;
	(erf) = vpow2.f32 v38;
	v3 =	vmul.f32 $1.442695020e+00, v3  }
0x3c8: {  	s21 =	sand.u32 $0x1800, s15;
	s22 =	sand.u32 $0x300, s18;
	v44 =	vld [tilespmem:s12+$0x30];
	v35 =	vmul.f32 $1.442695020e+00, v55;
	(erf) = vpow2.f32 v2  }
0x3c9: {  	s1 =	sadd.s32 $0x2, s0;
	s0 =	sor.u32 s22, s21;
	v42 =	vld [tilespmem:s12+$0x50];
	v4 =	vmul.f32 $1.442695020e+00, v4;
	v2 =	vadd.f32 v33, v33;
	(erf) = vpow2.f32 v3  }
0x3ca: {  	v55 =	vld [tilespmem:s0+$0x3660];
	v57 =	vadd.f32 v45, v45;
	v36 =	vadd.f32 v36, v36;
	(erf) = vpow2.f32 v32  }
0x3cb: {  	v45 =	vld [tilespmem:s12+$0xFFFFFF80];
	v61 =	vadd.f32 v51, v51;
	v2 =	vmul.f32 $1.442695020e+00, v2;
	(erf) = vpow2.f32 v54  }
0x3cc: {  	v62 =	vadd.f32 v52, v52;
	v51 =	vld [tilespmem:s1+$0xFFFFFFFF];
	v33 =	vmul.f32 $1.442695020e+00, v57;
	(erf) = vpow2.f32 v4  }
0x3cd: {  	v52 =	vld [tilespmem:s0+$0x3620];
	v34 =	vadd.f32 v34, v34;
	v32 =	vmul.f32 $1.442695020e+00, v56;
	(erf) = vpow2.f32 v2  }
0x3ce: {  	v36 =	vmul.f32 $1.442695020e+00, v36;
	v57 =	vld [tilespmem:s0+$0x3640];
	(erf) = vpow2.f32 v35  }
0x3cf: {  	v58 =	vadd.f32 v49, v49;
	v3 =	vld [tilespmem:s12+$0xFFFFFFB0];
	v34 =	vmul.f32 $1.442695020e+00, v34;
	v59 =	vpop (erf);
	(erf) = vpow2.f32 v32  }
0x3d0: {  	v49 =	vmul.f32 $1.442695020e+00, v62;
	v54 =	vld [tilespmem:s12+$0x0];
	v38 =	vpop (erf);
	(erf) = vpow2.f32 v33  }
0x3d1: {  	v35 =	vmul.f32 $1.442695020e+00, v58;
	v33 =	vld [tilespmem:s1+$0x0];
	(erf) = vpow2.f32 v34;
	v63 =	vpop (erf)  }
0x3d2: {  	v37 =	vmul.f32 $1.442695020e+00, v61;
	v4 =	vld [tilespmem:s12+$0x10];
	v60 =	vpop (erf);
	(erf) = vpow2.f32 v36  }
0x3d3: {  	v23 =	vmul.f32 $5.000000000e-01, v23;
	v2 =	vld [tilespmem:s12+$0xFFFFFF90];
	v38 =	vadd.f32 $1.000000000e+00, v38;
	(erf) = vpow2.f32 v35;
	v61 =	vpop (erf)  }
0x3d4: {  	v22 =	vmul.f32 $5.000000000e-01, v22;
	v32 =	vadd.f32 $1.000000000e+00, v59;
	v36 =	vld [tilespmem:s0+$0x3670];
	v56 =	vpop (erf);
	(erf) = vpow2.f32 v37  }
0x3d5: {  	v34 =	vadd.f32 $1.000000000e+00, v63;
	v37 =	vld [tilespmem:s0+$0x3650];
	v35 =	vadd.f32 $1.000000000e+00, v61;
	(erf) = vpow2.f32 v49;
	v49 =	vpop (erf)  }
0x3d6: {  	s26 =	simm.s32 $0x180;
	s24 =	sadd.s32 $0x100, s15;
	v59 =	vld [tilespmem:s0+$0x3630];
	(v2sf) =	vpush v33, $0x0;
	v33 =	vadd.f32 $1.000000000e+00, v56;
	v58 =	vpop (erf);
	(erf) = vrcp.f32 v32  }
0x3d7: {  	s6 =	sand.u32 $0x380, s26;
	s4 =	sand.u32 $0x1800, s24;
	v61 =	vld [tilespmem:s0+$0x3600];
	v32 =	vadd.f32 $1.000000000e+00, v60;
	(v2sf) =	vpush v51, $0x0;
	(erf) = vrcp.f32 v38;
	v38 =	vpop (erf)  }
0x3d8: {  	s28 =	sor.u32 s6, s4;
	v49 =	vadd.f32 $1.000000000e+00, v49;
	v62 =	vadd.f32 $1.000000000e+00, v58;
	v60 =	vpop (erf);
	(erf) = vrcp.f32 v34;
	v34 =	vld [tilespmem:s0+$0x3610]  }
0x3d9: {  	(erf) = vrcp.f32 v32;
	v56 =	vpop (erf);
	v32 =	vadd.f32 v48, v36;
	v48 =	vld [tilespmem:s28+$0x3670];
	v36 =	vadd.f32 $1.000000000e+00, v38  }
0x3da: {  	v38 =	vadd.f32 v53, v37;
	v37 =	vadd.f32 v39, v57;
	v57 =	vld [tilespmem:s28+$0x3640];
	v51 =	vpop (erf);
	(erf) = vrcp.f32 v35  }
0x3db: {  	v53 =	vadd.f32 $1.000000000e+00, v60;
	v39 =	vadd.f32 v3, v59;
	v3 =	vld [tilespmem:s28+$0x3630];
	(erf) = vrcp.f32 v33;
	v58 =	vpop (erf)  }
0x3dc: {  	v59 =	vld [tilespmem:s28+$0x3600];
	v63 =	vadd.f32 $1.000000000e+00, v56;
	v33 =	vadd.f32 v50, v55;
	v55 =	vpop (erf);
	(erf) = vrcp.f32 v49  }
0x3dd: {  	v51 =	vadd.f32 $1.000000000e+00, v51;
	v49 =	vld [tilespmem:s28+$0x3650];
	(erf) = vrcp.f32 v62;
	v60 =	vpop (erf);
	v35 =	vadd.f32 v2, v34  }
0x3de: {  	v50 =	vld [tilespmem:s28+$0x3660];
	v55 =	vadd.f32 $1.000000000e+00, v55;
	v34 =	vadd.f32 v45, v61;
	v56 =	vpop (erf);
	(erf) = vrcp.f32 v36  }
0x3df: {  	v2 =	vld [tilespmem:s28+$0x3610];
	v36 =	vadd.f32 v47, v52;
	v47 =	vadd.f32 $1.000000000e+00, v58;
	(erf) = vrcp.f32 v53;
	v53 =	vpop (erf)  }
0x3e0: {  	v52 =	vld [tilespmem:s28+$0x3620];
	v60 =	vadd.f32 $1.000000000e+00, v60;
	v48 =	vadd.f32 v40, v48;
	v58 =	vpop (erf);
	(erf) = vrcp.f32 v63  }
0x3e1: {  	v40 =	vadd.f32 v54, v59;
	v62 =	vadd.f32 $1.000000000e+00, v56;
	(erf) = vrcp.f32 v51;
	v51 =	vpop (erf)  }
0x3e2: {  	v45 =	vadd.f32 v42, v49;
	v42 =	vadd.f32 v44, v3;
	v61 =	vpop (erf);
	(erf) = vrcp.f32 v47  }
0x3e3: {  	v44 =	vadd.f32 v43, v57;
	v47 =	vadd.f32 v41, v50;
	(erf) = vrcp.f32 v55;
	v55 =	vpop (erf)  }
0x3e4: {  	v41 =	vadd.f32 v4, v2;
	v50 =	vadd.f32 v53, v53;
	v63 =	vpop (erf);
	(erf) = vrcp.f32 v60  }
0x3e5: {  	v51 =	vadd.f32 v51, v51;
	v43 =	vadd.f32 v46, v52;
	(erf) = vrcp.f32 v62;
	v3 =	vpop (erf)  }
0x3e6: {  	v18 =	vmul.f32 $5.000000000e-01, v18;
	v46 =	vadd.f32 v58, v58;
	v53 =	vadd.f32 v61, v61;
	v4 =	vpop (erf)  }
0x3e7: {  	v2 =	vmul.f32 $5.000000000e-01, v31;
	v55 =	vadd.f32 v55, v55;
	v50 =	vsub.f32 $2.000000000e+00, v50;
	v31 =	vpop (erf)  }
0x3e8: {  	v29 =	vmul.f32 $5.000000000e-01, v29;
	v51 =	vsub.f32 $2.000000000e+00, v51;
	v49 =	vadd.f32 v63, v63;
	v52 =	vpop (erf)  }
0x3e9: {  	v25 =	vmul.f32 $5.000000000e-01, v25;
	v46 =	vsub.f32 $2.000000000e+00, v46;
	v53 =	vsub.f32 $2.000000000e+00, v53;
	v62 =	vpop (erf)  }
0x3ea: {  	v30 =	vmul.f32 $5.000000000e-01, v30;
	v3 =	vadd.f32 v3, v3;
	v55 =	vsub.f32 $2.000000000e+00, v55;
	v63 =	vpop (erf)  }
0x3eb: {  	v19 =	vmul.f32 $5.000000000e-01, v19;
	v4 =	vadd.f32 v4, v4;
	v49 =	vsub.f32 $2.000000000e+00, v49;
	v60 =	vpop (erf)  }
0x3ec: {  	v21 =	vmul.f32 $5.000000000e-01, v21;
	v31 =	vadd.f32 v31, v31;
	v3 =	vsub.f32 $2.000000000e+00, v3;
	v61 =	vpop (erf)  }
0x3ed: {  	v24 =	vmul.f32 $5.000000000e-01, v24;
	v52 =	vadd.f32 v52, v52;
	v4 =	vsub.f32 $2.000000000e+00, v4;
	v59 =	vpop (erf)  }
0x3ee: {  	v17 =	vmul.f32 $5.000000000e-01, v17;
	v57 =	vadd.f32 v60, v60;
	v60 =	vpop (erf);
	v59 =	vadd.f32 v59, v59  }
0x3ef: {  	v20 =	vmul.f32 $5.000000000e-01, v20;
	v54 =	vadd.f32 v62, v62;
	v60 =	vadd.f32 v60, v60  }
0x3f0: {  	v16 =	vmul.f32 $5.000000000e-01, v16;
	v31 =	vsub.f32 $2.000000000e+00, v31;
	v59 =	vsub.f32 $2.000000000e+00, v59  }
0x3f1: {  	v2 =	vmul.f32 v50, v2;
	v58 =	vadd.f32 v61, v61;
	v62 =	vsub.f32 $2.000000000e+00, v60  }
0x3f2: {  	v56 =	vadd.f32 v63, v63;
	v57 =	vsub.f32 $2.000000000e+00, v57;
	v24 =	vmul.f32 v59, v24  }
0x3f3: {  	v52 =	vsub.f32 $2.000000000e+00, v52;
	v63 =	vsub.f32 $2.000000000e+00, v58;
	v17 =	vmul.f32 v62, v17  }
0x3f4: {  	v54 =	vsub.f32 $2.000000000e+00, v54;
	v21 =	vmul.f32 v57, v21;
	v24 =	vmul.f32 v24, v8  }
0x3f5: {  	v58 =	vsub.f32 $2.000000000e+00, v56;
	v16 =	vmul.f32 v63, v16;
	v17 =	vmul.f32 v17, v8  }
0x3f6: {  	v19 =	vmul.f32 v54, v19;
	v21 =	vmul.f32 v21, v9;
	v24 =	vadd.f32 $0.0e+00, v24  }
0x3f7: {  	s29 =	spop (v2sf);
	v20 =	vmul.f32 v58, v20;
	v16 =	vmul.f32 v16, v9;
	v17 =	vadd.f32 $0.0e+00, v17  }
0x3f8: {  	s30 =	spop (v2sf);
	v22 =	vmul.f32 v31, v22;
	v19 =	vmul.f32 v19, v10;
	v21 =	vadd.f32 v21, v24  }
0x3f9: {  	s4 =	sshll.u32 s30, $0x9;
	v18 =	vmul.f32 v52, v18;
	v16 =	vadd.f32 v16, v17;
	v17 =	vmul.f32 v20, v10  }
0x3fa: {  	s4 =	sshra.s32 s4, $0x2;
	v3 =	vmul.f32 v3, v25;
	v19 =	vadd.f32 v19, v21;
	v21 =	vmul.f32 v22, v11  }
0x3fb: {  	s0 =	sshll.u32 s29, $0x9;
	v4 =	vmul.f32 v4, v23;
	v20 =	vld [tilespmem:s4+$0x70];
	v16 =	vadd.f32 v17, v16;
	v17 =	vmul.f32 v18, v11  }
0x3fc: {  	s0 =	sshra.s32 s0, $0x2;
	v3 =	vmul.f32 v3, v12;
	v19 =	vadd.f32 v21, v19;
	v21 =	vmul.f32 v55, v27  }
0x3fd: {  	v4 =	vmul.f32 v4, v12;
	v22 =	vld [tilespmem:s0+$0x70];
	v16 =	vadd.f32 v17, v16;
	v17 =	vmul.f32 v49, v26  }
0x3fe: {  	v23 =	vld [tilespmem:s0+$0x50];
	v3 =	vadd.f32 v3, v19;
	v19 =	vmul.f32 v21, v13;
	v21 =	vmul.f32 v51, v29  }
0x3ff: {  	v18 =	vld [tilespmem:s4+$0x60];
	v4 =	vadd.f32 v4, v16;
	v16 =	vmul.f32 v17, v13;
	v17 =	vmul.f32 v53, v30  }
0x400: {  	v25 =	vld [tilespmem:s4+$0x50];
	v31 =	vadd.f32 v20, v32;
	v3 =	vadd.f32 v19, v3;
	v19 =	vmul.f32 v21, v14  }
0x401: {  	v27 =	vld [tilespmem:s4+$0x40];
	v4 =	vadd.f32 v16, v4;
	v16 =	vmul.f32 v17, v14;
	v17 =	vmul.f32 v46, v28  }
0x402: {  	v2 =	vmul.f32 v2, v15;
	v24 =	vld [tilespmem:s0+$0x60];
	v26 =	vadd.f32 v22, v48;
	v3 =	vadd.f32 v19, v3  }
0x403: {  	v22 =	vld [tilespmem:s0+$0x30];
	v30 =	vadd.f32 v23, v45;
	v4 =	vadd.f32 v16, v4;
	v16 =	vmul.f32 v17, v15  }
0x404: {  	v21 =	vld [tilespmem:s0+$0x40];
	v33 =	vadd.f32 v18, v33;
	v2 =	vadd.f32 v2, v3  }
0x405: {  	v18 =	vld [tilespmem:s0+$0x10];
	v60 =	vmul.f32 v31, v31;
	v28 =	vadd.f32 v25, v38;
	v4 =	vadd.f32 v16, v4  }
0x406: {  	v25 =	vadd.f32 v27, v37;
	v59 =	vmul.f32 v26, v26;
	v62 =	vmul.f32 v30, v30;
	v19 =	vld [tilespmem:s4+$0x30];
	(xrf2) =	vadd.scan.msk.f32 $0xffff, v2  }
0x407: {  	v61 =	vmul.f32 v33, v33;
	v51 =	vmul.f32 $3.567740690e-02, v60;
	v17 =	vld [tilespmem:s4+$0x20];
	(xrf2) =	vadd.scan.msk.f32 $0xffff, v4  }
0x408: {  	v32 =	vadd.f32 v24, v47;
	v63 =	vmul.f32 v28, v28;
	v46 =	vmul.f32 v25, v25;
	v3 =	vld [tilespmem:s0+$0x20]  }
0x409: {  	v47 =	vmul.f32 $3.567740690e-02, v59;
	v24 =	vadd.f32 v22, v42;
	v29 =	vadd.f32 v21, v44;
	v21 =	vld [tilespmem:s0+$0x0]  }
0x40a: {  	v49 =	vmul.f32 $3.567740690e-02, v62;
	v50 =	vmul.f32 $3.567740690e-02, v61;
	v16 =	vor.u32 s3, v0;
	v2 =	vld [tilespmem:s4+$0x10]  }
0x40b: {  	v20 =	vadd.f32 v18, v41;
	v52 =	vmul.f32 $3.567740690e-02, v63;
	v45 =	vmul.f32 v24, v24;
	v4 =	vld [tilespmem:s4+$0x0]  }
0x40c: {  	v19 =	vadd.f32 v19, v39;
	v22 =	vadd.f32 v17, v36;
	v17 =	vimm.f32 $0.0e+00  }
0x40d: {  	v23 =	vadd.f32 v3, v43;
	v3 =	vmul.f32 v32, v32;
	v43 =	vmul.f32 v29, v29  }
0x40e: {  	v44 =	vmul.f32 v19, v19;
	v27 =	vadd.f32 v21, v40;
	v41 =	vmul.f32 v22, v22  }
0x40f: {  	v40 =	vmul.f32 v20, v20;
	v18 =	vadd.f32 v2, v35;
	v42 =	vmul.f32 v23, v23  }
0x410: {  	s31 =	simm.s32 $0x1;
	v48 =	vmul.f32 $3.567740690e-02, v3;
	v2 =	vmov s2;
	v21 =	vadd.f32 v4, v34;
	v34, _, _ =	vpop (xrf2)  }
0x411: {  	v35 =	vmov s31;
	v37 =	vmul.f32 v27, v27;
	v39 =	vmul.f32 v18, v18;
	v3, _, _ =	vpop (xrf2)  }
0x412: {  	p0 =	por p1, p1;
	s26 =	simm.s32 $0x4;
	s3 =	simm.s32 $0x2;
	v16 =	vld.idx.msk [tilespmem:v16+s20+$0x0], $0xffff;
	vm0 =	veq.s32 v2, v0;
	v38 =	vmul.f32 v21, v21;
	v36 =	vbroadcast v3, $0xF  }
.LBB2_12:
0x413: {  	p1 =	slt.u32 s26, $0xE;
	v2 =	vmul.f32 $3.567740690e-02, v46;
	v3 =	vmul.f32 $3.567740690e-02, v43;
	vm1 =	veq.s32 v35, v0  }
0x414: {  	v4 =	vmul.f32 $3.567740690e-02, v45;
	v34 =	vbroadcast v34, $0xF;
	v35 =	vnsel vm0, $0x0, v36  }
0x415: {  	v42 =	vmul.f32 $3.567740690e-02, v42;
	v36 =	vmul.f32 $3.567740690e-02, v44;
	v17 =	vadd.f32 v35, v17  }
0x416: {  	v43 =	vadd.f32 $7.978845830e-01, v47;
	v35 =	vadd.f32 $7.978845830e-01, v51;
	v34 =	vnsel vm1, $0x0, v34  }
0x417: {  	v41 =	vmul.f32 $3.567740690e-02, v41;
	v44 =	vadd.f32 $7.978845830e-01, v48;
	v17 =	vadd.f32 v34, v17  }
0x418: {  	v40 =	vmul.f32 $3.567740690e-02, v40;
	v45 =	vadd.f32 $7.978845830e-01, v49;
	v34 =	vadd.f32 $7.978845830e-01, v50  }
0x419: {  	v39 =	vmul.f32 $3.567740690e-02, v39;
	v46 =	vadd.f32 $7.978845830e-01, v52;
	v3 =	vadd.f32 $7.978845830e-01, v3  }
0x41a: {  	v37 =	vmul.f32 $3.567740690e-02, v37;
	v2 =	vadd.f32 $7.978845830e-01, v2;
	v4 =	vadd.f32 $7.978845830e-01, v4  }
0x41b: {  	v38 =	vmul.f32 $3.567740690e-02, v38;
	v47 =	vadd.f32 $7.978845830e-01, v42;
	v36 =	vadd.f32 $7.978845830e-01, v36  }
0x41c: {  	v41 =	vadd.f32 $7.978845830e-01, v41;
	v43 =	vmul.f32 v43, v26;
	v35 =	vmul.f32 v35, v31  }
0x41d: {  	v40 =	vadd.f32 $7.978845830e-01, v40;
	v44 =	vmul.f32 v44, v32;
	v48 =	vmul.f32 v34, v33  }
0x41e: {  	v39 =	vadd.f32 $7.978845830e-01, v39;
	v45 =	vmul.f32 v45, v30;
	v49 =	vmul.f32 v46, v28  }
0x41f: {  	s12 =	sadd.s32 $0x100, s12;
	v37 =	vadd.f32 $7.978845830e-01, v37;
	v2 =	vmul.f32 v2, v25;
	v3 =	vmul.f32 v3, v29  }
0x420: {  	v38 =	vadd.f32 $7.978845830e-01, v38;
	v4 =	vmul.f32 v4, v24;
	v36 =	vmul.f32 v36, v19;
	v42 =	vld [tilespmem:s12+$0x70]  }
0x421: {  	v41 =	vmul.f32 v41, v22;
	v47 =	vmul.f32 v47, v23;
	v46 =	vadd.f32 v43, v43;
	v34 =	vld [tilespmem:s12+$0xFFFFFFF0]  }
0x422: {  	v50 =	vmul.f32 v39, v18;
	v40 =	vmul.f32 v40, v20;
	v39 =	vadd.f32 v35, v35;
	v43 =	vld [tilespmem:s12+$0x60]  }
0x423: {  	v53 =	vmul.f32 v37, v27;
	v51 =	vadd.f32 v44, v44;
	v46 =	vmul.f32 $1.442695020e+00, v46;
	v35 =	vld [tilespmem:s12+$0xFFFFFFE0]  }
0x424: {  	v38 =	vmul.f32 v38, v21;
	v48 =	vadd.f32 v48, v48;
	v39 =	vmul.f32 $1.442695020e+00, v39;
	v44 =	vld [tilespmem:s12+$0x50]  }
0x425: {  	v45 =	vadd.f32 v45, v45;
	v51 =	vmul.f32 $1.442695020e+00, v51;
	v37 =	vld [tilespmem:s12+$0xFFFFFFD0];
	(erf) = vpow2.f32 v46  }
0x426: {  	v49 =	vadd.f32 v49, v49;
	v48 =	vmul.f32 $1.442695020e+00, v48;
	v46 =	vld [tilespmem:s12+$0x40];
	(erf) = vpow2.f32 v39  }
0x427: {  	v3 =	vadd.f32 v3, v3;
	v52 =	vmul.f32 $1.442695020e+00, v45;
	v39 =	vld [tilespmem:s12+$0xFFFFFFC0];
	(erf) = vpow2.f32 v51  }
0x428: {  	v2 =	vadd.f32 v2, v2;
	v51 =	vmul.f32 $1.442695020e+00, v49;
	v45 =	vld [tilespmem:s12+$0x30];
	(erf) = vpow2.f32 v48  }
0x429: {  	v4 =	vadd.f32 v4, v4;
	v3 =	vmul.f32 $1.442695020e+00, v3;
	v48 =	vld [tilespmem:s12+$0xFFFFFFB0];
	(erf) = vpow2.f32 v52  }
0x42a: {  	v36 =	vadd.f32 v36, v36;
	v2 =	vmul.f32 $1.442695020e+00, v2;
	v49 =	vld [tilespmem:s12+$0x20];
	(erf) = vpow2.f32 v51  }
0x42b: {  	v47 =	vadd.f32 v47, v47;
	v4 =	vmul.f32 $1.442695020e+00, v4;
	v54 =	vld [tilespmem:s12+$0xFFFFFFA0];
	(erf) = vpow2.f32 v3  }
0x42c: {  	v5 =	vmul.f32 $1.442695020e+00, v36;
	v3 =	vadd.f32 v41, v41;
	v51 =	vld [tilespmem:s12+$0x10];
	(erf) = vpow2.f32 v2  }
0x42d: {  	v40 =	vadd.f32 v40, v40;
	v41 =	vmul.f32 $1.442695020e+00, v47;
	v2 =	vld [tilespmem:s12+$0xFFFFFF90];
	(erf) = vpow2.f32 v4  }
0x42e: {  	v4 =	vadd.f32 v50, v50;
	v6 =	vmul.f32 $1.442695020e+00, v3;
	v52 =	vld [tilespmem:s12+$0x0];
	(erf) = vpow2.f32 v5;
	v36 =	vpop (erf)  }
0x42f: {  	s15 =	sadd.s32 $0x200, s15;
	s18 =	sadd.s32 $0x100, s18;
	s1 =	sadd.s32 $0x2, s1;
	v40 =	vmul.f32 $1.442695020e+00, v40;
	v50 =	vadd.f32 v53, v53;
	v47 =	vld [tilespmem:s12+$0xFFFFFF80];
	v53 =	vpop (erf);
	(erf) = vpow2.f32 v41  }
0x430: {  	s0 =	sand.u32 $0x1800, s15;
	s4 =	sand.u32 $0x300, s18;
	v38 =	vadd.f32 v38, v38;
	v5 =	vmul.f32 $1.442695020e+00, v4;
	v41 =	vld [tilespmem:s1+$0x0];
	(erf) = vpow2.f32 v6;
	v3 =	vpop (erf)  }
0x431: {  	s0 =	sor.u32 s4, s0;
	v50 =	vmul.f32 $1.442695020e+00, v50;
	v55 =	vld [tilespmem:s1+$0xFFFFFFFF];
	v56 =	vpop (erf);
	(erf) = vpow2.f32 v40  }
0x432: {  	v6 =	vmul.f32 $1.442695020e+00, v38;
	v40 =	vld [tilespmem:s0+$0x3670];
	(erf) = vpow2.f32 v5;
	v4 =	vpop (erf)  }
0x433: {  	v36 =	vadd.f32 $1.000000000e+00, v36;
	v57 =	vld [tilespmem:s0+$0x3660];
	v58 =	vpop (erf);
	(erf) = vpow2.f32 v50  }
0x434: {  	v5 =	vadd.f32 $1.000000000e+00, v53;
	v50 =	vld [tilespmem:s0+$0x3650];
	(erf) = vpow2.f32 v6;
	v38 =	vpop (erf)  }
0x435: {  	v3 =	vadd.f32 $1.000000000e+00, v3;
	v59 =	vld [tilespmem:s0+$0x3640];
	v60 =	vpop (erf);
	(erf) = vrcp.f32 v36  }
0x436: {  	v4 =	vadd.f32 $1.000000000e+00, v4;
	v36 =	vadd.f32 $1.000000000e+00, v56;
	v61 =	vld [tilespmem:s0+$0x3630];
	(erf) = vrcp.f32 v5;
	v53 =	vpop (erf)  }
0x437: {  	s6 =	sadd.s32 $0x80, s18;
	s4 =	sadd.s32 $0x100, s15;
	v38 =	vadd.f32 $1.000000000e+00, v38;
	v56 =	vld [tilespmem:s0+$0x3620];
	v62 =	vpop (erf);
	(erf) = vrcp.f32 v3;
	v40 =	vadd.f32 v34, v40  }
0x438: {  	s6 =	sand.u32 $0x380, s6;
	s4 =	sand.u32 $0x1800, s4;
	v3 =	vld [tilespmem:s0+$0x3610];
	(v2sf) =	vpush v41, $0x0;
	v41 =	vadd.f32 $1.000000000e+00, v58;
	(erf) = vrcp.f32 v36;
	v58 =	vpop (erf)  }
0x439: {  	v34 =	vadd.f32 $1.000000000e+00, v60;
	v63 =	vld [tilespmem:s0+$0x3600];
	s0 =	sor.u32 s6, s4;
	(v2sf) =	vpush v55, $0x0;
	v55 =	vpop (erf);
	(erf) = vrcp.f32 v4  }
0x43a: {  	v36 =	vadd.f32 v35, v57;
	v35 =	vadd.f32 $1.000000000e+00, v53;
	v4 =	vld [tilespmem:s0+$0x3670];
	(erf) = vrcp.f32 v41;
	v60 =	vpop (erf)  }
0x43b: {  	v39 =	vadd.f32 v39, v59;
	v57 =	vld [tilespmem:s0+$0x3660];
	v53 =	vpop (erf);
	(erf) = vrcp.f32 v38;
	v38 =	vadd.f32 v37, v50  }
0x43c: {  	v37 =	vadd.f32 $1.000000000e+00, v62;
	v41 =	vadd.f32 v48, v61;
	v5 =	vld [tilespmem:s0+$0x3650];
	(erf) = vrcp.f32 v34;
	v50 =	vpop (erf)  }
0x43d: {  	v48 =	vadd.f32 $1.000000000e+00, v55;
	v34 =	vadd.f32 $1.000000000e+00, v58;
	v59 =	vld [tilespmem:s0+$0x3640];
	v58 =	vpop (erf);
	(erf) = vrcp.f32 v35  }
0x43e: {  	v35 =	vadd.f32 v2, v3;
	v3 =	vadd.f32 $1.000000000e+00, v53;
	v61 =	vld [tilespmem:s0+$0x3630];
	(erf) = vrcp.f32 v37;
	v55 =	vpop (erf)  }
0x43f: {  	v37 =	vadd.f32 v54, v56;
	v56 =	vadd.f32 $1.000000000e+00, v60;
	v54 =	vld [tilespmem:s0+$0x3620];
	v60 =	vpop (erf);
	(erf) = vrcp.f32 v34  }
0x440: {  	v2 =	vld [tilespmem:s0+$0x3610];
	(erf) = vrcp.f32 v48;
	v53 =	vpop (erf)  }
0x441: {  	v34 =	vadd.f32 v47, v63;
	v63 =	vadd.f32 $1.000000000e+00, v50;
	v62 =	vld [tilespmem:s0+$0x3600];
	v6 =	vpop (erf);
	(erf) = vrcp.f32 v56  }
0x442: {  	v50 =	vadd.f32 v42, v4;
	v42 =	vadd.f32 $1.000000000e+00, v58;
	(erf) = vrcp.f32 v3;
	v3 =	vpop (erf)  }
0x443: {  	v48 =	vadd.f32 v43, v57;
	v47 =	vadd.f32 v44, v5;
	v5 =	vpop (erf);
	(erf) = vrcp.f32 v63  }
0x444: {  	v46 =	vadd.f32 v46, v59;
	v45 =	vadd.f32 v45, v61;
	(erf) = vrcp.f32 v42;
	v4 =	vpop (erf)  }
0x445: {  	v26 =	vmul.f32 $5.000000000e-01, v26;
	v44 =	vadd.f32 v49, v54;
	v43 =	vadd.f32 v51, v2;
	v2 =	vpop (erf)  }
0x446: {  	v31 =	vmul.f32 $5.000000000e-01, v31;
	v49 =	vmul.f32 $5.000000000e-01, v32;
	v42 =	vadd.f32 v52, v62;
	v51 =	vpop (erf)  }
0x447: {  	v32 =	vmul.f32 $5.000000000e-01, v33;
	v33 =	vadd.f32 v60, v60;
	v52 =	vadd.f32 v55, v55;
	s0 =	spop (v2sf);
	v54 =	vpop (erf)  }
0x448: {  	v30 =	vmul.f32 $5.000000000e-01, v30;
	v53 =	vadd.f32 v53, v53;
	v6 =	vadd.f32 v6, v6;
	s7 =	spop (v2sf);
	v55 =	vpop (erf)  }
0x449: {  	v28 =	vmul.f32 $5.000000000e-01, v28;
	v3 =	vadd.f32 v3, v3;
	v5 =	vadd.f32 v5, v5;
	v56 =	vpop (erf)  }
0x44a: {  	v29 =	vmul.f32 $5.000000000e-01, v29;
	v4 =	vadd.f32 v4, v4;
	v2 =	vadd.f32 v2, v2;
	v57 =	vpop (erf)  }
0x44b: {  	v25 =	vmul.f32 $5.000000000e-01, v25;
	v51 =	vadd.f32 v51, v51;
	v54 =	vadd.f32 v54, v54;
	v58 =	vpop (erf)  }
0x44c: {  	v24 =	vmul.f32 $5.000000000e-01, v24;
	v55 =	vadd.f32 v55, v55;
	v56 =	vadd.f32 v56, v56;
	v59 =	vpop (erf)  }
0x44d: {  	v19 =	vmul.f32 $5.000000000e-01, v19;
	v57 =	vadd.f32 v57, v57;
	v58 =	vadd.f32 v58, v58;
	v60 =	vpop (erf)  }
0x44e: {  	v23 =	vmul.f32 $5.000000000e-01, v23;
	v59 =	vadd.f32 v59, v59;
	v60 =	vadd.f32 v60, v60  }
0x44f: {  	v22 =	vmul.f32 $5.000000000e-01, v22;
	v33 =	vsub.f32 $2.000000000e+00, v33;
	v52 =	vsub.f32 $2.000000000e+00, v52  }
0x450: {  	v20 =	vmul.f32 $5.000000000e-01, v20;
	v53 =	vsub.f32 $2.000000000e+00, v53;
	v6 =	vsub.f32 $2.000000000e+00, v6  }
0x451: {  	v27 =	vmul.f32 $5.000000000e-01, v27;
	v3 =	vsub.f32 $2.000000000e+00, v3;
	v59 =	vsub.f32 $2.000000000e+00, v59  }
0x452: {  	v18 =	vmul.f32 $5.000000000e-01, v18;
	v5 =	vsub.f32 $2.000000000e+00, v5;
	v4 =	vsub.f32 $2.000000000e+00, v4  }
0x453: {  	v2 =	vsub.f32 $2.000000000e+00, v2;
	v57 =	vsub.f32 $2.000000000e+00, v57;
	v27 =	vmul.f32 v59, v27  }
0x454: {  	v21 =	vmul.f32 $5.000000000e-01, v21;
	v51 =	vsub.f32 $2.000000000e+00, v51;
	v59 =	vsub.f32 $2.000000000e+00, v60  }
0x455: {  	v55 =	vsub.f32 $2.000000000e+00, v55;
	v20 =	vmul.f32 v57, v20;
	v27 =	vmul.f32 v27, v8  }
0x456: {  	v54 =	vsub.f32 $2.000000000e+00, v54;
	v57 =	vsub.f32 $2.000000000e+00, v58;
	v21 =	vmul.f32 v59, v21  }
0x457: {  	v23 =	vmul.f32 v55, v23;
	v20 =	vmul.f32 v20, v9;
	v27 =	vadd.f32 $0.0e+00, v27  }
0x458: {  	v55 =	vsub.f32 $2.000000000e+00, v56;
	v18 =	vmul.f32 v57, v18;
	v21 =	vmul.f32 v21, v8  }
0x459: {  	v24 =	vmul.f32 v51, v24;
	v23 =	vmul.f32 v23, v10;
	v20 =	vadd.f32 v20, v27  }
0x45a: {  	s0 =	sshll.u32 s0, $0x9;
	v22 =	vmul.f32 v55, v22;
	v18 =	vmul.f32 v18, v9;
	v21 =	vadd.f32 $0.0e+00, v21  }
0x45b: {  	s4 =	sshll.u32 s7, $0x9;
	s7 =	sshra.s32 s0, $0x2;
	v4 =	vmul.f32 v4, v29;
	v20 =	vadd.f32 v23, v20;
	v23 =	vmul.f32 v24, v11  }
0x45c: {  	s0 =	sshra.s32 s4, $0x2;
	v19 =	vmul.f32 v54, v19;
	v18 =	vadd.f32 v18, v21;
	v21 =	vmul.f32 v22, v10;
	v24 =	vld [tilespmem:s7+$0x70]  }
0x45d: {  	v3 =	vmul.f32 v3, v30;
	v4 =	vmul.f32 v4, v12;
	v20 =	vadd.f32 v23, v20;
	v22 =	vld [tilespmem:s0+$0x70]  }
0x45e: {  	v2 =	vmul.f32 v2, v25;
	v19 =	vmul.f32 v19, v11;
	v18 =	vadd.f32 v21, v18;
	v23 =	vld [tilespmem:s7+$0x60]  }
0x45f: {  	v3 =	vmul.f32 v3, v13;
	v4 =	vadd.f32 v4, v20;
	v20 =	vmul.f32 v53, v49;
	v21 =	vld [tilespmem:s0+$0x60]  }
0x460: {  	v5 =	vmul.f32 v5, v28;
	v2 =	vmul.f32 v2, v12;
	v18 =	vadd.f32 v19, v18;
	v25 =	vld [tilespmem:s7+$0x50]  }
0x461: {  	v3 =	vadd.f32 v3, v4;
	v4 =	vmul.f32 v20, v14;
	v20 =	vmul.f32 v52, v26;
	v19 =	vld [tilespmem:s0+$0x50]  }
0x462: {  	v6 =	vmul.f32 v6, v32;
	v5 =	vmul.f32 v5, v13;
	v2 =	vadd.f32 v2, v18;
	v27 =	vld [tilespmem:s7+$0x40]  }
0x463: {  	v26 =	vadd.f32 v24, v50;
	v3 =	vadd.f32 v4, v3;
	v4 =	vmul.f32 v20, v15;
	v18 =	vld [tilespmem:s0+$0x40]  }
0x464: {  	v2 =	vadd.f32 v5, v2;
	v5 =	vmul.f32 v6, v14;
	v6 =	vmul.f32 v33, v31;
	v20 =	vld [tilespmem:s7+$0x30]  }
0x465: {  	v31 =	vadd.f32 v22, v40;
	v3 =	vadd.f32 v4, v3;
	v24 =	vld [tilespmem:s0+$0x30]  }
0x466: {  	v32 =	vadd.f32 v23, v48;
	v2 =	vadd.f32 v5, v2;
	v5 =	vmul.f32 v6, v15;
	v4 =	vld [tilespmem:s7+$0x20]  }
0x467: {  	v33 =	vadd.f32 v21, v36;
	v30 =	vadd.f32 v25, v47;
	v6 =	vld [tilespmem:s0+$0x20];
	(xrf2) =	vadd.scan.msk.f32 $0xffff, v3  }
0x468: {  	v2 =	vadd.f32 v5, v2;
	v28 =	vadd.f32 v19, v38;
	v3 =	vld [tilespmem:s7+$0x10]  }
0x469: {  	v29 =	vadd.f32 v27, v46;
	v25 =	vadd.f32 v18, v39;
	v5 =	vld [tilespmem:s0+$0x10]  }
0x46a: {  	v36 =	vmul.f32 v26, v26;
	v19 =	vadd.f32 v24, v41;
	v21 =	vld [tilespmem:s7+$0x0];
	v24 =	vadd.f32 v20, v45;
	(xrf2) =	vadd.scan.msk.f32 $0xffff, v2  }
0x46b: {  	v48 =	vmul.f32 v31, v31;
	v2 =	vld [tilespmem:s0+$0x0];
	v23 =	vadd.f32 v4, v44;
	v4 =	vmul.f32 v32, v32  }
0x46c: {  	v49 =	vmul.f32 v30, v30;
	v22 =	vadd.f32 v6, v37;
	v6 =	vmul.f32 v33, v33  }
0x46d: {  	v52 =	vmul.f32 v28, v28;
	v20 =	vadd.f32 v3, v43;
	v43 =	vmul.f32 v29, v29  }
0x46e: {  	v46 =	vmul.f32 v25, v25;
	v45 =	vmul.f32 v24, v24;
	v18 =	vadd.f32 v5, v35  }
0x46f: {  	v44 =	vmul.f32 v19, v19;
	v27 =	vadd.f32 v21, v42;
	v42 =	vmul.f32 v23, v23  }
0x470: {  	v41 =	vmul.f32 v22, v22;
	v40 =	vmul.f32 v20, v20;
	v21 =	vadd.f32 v2, v34  }
.Ltmp4:
0x471: {  	v39 =	vmul.f32 v18, v18;
	v37 =	vmul.f32 v27, v27;
	v34, _, _ =	vpop (xrf2);
	(pc) =	sbr.rel @p1 .LBB2_12-.Ltmp4, $4  }
0x472: {  	v47 =	vmul.f32 $3.567740690e-02, v36;
	v38 =	vmul.f32 v21, v21  }
0x473: {  	v51 =	vmul.f32 $3.567740690e-02, v48;
	s0 =	sadd.s32 $0x1, s3;
	v48 =	vmul.f32 $3.567740690e-02, v4;
	v2 =	vmov s3;
	s3 =	smov.u32 s26  }
0x474: {  	v49 =	vmul.f32 $3.567740690e-02, v49;
	v50 =	vmul.f32 $3.567740690e-02, v6;
	v35 =	vmov s0;
	v3, _, _ =	vpop (xrf2)  }
0x475: {  	v52 =	vmul.f32 $3.567740690e-02, v52;
	s26 =	sadd.s32 $0x2, s26;
	vm0 =	veq.s32 v2, v0;
	v36 =	vbroadcast v3, $0xF  }
0x476: {  	v2 =	vmul.f32 $3.567740690e-02, v46  }
0x477: {  	v3 =	vmul.f32 $3.567740690e-02, v43;
	v4 =	vmul.f32 $3.567740690e-02, v45  }
0x478: {  	v5 =	vmul.f32 $3.567740690e-02, v44;
	v6 =	vmul.f32 $3.567740690e-02, v42  }
0x479: {  	v57 =	vadd.f32 $7.978845830e-01, v51;
	v58 =	vadd.f32 $7.978845830e-01, v47;
	v41 =	vmul.f32 $3.567740690e-02, v41  }
0x47a: {  	v59 =	vadd.f32 $7.978845830e-01, v48;
	v60 =	vadd.f32 $7.978845830e-01, v50;
	v40 =	vmul.f32 $3.567740690e-02, v40  }
0x47b: {  	v61 =	vadd.f32 $7.978845830e-01, v49;
	v39 =	vmul.f32 $3.567740690e-02, v39;
	v62 =	vadd.f32 $7.978845830e-01, v52  }
0x47c: {  	v37 =	vmul.f32 $3.567740690e-02, v37;
	v3 =	vadd.f32 $7.978845830e-01, v3;
	v2 =	vadd.f32 $7.978845830e-01, v2  }
0x47d: {  	v38 =	vmul.f32 $3.567740690e-02, v38;
	v4 =	vadd.f32 $7.978845830e-01, v4;
	v5 =	vadd.f32 $7.978845830e-01, v5  }
0x47e: {  	v6 =	vadd.f32 $7.978845830e-01, v6;
	v42 =	vmul.f32 v57, v31;
	v43 =	vmul.f32 v58, v26  }
0x47f: {  	v41 =	vadd.f32 $7.978845830e-01, v41;
	v45 =	vmul.f32 v60, v33;
	v44 =	vmul.f32 v59, v32  }
0x480: {  	v40 =	vadd.f32 $7.978845830e-01, v40;
	v46 =	vmul.f32 v61, v30;
	v47 =	vmul.f32 v62, v28  }
0x481: {  	v39 =	vadd.f32 $7.978845830e-01, v39;
	v2 =	vmul.f32 v2, v25;
	v3 =	vmul.f32 v3, v29  }
0x482: {  	v37 =	vadd.f32 $7.978845830e-01, v37;
	v5 =	vmul.f32 v5, v19;
	v4 =	vmul.f32 v4, v24  }
0x483: {  	v38 =	vadd.f32 $7.978845830e-01, v38;
	v41 =	vmul.f32 v41, v22;
	v6 =	vmul.f32 v6, v23  }
0x484: {  	v43 =	vadd.f32 v43, v43;
	v39 =	vmul.f32 v39, v18;
	v42 =	vadd.f32 v42, v42  }
0x485: {  	v40 =	vmul.f32 v40, v20;
	v37 =	vmul.f32 v37, v27;
	v44 =	vadd.f32 v44, v44  }
0x486: {  	v38 =	vmul.f32 v38, v21;
	v45 =	vadd.f32 v45, v45;
	v43 =	vmul.f32 $1.442695020e+00, v43  }
0x487: {  	v46 =	vadd.f32 v46, v46;
	v42 =	vmul.f32 $1.442695020e+00, v42;
	v44 =	vmul.f32 $1.442695020e+00, v44  }
0x488: {  	v63 =	vadd.f32 v47, v47;
	v45 =	vmul.f32 $1.442695020e+00, v45;
	(erf) = vpow2.f32 v43  }
0x489: {  	v3 =	vadd.f32 v3, v3;
	v47 =	vmul.f32 $1.442695020e+00, v46;
	(erf) = vpow2.f32 v42  }
0x48a: {  	v2 =	vadd.f32 v2, v2;
	v43 =	vmul.f32 $1.442695020e+00, v63;
	(erf) = vpow2.f32 v44  }
0x48b: {  	v4 =	vadd.f32 v4, v4;
	v3 =	vmul.f32 $1.442695020e+00, v3;
	(erf) = vpow2.f32 v45  }
0x48c: {  	v5 =	vadd.f32 v5, v5;
	v2 =	vmul.f32 $1.442695020e+00, v2;
	(erf) = vpow2.f32 v47  }
0x48d: {  	v6 =	vadd.f32 v6, v6;
	v4 =	vmul.f32 $1.442695020e+00, v4;
	(erf) = vpow2.f32 v43  }
0x48e: {  	v5 =	vmul.f32 $1.442695020e+00, v5;
	(erf) = vpow2.f32 v3;
	v3 =	vadd.f32 v41, v41  }
0x48f: {  	v6 =	vmul.f32 $1.442695020e+00, v6;
	(erf) = vpow2.f32 v2;
	v2 =	vadd.f32 v40, v40  }
0x490: {  	(erf) = vpow2.f32 v4;
	v4 =	vadd.f32 v39, v39;
	v3 =	vmul.f32 $1.442695020e+00, v3  }
0x491: {  	v37 =	vadd.f32 v37, v37;
	(erf) = vpow2.f32 v5;
	v2 =	vmul.f32 $1.442695020e+00, v2  }
0x492: {  	v5 =	vpop (erf);
	(erf) = vpow2.f32 v6;
	v6 =	vadd.f32 v38, v38;
	v4 =	vmul.f32 $1.442695020e+00, v4  }
0x493: {  	v37 =	vmul.f32 $1.442695020e+00, v37;
	v48 =	vpop (erf);
	(erf) = vpow2.f32 v3  }
0x494: {  	v3 =	vpop (erf);
	(erf) = vpow2.f32 v2;
	v2 =	vmul.f32 $1.442695020e+00, v6  }
0x495: {  	v49 =	vpop (erf);
	(erf) = vpow2.f32 v4  }
0x496: {  	v5 =	vadd.f32 $1.000000000e+00, v5;
	v4 =	vpop (erf);
	(erf) = vpow2.f32 v37  }
0x497: {  	v50 =	vadd.f32 $1.000000000e+00, v48;
	v6 =	vpop (erf);
	(erf) = vpow2.f32 v2  }
0x498: {  	v3 =	vadd.f32 $1.000000000e+00, v3;
	v2 =	vpop (erf);
	(erf) = vrcp.f32 v5;
	v5 =	vadd.f32 $1.000000000e+00, v49  }
0x499: {  	v51 =	vpop (erf);
	(erf) = vrcp.f32 v50  }
0x49a: {  	v4 =	vadd.f32 $1.000000000e+00, v4;
	v52 =	vpop (erf);
	(erf) = vrcp.f32 v3;
	v3 =	vadd.f32 $1.000000000e+00, v6  }
0x49b: {  	v53 =	vpop (erf);
	(erf) = vrcp.f32 v5  }
0x49c: {  	v2 =	vadd.f32 $1.000000000e+00, v2;
	v5 =	vpop (erf);
	(erf) = vrcp.f32 v4;
	v4 =	vadd.f32 $1.000000000e+00, v51  }
0x49d: {  	v6 =	vpop (erf);
	(erf) = vrcp.f32 v3  }
0x49e: {  	v37 =	vadd.f32 $1.000000000e+00, v52;
	v3 =	vpop (erf);
	(erf) = vrcp.f32 v2;
	v2 =	vadd.f32 $1.000000000e+00, v53  }
0x49f: {  	v54 =	vpop (erf);
	(erf) = vrcp.f32 v4  }
0x4a0: {  	v5 =	vadd.f32 $1.000000000e+00, v5;
	v6 =	vadd.f32 $1.000000000e+00, v6;
	v4 =	vpop (erf);
	(erf) = vrcp.f32 v37  }
0x4a1: {  	v55 =	vpop (erf);
	(erf) = vrcp.f32 v2  }
0x4a2: {  	v3 =	vadd.f32 $1.000000000e+00, v3;
	v2 =	vpop (erf);
	(erf) = vrcp.f32 v5;
	v5 =	vadd.f32 $1.000000000e+00, v54  }
0x4a3: {  	v56 =	vpop (erf);
	(erf) = vrcp.f32 v6  }
0x4a4: {  	v6 =	vpop (erf);
	(erf) = vrcp.f32 v3;
	v3 =	vadd.f32 $1.000000000e+00, v55  }
0x4a5: {  	v26 =	vmul.f32 $5.000000000e-01, v26;
	v4 =	vadd.f32 $1.000000000e+00, v4;
	v57 =	vpop (erf)  }
0x4a6: {  	v31 =	vmul.f32 $5.000000000e-01, v31;
	(erf) = vrcp.f32 v5;
	v5 =	vpop (erf)  }
0x4a7: {  	v61 =	vmul.f32 $5.000000000e-01, v32;
	v2 =	vadd.f32 v2, v2;
	(erf) = vrcp.f32 v4;
	v58 =	vpop (erf)  }
0x4a8: {  	v30 =	vmul.f32 $5.000000000e-01, v30;
	v37 =	vadd.f32 v56, v56;
	(erf) = vrcp.f32 v3;
	v3 =	vpop (erf)  }
0x4a9: {  	v28 =	vmul.f32 $5.000000000e-01, v28;
	v6 =	vadd.f32 v6, v6;
	v2 =	vsub.f32 $2.000000000e+00, v2;
	v4 =	vpop (erf)  }
0x4aa: {  	v29 =	vmul.f32 $5.000000000e-01, v29;
	v39 =	vadd.f32 v57, v57;
	v37 =	vsub.f32 $2.000000000e+00, v37;
	v59 =	vpop (erf)  }
0x4ab: {  	v25 =	vmul.f32 $5.000000000e-01, v25;
	v5 =	vadd.f32 v5, v5;
	v6 =	vsub.f32 $2.000000000e+00, v6;
	v60 =	vpop (erf)  }
0x4ac: {  	v24 =	vmul.f32 $5.000000000e-01, v24;
	v38 =	vadd.f32 v58, v58;
	v39 =	vsub.f32 $2.000000000e+00, v39;
	v62 =	vpop (erf)  }
0x4ad: {  	v19 =	vmul.f32 $5.000000000e-01, v19;
	v3 =	vadd.f32 v3, v3;
	v5 =	vsub.f32 $2.000000000e+00, v5;
	v48 =	vpop (erf)  }
0x4ae: {  	v23 =	vmul.f32 $5.000000000e-01, v23;
	v4 =	vadd.f32 v4, v4;
	v38 =	vsub.f32 $2.000000000e+00, v38;
	v49 =	vpop (erf)  }
0x4af: {  	v22 =	vmul.f32 $5.000000000e-01, v22;
	v40 =	vadd.f32 v59, v59;
	v3 =	vsub.f32 $2.000000000e+00, v3;
	v50 =	vpop (erf)  }
0x4b0: {  	v27 =	vmul.f32 $5.000000000e-01, v27;
	v41 =	vadd.f32 v60, v60;
	v4 =	vsub.f32 $2.000000000e+00, v4;
	v51 =	vpop (erf)  }
0x4b1: {  	v20 =	vmul.f32 $5.000000000e-01, v20;
	v42 =	vadd.f32 v62, v62;
	v52 =	vpop (erf);
	v46 =	vadd.f32 v51, v51  }
0x4b2: {  	v21 =	vmul.f32 $5.000000000e-01, v21;
	v40 =	vsub.f32 $2.000000000e+00, v40;
	v47 =	vadd.f32 v52, v52  }
0x4b3: {  	v18 =	vmul.f32 $5.000000000e-01, v18;
	v44 =	vadd.f32 v49, v49;
	v46 =	vsub.f32 $2.000000000e+00, v46  }
0x4b4: {  	v63 =	vmul.f32 $5.000000000e-01, v33;
	v45 =	vadd.f32 v50, v50;
	v53 =	vsub.f32 $2.000000000e+00, v47  }
0x4b5: {  	v43 =	vadd.f32 v48, v48;
	v44 =	vsub.f32 $2.000000000e+00, v44;
	v27 =	vmul.f32 v46, v27  }
0x4b6: {  	v41 =	vsub.f32 $2.000000000e+00, v41;
	v45 =	vsub.f32 $2.000000000e+00, v45;
	v21 =	vmul.f32 v53, v21  }
0x4b7: {  	v42 =	vsub.f32 $2.000000000e+00, v42;
	v20 =	vmul.f32 v44, v20;
	v27 =	vmul.f32 v27, v8  }
0x4b8: {  	v43 =	vsub.f32 $2.000000000e+00, v43;
	v18 =	vmul.f32 v45, v18;
	v21 =	vmul.f32 v21, v8  }
0x4b9: {  	v23 =	vmul.f32 v42, v23;
	v20 =	vmul.f32 v20, v9;
	v27 =	vadd.f32 $0.0e+00, v27  }
0x4ba: {  	v22 =	vmul.f32 v43, v22;
	v18 =	vmul.f32 v18, v9;
	v21 =	vadd.f32 $0.0e+00, v21  }
0x4bb: {  	v24 =	vmul.f32 v40, v24;
	v23 =	vmul.f32 v23, v10;
	v20 =	vadd.f32 v20, v27  }
0x4bc: {  	v19 =	vmul.f32 v41, v19;
	v18 =	vadd.f32 v18, v21;
	v21 =	vmul.f32 v22, v10  }
0x4bd: {  	v3 =	vmul.f32 v3, v29;
	v22 =	vmul.f32 v24, v11;
	v20 =	vadd.f32 v23, v20  }
0x4be: {  	v4 =	vmul.f32 v4, v25;
	v19 =	vmul.f32 v19, v11;
	v18 =	vadd.f32 v21, v18  }
0x4bf: {  	v5 =	vmul.f32 v5, v30;
	v3 =	vmul.f32 v3, v12;
	v20 =	vadd.f32 v22, v20  }
0x4c0: {  	v4 =	vmul.f32 v4, v12;
	v18 =	vadd.f32 v19, v18;
	v19 =	vmul.f32 v38, v28  }
0x4c1: {  	v6 =	vmul.f32 v6, v61;
	v5 =	vmul.f32 v5, v13;
	v3 =	vadd.f32 v3, v20  }
0x4c2: {  	v4 =	vadd.f32 v4, v18;
	v18 =	vmul.f32 v19, v13;
	v19 =	vmul.f32 v39, v63  }
0x4c3: {  	v2 =	vmul.f32 v2, v26;
	v3 =	vadd.f32 v5, v3;
	v5 =	vmul.f32 v6, v14  }
0x4c4: {  	v4 =	vadd.f32 v18, v4;
	v6 =	vmul.f32 v19, v14;
	v18 =	vmul.f32 v37, v31  }
0x4c5: {  	v2 =	vmul.f32 v2, v15;
	v3 =	vadd.f32 v5, v3  }
0x4c6: {  	v4 =	vadd.f32 v6, v4;
	v5 =	vmul.f32 v18, v15  }
0x4c7: {  	v2 =	vadd.f32 v2, v3  }
0x4c8: {  	v3 =	vadd.f32 v5, v4  }
0x4c9: {  	(xrf2) =	vadd.scan.msk.f32 $0xffff, v2  }
0x4ca: {  	(xrf2) =	vadd.scan.msk.f32 $0xffff, v3;
	_ =	sdelay $0x8  }
0x4cb: {  	v2 =	vnsel vm0, $0x0, v36;
	v3 =	vbroadcast v34, $0xF;
	v4, _, _ =	vpop (xrf2)  }
0x4cc: {  	vm0 =	veq.s32 v35, v0;
	v2 =	vadd.f32 v2, v17;
	v5, _, _ =	vpop (xrf2)  }
0x4cd: {  	v6 =	vmov s3;
	v3 =	vnsel vm0, $0x0, v3;
	v5 =	vbroadcast v5, $0xF  }
0x4ce: {  	s0 =	sadd.s32 $0x1, s3;
	vm0 =	veq.s32 v6, v0;
	v2 =	vadd.f32 v3, v2  }
0x4cf: {  	v3 =	vmov s0;
	v4 =	vbroadcast v4, $0xF;
	v5 =	vnsel vm0, $0x0, v5  }
0x4d0: {  	vm0 =	veq.s32 v3, v0;
	v2 =	vadd.f32 v5, v2  }
0x4d1: {  	v3 =	vnsel vm0, $0x0, v4  }
0x4d2: {  	v2 =	vadd.f32 v3, v2;
	v3 =	vld [tilespmem:$0x1FFA0];
	_ =	sdelay $0x4  }
0x4d3: {  	v2 =	vadd.f32 v2, v3;
	_ =	sdelay $0x1  }
0x4d4: {  	v2 =	vadd.f32 v2, v2;
	_ =	sdelay $0x1  }
0x4d5: {  	v2 =	vmul.f32 $1.442695020e+00, v2;
	_ =	sdelay $0x1  }
0x4d6: {  	(erf) = vpow2.f32 v2;
	_ =	sdelay $0x8  }
0x4d7: {  	v2 =	vpop (erf)  }
0x4d8: {  	v2 =	vadd.f32 $1.000000000e+00, v2;
	_ =	sdelay $0x1  }
0x4d9: {  	(erf) = vrcp.f32 v2;
	_ =	sdelay $0x8  }
0x4da: {  	v2 =	vpop (erf)  }
0x4db: {  	v2 =	vadd.f32 v2, v2;
	_ =	sdelay $0x1  }
0x4dc: {  	v2 =	vsub.f32 $1.000000000e+00, v2;
	_ =	sdelay $0x1  }
0x4dd: {  	v2 =	vmul.f32 v2, v7;
	_ =	sdelay $0x1  }
0x4de: {  	v17 =	vadd.f32 $1.000000000e+00, v2;
	_ =	sdelay $0x1  }
0x4df: {  	s7 =	sadd.s32 $0x1502, s11;
	[tilespmem:$0x1580] =	vst v17  }
0x4e0: {  	v2 =	vld [tilespmem:s7+$0x1];
	_ =	sdelay $0x4  }
0x4e1: {  	(v2sf) =	vpush v2, $0x0;
	_ =	sdelay $0x3  }
0x4e2: {  	v2 =	vld [tilespmem:s7+$0xFFFFFFFE];
	_ =	sdelay $0x3  }
0x4e3: {  	v3 =	vld [tilespmem:s7+$0xFFFFFFFF]  }
0x4e4: {  	(v2sf) =	vpush v2, $0x0  }
0x4e5: {  	v4 =	vld [tilespmem:s7+$0x0];
	_ =	sdelay $0x2  }
0x4e6: {  	s0 =	sadd.s32 $0x200, s5;
	(v2sf) =	vpush v3, $0x0  }
0x4e7: {  	s1 =	simm.s32 $0x180;
	s24 =	sadd.s32 $0x100, s0  }
0x4e8: {  	s1 =	sand.u32 $0x380, s1;
	s3 =	sand.u32 $0x1800, s24;
	(v2sf) =	vpush v4, $0x0;
	s4 =	spop (v2sf)  }
0x4e9: {  	s9 =	sor.u32 s1, s3;
	s26 =	sshll.u32 s4, $0x9  }
0x4ea: {  	v2 =	vld [tilespmem:s9+$0x3A00];
	s8 =	sshra.s32 s26, $0x2  }
0x4eb: {  	v3 =	vld [tilespmem:s8+$0x800]  }
0x4ec: {  	s29 =	simm.s32 $0x1582  }
0x4ed: {  	v25 =	vld.msk [tilespmem:s29+$0x1 ss:$0x0], $0xffff  }
0x4ee: {  	p1 =	por $0x0, $0x0;
	s1 =	simm.s32 $0x1  }
0x4ef: {  	s1 =	simm.s32 @!p1 $0x0  }
0x4f0: {  	s1 =	sshll.u32 s1, $0x9;
	v2 =	vadd.f32 v3, v2  }
0x4f1: {  	s24 =	sadd.s32 s1, s5;
	s14 =	spop (v2sf)  }
0x4f2: {  	s1 =	sor.u32 $0x400, s24;
	v18 =	vld.msk [tilespmem:s29+$0xFFFFFFFE ss:$0x0], $0xffff;
	s3 =	sshll.u32 s14, $0x9;
	v2 =	vmul.f32 v2, v25  }
0x4f3: {  	s13 =	sshra.s32 s3, $0x2;
	v3 =	vld [tilespmem:s1+$0x3600];
	s1 =	sadd.s32 $0x8700, s10  }
0x4f4: {  	s16 =	simm.s32 $0x80;
	v4 =	vld [tilespmem:s13+$0x800];
	[tilespmem:s1+$0x80] =	vst v2  }
0x4f5: {  	s18 =	simm.s32 $0x100;
	s15 =	sadd.s32 $0xFFFFFF00, s0;
	s6 =	spop (v2sf);
	v2 =	vld [tilespmem:s9+$0x3A10]  }
0x4f6: {  	s19 =	sand.u32 $0x1800, s0;
	s12 =	sand.u32 $0x1800, s15;
	s6 =	sshll.u32 s6, $0x9;
	v5 =	vld [tilespmem:s8+$0x810]  }
0x4f7: {  	v19 =	vld.msk [tilespmem:s29+$0xFFFFFFFF ss:$0x0], $0xffff;
	s17 =	spop (v2sf);
	s10 =	sand.u32 $0x280, s16;
	s3 =	sshra.s32 s6, $0x2  }
0x4f8: {  	s11 =	sshll.u32 s17, $0x9;
	s6 =	sand.u32 $0x300, s18;
	s22 =	sor.u32 s10, s12;
	v6 =	vld [tilespmem:s3+$0x800]  }
0x4f9: {  	s10 =	sshra.s32 s11, $0x2;
	s11 =	sor.u32 s6, s19;
	v21 =	vld [tilespmem:s22+$0x3A00];
	v3 =	vadd.f32 v4, v3  }
0x4fa: {  	v22 =	vld [tilespmem:s11+$0x3A00]  }
0x4fb: {  	v4 =	vld [tilespmem:s10+$0x800];
	v3 =	vmul.f32 v3, v18;
	v2 =	vadd.f32 v5, v2;
	_ =	sdelay $0x1  }
0x4fc: {  	s21 =	sor.u32 $0x410, s24;
	v20 =	vld.msk [tilespmem:s29+$0x0 ss:$0x0], $0xffff;
	[tilespmem:s1+$0xFFFFFF00] =	vst v3;
	v2 =	vmul.f32 v2, v25  }
0x4fd: {  	v3 =	vadd.f32 v6, v21;
	v5 =	vld [tilespmem:s21+$0x3600]  }
0x4fe: {  	v6 =	vld [tilespmem:s13+$0x810];
	[tilespmem:s1+$0x90] =	vst v2  }
0x4ff: {  	v2 =	vmul.f32 v3, v19;
	v3 =	vadd.f32 v4, v22;
	v4 =	vld [tilespmem:s9+$0x3A20]  }
0x500: {  	v21 =	vld [tilespmem:s8+$0x820]  }
0x501: {  	[tilespmem:s1+$0xFFFFFF80] =	vst v2;
	v2 =	vmul.f32 v3, v20  }
0x502: {  	v3 =	vld [tilespmem:s22+$0x3A10]  }
0x503: {  	v22 =	vld [tilespmem:s3+$0x810];
	[tilespmem:s1+$0x0] =	vst v2;
	v2 =	vadd.f32 v6, v5  }
0x504: {  	v5 =	vld [tilespmem:s11+$0x3A10]  }
0x505: {  	v6 =	vld [tilespmem:s10+$0x810];
	v2 =	vmul.f32 v2, v18;
	v4 =	vadd.f32 v21, v4;
	_ =	sdelay $0x1  }
0x506: {  	[tilespmem:s1+$0xFFFFFF10] =	vst v2;
	v2 =	vmul.f32 v4, v25  }
0x507: {  	s26 =	sor.u32 $0x420, s24;
	v3 =	vadd.f32 v22, v3  }
0x508: {  	v4 =	vld [tilespmem:s26+$0x3600];
	[tilespmem:s1+$0xA0] =	vst v2  }
0x509: {  	v2 =	vmul.f32 v3, v19;
	v3 =	vadd.f32 v6, v5;
	v5 =	vld [tilespmem:s9+$0x3A30]  }
0x50a: {  	v6 =	vld [tilespmem:s8+$0x830]  }
0x50b: {  	v21 =	vld [tilespmem:s13+$0x820]  }
0x50c: {  	[tilespmem:s1+$0xFFFFFF90] =	vst v2  }
0x50d: {  	v2 =	vmul.f32 v3, v20;
	v3 =	vld [tilespmem:s22+$0x3A20]  }
0x50e: {  	v22 =	vld [tilespmem:s3+$0x820]  }
0x50f: {  	[tilespmem:s1+$0x10] =	vst v2;
	v5 =	vadd.f32 v6, v5  }
0x510: {  	v2 =	vadd.f32 v21, v4;
	v4 =	vld [tilespmem:s11+$0x3A20]  }
0x511: {  	v21 =	vld [tilespmem:s10+$0x820];
	v5 =	vmul.f32 v5, v25  }
0x512: {  	s19 =	sadd.s32 $0x4, s7  }
0x513: {  	v23 =	vld [tilespmem:s19+$0x1];
	v2 =	vmul.f32 v2, v18;
	v3 =	vadd.f32 v22, v3;
	[tilespmem:s1+$0xB0] =	vst v5  }
0x514: {  	v5 =	vld [tilespmem:s9+$0x3A40]  }
0x515: {  	s29 =	sor.u32 $0x430, s24;
	[tilespmem:s1+$0xFFFFFF20] =	vst v2;
	v3 =	vmul.f32 v3, v19;
	v6 =	vld [tilespmem:s8+$0x840]  }
0x516: {  	v2 =	vld [tilespmem:s29+$0x3600];
	v4 =	vadd.f32 v21, v4  }
0x517: {  	v21 =	vld [tilespmem:s13+$0x830];
	[tilespmem:s1+$0xFFFFFFA0] =	vst v3  }
0x518: {  	v3 =	vmul.f32 v4, v20;
	v4 =	vld [tilespmem:s22+$0x3A30]  }
0x519: {  	v22 =	vld [tilespmem:s3+$0x830]  }
0x51a: {  	v24 =	vld [tilespmem:s19+$0xFFFFFFFF];
	[tilespmem:s1+$0x20] =	vst v3;
	v5 =	vadd.f32 v6, v5  }
0x51b: {  	v3 =	vld [tilespmem:s11+$0x3A30]  }
0x51c: {  	v2 =	vadd.f32 v21, v2;
	v21 =	vld [tilespmem:s19+$0xFFFFFFFE];
	v5 =	vmul.f32 v5, v25  }
0x51d: {  	v6 =	vld [tilespmem:s10+$0x830]  }
0x51e: {  	(v2sf) =	vpush v23, $0x0;
	v2 =	vmul.f32 v2, v18;
	v4 =	vadd.f32 v22, v4;
	v22 =	vld [tilespmem:s19+$0x0];
	[tilespmem:s1+$0xC0] =	vst v5  }
0x51f: {  	v5 =	vld [tilespmem:s9+$0x3A50]  }
0x520: {  	p1 =	por !p1, !p1;
	s4 =	simm.s32 $0x1;
	s6 =	sor.u32 $0x440, s24;
	[tilespmem:s1+$0xFFFFFF30] =	vst v2;
	v2 =	vmul.f32 v4, v19;
	v4 =	vld [tilespmem:s8+$0x850]  }
0x521: {  	s4 =	simm.s32 @!p1 $0x0;
	v23 =	vld [tilespmem:s6+$0x3600];
	(v2sf) =	vpush v21, $0x0  }
0x522: {  	s30 =	sadd.s32 $0x400, s5;
	s4 =	sshll.u32 s4, $0x9;
	(v2sf) =	vpush v24, $0x0;
	[tilespmem:s1+$0xFFFFFFB0] =	vst v2;
	v2 =	vadd.f32 v6, v3;
	v3 =	vld [tilespmem:s13+$0x840]  }
0x523: {  	s31 =	sadd.s32 $0x400, s0;
	s5 =	sadd.s32 s4, s30;
	v6 =	vld [tilespmem:s22+$0x3A40]  }
0x524: {  	s0 =	simm.s32 $0x380;
	s4 =	sor.u32 $0x400, s5;
	s12 =	sadd.s32 $0x100, s31;
	v26 =	vld [tilespmem:s3+$0x840]  }
0x525: {  	s14 =	sand.u32 $0x380, s0;
	v24 =	vld [tilespmem:s4+$0x3600];
	s4 =	sand.u32 $0x1800, s12;
	(v2sf) =	vpush v22, $0x0;
	v2 =	vmul.f32 v2, v20;
	v4 =	vadd.f32 v4, v5  }
0x526: {  	s18 =	sor.u32 s14, s4  }
0x527: {  	v29 =	vld [tilespmem:s18+$0x3A00];
	[tilespmem:s1+$0x30] =	vst v2;
	v3 =	vadd.f32 v3, v23;
	v4 =	vmul.f32 v4, v25  }
0x528: {  	v2 =	vld [tilespmem:s11+$0x3A40]  }
0x529: {  	v5 =	vld [tilespmem:s10+$0x840];
	v6 =	vadd.f32 v26, v6;
	v3 =	vmul.f32 v3, v18;
	[tilespmem:s1+$0xD0] =	vst v4  }
0x52a: {  	v4 =	vld [tilespmem:s9+$0x3A60]  }
0x52b: {  	s7 =	sor.u32 $0x450, s24;
	[tilespmem:s1+$0xFFFFFF40] =	vst v3;
	v3 =	vmul.f32 v6, v19;
	v6 =	vld [tilespmem:s8+$0x860]  }
0x52c: {  	v26 =	vld [tilespmem:s7+$0x3600]  }
0x52d: {  	s15 =	spop (v2sf);
	s7 =	simm.s32 $0x1586;
	[tilespmem:s1+$0xFFFFFFC0] =	vst v3;
	v3 =	vld [tilespmem:s13+$0x850]  }
0x52e: {  	s16 =	sshll.u32 s15, $0x9;
	v21 =	vld.msk [tilespmem:s7+$0x1 ss:$0x0], $0xffff  }
0x52f: {  	s15 =	sshra.s32 s16, $0x2;
	v23 =	vld.msk [tilespmem:s7+$0xFFFFFFFE ss:$0x0], $0xffff  }
0x530: {  	s21 =	sadd.s32 $0xFFFFFF00, s31;
	s17 =	spop (v2sf);
	v4 =	vadd.f32 v6, v4;
	v6 =	vld [tilespmem:s15+$0x800]  }
0x531: {  	s16 =	simm.s32 $0x280;
	s6 =	sand.u32 $0x1800, s21;
	v22 =	vld.msk [tilespmem:s7+$0xFFFFFFFF ss:$0x0], $0xffff;
	s29 =	spop (v2sf)  }
0x532: {  	s21 =	simm.s32 $0x300;
	v27 =	vld [tilespmem:s22+$0x3A50];
	s4 =	sshll.u32 s17, $0x9;
	s12 =	sshll.u32 s29, $0x9  }
0x533: {  	v28 =	vld [tilespmem:s3+$0x850];
	s26 =	sshra.s32 s4, $0x2;
	s4 =	sand.u32 $0x280, s16;
	s29 =	sand.u32 $0x1800, s31  }
0x534: {  	v4 =	vmul.f32 v4, v25;
	s14 =	spop (v2sf);
	v30 =	vld [tilespmem:s26+$0x800];
	s28 =	sor.u32 s4, s6;
	s4 =	sand.u32 $0x300, s21  }
0x535: {  	v2 =	vadd.f32 v5, v2;
	s17 =	sshll.u32 s14, $0x9;
	v5 =	vld [tilespmem:s28+$0x3A00];
	s14 =	sor.u32 s4, s29;
	v6 =	vadd.f32 v6, v29  }
0x536: {  	[tilespmem:s1+$0xE0] =	vst v4;
	v55 =	vld [tilespmem:s14+$0x3A00]  }
0x537: {  	v4 =	vld [tilespmem:s9+$0x3A70];
	v6 =	vmul.f32 v6, v21  }
0x538: {  	v29 =	vld [tilespmem:s8+$0x870];
	s9 =	sshra.s32 s12, $0x2;
	s12 =	sadd.s32 $0x200, s1  }
0x539: {  	v2 =	vmul.f32 v2, v20;
	v31 =	vld [tilespmem:s9+$0x800];
	v24 =	vadd.f32 v30, v24;
	[tilespmem:s12+$0x80] =	vst v6  }
0x53a: {  	v6 =	vld [tilespmem:s18+$0x3A10]  }
0x53b: {  	[tilespmem:s1+$0x40] =	vst v2;
	v2 =	vadd.f32 v3, v26;
	s8 =	sshra.s32 s17, $0x2;
	v3 =	vmul.f32 v24, v23;
	v30 =	vld [tilespmem:s15+$0x810]  }
0x53c: {  	v54 =	vld [tilespmem:s8+$0x800]  }
0x53d: {  	s6 =	sor.u32 $0x410, s5;
	v2 =	vmul.f32 v2, v18;
	v24 =	vld.msk [tilespmem:s7+$0x0 ss:$0x0], $0xffff;
	[tilespmem:s12+$0xFFFFFF00] =	vst v3  }
0x53e: {  	v5 =	vadd.f32 v31, v5;
	v31 =	vld [tilespmem:s6+$0x3600]  }
0x53f: {  	[tilespmem:s1+$0xFFFFFF50] =	vst v2;
	v2 =	vld [tilespmem:s26+$0x810]  }
0x540: {  	v26 =	vld [tilespmem:s11+$0x3A50];
	v5 =	vmul.f32 v5, v22;
	v6 =	vadd.f32 v30, v6  }
0x541: {  	v58 =	vld [tilespmem:s13+$0x860]  }
0x542: {  	v3 =	vld [tilespmem:s10+$0x850];
	v30 =	vadd.f32 v54, v55;
	[tilespmem:s12+$0xFFFFFF80] =	vst v5;
	v5 =	vmul.f32 v6, v21  }
0x543: {  	v56 =	vld [tilespmem:s28+$0x3A10]  }
0x544: {  	v57 =	vld [tilespmem:s9+$0x810];
	v30 =	vmul.f32 v30, v24;
	v2 =	vadd.f32 v2, v31;
	[tilespmem:s12+$0x90] =	vst v5  }
0x545: {  	v5 =	vadd.f32 v28, v27;
	v27 =	vld [tilespmem:s18+$0x3A20]  }
0x546: {  	[tilespmem:s12+$0x0] =	vst v30;
	v2 =	vmul.f32 v2, v23;
	v28 =	vld [tilespmem:s15+$0x820]  }
0x547: {  	v30 =	vld [tilespmem:s14+$0x3A10];
	v5 =	vmul.f32 v5, v19  }
0x548: {  	s16 =	sor.u32 $0x460, s24;
	v31 =	vld [tilespmem:s8+$0x810];
	[tilespmem:s12+$0xFFFFFF10] =	vst v2  }
0x549: {  	s17 =	sor.u32 $0x420, s5;
	v6 =	vld [tilespmem:s16+$0x3600];
	[tilespmem:s1+$0xFFFFFFD0] =	vst v5;
	v5 =	vadd.f32 v57, v56  }
0x54a: {  	v59 =	vld [tilespmem:s17+$0x3600]  }
0x54b: {  	v2 =	vld [tilespmem:s22+$0x3A60];
	v5 =	vmul.f32 v5, v22;
	v27 =	vadd.f32 v28, v27  }
0x54c: {  	v28 =	vld [tilespmem:s26+$0x820]  }
0x54d: {  	[tilespmem:s12+$0xFFFFFF90] =	vst v5;
	v5 =	vadd.f32 v31, v30;
	v27 =	vmul.f32 v27, v21;
	v30 =	vld [tilespmem:s3+$0x860]  }
0x54e: {  	v31 =	vld [tilespmem:s28+$0x3A20]  }
0x54f: {  	v3 =	vadd.f32 v3, v26;
	v26 =	vld [tilespmem:s9+$0x820];
	v5 =	vmul.f32 v5, v24;
	[tilespmem:s12+$0xA0] =	vst v27  }
0x550: {  	v27 =	vld [tilespmem:s18+$0x3A30]  }
0x551: {  	v3 =	vmul.f32 v3, v20;
	v28 =	vadd.f32 v28, v59;
	[tilespmem:s12+$0x10] =	vst v5;
	v5 =	vld [tilespmem:s15+$0x830]  }
0x552: {  	v60 =	vld [tilespmem:s14+$0x3A20]  }
0x553: {  	[tilespmem:s1+$0x50] =	vst v3;
	v3 =	vadd.f32 v58, v6;
	v6 =	vmul.f32 v28, v23;
	v28 =	vld [tilespmem:s8+$0x820]  }
0x554: {  	v26 =	vadd.f32 v26, v31;
	v31 =	vld [tilespmem:s11+$0x3A60]  }
0x555: {  	s21 =	sor.u32 $0x430, s5;
	v3 =	vmul.f32 v3, v18;
	[tilespmem:s12+$0xFFFFFF20] =	vst v6;
	v6 =	vld [tilespmem:s10+$0x860]  }
0x556: {  	v61 =	vld [tilespmem:s21+$0x3600];
	v26 =	vmul.f32 v26, v22;
	v5 =	vadd.f32 v5, v27  }
0x557: {  	s29 =	sor.u32 $0x470, s24;
	[tilespmem:s1+$0xFFFFFF60] =	vst v3;
	v3 =	vld [tilespmem:s26+$0x830]  }
0x558: {  	[tilespmem:s12+$0xFFFFFFA0] =	vst v26;
	v27 =	vadd.f32 v28, v60;
	v26 =	vld [tilespmem:s29+$0x3600];
	v5 =	vmul.f32 v5, v21  }
0x559: {  	v4 =	vadd.f32 v29, v4;
	v62 =	vld [tilespmem:s28+$0x3A30]  }
0x55a: {  	v2 =	vadd.f32 v30, v2;
	v63 =	vld [tilespmem:s9+$0x830];
	v27 =	vmul.f32 v27, v24;
	[tilespmem:s12+$0xB0] =	vst v5  }
0x55b: {  	v4 =	vmul.f32 v4, v25;
	v5 =	vadd.f32 v6, v31;
	v28 =	vld [tilespmem:s18+$0x3A40]  }
0x55c: {  	v2 =	vmul.f32 v2, v19;
	v3 =	vadd.f32 v3, v61;
	[tilespmem:s12+$0x20] =	vst v27;
	v29 =	vld [tilespmem:s15+$0x840]  }
0x55d: {  	[tilespmem:s1+$0xF0] =	vst v4;
	v4 =	vmul.f32 v5, v20;
	v30 =	vld [tilespmem:s14+$0x3A30]  }
0x55e: {  	[tilespmem:s1+$0xFFFFFFE0] =	vst v2;
	v2 =	vmul.f32 v3, v23;
	v31 =	vld [tilespmem:s8+$0x830]  }
0x55f: {  	v27 =	vld [tilespmem:s13+$0x870];
	v32 =	vadd.f32 v63, v62;
	[tilespmem:s1+$0x60] =	vst v4  }
0x560: {  	s24 =	sadd.s32 $0x4, s19;
	v25 =	vld [tilespmem:s22+$0x3A70];
	s13 =	simm.s32 $0x4;
	[tilespmem:s12+$0xFFFFFF30] =	vst v2  }
.LBB2_14:
0x561: {  	v2 =	vld [tilespmem:s24+$0x1];
	v3 =	vmul.f32 v32, v22;
	v4 =	vadd.f32 v29, v28  }
0x562: {  	v5 =	vld [tilespmem:s24+$0xFFFFFFFE]  }
0x563: {  	v6 =	vld [tilespmem:s24+$0xFFFFFFFF];
	[tilespmem:s12+$0xFFFFFFB0] =	vst v3;
	v3 =	vadd.f32 v31, v30;
	v4 =	vmul.f32 v4, v21  }
0x564: {  	s4 =	sor.u32 $0x440, s5;
	v28 =	vld [tilespmem:s24+$0x0];
	v26 =	vadd.f32 v27, v26  }
0x565: {  	v27 =	vld [tilespmem:s4+$0x3600];
	v3 =	vmul.f32 v3, v24;
	[tilespmem:s12+$0xC0] =	vst v4  }
0x566: {  	(v2sf) =	vpush v2, $0x0;
	v2 =	vld [tilespmem:s18+$0x3A50];
	v4 =	vmul.f32 v26, v18;
	v18 =	vmov v23  }
0x567: {  	(v2sf) =	vpush v5, $0x0;
	[tilespmem:s12+$0x30] =	vst v3;
	v3 =	vld [tilespmem:s15+$0x850]  }
0x568: {  	s13 =	sadd.s32 $0x4, s13;
	(v2sf) =	vpush v6, $0x0;
	v5 =	vld [tilespmem:s26+$0x840];
	[tilespmem:s1+$0xFFFFFF70] =	vst v4  }
0x569: {  	p2 =	slt.u32 s13, $0xC;
	(v2sf) =	vpush v28, $0x0;
	v4 =	vld [tilespmem:s28+$0x3A40]  }
0x56a: {  	v6 =	vld [tilespmem:s9+$0x840]  }
0x56b: {  	p1 =	por !p1, !p1;
	s4 =	simm.s32 $0x1;
	v23 =	vld [tilespmem:s14+$0x3A40]  }
0x56c: {  	s4 =	simm.s32 @!p1 $0x0;
	v26 =	vld [tilespmem:s8+$0x840];
	v2 =	vadd.f32 v3, v2  }
0x56d: {  	s30 =	sadd.s32 $0x400, s30;
	s4 =	sshll.u32 s4, $0x9;
	v3 =	vadd.f32 v5, v27;
	v5 =	vld [tilespmem:s3+$0x870];
	s3 =	smov.u32 s9  }
0x56e: {  	s22 =	sadd.s32 s4, s30;
	v2 =	vmul.f32 v2, v21;
	v27 =	vld [tilespmem:s11+$0x3A70];
	s11 =	smov.u32 s14  }
0x56f: {  	s4 =	sor.u32 $0x400, s22;
	v3 =	vmul.f32 v3, v18;
	v4 =	vadd.f32 v6, v4;
	v6 =	vld [tilespmem:s10+$0x870];
	s10 =	smov.u32 s8  }
0x570: {  	v28 =	vld [tilespmem:s4+$0x3600];
	[tilespmem:s12+$0xD0] =	vst v2  }
0x571: {  	[tilespmem:s12+$0xFFFFFF40] =	vst v3;
	v2 =	vmul.f32 v4, v22;
	v3 =	vadd.f32 v26, v23;
	v4 =	vld [tilespmem:s18+$0x3A60]  }
0x572: {  	s4 =	sor.u32 $0x450, s5;
	v23 =	vld [tilespmem:s15+$0x860];
	v5 =	vadd.f32 v5, v25  }
0x573: {  	s31 =	sadd.s32 $0x400, s31;
	v25 =	vld [tilespmem:s4+$0x3600];
	[tilespmem:s12+$0xFFFFFFC0] =	vst v2;
	v2 =	vmul.f32 v3, v24  }
0x574: {  	s0 =	sadd.s32 $0x200, s0;
	s6 =	sadd.s32 $0x100, s31;
	s4 =	sadd.s32 $0xFFFFFF00, s31;
	v3 =	vld [tilespmem:s26+$0x850];
	v5 =	vmul.f32 v5, v19;
	v6 =	vadd.f32 v6, v27;
	v19 =	vmov v22  }
0x575: {  	s6 =	sand.u32 $0x1800, s6;
	s8 =	sand.u32 $0x380, s0;
	s9 =	spop (v2sf);
	v26 =	vld [tilespmem:s28+$0x3A50];
	[tilespmem:s12+$0x40] =	vst v2  }
0x576: {  	s6 =	sor.u32 s8, s6;
	s8 =	sshll.u32 s9, $0x9;
	s9 =	spop (v2sf);
	v2 =	vld [tilespmem:s3+$0x850];
	[tilespmem:s1+$0xFFFFFFF0] =	vst v5;
	v5 =	vmul.f32 v6, v20;
	v20 =	vmov v24  }
0x577: {  	s14 =	sadd.s32 $0xFFFFFF00, s0;
	v6 =	vld [tilespmem:s6+$0x3A00];
	s17 =	sshra.s32 s8, $0x2;
	s8 =	spop (v2sf);
	v4 =	vadd.f32 v23, v4  }
0x578: {  	s7 =	sadd.s32 $0x4, s7;
	s16 =	sadd.s32 $0xFFFFFF80, s0;
	v24 =	vld [tilespmem:s17+$0x800];
	s19 =	spop (v2sf);
	[tilespmem:s1+$0x70] =	vst v5  }
0x579: {  	s1 =	sshll.u32 s9, $0x9;
	s8 =	sshll.u32 s8, $0x9;
	s29 =	sshll.u32 s19, $0x9;
	v5 =	vld.msk [tilespmem:s7+$0x1 ss:$0x0], $0xffff;
	v3 =	vadd.f32 v3, v25;
	v4 =	vmul.f32 v4, v21  }
0x57a: {  	s21 =	sand.u32 $0x300, s16;
	s14 =	sand.u32 $0x280, s14;
	s4 =	sand.u32 $0x1800, s4;
	v23 =	vld.msk [tilespmem:s7+$0xFFFFFFFE ss:$0x0], $0xffff  }
0x57b: {  	s19 =	sshra.s32 s1, $0x2;
	s9 =	sshra.s32 s8, $0x2;
	s1 =	sand.u32 $0x1800, s31;
	v22 =	vld.msk [tilespmem:s7+$0xFFFFFFFF ss:$0x0], $0xffff;
	v3 =	vmul.f32 v3, v18;
	v2 =	vadd.f32 v2, v26;
	[tilespmem:s12+$0xE0] =	vst v4  }
0x57c: {  	s16 =	sor.u32 s14, s4;
	s14 =	sor.u32 s21, s1;
	s8 =	sshra.s32 s29, $0x2;
	v4 =	vld [tilespmem:s18+$0x3A70]  }
0x57d: {  	s1 =	smov.u32 s12;
	s18 =	smov.u32 s6;
	v6 =	vadd.f32 v24, v6;
	[tilespmem:s12+$0xFFFFFF50] =	vst v3;
	v2 =	vmul.f32 v2, v19;
	v3 =	vld [tilespmem:s15+$0x870];
	s15 =	smov.u32 s17  }
0x57e: {  	v24 =	vld [tilespmem:s19+$0x800]  }
0x57f: {  	v25 =	vld [tilespmem:s9+$0x800];
	v6 =	vmul.f32 v6, v5;
	[tilespmem:s12+$0xFFFFFFD0] =	vst v2  }
0x580: {  	s12 =	sadd.s32 $0x200, s12;
	v2 =	vld [tilespmem:s8+$0x800]  }
0x581: {  	v26 =	vld [tilespmem:s16+$0x3A00];
	[tilespmem:s12+$0x80] =	vst v6  }
0x582: {  	v6 =	vld [tilespmem:s18+$0x3A10];
	v3 =	vadd.f32 v3, v4  }
0x583: {  	v4 =	vadd.f32 v24, v28;
	v27 =	vld [tilespmem:s15+$0x810]  }
0x584: {  	v28 =	vld [tilespmem:s14+$0x3A00];
	v3 =	vmul.f32 v3, v21;
	v21 =	vmov v5  }
0x585: {  	v4 =	vmul.f32 v4, v23;
	v24 =	vld.msk [tilespmem:s7+$0x0 ss:$0x0], $0xffff  }
0x586: {  	v5 =	vadd.f32 v25, v26;
	v25 =	vld [tilespmem:s11+$0x3A50];
	[tilespmem:s1+$0xF0] =	vst v3  }
0x587: {  	s4 =	sor.u32 $0x410, s22;
	[tilespmem:s12+$0xFFFFFF00] =	vst v4;
	v3 =	vld [tilespmem:s10+$0x850]  }
0x588: {  	v4 =	vld [tilespmem:s4+$0x3600];
	v5 =	vmul.f32 v5, v22;
	v6 =	vadd.f32 v27, v6  }
0x589: {  	s4 =	sor.u32 $0x460, s5;
	v26 =	vld [tilespmem:s19+$0x810];
	v2 =	vadd.f32 v2, v28  }
0x58a: {  	[tilespmem:s12+$0xFFFFFF80] =	vst v5;
	v5 =	vmul.f32 v6, v21;
	v6 =	vld [tilespmem:s4+$0x3600]  }
0x58b: {  	v27 =	vld [tilespmem:s16+$0x3A10];
	v2 =	vmul.f32 v2, v24  }
0x58c: {  	v28 =	vld [tilespmem:s9+$0x810];
	[tilespmem:s12+$0x90] =	vst v5;
	v3 =	vadd.f32 v3, v25  }
0x58d: {  	[tilespmem:s12+$0x0] =	vst v2;
	v2 =	vld [tilespmem:s18+$0x3A20]  }
0x58e: {  	v4 =	vadd.f32 v26, v4;
	v5 =	vld [tilespmem:s15+$0x820];
	v3 =	vmul.f32 v3, v20  }
0x58f: {  	v25 =	vld [tilespmem:s14+$0x3A10]  }
0x590: {  	v4 =	vmul.f32 v4, v23;
	v26 =	vld [tilespmem:s8+$0x810];
	[tilespmem:s1+$0x50] =	vst v3  }
0x591: {  	v3 =	vadd.f32 v28, v27;
	v27 =	vld [tilespmem:s26+$0x860]  }
0x592: {  	s4 =	sor.u32 $0x420, s22;
	[tilespmem:s12+$0xFFFFFF10] =	vst v4;
	v4 =	vld [tilespmem:s28+$0x3A60]  }
0x593: {  	v28 =	vld [tilespmem:s4+$0x3600];
	v3 =	vmul.f32 v3, v22;
	v2 =	vadd.f32 v5, v2  }
0x594: {  	v5 =	vld [tilespmem:s19+$0x820]  }
0x595: {  	[tilespmem:s12+$0xFFFFFF90] =	vst v3;
	v3 =	vadd.f32 v26, v25;
	v2 =	vmul.f32 v2, v21;
	v25 =	vld [tilespmem:s3+$0x860]  }
0x596: {  	v26 =	vld [tilespmem:s16+$0x3A20];
	v6 =	vadd.f32 v27, v6  }
0x597: {  	v27 =	vld [tilespmem:s9+$0x820];
	v3 =	vmul.f32 v3, v24;
	[tilespmem:s12+$0xA0] =	vst v2  }
0x598: {  	v2 =	vld [tilespmem:s18+$0x3A30];
	v6 =	vmul.f32 v6, v18  }
0x599: {  	v5 =	vadd.f32 v5, v28;
	[tilespmem:s12+$0x10] =	vst v3;
	v3 =	vld [tilespmem:s15+$0x830]  }
0x59a: {  	v28 =	vld [tilespmem:s14+$0x3A20];
	[tilespmem:s1+$0xFFFFFF60] =	vst v6;
	v4 =	vadd.f32 v25, v4  }
0x59b: {  	v5 =	vmul.f32 v5, v23;
	v6 =	vld [tilespmem:s8+$0x820]  }
0x59c: {  	v25 =	vadd.f32 v27, v26;
	v4 =	vmul.f32 v4, v19;
	v27 =	vld [tilespmem:s11+$0x3A60]  }
0x59d: {  	s4 =	sor.u32 $0x430, s22;
	[tilespmem:s12+$0xFFFFFF20] =	vst v5;
	v5 =	vld [tilespmem:s10+$0x860]  }
0x59e: {  	v29 =	vld [tilespmem:s4+$0x3600];
	v25 =	vmul.f32 v25, v22;
	v2 =	vadd.f32 v3, v2;
	[tilespmem:s1+$0xFFFFFFE0] =	vst v4  }
0x59f: {  	s4 =	sor.u32 $0x470, s5;
	s5 =	smov.u32 s22;
	v3 =	vld [tilespmem:s19+$0x830]  }
0x5a0: {  	[tilespmem:s12+$0xFFFFFFA0] =	vst v25;
	v4 =	vadd.f32 v6, v28;
	v2 =	vmul.f32 v2, v21;
	v26 =	vld [tilespmem:s4+$0x3600]  }
0x5a1: {  	v6 =	vld [tilespmem:s16+$0x3A30]  }
0x5a2: {  	v25 =	vld [tilespmem:s9+$0x830];
	v4 =	vmul.f32 v4, v24;
	[tilespmem:s12+$0xB0] =	vst v2;
	v2 =	vadd.f32 v5, v27  }
0x5a3: {  	v28 =	vld [tilespmem:s18+$0x3A40]  }
.Ltmp5:
0x5a4: {  	v3 =	vadd.f32 v3, v29;
	[tilespmem:s12+$0x20] =	vst v4;
	v29 =	vld [tilespmem:s15+$0x840];
	v2 =	vmul.f32 v2, v20;
	(pc) =	sbr.rel @p2 .LBB2_14-.Ltmp5, $4  }
0x5a5: {  	v30 =	vld [tilespmem:s14+$0x3A30]  }
0x5a6: {  	v3 =	vmul.f32 v3, v23;
	v31 =	vld [tilespmem:s8+$0x830];
	[tilespmem:s1+$0x60] =	vst v2  }
0x5a7: {  	v32 =	vadd.f32 v25, v6;
	v27 =	vld [tilespmem:s26+$0x870];
	s26 =	smov.u32 s19  }
0x5a8: {  	s24 =	sadd.s32 $0x4, s24;
	[tilespmem:s12+$0xFFFFFF30] =	vst v3;
	v25 =	vld [tilespmem:s28+$0x3A70];
	s28 =	smov.u32 s16  }
0x5a9: {  	_ =	sdelay $0x1  }
0x5aa: {  	v2 =	vmul.f32 v32, v22;
	s0 =	sor.u32 $0x440, s5;
	v3 =	vadd.f32 v31, v30  }
0x5ab: {  	v4 =	vld [tilespmem:s0+$0x3600]  }
0x5ac: {  	[tilespmem:s12+$0xFFFFFFB0] =	vst v2;
	v2 =	vmul.f32 v3, v24;
	v3 =	vld [tilespmem:s26+$0x840]  }
0x5ad: {  	v5 =	vld [tilespmem:s28+$0x3A40]  }
0x5ae: {  	[tilespmem:s12+$0x30] =	vst v2;
	v2 =	vld [tilespmem:s9+$0x840]  }
0x5af: {  	v6 =	vadd.f32 v29, v28;
	v52 =	vld [tilespmem:s14+$0x3A40]  }
0x5b0: {  	v53 =	vld [tilespmem:s8+$0x840]  }
0x5b1: {  	v6 =	vmul.f32 v6, v21;
	v3 =	vadd.f32 v3, v4;
	_ =	sdelay $0x1  }
0x5b2: {  	[tilespmem:s12+$0xC0] =	vst v6;
	v3 =	vmul.f32 v3, v23;
	v2 =	vadd.f32 v2, v5  }
0x5b3: {  	v4 =	vld [tilespmem:s18+$0x3A50]  }
0x5b4: {  	s29 =	sor.u32 $0x450, s5;
	v5 =	vld [tilespmem:s15+$0x850];
	[tilespmem:s12+$0xFFFFFF40] =	vst v3;
	v2 =	vmul.f32 v2, v22;
	v3 =	vadd.f32 v53, v52  }
0x5b5: {  	v6 =	vld [tilespmem:s29+$0x3600]  }
0x5b6: {  	[tilespmem:s12+$0xFFFFFFC0] =	vst v2;
	v2 =	vmul.f32 v3, v24;
	v3 =	vld [tilespmem:s26+$0x850]  }
0x5b7: {  	v54 =	vld [tilespmem:s28+$0x3A50]  }
0x5b8: {  	[tilespmem:s12+$0x40] =	vst v2;
	v2 =	vld [tilespmem:s9+$0x850]  }
0x5b9: {  	v4 =	vadd.f32 v5, v4;
	v5 =	vld [tilespmem:s14+$0x3A50]  }
0x5ba: {  	v55 =	vld [tilespmem:s8+$0x850]  }
0x5bb: {  	v4 =	vmul.f32 v4, v21;
	v3 =	vadd.f32 v3, v6;
	_ =	sdelay $0x1  }
0x5bc: {  	[tilespmem:s12+$0xD0] =	vst v4;
	v3 =	vmul.f32 v3, v23;
	v2 =	vadd.f32 v2, v54  }
0x5bd: {  	v4 =	vld [tilespmem:s18+$0x3A60]  }
0x5be: {  	s30 =	sor.u32 $0x460, s5;
	v6 =	vld [tilespmem:s15+$0x860];
	[tilespmem:s12+$0xFFFFFF50] =	vst v3;
	v2 =	vmul.f32 v2, v22;
	v3 =	vadd.f32 v55, v5  }
0x5bf: {  	v5 =	vld [tilespmem:s30+$0x3600]  }
0x5c0: {  	[tilespmem:s12+$0xFFFFFFD0] =	vst v2;
	v2 =	vmul.f32 v3, v24;
	v3 =	vld [tilespmem:s26+$0x860]  }
0x5c1: {  	v56 =	vld [tilespmem:s28+$0x3A60]  }
0x5c2: {  	[tilespmem:s12+$0x50] =	vst v2;
	v2 =	vld [tilespmem:s9+$0x860]  }
0x5c3: {  	v4 =	vadd.f32 v6, v4;
	v6 =	vld [tilespmem:s14+$0x3A60]  }
0x5c4: {  	v57 =	vld [tilespmem:s8+$0x860]  }
0x5c5: {  	v58 =	vld [tilespmem:s3+$0x870];
	v4 =	vmul.f32 v4, v21;
	v3 =	vadd.f32 v3, v5  }
0x5c6: {  	v59 =	vld [tilespmem:s10+$0x870]  }
0x5c7: {  	[tilespmem:s12+$0xE0] =	vst v4;
	v5 =	vld [tilespmem:s11+$0x3A70];
	v3 =	vmul.f32 v3, v23;
	v2 =	vadd.f32 v2, v56  }
0x5c8: {  	v4 =	vld [tilespmem:s18+$0x3A70]  }
0x5c9: {  	s31 =	sor.u32 $0x470, s5;
	v60 =	vld [tilespmem:s15+$0x870];
	[tilespmem:s12+$0xFFFFFF60] =	vst v3;
	v2 =	vmul.f32 v2, v22;
	v3 =	vadd.f32 v57, v6  }
0x5ca: {  	v6 =	vld [tilespmem:s31+$0x3600]  }
0x5cb: {  	[tilespmem:s12+$0xFFFFFFE0] =	vst v2;
	v2 =	vmul.f32 v3, v24;
	v3 =	vld [tilespmem:s26+$0x870]  }
0x5cc: {  	v61 =	vld [tilespmem:s28+$0x3A70]  }
0x5cd: {  	[tilespmem:s12+$0x60] =	vst v2;
	v2 =	vld [tilespmem:s9+$0x870]  }
0x5ce: {  	v26 =	vadd.f32 v27, v26;
	v62 =	vld [tilespmem:s14+$0x3A70]  }
0x5cf: {  	v25 =	vadd.f32 v58, v25;
	v63 =	vld [tilespmem:s8+$0x870]  }
0x5d0: {  	v18 =	vmul.f32 v26, v18;
	v5 =	vadd.f32 v59, v5  }
0x5d1: {  	v19 =	vmul.f32 v25, v19;
	v4 =	vadd.f32 v60, v4  }
0x5d2: {  	[tilespmem:s1+$0xFFFFFF70] =	vst v18;
	v5 =	vmul.f32 v5, v20;
	v3 =	vadd.f32 v3, v6  }
0x5d3: {  	[tilespmem:s1+$0xFFFFFFF0] =	vst v19;
	v4 =	vmul.f32 v4, v21;
	v2 =	vadd.f32 v2, v61  }
0x5d4: {  	vm0 =	vcmask $0x704;
	[tilespmem:s1+$0x70] =	vst v5;
	v3 =	vmul.f32 v3, v23;
	v5 =	vadd.f32 v63, v62  }
0x5d5: {  	[tilespmem:s12+$0xF0] =	vst v4;
	v2 =	vmul.f32 v2, v22  }
0x5d6: {  	[tilespmem:s12+$0xFFFFFF70] =	vst v3;
	v3 =	vmul.f32 v5, v24  }
0x5d7: {  	[tilespmem:s12+$0xFFFFFFF0] =	vst v2  }
0x5d8: {  	[tilespmem:s12+$0x70] =	vst v3  }
0x5d9: {  	[tilespmem:v16+s25+$0x0] =	vst.idx.add.f32.msk $0x1, v17  }
0x5da: {  	[tilespmem:v16+s25+$0x0] =	vst.idx.add.f32.msk vm0, v17  }
0x5db: {  	[tilespmem:v16+s25+$0x0] =	vst.idx.add.f32.msk vm2, v17  }
0x5dc: {  	[tilespmem:v16+s25+$0x0] =	vst.idx.add.f32.msk vm3, v17  }
0x5dd: {  	[tilespmem:v16+s25+$0x0] =	vst.idx.add.f32.msk vm4, v17  }
0x5de: {  	[tilespmem:v16+s25+$0x0] =	vst.idx.add.f32.msk vm5, v17  }
0x5df: {  	[tilespmem:v16+s25+$0x0] =	vst.idx.add.f32.msk vm6, v17  }
0x5e0: {  	[tilespmem:v16+s25+$0x0] =	vst.idx.add.f32.msk vm7, v17  }
0x5e1: {  	[tilespmem:v16+s25+$0x0] =	vst.idx.add.f32.msk vm8, v17  }
0x5e2: {  	[tilespmem:v16+s25+$0x0] =	vst.idx.add.f32.msk vm9, v17  }
0x5e3: {  	[tilespmem:v16+s25+$0x0] =	vst.idx.add.f32.msk vm10, v17  }
.Ltmp6:
0x5e4: {  	[tilespmem:v16+s25+$0x0] =	vst.idx.add.f32.msk vm11, v17;
	(pc) =	sbr.rel @p0 .LBB2_11-.Ltmp6, $4  }
0x5e5: {  	[tilespmem:v16+s25+$0x0] =	vst.idx.add.f32.msk vm12, v17  }
0x5e6: {  	[tilespmem:v16+s25+$0x0] =	vst.idx.add.f32.msk vm13, v17  }
0x5e7: {  	[tilespmem:v16+s25+$0x0] =	vst.idx.add.f32.msk vm14, v17  }
0x5e8: {  	s3 =	simm.s32 $0x10;
	p1 =	por $0x0, $0x0;
	[tilespmem:v16+s25+$0x0] =	vst.idx.add.f32.msk vm15, v17  }
0x5e9: {  	s7 =	rddreg [dreg:$0x1b]  }
0x5ea: {  	s7 =	sadd.s32 $0x1, s7  }
0x5eb: {  	p0 =	sne.s32 s7, $0x9C  }
.Ltmp7:
0x5ec: {  	_ = 	snop;
	(pc) =	sbr.rel @p0 .LBB2_4-.Ltmp7, $3  }
0x5ed: {  	_ =	sdelay $0x1  }
0x5ee: {  	s0 =	rddreg [dreg:$0x3];
	s3 =	simm.s32 $0x20;
	s1 =	simm.s32 $0x8600  }
0x5ef: {  	[spmem:s0] =	stream.indirect.scatter.add.f32 [tilespmem:s1], [sflag:$0x6], $0x80, s20, s3, $0xb8;
	[tilespmem:$0x1FE00] =	vst v63  }
0x5f0: {  	s0 =	simm.s32 $0x3  }
0x5f1: {  	_ =	swait.ge [sflag:s0], $0x2000  }
0x5f2: {  	[sflag:s0] =	ssyncset.done $0x0  }
0x5f3: {  	[sflag:s0] =	ssyncadd.s32 $0xFFFFE000  }
0x5f4: {  	_ =	swait.ge [sflag:s0], $0x1000  }
0x5f5: {  	[sflag:s0] =	ssyncset.done $0x0  }
0x5f6: {  	s30 =	simm.s32 $0x5;
	[sflag:s0] =	ssyncadd.s32 $0xFFFFF000  }
0x5f7: {  	_ =	swait.ge [sflag:s30], $0x1000  }
0x5f8: {  	[sflag:s30] =	ssyncset.done $0x0  }
0x5f9: {  	s31 =	simm.s32 $0x1200;
	[sflag:s30] =	ssyncadd.s32 $0xFFFFF000  }
0x5fa: {  	v2 =	vld.idx.msk [tilespmem:v0+s31+$0x0], $0xffff;
	_ =	sdelay $0x3  }
0x5fb: {  	v3 =	vld [tilespmem:$0x1FFF0]  }
0x5fc: {  	s1 =	simm.s32 $0x1300;
	[tilespmem:v0+s23+$0x0] =	vst.idx.msk $0xffff, v2  }
0x5fd: {  	v2 =	vld.idx.msk [tilespmem:v0+s1+$0x0], $0xffff;
	_ =	sdelay $0x3  }
0x5fe: {  	s2 =	simm.s32 $0x1500  }
0x5ff: {  	[tilespmem:v0+s2+$0x0] =	vst.idx.msk $0xffff, v2  }
0x600: {  	v2 =	vld.idx.msk [tilespmem:v3+s31+$0x0], $0xffff;
	_ =	sdelay $0x4  }
0x601: {  	[tilespmem:v3+s23+$0x0] =	vst.idx.msk $0xffff, v2  }
0x602: {  	v2 =	vld.idx.msk [tilespmem:v3+s1+$0x0], $0xffff;
	_ =	sdelay $0x4  }
0x603: {  	[tilespmem:v3+s2+$0x0] =	vst.idx.msk $0xffff, v2  }
0x604: {  	v8 =	vld [tilespmem:$0x1000]  }
0x605: {  	v9 =	vld [tilespmem:$0x1010]  }
0x606: {  	v10 =	vld [tilespmem:$0x1020]  }
0x607: {  	v11 =	vld [tilespmem:$0x1030]  }
0x608: {  	v12 =	vld [tilespmem:$0x1040]  }
0x609: {  	v13 =	vld [tilespmem:$0x1050]  }
0x60a: {  	v14 =	vld [tilespmem:$0x1060]  }
0x60b: {  	p1 =	por $0x1, $0x1;
	s3 =	simm.s32 $0x0;
	s2 =	simm.s32 $0x0;
	v15 =	vld [tilespmem:$0x1070]  }
.LBB2_18:
0x60c: {  	s0 =	sshll.u32 s3, $0x9  }
0x60d: {  	s10 =	sshra.s32 s0, $0x2  }
0x60e: {  	s1 =	sadd.s32 $0x5680, s10  }
0x60f: {  	v2 =	vld [tilespmem:s1+$0x70]  }
0x610: {  	v3 =	vld [tilespmem:s1+$0xFFFFFFF0]  }
0x611: {  	v4 =	vld [tilespmem:s1+$0x60]  }
0x612: {  	v5 =	vld [tilespmem:s1+$0xFFFFFFE0]  }
0x613: {  	v6 =	vld [tilespmem:s1+$0x50]  }
0x614: {  	v16 =	vld [tilespmem:s1+$0xFFFFFFD0]  }
0x615: {  	v17 =	vld [tilespmem:s1+$0x40]  }
0x616: {  	s14 =	sshll.u32 s3, $0x2;
	v18 =	vld [tilespmem:s1+$0xFFFFFFC0]  }
0x617: {  	s11 =	sshra.s32 s14, $0x2;
	v19 =	vld [tilespmem:s1+$0x30]  }
0x618: {  	s0 =	sadd.s32 $0x1501, s11;
	v20 =	vld [tilespmem:s1+$0xFFFFFFB0]  }
0x619: {  	v22 =	vld [tilespmem:s0+$0x0]  }
0x61a: {  	v21 =	vld [tilespmem:s1+$0x20]  }
0x61b: {  	v23 =	vld [tilespmem:s0+$0xFFFFFFFF]  }
0x61c: {  	v24 =	vld [tilespmem:s1+$0xFFFFFFA0]  }
0x61d: {  	s5 =	sshll.u32 s3, $0x8;
	v25 =	vld [tilespmem:s1+$0x10]  }
0x61e: {  	s6 =	sand.u32 $0x300, s2;
	s4 =	sand.u32 $0x1800, s5;
	v26 =	vld [tilespmem:s1+$0xFFFFFF90];
	(v2sf) =	vpush v22, $0x0  }
0x61f: {  	s4 =	sor.u32 s6, s4;
	v27 =	vld [tilespmem:s1+$0x0]  }
0x620: {  	v28 =	vld [tilespmem:s4+$0x1660]  }
0x621: {  	v29 =	vld [tilespmem:s4+$0x1650]  }
0x622: {  	v30 =	vld [tilespmem:s4+$0x1640];
	(v2sf) =	vpush v23, $0x0  }
0x623: {  	v31 =	vld [tilespmem:s4+$0x1630]  }
0x624: {  	s7 =	simm.s32 $0x80;
	s15 =	sadd.s32 $0x100, s5;
	v32 =	vld [tilespmem:s4+$0x1620]  }
0x625: {  	s7 =	sand.u32 $0x380, s7;
	s6 =	sand.u32 $0x1800, s15;
	v33 =	vld [tilespmem:s4+$0x1610]  }
0x626: {  	v34 =	vld [tilespmem:s4+$0x1600];
	s16 =	sor.u32 s7, s6  }
0x627: {  	v35 =	vld [tilespmem:s16+$0x1670]  }
0x628: {  	v36 =	vld [tilespmem:s16+$0x1660]  }
0x629: {  	v37 =	vld [tilespmem:s16+$0x1650]  }
0x62a: {  	v38 =	vld [tilespmem:s16+$0x1640]  }
0x62b: {  	v39 =	vld [tilespmem:s16+$0x1630]  }
0x62c: {  	v23 =	vld [tilespmem:s4+$0x1670]  }
0x62d: {  	v41 =	vld [tilespmem:s16+$0x1610];
	s17 =	spop (v2sf)  }
0x62e: {  	v42 =	vld [tilespmem:s16+$0x1600];
	s6 =	sshll.u32 s17, $0x9  }
0x62f: {  	v22 =	vld [tilespmem:s1+$0xFFFFFF80];
	s6 =	sshra.s32 s6, $0x2  }
0x630: {  	v43 =	vld [tilespmem:s6+$0x70]  }
0x631: {  	v3 =	vadd.f32 v3, v23;
	s18 =	spop (v2sf);
	v23 =	vld [tilespmem:s6+$0x60]  }
0x632: {  	v5 =	vadd.f32 v5, v28;
	v16 =	vadd.f32 v16, v29;
	s19 =	sshll.u32 s18, $0x9;
	v57 =	vld [tilespmem:s6+$0x50]  }
0x633: {  	v18 =	vadd.f32 v18, v30;
	v20 =	vadd.f32 v20, v31;
	s4 =	sshra.s32 s19, $0x2;
	v58 =	vld [tilespmem:s6+$0x40]  }
0x634: {  	v24 =	vadd.f32 v24, v32;
	v33 =	vadd.f32 v26, v33;
	v44 =	vld [tilespmem:s4+$0x70]  }
0x635: {  	v2 =	vadd.f32 v2, v35;
	v34 =	vadd.f32 v22, v34;
	v22 =	vld [tilespmem:s4+$0x50]  }
0x636: {  	v6 =	vadd.f32 v6, v37;
	v4 =	vadd.f32 v4, v36;
	v59 =	vld [tilespmem:s4+$0x40]  }
0x637: {  	v19 =	vadd.f32 v19, v39;
	v17 =	vadd.f32 v17, v38;
	v63 =	vld [tilespmem:s4+$0x30]  }
0x638: {  	v60 =	vadd.f32 v25, v41;
	v62 =	vadd.f32 v27, v42;
	v61 =	vld [tilespmem:s6+$0x30]  }
0x639: {  	v40 =	vld [tilespmem:s16+$0x1620];
	v31 =	vadd.f32 v43, v2;
	v29 =	vadd.f32 v23, v4  }
0x63a: {  	v30 =	vld [tilespmem:s4+$0x60];
	v27 =	vadd.f32 v57, v6;
	v25 =	vadd.f32 v58, v17  }
0x63b: {  	v2 =	vld [tilespmem:s6+$0x20];
	v28 =	vadd.f32 v44, v3;
	v26 =	vadd.f32 v22, v16  }
0x63c: {  	v4 =	vld [tilespmem:s6+$0x10];
	v23 =	vadd.f32 v59, v18;
	v18 =	vadd.f32 v63, v20  }
0x63d: {  	v17 =	vld [tilespmem:s4+$0x0];
	v22 =	vadd.f32 v61, v19;
	v45 =	vmul.f32 v31, v31;
	v47 =	vmul.f32 v27, v27  }
0x63e: {  	v21 =	vadd.f32 v21, v40;
	v3 =	vld [tilespmem:s4+$0x20];
	v46 =	vmul.f32 v28, v28;
	v48 =	vmul.f32 v26, v26  }
0x63f: {  	v30 =	vadd.f32 v30, v5;
	v5 =	vld [tilespmem:s4+$0x10];
	v49 =	vmul.f32 v22, v22;
	v50 =	vmul.f32 v18, v18  }
0x640: {  	v6 =	vld [tilespmem:s6+$0x0];
	v32 =	vmul.f32 $3.567740690e-02, v45;
	v36 =	vmul.f32 $3.567740690e-02, v47;
	v19 =	vadd.f32 v2, v21  }
0x641: {  	v2 =	vmul.f32 v29, v29;
	v21 =	vadd.f32 v4, v60;
	v4 =	vmul.f32 v25, v25  }
0x642: {  	v17 =	vadd.f32 v17, v34;
	v35 =	vmul.f32 $3.567740690e-02, v46;
	v38 =	vmul.f32 $3.567740690e-02, v48  }
0x643: {  	v37 =	vmul.f32 $3.567740690e-02, v50;
	v20 =	vadd.f32 v3, v24;
	v3 =	vmul.f32 v30, v30  }
0x644: {  	v16 =	vadd.f32 v5, v33;
	v5 =	vmul.f32 v23, v23;
	v33 =	vmul.f32 $3.567740690e-02, v49  }
0x645: {  	v24 =	vadd.f32 v6, v62;
	v6 =	vmul.f32 v19, v19;
	v52 =	vmul.f32 v21, v21  }
0x646: {  	v55 =	vmul.f32 v17, v17;
	v2 =	vmul.f32 $3.567740690e-02, v2  }
0x647: {  	v32 =	vadd.f32 $7.978845830e-01, v32;
	v4 =	vmul.f32 $3.567740690e-02, v4;
	v51 =	vmul.f32 v20, v20  }
0x648: {  	v36 =	vadd.f32 $7.978845830e-01, v36;
	v53 =	vmul.f32 v16, v16;
	v54 =	vmul.f32 v24, v24  }
0x649: {  	v35 =	vadd.f32 $7.978845830e-01, v35;
	v3 =	vmul.f32 $3.567740690e-02, v3;
	v5 =	vmul.f32 $3.567740690e-02, v5  }
0x64a: {  	v38 =	vadd.f32 $7.978845830e-01, v38;
	v32 =	vmul.f32 v32, v31;
	v36 =	vmul.f32 v36, v27  }
0x64b: {  	v37 =	vadd.f32 $7.978845830e-01, v37;
	v27 =	vmul.f32 $5.000000000e-01, v27;
	v6 =	vmul.f32 $3.567740690e-02, v6  }
0x64c: {  	v33 =	vadd.f32 $7.978845830e-01, v33;
	v39 =	vmul.f32 $3.567740690e-02, v52;
	v42 =	vmul.f32 $3.567740690e-02, v55  }
0x64d: {  	v2 =	vadd.f32 $7.978845830e-01, v2;
	v35 =	vmul.f32 v35, v28;
	v38 =	vmul.f32 v38, v26  }
0x64e: {  	v4 =	vadd.f32 $7.978845830e-01, v4;
	v37 =	vmul.f32 v37, v18;
	v26 =	vmul.f32 $5.000000000e-01, v26  }
0x64f: {  	v34 =	vmul.f32 $3.567740690e-02, v51;
	v3 =	vadd.f32 $7.978845830e-01, v3;
	v40 =	vmul.f32 $3.567740690e-02, v53  }
0x650: {  	v5 =	vadd.f32 $7.978845830e-01, v5;
	v41 =	vmul.f32 $3.567740690e-02, v54;
	v32 =	vadd.f32 v32, v32  }
0x651: {  	v33 =	vmul.f32 v33, v22;
	v36 =	vadd.f32 v36, v36;
	v6 =	vadd.f32 $7.978845830e-01, v6  }
0x652: {  	v39 =	vadd.f32 $7.978845830e-01, v39;
	v2 =	vmul.f32 v2, v29;
	v45 =	vadd.f32 $7.978845830e-01, v42  }
0x653: {  	s12 =	sadd.s32 $0x100, s1;
	v4 =	vmul.f32 v4, v25;
	v35 =	vadd.f32 v35, v35;
	v60 =	vadd.f32 v37, v37  }
0x654: {  	v43 =	vld [tilespmem:s12+$0x40];
	v34 =	vadd.f32 $7.978845830e-01, v34;
	v3 =	vmul.f32 v3, v30;
	v5 =	vmul.f32 v5, v23  }
0x655: {  	v44 =	vld [tilespmem:s12+$0x30];
	v56 =	vadd.f32 $7.978845830e-01, v40;
	v32 =	vmul.f32 $1.442695020e+00, v32;
	v36 =	vmul.f32 $1.442695020e+00, v36  }
0x656: {  	v47 =	vld [tilespmem:s12+$0xFFFFFFF0];
	v57 =	vadd.f32 $7.978845830e-01, v41;
	v6 =	vmul.f32 v6, v19;
	v39 =	vmul.f32 v39, v21  }
0x657: {  	s15 =	sadd.s32 $0x200, s5;
	s18 =	simm.s32 $0x100;
	v46 =	vld [tilespmem:s12+$0x20];
	v59 =	vadd.f32 v33, v33;
	v45 =	vmul.f32 v45, v17;
	v35 =	vmul.f32 $1.442695020e+00, v35  }
0x658: {  	s21 =	sand.u32 $0x1800, s15;
	s22 =	sand.u32 $0x300, s18;
	v49 =	vld [tilespmem:s12+$0xFFFFFFE0];
	v2 =	vadd.f32 v2, v2;
	v33 =	vmul.f32 $1.442695020e+00, v60;
	v34 =	vmul.f32 v34, v20  }
0x659: {  	s1 =	sadd.s32 $0x2, s0;
	s0 =	sor.u32 s22, s21;
	v52 =	vld [tilespmem:s12+$0x0];
	v48 =	vmul.f32 v56, v16;
	v50 =	vmul.f32 v57, v24;
	v3 =	vadd.f32 v3, v3  }
0x65a: {  	v55 =	vld [tilespmem:s0+$0x1640];
	(erf) = vpow2.f32 v32;
	v2 =	vmul.f32 $1.442695020e+00, v2  }
0x65b: {  	v51 =	vld [tilespmem:s12+$0xFFFFFFD0];
	v58 =	vadd.f32 v38, v38;
	(erf) = vpow2.f32 v35;
	v3 =	vmul.f32 $1.442695020e+00, v3  }
0x65c: {  	v53 =	vld [tilespmem:s0+$0x1660];
	v4 =	vadd.f32 v4, v4;
	v32 =	vmul.f32 $1.442695020e+00, v59;
	(erf) = vpow2.f32 v2  }
0x65d: {  	v42 =	vld [tilespmem:s12+$0x50];
	v2 =	vadd.f32 v5, v5;
	v5 =	vmul.f32 $1.442695020e+00, v58;
	(erf) = vpow2.f32 v3  }
0x65e: {  	v40 =	vld [tilespmem:s12+$0x70];
	v4 =	vmul.f32 $1.442695020e+00, v4;
	(erf) = vpow2.f32 v36  }
0x65f: {  	v41 =	vld [tilespmem:s12+$0x60];
	v2 =	vmul.f32 $1.442695020e+00, v2;
	(erf) = vpow2.f32 v5  }
0x660: {  	v35 =	vld [tilespmem:s12+$0xFFFFFFC0];
	v6 =	vadd.f32 v6, v6;
	v61 =	vadd.f32 v39, v39;
	(erf) = vpow2.f32 v4  }
0x661: {  	v34 =	vadd.f32 v34, v34;
	v62 =	vadd.f32 v48, v48;
	v48 =	vld [tilespmem:s12+$0xFFFFFF80];
	(erf) = vpow2.f32 v2  }
0x662: {  	v56 =	vadd.f32 v50, v50;
	v50 =	vld [tilespmem:s0+$0x1620];
	v6 =	vmul.f32 $1.442695020e+00, v6;
	(erf) = vpow2.f32 v32  }
0x663: {  	v58 =	vadd.f32 v45, v45;
	v45 =	vld [tilespmem:s1+$0xFFFFFFFF];
	v34 =	vmul.f32 $1.442695020e+00, v34;
	(erf) = vpow2.f32 v33  }
0x664: {  	v3 =	vld [tilespmem:s12+$0xFFFFFFB0];
	v36 =	vmul.f32 $1.442695020e+00, v61;
	v63 =	vpop (erf);
	(erf) = vpow2.f32 v6  }
0x665: {  	v5 =	vld [tilespmem:s12+$0xFFFFFFA0];
	v32 =	vmul.f32 $1.442695020e+00, v62;
	v57 =	vpop (erf);
	(erf) = vpow2.f32 v34  }
0x666: {  	v37 =	vmul.f32 $1.442695020e+00, v56;
	v6 =	vld [tilespmem:s1+$0x0];
	v59 =	vpop (erf);
	(erf) = vpow2.f32 v36  }
0x667: {  	v39 =	vmul.f32 $1.442695020e+00, v58;
	v4 =	vld [tilespmem:s12+$0x10];
	v60 =	vpop (erf);
	(erf) = vpow2.f32 v32  }
0x668: {  	v18 =	vmul.f32 $5.000000000e-01, v18;
	v2 =	vld [tilespmem:s12+$0xFFFFFF90];
	v33 =	vadd.f32 $1.000000000e+00, v63;
	v61 =	vpop (erf);
	(erf) = vpow2.f32 v37  }
0x669: {  	v38 =	vadd.f32 $1.000000000e+00, v57;
	v34 =	vadd.f32 $1.000000000e+00, v59;
	v54 =	vpop (erf);
	v37 =	vld [tilespmem:s0+$0x1650];
	(erf) = vpow2.f32 v39  }
0x66a: {  	s26 =	simm.s32 $0x180;
	s24 =	sadd.s32 $0x100, s15;
	v57 =	vld [tilespmem:s0+$0x1630];
	v63 =	vadd.f32 $1.000000000e+00, v60;
	v32 =	vadd.f32 $1.000000000e+00, v61;
	v62 =	vpop (erf);
	(erf) = vrcp.f32 v33  }
0x66b: {  	s6 =	sand.u32 $0x380, s26;
	s4 =	sand.u32 $0x1800, s24;
	v36 =	vld [tilespmem:s0+$0x1670];
	(v2sf) =	vpush v6, $0x0;
	v6 =	vadd.f32 $1.000000000e+00, v54;
	v56 =	vpop (erf);
	(erf) = vrcp.f32 v38  }
0x66c: {  	s28 =	sor.u32 s6, s4;
	v59 =	vld [tilespmem:s0+$0x1600];
	(v2sf) =	vpush v45, $0x0;
	v39 =	vadd.f32 $1.000000000e+00, v62;
	v60 =	vpop (erf);
	(erf) = vrcp.f32 v34  }
0x66d: {  	v33 =	vadd.f32 v49, v53;
	v49 =	vld [tilespmem:s28+$0x1660];
	v61 =	vadd.f32 $1.000000000e+00, v56;
	v58 =	vpop (erf);
	(erf) = vrcp.f32 v63  }
0x66e: {  	v34 =	vld [tilespmem:s0+$0x1610];
	v53 =	vadd.f32 $1.000000000e+00, v60;
	v54 =	vpop (erf);
	v38 =	vadd.f32 v51, v37;
	(erf) = vrcp.f32 v32  }
0x66f: {  	v51 =	vld [tilespmem:s28+$0x1650];
	v58 =	vadd.f32 $1.000000000e+00, v58;
	v37 =	vadd.f32 v35, v55;
	v45 =	vpop (erf);
	(erf) = vrcp.f32 v6  }
0x670: {  	v55 =	vld [tilespmem:s28+$0x1640];
	v32 =	vadd.f32 v47, v36;
	v62 =	vadd.f32 $1.000000000e+00, v54;
	v6 =	vpop (erf);
	(erf) = vrcp.f32 v39  }
0x671: {  	v36 =	vadd.f32 v5, v50;
	v56 =	vpop (erf);
	v39 =	vadd.f32 v3, v57;
	v3 =	vld [tilespmem:s28+$0x1630];
	(erf) = vrcp.f32 v61  }
0x672: {  	v5 =	vld [tilespmem:s28+$0x1620];
	v45 =	vadd.f32 $1.000000000e+00, v45;
	v6 =	vadd.f32 $1.000000000e+00, v6;
	v60 =	vpop (erf);
	(erf) = vrcp.f32 v53  }
0x673: {  	v47 =	vld [tilespmem:s28+$0x1670];
	v35 =	vadd.f32 v2, v34;
	v56 =	vadd.f32 $1.000000000e+00, v56;
	v63 =	vpop (erf);
	(erf) = vrcp.f32 v58  }
0x674: {  	v2 =	vld [tilespmem:s28+$0x1610];
	v34 =	vadd.f32 v48, v59;
	v61 =	vadd.f32 $1.000000000e+00, v60;
	v53 =	vpop (erf);
	(erf) = vrcp.f32 v62  }
0x675: {  	v48 =	vld [tilespmem:s28+$0x1600];
	v50 =	vpop (erf);
	v62 =	vadd.f32 $1.000000000e+00, v63;
	(erf) = vrcp.f32 v45;
	v45 =	vadd.f32 v42, v51  }
0x676: {  	v22 =	vmul.f32 $5.000000000e-01, v22;
	v57 =	vpop (erf);
	v42 =	vadd.f32 v44, v3;
	v44 =	vadd.f32 v43, v55  }
0x677: {  	v43 =	vadd.f32 v46, v5;
	v46 =	vadd.f32 v53, v53;
	v59 =	vpop (erf);
	(erf) = vrcp.f32 v6  }
0x678: {  	v6 =	vadd.f32 v40, v47;
	v47 =	vadd.f32 v41, v49;
	(erf) = vrcp.f32 v56;
	v63 =	vpop (erf)  }
0x679: {  	v41 =	vadd.f32 v4, v2;
	v2 =	vmul.f32 $5.000000000e-01, v31;
	v60 =	vpop (erf);
	(erf) = vrcp.f32 v61  }
0x67a: {  	v40 =	vadd.f32 v52, v48;
	v31 =	vadd.f32 v50, v50;
	(erf) = vrcp.f32 v62;
	v3 =	vpop (erf)  }
0x67b: {  	v5 =	vmul.f32 $5.000000000e-01, v28;
	v51 =	vadd.f32 v57, v57;
	v50 =	vadd.f32 v59, v59;
	v4 =	vpop (erf)  }
0x67c: {  	v28 =	vmul.f32 $5.000000000e-01, v29;
	v46 =	vsub.f32 $2.000000000e+00, v46;
	v53 =	vadd.f32 v63, v63;
	v29 =	vpop (erf)  }
0x67d: {  	v25 =	vmul.f32 $5.000000000e-01, v25;
	v31 =	vsub.f32 $2.000000000e+00, v31;
	v51 =	vsub.f32 $2.000000000e+00, v51;
	v61 =	vpop (erf)  }
0x67e: {  	v30 =	vmul.f32 $5.000000000e-01, v30;
	v49 =	vadd.f32 v60, v60;
	v50 =	vsub.f32 $2.000000000e+00, v50;
	v62 =	vpop (erf)  }
0x67f: {  	v23 =	vmul.f32 $5.000000000e-01, v23;
	v3 =	vadd.f32 v3, v3;
	v53 =	vsub.f32 $2.000000000e+00, v53;
	v63 =	vpop (erf)  }
0x680: {  	v19 =	vmul.f32 $5.000000000e-01, v19;
	v4 =	vadd.f32 v4, v4;
	v49 =	vsub.f32 $2.000000000e+00, v49;
	v60 =	vpop (erf)  }
0x681: {  	v21 =	vmul.f32 $5.000000000e-01, v21;
	v29 =	vadd.f32 v29, v29;
	v3 =	vsub.f32 $2.000000000e+00, v3;
	v56 =	vpop (erf)  }
0x682: {  	v17 =	vmul.f32 $5.000000000e-01, v17;
	v48 =	vadd.f32 v61, v61;
	v4 =	vsub.f32 $2.000000000e+00, v4;
	v61 =	vpop (erf)  }
0x683: {  	v20 =	vmul.f32 $5.000000000e-01, v20;
	v52 =	vadd.f32 v62, v62;
	v62 =	vpop (erf);
	v57 =	vadd.f32 v61, v61  }
0x684: {  	v24 =	vmul.f32 $5.000000000e-01, v24;
	v54 =	vadd.f32 v63, v63;
	v58 =	vadd.f32 v62, v62  }
0x685: {  	v16 =	vmul.f32 $5.000000000e-01, v16;
	v55 =	vadd.f32 v60, v60;
	v57 =	vsub.f32 $2.000000000e+00, v57  }
0x686: {  	v2 =	vmul.f32 v46, v2;
	v56 =	vadd.f32 v56, v56;
	v63 =	vsub.f32 $2.000000000e+00, v58  }
0x687: {  	v29 =	vsub.f32 $2.000000000e+00, v29;
	v55 =	vsub.f32 $2.000000000e+00, v55;
	v24 =	vmul.f32 v57, v24  }
0x688: {  	v48 =	vsub.f32 $2.000000000e+00, v48;
	v59 =	vsub.f32 $2.000000000e+00, v56;
	v17 =	vmul.f32 v63, v17  }
0x689: {  	v52 =	vsub.f32 $2.000000000e+00, v52;
	v21 =	vmul.f32 v55, v21;
	v24 =	vmul.f32 v24, v8  }
0x68a: {  	v60 =	vsub.f32 $2.000000000e+00, v54;
	v16 =	vmul.f32 v59, v16;
	v17 =	vmul.f32 v17, v8  }
0x68b: {  	v19 =	vmul.f32 v52, v19;
	v21 =	vmul.f32 v21, v9;
	v24 =	vadd.f32 $0.0e+00, v24  }
0x68c: {  	s29 =	spop (v2sf);
	v20 =	vmul.f32 v60, v20;
	v16 =	vmul.f32 v16, v9;
	v17 =	vadd.f32 $0.0e+00, v17  }
0x68d: {  	s30 =	spop (v2sf);
	v22 =	vmul.f32 v29, v22;
	v19 =	vmul.f32 v19, v10;
	v21 =	vadd.f32 v21, v24  }
0x68e: {  	s4 =	sshll.u32 s30, $0x9;
	v18 =	vmul.f32 v48, v18;
	v16 =	vadd.f32 v16, v17;
	v17 =	vmul.f32 v20, v10  }
0x68f: {  	s4 =	sshra.s32 s4, $0x2;
	v3 =	vmul.f32 v3, v25;
	v19 =	vadd.f32 v19, v21;
	v21 =	vmul.f32 v22, v11  }
0x690: {  	s0 =	sshll.u32 s29, $0x9;
	v25 =	vld [tilespmem:s4+$0x50];
	v4 =	vmul.f32 v4, v23;
	v16 =	vadd.f32 v17, v16;
	v17 =	vmul.f32 v18, v11  }
0x691: {  	s0 =	sshra.s32 s0, $0x2;
	v3 =	vmul.f32 v3, v12;
	v20 =	vld [tilespmem:s4+$0x70];
	v19 =	vadd.f32 v21, v19;
	v21 =	vmul.f32 v53, v27  }
0x692: {  	v4 =	vmul.f32 v4, v12;
	v22 =	vld [tilespmem:s0+$0x70];
	v16 =	vadd.f32 v17, v16;
	v17 =	vmul.f32 v49, v26  }
0x693: {  	v23 =	vld [tilespmem:s0+$0x50];
	v3 =	vadd.f32 v3, v19;
	v19 =	vmul.f32 v21, v13;
	v21 =	vmul.f32 v51, v28  }
0x694: {  	v24 =	vld [tilespmem:s0+$0x60];
	v4 =	vadd.f32 v4, v16;
	v16 =	vmul.f32 v17, v13;
	v17 =	vmul.f32 v50, v30  }
0x695: {  	v5 =	vmul.f32 v31, v5;
	v18 =	vld [tilespmem:s4+$0x60];
	v3 =	vadd.f32 v19, v3;
	v19 =	vmul.f32 v21, v14  }
0x696: {  	v27 =	vld [tilespmem:s4+$0x40];
	v31 =	vadd.f32 v20, v32;
	v4 =	vadd.f32 v16, v4;
	v16 =	vmul.f32 v17, v14  }
0x697: {  	v2 =	vmul.f32 v2, v15;
	v26 =	vadd.f32 v22, v6;
	v6 =	vld [tilespmem:s0+$0x30];
	v3 =	vadd.f32 v19, v3  }
0x698: {  	v5 =	vmul.f32 v5, v15;
	v28 =	vadd.f32 v25, v38;
	v21 =	vld [tilespmem:s0+$0x40];
	v4 =	vadd.f32 v16, v4  }
0x699: {  	v30 =	vadd.f32 v23, v45;
	v17 =	vld [tilespmem:s4+$0x30];
	v2 =	vadd.f32 v2, v3  }
0x69a: {  	v33 =	vadd.f32 v18, v33;
	v18 =	vld [tilespmem:s0+$0x10];
	v61 =	vmul.f32 v31, v31;
	v4 =	vadd.f32 v5, v4  }
0x69b: {  	v63 =	vmul.f32 v28, v28;
	v25 =	vadd.f32 v27, v37;
	v16 =	vld [tilespmem:s4+$0x20];
	(xrf2) =	vadd.scan.msk.f32 $0xffff, v2  }
0x69c: {  	v32 =	vadd.f32 v24, v47;
	v62 =	vmul.f32 v30, v30;
	v51 =	vmul.f32 $3.567740690e-02, v61;
	v3 =	vld [tilespmem:s0+$0x20];
	(xrf2) =	vadd.scan.msk.f32 $0xffff, v4  }
0x69d: {  	v52 =	vmul.f32 $3.567740690e-02, v63;
	v46 =	vmul.f32 v25, v25;
	v24 =	vadd.f32 v6, v42;
	v2 =	vld [tilespmem:s4+$0x10]  }
0x69e: {  	v49 =	vmul.f32 $3.567740690e-02, v62;
	v6 =	vmul.f32 v26, v26;
	v19 =	vadd.f32 v17, v39;
	v17 =	vld [tilespmem:s0+$0x0]  }
0x69f: {  	v5 =	vor.u32 s3, v0;
	v29 =	vadd.f32 v21, v44;
	v45 =	vmul.f32 v24, v24  }
0x6a0: {  	v47 =	vmul.f32 $3.567740690e-02, v6;
	v4 =	vld [tilespmem:s4+$0x0];
	v22 =	vadd.f32 v16, v36;
	v16 =	vmul.f32 v33, v33  }
0x6a1: {  	v44 =	vmul.f32 v19, v19;
	v23 =	vadd.f32 v3, v43;
	v3 =	vmul.f32 v32, v32  }
0x6a2: {  	v20 =	vadd.f32 v18, v41;
	v43 =	vmul.f32 v29, v29;
	v41 =	vmul.f32 v22, v22  }
0x6a3: {  	v50 =	vmul.f32 $3.567740690e-02, v16;
	v18 =	vadd.f32 v2, v35;
	v27 =	vadd.f32 v17, v40  }
0x6a4: {  	v42 =	vmul.f32 v23, v23;
	v40 =	vmul.f32 v20, v20;
	v17 =	vimm.f32 $0.0e+00  }
0x6a5: {  	s31 =	simm.s32 $0x1;
	v48 =	vmul.f32 $3.567740690e-02, v3;
	v2 =	vmov s2;
	v21 =	vadd.f32 v4, v34;
	v34, _, _ =	vpop (xrf2)  }
0x6a6: {  	v35 =	vmov s31;
	v39 =	vmul.f32 v18, v18;
	v37 =	vmul.f32 v27, v27;
	v3, _, _ =	vpop (xrf2)  }
0x6a7: {  	p0 =	por p1, p1;
	s21 =	simm.s32 $0x4;
	s3 =	simm.s32 $0x2;
	v16 =	vld.idx.msk [tilespmem:v5+s23+$0x0], $0xffff;
	vm0 =	veq.s32 v2, v0;
	v38 =	vmul.f32 v21, v21;
	v36 =	vbroadcast v3, $0xF  }
.LBB2_19:
0x6a8: {  	p1 =	slt.u32 s21, $0xE;
	v2 =	vmul.f32 $3.567740690e-02, v46;
	v3 =	vmul.f32 $3.567740690e-02, v43;
	vm1 =	veq.s32 v35, v0  }
0x6a9: {  	v4 =	vmul.f32 $3.567740690e-02, v45;
	v6 =	vbroadcast v34, $0xF;
	v5 =	vnsel vm0, $0x0, v36  }
0x6aa: {  	v34 =	vmul.f32 $3.567740690e-02, v44;
	v35 =	vmul.f32 $3.567740690e-02, v42;
	v5 =	vadd.f32 v5, v17  }
0x6ab: {  	v42 =	vadd.f32 $7.978845830e-01, v47;
	v36 =	vadd.f32 $7.978845830e-01, v51;
	v6 =	vnsel vm1, $0x0, v6  }
0x6ac: {  	v41 =	vmul.f32 $3.567740690e-02, v41;
	v43 =	vadd.f32 $7.978845830e-01, v48;
	v17 =	vadd.f32 v6, v5  }
0x6ad: {  	v5 =	vadd.f32 $7.978845830e-01, v50;
	v6 =	vmul.f32 $3.567740690e-02, v40;
	v40 =	vadd.f32 $7.978845830e-01, v49  }
0x6ae: {  	v39 =	vmul.f32 $3.567740690e-02, v39;
	v44 =	vadd.f32 $7.978845830e-01, v52;
	v3 =	vadd.f32 $7.978845830e-01, v3  }
0x6af: {  	v37 =	vmul.f32 $3.567740690e-02, v37;
	v2 =	vadd.f32 $7.978845830e-01, v2;
	v4 =	vadd.f32 $7.978845830e-01, v4  }
0x6b0: {  	v38 =	vmul.f32 $3.567740690e-02, v38;
	v34 =	vadd.f32 $7.978845830e-01, v34;
	v35 =	vadd.f32 $7.978845830e-01, v35  }
0x6b1: {  	v41 =	vadd.f32 $7.978845830e-01, v41;
	v45 =	vmul.f32 v42, v26;
	v36 =	vmul.f32 v36, v31  }
0x6b2: {  	v46 =	vmul.f32 v43, v32;
	v5 =	vmul.f32 v5, v33;
	v6 =	vadd.f32 $7.978845830e-01, v6  }
0x6b3: {  	v39 =	vadd.f32 $7.978845830e-01, v39;
	v47 =	vmul.f32 v44, v28;
	v40 =	vmul.f32 v40, v30  }
0x6b4: {  	s12 =	sadd.s32 $0x100, s12;
	v37 =	vadd.f32 $7.978845830e-01, v37;
	v2 =	vmul.f32 v2, v25;
	v3 =	vmul.f32 v3, v29  }
0x6b5: {  	v38 =	vadd.f32 $7.978845830e-01, v38;
	v48 =	vmul.f32 v34, v19;
	v4 =	vmul.f32 v4, v24;
	v42 =	vld [tilespmem:s12+$0x70]  }
0x6b6: {  	v41 =	vmul.f32 v41, v22;
	v50 =	vmul.f32 v35, v23;
	v44 =	vadd.f32 v45, v45;
	v34 =	vld [tilespmem:s12+$0xFFFFFFF0]  }
0x6b7: {  	v53 =	vmul.f32 v39, v18;
	v36 =	vadd.f32 v36, v36;
	v6 =	vmul.f32 v6, v20;
	v43 =	vld [tilespmem:s12+$0x60]  }
0x6b8: {  	v54 =	vmul.f32 v37, v27;
	v39 =	vadd.f32 v46, v46;
	v45 =	vmul.f32 $1.442695020e+00, v44;
	v35 =	vld [tilespmem:s12+$0xFFFFFFE0]  }
0x6b9: {  	v38 =	vmul.f32 v38, v21;
	v36 =	vmul.f32 $1.442695020e+00, v36;
	v5 =	vadd.f32 v5, v5;
	v44 =	vld [tilespmem:s12+$0x50]  }
0x6ba: {  	v49 =	vmul.f32 $1.442695020e+00, v39;
	v40 =	vadd.f32 v40, v40;
	v37 =	vld [tilespmem:s12+$0xFFFFFFD0];
	(erf) = vpow2.f32 v45  }
0x6bb: {  	v47 =	vadd.f32 v47, v47;
	v5 =	vmul.f32 $1.442695020e+00, v5;
	v46 =	vld [tilespmem:s12+$0x40];
	(erf) = vpow2.f32 v36  }
0x6bc: {  	v3 =	vadd.f32 v3, v3;
	v36 =	vmul.f32 $1.442695020e+00, v40;
	v39 =	vld [tilespmem:s12+$0xFFFFFFC0];
	(erf) = vpow2.f32 v49  }
0x6bd: {  	v2 =	vadd.f32 v2, v2;
	v40 =	vmul.f32 $1.442695020e+00, v47;
	v45 =	vld [tilespmem:s12+$0x30];
	(erf) = vpow2.f32 v5  }
0x6be: {  	v4 =	vadd.f32 v4, v4;
	v3 =	vmul.f32 $1.442695020e+00, v3;
	v5 =	vld [tilespmem:s12+$0xFFFFFFB0];
	(erf) = vpow2.f32 v36  }
0x6bf: {  	v2 =	vmul.f32 $1.442695020e+00, v2;
	v36 =	vadd.f32 v48, v48;
	v49 =	vld [tilespmem:s12+$0x20];
	(erf) = vpow2.f32 v40  }
0x6c0: {  	v4 =	vmul.f32 $1.442695020e+00, v4;
	v40 =	vadd.f32 v50, v50;
	v47 =	vld [tilespmem:s12+$0xFFFFFFA0];
	(erf) = vpow2.f32 v3  }
0x6c1: {  	v3 =	vadd.f32 v41, v41;
	v41 =	vmul.f32 $1.442695020e+00, v36;
	v51 =	vld [tilespmem:s12+$0x10];
	(erf) = vpow2.f32 v2  }
0x6c2: {  	v6 =	vadd.f32 v6, v6;
	v40 =	vmul.f32 $1.442695020e+00, v40;
	v2 =	vld [tilespmem:s12+$0xFFFFFF90];
	(erf) = vpow2.f32 v4  }
0x6c3: {  	v4 =	vadd.f32 v53, v53;
	v53 =	vmul.f32 $1.442695020e+00, v3;
	v52 =	vld [tilespmem:s12+$0x0];
	(erf) = vpow2.f32 v41;
	v36 =	vpop (erf)  }
0x6c4: {  	s15 =	sadd.s32 $0x200, s15;
	s18 =	sadd.s32 $0x100, s18;
	s1 =	sadd.s32 $0x2, s1;
	v6 =	vmul.f32 $1.442695020e+00, v6;
	v41 =	vadd.f32 v54, v54;
	v48 =	vld [tilespmem:s12+$0xFFFFFF80];
	v50 =	vpop (erf);
	(erf) = vpow2.f32 v40  }
0x6c5: {  	s0 =	sand.u32 $0x1800, s15;
	s4 =	sand.u32 $0x300, s18;
	v38 =	vadd.f32 v38, v38;
	v55 =	vmul.f32 $1.442695020e+00, v4;
	v40 =	vld [tilespmem:s1+$0x0];
	(erf) = vpow2.f32 v53;
	v3 =	vpop (erf)  }
0x6c6: {  	s0 =	sor.u32 s4, s0;
	v41 =	vmul.f32 $1.442695020e+00, v41;
	v53 =	vld [tilespmem:s1+$0xFFFFFFFF];
	v54 =	vpop (erf);
	(erf) = vpow2.f32 v6  }
0x6c7: {  	v57 =	vmul.f32 $1.442695020e+00, v38;
	v6 =	vld [tilespmem:s0+$0x1670];
	(erf) = vpow2.f32 v55;
	v4 =	vpop (erf)  }
0x6c8: {  	v36 =	vadd.f32 $1.000000000e+00, v36;
	v55 =	vld [tilespmem:s0+$0x1660];
	v56 =	vpop (erf);
	(erf) = vpow2.f32 v41  }
0x6c9: {  	v61 =	vadd.f32 $1.000000000e+00, v50;
	v41 =	vld [tilespmem:s0+$0x1650];
	(erf) = vpow2.f32 v57;
	v38 =	vpop (erf)  }
0x6ca: {  	v3 =	vadd.f32 $1.000000000e+00, v3;
	v57 =	vld [tilespmem:s0+$0x1640];
	v58 =	vpop (erf);
	(erf) = vrcp.f32 v36  }
0x6cb: {  	v4 =	vadd.f32 $1.000000000e+00, v4;
	v36 =	vadd.f32 $1.000000000e+00, v54;
	v59 =	vld [tilespmem:s0+$0x1630];
	(erf) = vrcp.f32 v61;
	v50 =	vpop (erf)  }
0x6cc: {  	s6 =	sadd.s32 $0x80, s18;
	s4 =	sadd.s32 $0x100, s15;
	v56 =	vadd.f32 $1.000000000e+00, v56;
	v38 =	vadd.f32 $1.000000000e+00, v38;
	v54 =	vld [tilespmem:s0+$0x1620];
	v60 =	vpop (erf);
	(erf) = vrcp.f32 v3  }
0x6cd: {  	s6 =	sand.u32 $0x380, s6;
	s4 =	sand.u32 $0x1800, s4;
	v58 =	vadd.f32 $1.000000000e+00, v58;
	v3 =	vld [tilespmem:s0+$0x1610];
	(v2sf) =	vpush v40, $0x0;
	(erf) = vrcp.f32 v36;
	v61 =	vpop (erf)  }
0x6ce: {  	v40 =	vadd.f32 v34, v6;
	v62 =	vld [tilespmem:s0+$0x1600];
	s0 =	sor.u32 s6, s4;
	(v2sf) =	vpush v53, $0x0;
	v53 =	vpop (erf);
	(erf) = vrcp.f32 v4  }
0x6cf: {  	v36 =	vadd.f32 v35, v55;
	v35 =	vadd.f32 $1.000000000e+00, v50;
	v4 =	vld [tilespmem:s0+$0x1670];
	(erf) = vrcp.f32 v56;
	v34 =	vpop (erf)  }
0x6d0: {  	v39 =	vadd.f32 v39, v57;
	v63 =	vadd.f32 $1.000000000e+00, v53;
	v55 =	vld [tilespmem:s0+$0x1660];
	v50 =	vpop (erf);
	(erf) = vrcp.f32 v38  }
0x6d1: {  	v38 =	vadd.f32 v37, v41;
	v37 =	vadd.f32 $1.000000000e+00, v60;
	v56 =	vld [tilespmem:s0+$0x1650];
	(erf) = vrcp.f32 v58;
	v6 =	vpop (erf)  }
0x6d2: {  	v41 =	vadd.f32 v5, v59;
	v58 =	vadd.f32 $1.000000000e+00, v61;
	v57 =	vld [tilespmem:s0+$0x1640];
	v60 =	vpop (erf);
	(erf) = vrcp.f32 v35  }
0x6d3: {  	v35 =	vadd.f32 v2, v3;
	v3 =	vadd.f32 $1.000000000e+00, v50;
	v5 =	vld [tilespmem:s0+$0x1630];
	(erf) = vrcp.f32 v37;
	v59 =	vpop (erf)  }
0x6d4: {  	v37 =	vadd.f32 v47, v54;
	v47 =	vadd.f32 $1.000000000e+00, v34;
	v54 =	vld [tilespmem:s0+$0x1620];
	v61 =	vpop (erf);
	(erf) = vrcp.f32 v58  }
0x6d5: {  	v2 =	vld [tilespmem:s0+$0x1610];
	(erf) = vrcp.f32 v63;
	v53 =	vpop (erf)  }
0x6d6: {  	v6 =	vadd.f32 $1.000000000e+00, v6;
	v34 =	vadd.f32 v48, v62;
	v58 =	vld [tilespmem:s0+$0x1600];
	v62 =	vpop (erf);
	(erf) = vrcp.f32 v47  }
0x6d7: {  	v50 =	vadd.f32 v42, v4;
	v42 =	vadd.f32 $1.000000000e+00, v60;
	(erf) = vrcp.f32 v3;
	v3 =	vpop (erf)  }
0x6d8: {  	v48 =	vadd.f32 v43, v55;
	v47 =	vadd.f32 v44, v56;
	v55 =	vpop (erf);
	(erf) = vrcp.f32 v6  }
0x6d9: {  	v46 =	vadd.f32 v46, v57;
	v45 =	vadd.f32 v45, v5;
	(erf) = vrcp.f32 v42;
	v4 =	vpop (erf)  }
0x6da: {  	v26 =	vmul.f32 $5.000000000e-01, v26;
	v44 =	vadd.f32 v49, v54;
	v43 =	vadd.f32 v51, v2;
	v2 =	vpop (erf)  }
0x6db: {  	v31 =	vmul.f32 $5.000000000e-01, v31;
	v5 =	vmul.f32 $5.000000000e-01, v32;
	v42 =	vadd.f32 v52, v58;
	v6 =	vpop (erf)  }
0x6dc: {  	v32 =	vmul.f32 $5.000000000e-01, v33;
	v33 =	vadd.f32 v61, v61;
	v49 =	vadd.f32 v59, v59;
	s0 =	spop (v2sf);
	v51 =	vpop (erf)  }
0x6dd: {  	v30 =	vmul.f32 $5.000000000e-01, v30;
	v53 =	vadd.f32 v53, v53;
	v52 =	vadd.f32 v62, v62;
	s7 =	spop (v2sf);
	v54 =	vpop (erf)  }
0x6de: {  	v28 =	vmul.f32 $5.000000000e-01, v28;
	v3 =	vadd.f32 v3, v3;
	v55 =	vadd.f32 v55, v55;
	v56 =	vpop (erf)  }
0x6df: {  	v29 =	vmul.f32 $5.000000000e-01, v29;
	v4 =	vadd.f32 v4, v4;
	v2 =	vadd.f32 v2, v2;
	v57 =	vpop (erf)  }
0x6e0: {  	v25 =	vmul.f32 $5.000000000e-01, v25;
	v6 =	vadd.f32 v6, v6;
	v51 =	vadd.f32 v51, v51;
	v58 =	vpop (erf)  }
0x6e1: {  	v24 =	vmul.f32 $5.000000000e-01, v24;
	v54 =	vadd.f32 v54, v54;
	v56 =	vadd.f32 v56, v56;
	v59 =	vpop (erf)  }
0x6e2: {  	v19 =	vmul.f32 $5.000000000e-01, v19;
	v57 =	vadd.f32 v57, v57;
	v58 =	vadd.f32 v58, v58;
	v60 =	vpop (erf)  }
0x6e3: {  	v23 =	vmul.f32 $5.000000000e-01, v23;
	v59 =	vadd.f32 v59, v59;
	v60 =	vadd.f32 v60, v60  }
0x6e4: {  	v22 =	vmul.f32 $5.000000000e-01, v22;
	v33 =	vsub.f32 $2.000000000e+00, v33;
	v49 =	vsub.f32 $2.000000000e+00, v49  }
0x6e5: {  	v20 =	vmul.f32 $5.000000000e-01, v20;
	v53 =	vsub.f32 $2.000000000e+00, v53;
	v52 =	vsub.f32 $2.000000000e+00, v52  }
0x6e6: {  	v27 =	vmul.f32 $5.000000000e-01, v27;
	v3 =	vsub.f32 $2.000000000e+00, v3;
	v59 =	vsub.f32 $2.000000000e+00, v59  }
0x6e7: {  	v18 =	vmul.f32 $5.000000000e-01, v18;
	v55 =	vsub.f32 $2.000000000e+00, v55;
	v4 =	vsub.f32 $2.000000000e+00, v4  }
0x6e8: {  	v2 =	vsub.f32 $2.000000000e+00, v2;
	v57 =	vsub.f32 $2.000000000e+00, v57;
	v27 =	vmul.f32 v59, v27  }
0x6e9: {  	v21 =	vmul.f32 $5.000000000e-01, v21;
	v6 =	vsub.f32 $2.000000000e+00, v6;
	v59 =	vsub.f32 $2.000000000e+00, v60  }
0x6ea: {  	v54 =	vsub.f32 $2.000000000e+00, v54;
	v20 =	vmul.f32 v57, v20;
	v27 =	vmul.f32 v27, v8  }
0x6eb: {  	v51 =	vsub.f32 $2.000000000e+00, v51;
	v57 =	vsub.f32 $2.000000000e+00, v58;
	v21 =	vmul.f32 v59, v21  }
0x6ec: {  	v23 =	vmul.f32 v54, v23;
	v20 =	vmul.f32 v20, v9;
	v27 =	vadd.f32 $0.0e+00, v27  }
0x6ed: {  	v54 =	vsub.f32 $2.000000000e+00, v56;
	v18 =	vmul.f32 v57, v18;
	v21 =	vmul.f32 v21, v8  }
0x6ee: {  	v6 =	vmul.f32 v6, v24;
	v23 =	vmul.f32 v23, v10;
	v20 =	vadd.f32 v20, v27  }
0x6ef: {  	s0 =	sshll.u32 s0, $0x9;
	v22 =	vmul.f32 v54, v22;
	v18 =	vmul.f32 v18, v9;
	v21 =	vadd.f32 $0.0e+00, v21  }
0x6f0: {  	s4 =	sshll.u32 s7, $0x9;
	s7 =	sshra.s32 s0, $0x2;
	v4 =	vmul.f32 v4, v29;
	v6 =	vmul.f32 v6, v11;
	v20 =	vadd.f32 v23, v20  }
0x6f1: {  	s0 =	sshra.s32 s4, $0x2;
	v19 =	vmul.f32 v51, v19;
	v18 =	vadd.f32 v18, v21;
	v21 =	vmul.f32 v22, v10;
	v23 =	vld [tilespmem:s7+$0x70]  }
0x6f2: {  	v3 =	vmul.f32 v3, v30;
	v4 =	vmul.f32 v4, v12;
	v6 =	vadd.f32 v6, v20;
	v22 =	vld [tilespmem:s0+$0x70]  }
0x6f3: {  	v2 =	vmul.f32 v2, v25;
	v19 =	vmul.f32 v19, v11;
	v18 =	vadd.f32 v21, v18;
	v20 =	vld [tilespmem:s7+$0x60]  }
0x6f4: {  	v5 =	vmul.f32 v53, v5;
	v3 =	vmul.f32 v3, v13;
	v4 =	vadd.f32 v4, v6;
	v21 =	vld [tilespmem:s0+$0x60]  }
0x6f5: {  	v2 =	vmul.f32 v2, v12;
	v18 =	vadd.f32 v19, v18;
	v19 =	vmul.f32 v55, v28;
	v6 =	vld [tilespmem:s7+$0x50]  }
0x6f6: {  	v3 =	vadd.f32 v3, v4;
	v4 =	vmul.f32 v5, v14;
	v5 =	vmul.f32 v49, v26;
	v24 =	vld [tilespmem:s0+$0x50]  }
0x6f7: {  	v2 =	vadd.f32 v2, v18;
	v18 =	vmul.f32 v19, v13;
	v19 =	vmul.f32 v52, v32;
	v27 =	vld [tilespmem:s7+$0x40]  }
0x6f8: {  	v26 =	vadd.f32 v23, v50;
	v3 =	vadd.f32 v4, v3;
	v4 =	vmul.f32 v5, v15;
	v25 =	vld [tilespmem:s0+$0x40]  }
0x6f9: {  	v2 =	vadd.f32 v18, v2;
	v18 =	vmul.f32 v19, v14;
	v19 =	vmul.f32 v33, v31;
	v5 =	vld [tilespmem:s7+$0x30]  }
0x6fa: {  	v31 =	vadd.f32 v22, v40;
	v3 =	vadd.f32 v4, v3;
	v23 =	vld [tilespmem:s0+$0x30]  }
0x6fb: {  	v32 =	vadd.f32 v20, v48;
	v2 =	vadd.f32 v18, v2;
	v18 =	vmul.f32 v19, v15;
	v4 =	vld [tilespmem:s7+$0x20]  }
0x6fc: {  	v33 =	vadd.f32 v21, v36;
	v30 =	vadd.f32 v6, v47;
	v20 =	vld [tilespmem:s0+$0x20];
	(xrf2) =	vadd.scan.msk.f32 $0xffff, v3  }
0x6fd: {  	v2 =	vadd.f32 v18, v2;
	v28 =	vadd.f32 v24, v38;
	v3 =	vld [tilespmem:s7+$0x10]  }
0x6fe: {  	v29 =	vadd.f32 v27, v46;
	v25 =	vadd.f32 v25, v39;
	v6 =	vld [tilespmem:s0+$0x10]  }
0x6ff: {  	v24 =	vadd.f32 v5, v45;
	v5 =	vmul.f32 v26, v26;
	v19 =	vadd.f32 v23, v41;
	v21 =	vld [tilespmem:s7+$0x0];
	(xrf2) =	vadd.scan.msk.f32 $0xffff, v2  }
0x700: {  	v36 =	vmul.f32 v31, v31;
	v2 =	vld [tilespmem:s0+$0x0];
	v23 =	vadd.f32 v4, v44;
	v4 =	vmul.f32 v32, v32  }
0x701: {  	v49 =	vmul.f32 v33, v33;
	v52 =	vmul.f32 v30, v30;
	v22 =	vadd.f32 v20, v37  }
0x702: {  	v53 =	vmul.f32 v28, v28;
	v20 =	vadd.f32 v3, v43;
	v43 =	vmul.f32 v29, v29  }
0x703: {  	v46 =	vmul.f32 v25, v25;
	v45 =	vmul.f32 v24, v24;
	v18 =	vadd.f32 v6, v35  }
0x704: {  	v44 =	vmul.f32 v19, v19;
	v27 =	vadd.f32 v21, v42;
	v42 =	vmul.f32 v23, v23  }
0x705: {  	v41 =	vmul.f32 v22, v22;
	v40 =	vmul.f32 v20, v20;
	v21 =	vadd.f32 v2, v34  }
.Ltmp8:
0x706: {  	v39 =	vmul.f32 v18, v18;
	v37 =	vmul.f32 v27, v27;
	v34, _, _ =	vpop (xrf2);
	(pc) =	sbr.rel @p1 .LBB2_19-.Ltmp8, $4  }
0x707: {  	v47 =	vmul.f32 $3.567740690e-02, v5;
	v38 =	vmul.f32 v21, v21  }
0x708: {  	v51 =	vmul.f32 $3.567740690e-02, v36;
	s0 =	sadd.s32 $0x1, s3;
	v48 =	vmul.f32 $3.567740690e-02, v4;
	v2 =	vmov s3;
	s3 =	smov.u32 s21  }
0x709: {  	v50 =	vmul.f32 $3.567740690e-02, v49;
	v49 =	vmul.f32 $3.567740690e-02, v52;
	v35 =	vmov s0;
	v3, _, _ =	vpop (xrf2)  }
0x70a: {  	v52 =	vmul.f32 $3.567740690e-02, v53;
	s21 =	sadd.s32 $0x2, s21;
	vm0 =	veq.s32 v2, v0;
	v36 =	vbroadcast v3, $0xF  }
0x70b: {  	v2 =	vmul.f32 $3.567740690e-02, v46  }
0x70c: {  	v3 =	vmul.f32 $3.567740690e-02, v43;
	v4 =	vmul.f32 $3.567740690e-02, v45  }
0x70d: {  	v5 =	vmul.f32 $3.567740690e-02, v44;
	v6 =	vmul.f32 $3.567740690e-02, v42  }
0x70e: {  	v57 =	vadd.f32 $7.978845830e-01, v51;
	v58 =	vadd.f32 $7.978845830e-01, v47;
	v41 =	vmul.f32 $3.567740690e-02, v41  }
0x70f: {  	v59 =	vadd.f32 $7.978845830e-01, v48;
	v60 =	vadd.f32 $7.978845830e-01, v50;
	v40 =	vmul.f32 $3.567740690e-02, v40  }
0x710: {  	v61 =	vadd.f32 $7.978845830e-01, v49;
	v39 =	vmul.f32 $3.567740690e-02, v39;
	v62 =	vadd.f32 $7.978845830e-01, v52  }
0x711: {  	v37 =	vmul.f32 $3.567740690e-02, v37;
	v3 =	vadd.f32 $7.978845830e-01, v3;
	v2 =	vadd.f32 $7.978845830e-01, v2  }
0x712: {  	v38 =	vmul.f32 $3.567740690e-02, v38;
	v4 =	vadd.f32 $7.978845830e-01, v4;
	v5 =	vadd.f32 $7.978845830e-01, v5  }
0x713: {  	v6 =	vadd.f32 $7.978845830e-01, v6;
	v42 =	vmul.f32 v57, v31;
	v43 =	vmul.f32 v58, v26  }
0x714: {  	v41 =	vadd.f32 $7.978845830e-01, v41;
	v45 =	vmul.f32 v60, v33;
	v44 =	vmul.f32 v59, v32  }
0x715: {  	v40 =	vadd.f32 $7.978845830e-01, v40;
	v46 =	vmul.f32 v61, v30;
	v47 =	vmul.f32 v62, v28  }
0x716: {  	v39 =	vadd.f32 $7.978845830e-01, v39;
	v2 =	vmul.f32 v2, v25;
	v3 =	vmul.f32 v3, v29  }
0x717: {  	v37 =	vadd.f32 $7.978845830e-01, v37;
	v5 =	vmul.f32 v5, v19;
	v4 =	vmul.f32 v4, v24  }
0x718: {  	v38 =	vadd.f32 $7.978845830e-01, v38;
	v41 =	vmul.f32 v41, v22;
	v6 =	vmul.f32 v6, v23  }
0x719: {  	v43 =	vadd.f32 v43, v43;
	v39 =	vmul.f32 v39, v18;
	v42 =	vadd.f32 v42, v42  }
0x71a: {  	v40 =	vmul.f32 v40, v20;
	v37 =	vmul.f32 v37, v27;
	v44 =	vadd.f32 v44, v44  }
0x71b: {  	v38 =	vmul.f32 v38, v21;
	v45 =	vadd.f32 v45, v45;
	v43 =	vmul.f32 $1.442695020e+00, v43  }
0x71c: {  	v46 =	vadd.f32 v46, v46;
	v42 =	vmul.f32 $1.442695020e+00, v42;
	v44 =	vmul.f32 $1.442695020e+00, v44  }
0x71d: {  	v63 =	vadd.f32 v47, v47;
	v45 =	vmul.f32 $1.442695020e+00, v45;
	(erf) = vpow2.f32 v43  }
0x71e: {  	v3 =	vadd.f32 v3, v3;
	v47 =	vmul.f32 $1.442695020e+00, v46;
	(erf) = vpow2.f32 v42  }
0x71f: {  	v2 =	vadd.f32 v2, v2;
	v43 =	vmul.f32 $1.442695020e+00, v63;
	(erf) = vpow2.f32 v44  }
0x720: {  	v4 =	vadd.f32 v4, v4;
	v3 =	vmul.f32 $1.442695020e+00, v3;
	(erf) = vpow2.f32 v45  }
0x721: {  	v5 =	vadd.f32 v5, v5;
	v2 =	vmul.f32 $1.442695020e+00, v2;
	(erf) = vpow2.f32 v47  }
0x722: {  	v6 =	vadd.f32 v6, v6;
	v4 =	vmul.f32 $1.442695020e+00, v4;
	(erf) = vpow2.f32 v43  }
0x723: {  	v5 =	vmul.f32 $1.442695020e+00, v5;
	(erf) = vpow2.f32 v3;
	v3 =	vadd.f32 v41, v41  }
0x724: {  	v6 =	vmul.f32 $1.442695020e+00, v6;
	(erf) = vpow2.f32 v2;
	v2 =	vadd.f32 v40, v40  }
0x725: {  	(erf) = vpow2.f32 v4;
	v4 =	vadd.f32 v39, v39;
	v3 =	vmul.f32 $1.442695020e+00, v3  }
0x726: {  	v37 =	vadd.f32 v37, v37;
	(erf) = vpow2.f32 v5;
	v2 =	vmul.f32 $1.442695020e+00, v2  }
0x727: {  	v5 =	vpop (erf);
	(erf) = vpow2.f32 v6;
	v6 =	vadd.f32 v38, v38;
	v4 =	vmul.f32 $1.442695020e+00, v4  }
0x728: {  	v37 =	vmul.f32 $1.442695020e+00, v37;
	v48 =	vpop (erf);
	(erf) = vpow2.f32 v3  }
0x729: {  	v3 =	vpop (erf);
	(erf) = vpow2.f32 v2;
	v2 =	vmul.f32 $1.442695020e+00, v6  }
0x72a: {  	v49 =	vpop (erf);
	(erf) = vpow2.f32 v4  }
0x72b: {  	v5 =	vadd.f32 $1.000000000e+00, v5;
	v4 =	vpop (erf);
	(erf) = vpow2.f32 v37  }
0x72c: {  	v50 =	vadd.f32 $1.000000000e+00, v48;
	v6 =	vpop (erf);
	(erf) = vpow2.f32 v2  }
0x72d: {  	v3 =	vadd.f32 $1.000000000e+00, v3;
	v2 =	vpop (erf);
	(erf) = vrcp.f32 v5;
	v5 =	vadd.f32 $1.000000000e+00, v49  }
0x72e: {  	v51 =	vpop (erf);
	(erf) = vrcp.f32 v50  }
0x72f: {  	v4 =	vadd.f32 $1.000000000e+00, v4;
	v52 =	vpop (erf);
	(erf) = vrcp.f32 v3;
	v3 =	vadd.f32 $1.000000000e+00, v6  }
0x730: {  	v53 =	vpop (erf);
	(erf) = vrcp.f32 v5  }
0x731: {  	v2 =	vadd.f32 $1.000000000e+00, v2;
	v5 =	vpop (erf);
	(erf) = vrcp.f32 v4;
	v4 =	vadd.f32 $1.000000000e+00, v51  }
0x732: {  	v6 =	vpop (erf);
	(erf) = vrcp.f32 v3  }
0x733: {  	v37 =	vadd.f32 $1.000000000e+00, v52;
	v3 =	vpop (erf);
	(erf) = vrcp.f32 v2;
	v2 =	vadd.f32 $1.000000000e+00, v53  }
0x734: {  	v54 =	vpop (erf);
	(erf) = vrcp.f32 v4  }
0x735: {  	v5 =	vadd.f32 $1.000000000e+00, v5;
	v6 =	vadd.f32 $1.000000000e+00, v6;
	v4 =	vpop (erf);
	(erf) = vrcp.f32 v37  }
0x736: {  	v55 =	vpop (erf);
	(erf) = vrcp.f32 v2  }
0x737: {  	v3 =	vadd.f32 $1.000000000e+00, v3;
	v2 =	vpop (erf);
	(erf) = vrcp.f32 v5;
	v5 =	vadd.f32 $1.000000000e+00, v54  }
0x738: {  	v56 =	vpop (erf);
	(erf) = vrcp.f32 v6  }
0x739: {  	v6 =	vpop (erf);
	(erf) = vrcp.f32 v3;
	v3 =	vadd.f32 $1.000000000e+00, v55  }
0x73a: {  	v26 =	vmul.f32 $5.000000000e-01, v26;
	v4 =	vadd.f32 $1.000000000e+00, v4;
	v57 =	vpop (erf)  }
0x73b: {  	v31 =	vmul.f32 $5.000000000e-01, v31;
	(erf) = vrcp.f32 v5;
	v5 =	vpop (erf)  }
0x73c: {  	v61 =	vmul.f32 $5.000000000e-01, v32;
	v2 =	vadd.f32 v2, v2;
	(erf) = vrcp.f32 v4;
	v58 =	vpop (erf)  }
0x73d: {  	v30 =	vmul.f32 $5.000000000e-01, v30;
	v37 =	vadd.f32 v56, v56;
	(erf) = vrcp.f32 v3;
	v3 =	vpop (erf)  }
0x73e: {  	v28 =	vmul.f32 $5.000000000e-01, v28;
	v6 =	vadd.f32 v6, v6;
	v2 =	vsub.f32 $2.000000000e+00, v2;
	v4 =	vpop (erf)  }
0x73f: {  	v29 =	vmul.f32 $5.000000000e-01, v29;
	v39 =	vadd.f32 v57, v57;
	v37 =	vsub.f32 $2.000000000e+00, v37;
	v59 =	vpop (erf)  }
0x740: {  	v25 =	vmul.f32 $5.000000000e-01, v25;
	v5 =	vadd.f32 v5, v5;
	v6 =	vsub.f32 $2.000000000e+00, v6;
	v60 =	vpop (erf)  }
0x741: {  	v24 =	vmul.f32 $5.000000000e-01, v24;
	v38 =	vadd.f32 v58, v58;
	v39 =	vsub.f32 $2.000000000e+00, v39;
	v62 =	vpop (erf)  }
0x742: {  	v19 =	vmul.f32 $5.000000000e-01, v19;
	v3 =	vadd.f32 v3, v3;
	v5 =	vsub.f32 $2.000000000e+00, v5;
	v48 =	vpop (erf)  }
0x743: {  	v23 =	vmul.f32 $5.000000000e-01, v23;
	v4 =	vadd.f32 v4, v4;
	v38 =	vsub.f32 $2.000000000e+00, v38;
	v49 =	vpop (erf)  }
0x744: {  	v22 =	vmul.f32 $5.000000000e-01, v22;
	v40 =	vadd.f32 v59, v59;
	v3 =	vsub.f32 $2.000000000e+00, v3;
	v50 =	vpop (erf)  }
0x745: {  	v27 =	vmul.f32 $5.000000000e-01, v27;
	v41 =	vadd.f32 v60, v60;
	v4 =	vsub.f32 $2.000000000e+00, v4;
	v51 =	vpop (erf)  }
0x746: {  	v20 =	vmul.f32 $5.000000000e-01, v20;
	v42 =	vadd.f32 v62, v62;
	v52 =	vpop (erf);
	v46 =	vadd.f32 v51, v51  }
0x747: {  	v21 =	vmul.f32 $5.000000000e-01, v21;
	v40 =	vsub.f32 $2.000000000e+00, v40;
	v47 =	vadd.f32 v52, v52  }
0x748: {  	v18 =	vmul.f32 $5.000000000e-01, v18;
	v44 =	vadd.f32 v49, v49;
	v46 =	vsub.f32 $2.000000000e+00, v46  }
0x749: {  	v63 =	vmul.f32 $5.000000000e-01, v33;
	v45 =	vadd.f32 v50, v50;
	v53 =	vsub.f32 $2.000000000e+00, v47  }
0x74a: {  	v43 =	vadd.f32 v48, v48;
	v44 =	vsub.f32 $2.000000000e+00, v44;
	v27 =	vmul.f32 v46, v27  }
0x74b: {  	v41 =	vsub.f32 $2.000000000e+00, v41;
	v45 =	vsub.f32 $2.000000000e+00, v45;
	v21 =	vmul.f32 v53, v21  }
0x74c: {  	v42 =	vsub.f32 $2.000000000e+00, v42;
	v20 =	vmul.f32 v44, v20;
	v27 =	vmul.f32 v27, v8  }
0x74d: {  	v43 =	vsub.f32 $2.000000000e+00, v43;
	v18 =	vmul.f32 v45, v18;
	v21 =	vmul.f32 v21, v8  }
0x74e: {  	v23 =	vmul.f32 v42, v23;
	v20 =	vmul.f32 v20, v9;
	v27 =	vadd.f32 $0.0e+00, v27  }
0x74f: {  	v22 =	vmul.f32 v43, v22;
	v18 =	vmul.f32 v18, v9;
	v21 =	vadd.f32 $0.0e+00, v21  }
0x750: {  	v24 =	vmul.f32 v40, v24;
	v23 =	vmul.f32 v23, v10;
	v20 =	vadd.f32 v20, v27  }
0x751: {  	v19 =	vmul.f32 v41, v19;
	v18 =	vadd.f32 v18, v21;
	v21 =	vmul.f32 v22, v10  }
0x752: {  	v3 =	vmul.f32 v3, v29;
	v22 =	vmul.f32 v24, v11;
	v20 =	vadd.f32 v23, v20  }
0x753: {  	v4 =	vmul.f32 v4, v25;
	v19 =	vmul.f32 v19, v11;
	v18 =	vadd.f32 v21, v18  }
0x754: {  	v5 =	vmul.f32 v5, v30;
	v3 =	vmul.f32 v3, v12;
	v20 =	vadd.f32 v22, v20  }
0x755: {  	v4 =	vmul.f32 v4, v12;
	v18 =	vadd.f32 v19, v18;
	v19 =	vmul.f32 v38, v28  }
0x756: {  	v6 =	vmul.f32 v6, v61;
	v5 =	vmul.f32 v5, v13;
	v3 =	vadd.f32 v3, v20  }
0x757: {  	v4 =	vadd.f32 v4, v18;
	v18 =	vmul.f32 v19, v13;
	v19 =	vmul.f32 v39, v63  }
0x758: {  	v2 =	vmul.f32 v2, v26;
	v3 =	vadd.f32 v5, v3;
	v5 =	vmul.f32 v6, v14  }
0x759: {  	v4 =	vadd.f32 v18, v4;
	v6 =	vmul.f32 v19, v14;
	v18 =	vmul.f32 v37, v31  }
0x75a: {  	v2 =	vmul.f32 v2, v15;
	v3 =	vadd.f32 v5, v3  }
0x75b: {  	v4 =	vadd.f32 v6, v4;
	v5 =	vmul.f32 v18, v15  }
0x75c: {  	v2 =	vadd.f32 v2, v3  }
0x75d: {  	v3 =	vadd.f32 v5, v4  }
0x75e: {  	(xrf2) =	vadd.scan.msk.f32 $0xffff, v2  }
0x75f: {  	(xrf2) =	vadd.scan.msk.f32 $0xffff, v3;
	_ =	sdelay $0x8  }
0x760: {  	v2 =	vnsel vm0, $0x0, v36;
	v3 =	vbroadcast v34, $0xF;
	v4, _, _ =	vpop (xrf2)  }
0x761: {  	vm0 =	veq.s32 v35, v0;
	v2 =	vadd.f32 v2, v17;
	v5, _, _ =	vpop (xrf2)  }
0x762: {  	v6 =	vmov s3;
	v3 =	vnsel vm0, $0x0, v3;
	v5 =	vbroadcast v5, $0xF  }
0x763: {  	s0 =	sadd.s32 $0x1, s3;
	vm0 =	veq.s32 v6, v0;
	v2 =	vadd.f32 v3, v2  }
0x764: {  	v3 =	vmov s0;
	v4 =	vbroadcast v4, $0xF;
	v5 =	vnsel vm0, $0x0, v5  }
0x765: {  	vm0 =	veq.s32 v3, v0;
	v2 =	vadd.f32 v5, v2  }
0x766: {  	v3 =	vnsel vm0, $0x0, v4  }
0x767: {  	v2 =	vadd.f32 v3, v2;
	v3 =	vld [tilespmem:$0x1FFA0];
	_ =	sdelay $0x4  }
0x768: {  	v2 =	vadd.f32 v2, v3;
	_ =	sdelay $0x1  }
0x769: {  	v2 =	vadd.f32 v2, v2;
	_ =	sdelay $0x1  }
0x76a: {  	v2 =	vmul.f32 $1.442695020e+00, v2;
	_ =	sdelay $0x1  }
0x76b: {  	(erf) = vpow2.f32 v2;
	_ =	sdelay $0x8  }
0x76c: {  	v2 =	vpop (erf)  }
0x76d: {  	v2 =	vadd.f32 $1.000000000e+00, v2;
	_ =	sdelay $0x1  }
0x76e: {  	(erf) = vrcp.f32 v2;
	_ =	sdelay $0x8  }
0x76f: {  	v2 =	vpop (erf)  }
0x770: {  	v2 =	vadd.f32 v2, v2;
	_ =	sdelay $0x1  }
0x771: {  	v2 =	vsub.f32 $1.000000000e+00, v2;
	_ =	sdelay $0x1  }
0x772: {  	v2 =	vmul.f32 v2, v7;
	_ =	sdelay $0x1  }
0x773: {  	v17 =	vadd.f32 $1.000000000e+00, v2;
	_ =	sdelay $0x1  }
0x774: {  	s7 =	sadd.s32 $0x1502, s11;
	[tilespmem:$0x1580] =	vst v17  }
0x775: {  	v2 =	vld [tilespmem:s7+$0x1];
	_ =	sdelay $0x4  }
0x776: {  	(v2sf) =	vpush v2, $0x0;
	_ =	sdelay $0x3  }
0x777: {  	v2 =	vld [tilespmem:s7+$0xFFFFFFFE];
	_ =	sdelay $0x3  }
0x778: {  	v3 =	vld [tilespmem:s7+$0xFFFFFFFF]  }
0x779: {  	(v2sf) =	vpush v2, $0x0  }
0x77a: {  	v4 =	vld [tilespmem:s7+$0x0];
	_ =	sdelay $0x2  }
0x77b: {  	s0 =	sadd.s32 $0x200, s5;
	(v2sf) =	vpush v3, $0x0  }
0x77c: {  	s1 =	simm.s32 $0x180;
	s16 =	sadd.s32 $0x100, s0  }
0x77d: {  	s1 =	sand.u32 $0x380, s1;
	s3 =	sand.u32 $0x1800, s16;
	(v2sf) =	vpush v4, $0x0;
	s4 =	spop (v2sf)  }
0x77e: {  	s9 =	sor.u32 s1, s3;
	s17 =	sshll.u32 s4, $0x9  }
0x77f: {  	v2 =	vld [tilespmem:s9+$0x1A00];
	s8 =	sshra.s32 s17, $0x2  }
0x780: {  	v3 =	vld [tilespmem:s8+$0x800]  }
0x781: {  	s18 =	simm.s32 $0x1582  }
0x782: {  	v25 =	vld.msk [tilespmem:s18+$0x1 ss:$0x0], $0xffff  }
0x783: {  	p1 =	por $0x0, $0x0;
	s1 =	simm.s32 $0x1  }
0x784: {  	s1 =	simm.s32 @!p1 $0x0  }
0x785: {  	s1 =	sshll.u32 s1, $0x9;
	v2 =	vadd.f32 v3, v2  }
0x786: {  	s24 =	sadd.s32 s1, s5;
	s19 =	spop (v2sf)  }
0x787: {  	s1 =	sor.u32 $0x400, s24;
	v18 =	vld.msk [tilespmem:s18+$0xFFFFFFFE ss:$0x0], $0xffff;
	s3 =	sshll.u32 s19, $0x9;
	v2 =	vmul.f32 v2, v25  }
0x788: {  	s13 =	sshra.s32 s3, $0x2;
	v3 =	vld [tilespmem:s1+$0x1600];
	s1 =	sadd.s32 $0x7700, s10  }
0x789: {  	s22 =	simm.s32 $0x80;
	v4 =	vld [tilespmem:s13+$0x800];
	[tilespmem:s1+$0x80] =	vst v2  }
0x78a: {  	s29 =	simm.s32 $0x100;
	s21 =	sadd.s32 $0xFFFFFF00, s0;
	s6 =	spop (v2sf);
	v2 =	vld [tilespmem:s9+$0x1A10]  }
0x78b: {  	s31 =	sand.u32 $0x1800, s0;
	s12 =	sand.u32 $0x1800, s21;
	s6 =	sshll.u32 s6, $0x9;
	v5 =	vld [tilespmem:s8+$0x810]  }
0x78c: {  	v19 =	vld.msk [tilespmem:s18+$0xFFFFFFFF ss:$0x0], $0xffff;
	s26 =	spop (v2sf);
	s10 =	sand.u32 $0x280, s22;
	s3 =	sshra.s32 s6, $0x2  }
0x78d: {  	s11 =	sshll.u32 s26, $0x9;
	s6 =	sand.u32 $0x300, s29;
	s30 =	sor.u32 s10, s12;
	v6 =	vld [tilespmem:s3+$0x800]  }
0x78e: {  	s10 =	sshra.s32 s11, $0x2;
	s11 =	sor.u32 s6, s31;
	v21 =	vld [tilespmem:s30+$0x1A00];
	v3 =	vadd.f32 v4, v3  }
0x78f: {  	v22 =	vld [tilespmem:s11+$0x1A00]  }
0x790: {  	v4 =	vld [tilespmem:s10+$0x800];
	v3 =	vmul.f32 v3, v18;
	v2 =	vadd.f32 v5, v2;
	_ =	sdelay $0x1  }
0x791: {  	v20 =	vld.msk [tilespmem:s18+$0x0 ss:$0x0], $0xffff;
	s6 =	sor.u32 $0x410, s24;
	[tilespmem:s1+$0xFFFFFF00] =	vst v3;
	v2 =	vmul.f32 v2, v25  }
0x792: {  	v3 =	vadd.f32 v6, v21;
	v5 =	vld [tilespmem:s6+$0x1600]  }
0x793: {  	v6 =	vld [tilespmem:s13+$0x810];
	[tilespmem:s1+$0x90] =	vst v2  }
0x794: {  	v2 =	vmul.f32 v3, v19;
	v3 =	vadd.f32 v4, v22;
	v4 =	vld [tilespmem:s9+$0x1A20]  }
0x795: {  	v21 =	vld [tilespmem:s8+$0x820]  }
0x796: {  	[tilespmem:s1+$0xFFFFFF80] =	vst v2;
	v2 =	vmul.f32 v3, v20  }
0x797: {  	v3 =	vld [tilespmem:s30+$0x1A10]  }
0x798: {  	v22 =	vld [tilespmem:s3+$0x810];
	[tilespmem:s1+$0x0] =	vst v2;
	v2 =	vadd.f32 v6, v5  }
0x799: {  	v5 =	vld [tilespmem:s11+$0x1A10]  }
0x79a: {  	v6 =	vld [tilespmem:s10+$0x810];
	v2 =	vmul.f32 v2, v18;
	v4 =	vadd.f32 v21, v4;
	_ =	sdelay $0x1  }
0x79b: {  	[tilespmem:s1+$0xFFFFFF10] =	vst v2;
	v2 =	vmul.f32 v4, v25  }
0x79c: {  	s12 =	sor.u32 $0x420, s24;
	v3 =	vadd.f32 v22, v3  }
0x79d: {  	v4 =	vld [tilespmem:s12+$0x1600];
	[tilespmem:s1+$0xA0] =	vst v2  }
0x79e: {  	v2 =	vmul.f32 v3, v19;
	v3 =	vadd.f32 v6, v5;
	v5 =	vld [tilespmem:s9+$0x1A30]  }
0x79f: {  	v6 =	vld [tilespmem:s8+$0x830]  }
0x7a0: {  	v21 =	vld [tilespmem:s13+$0x820]  }
0x7a1: {  	[tilespmem:s1+$0xFFFFFF90] =	vst v2  }
0x7a2: {  	v2 =	vmul.f32 v3, v20;
	v3 =	vld [tilespmem:s30+$0x1A20]  }
0x7a3: {  	v22 =	vld [tilespmem:s3+$0x820]  }
0x7a4: {  	[tilespmem:s1+$0x10] =	vst v2;
	v5 =	vadd.f32 v6, v5  }
0x7a5: {  	v2 =	vadd.f32 v21, v4;
	v4 =	vld [tilespmem:s11+$0x1A20]  }
0x7a6: {  	v21 =	vld [tilespmem:s10+$0x820];
	v5 =	vmul.f32 v5, v25  }
0x7a7: {  	s19 =	sadd.s32 $0x4, s7  }
0x7a8: {  	v23 =	vld [tilespmem:s19+$0x1];
	v2 =	vmul.f32 v2, v18;
	v3 =	vadd.f32 v22, v3;
	[tilespmem:s1+$0xB0] =	vst v5  }
0x7a9: {  	v5 =	vld [tilespmem:s9+$0x1A40]  }
0x7aa: {  	s14 =	sor.u32 $0x430, s24;
	[tilespmem:s1+$0xFFFFFF20] =	vst v2;
	v3 =	vmul.f32 v3, v19;
	v6 =	vld [tilespmem:s8+$0x840]  }
0x7ab: {  	v2 =	vld [tilespmem:s14+$0x1600];
	v4 =	vadd.f32 v21, v4  }
0x7ac: {  	v21 =	vld [tilespmem:s13+$0x830];
	[tilespmem:s1+$0xFFFFFFA0] =	vst v3  }
0x7ad: {  	v3 =	vmul.f32 v4, v20;
	v4 =	vld [tilespmem:s30+$0x1A30]  }
0x7ae: {  	v22 =	vld [tilespmem:s3+$0x830]  }
0x7af: {  	v24 =	vld [tilespmem:s19+$0xFFFFFFFF];
	[tilespmem:s1+$0x20] =	vst v3;
	v5 =	vadd.f32 v6, v5  }
0x7b0: {  	v3 =	vld [tilespmem:s11+$0x1A30]  }
0x7b1: {  	v2 =	vadd.f32 v21, v2;
	v21 =	vld [tilespmem:s19+$0xFFFFFFFE];
	v5 =	vmul.f32 v5, v25  }
0x7b2: {  	v6 =	vld [tilespmem:s10+$0x830]  }
0x7b3: {  	(v2sf) =	vpush v23, $0x0;
	v2 =	vmul.f32 v2, v18;
	v4 =	vadd.f32 v22, v4;
	v22 =	vld [tilespmem:s19+$0x0];
	[tilespmem:s1+$0xC0] =	vst v5  }
0x7b4: {  	v5 =	vld [tilespmem:s9+$0x1A50]  }
0x7b5: {  	s15 =	sor.u32 $0x440, s24;
	[tilespmem:s1+$0xFFFFFF30] =	vst v2;
	v2 =	vmul.f32 v4, v19;
	v4 =	vld [tilespmem:s8+$0x850]  }
0x7b6: {  	p1 =	por !p1, !p1;
	s4 =	simm.s32 $0x1;
	v23 =	vld [tilespmem:s15+$0x1600]  }
0x7b7: {  	s4 =	simm.s32 @!p1 $0x0;
	(v2sf) =	vpush v21, $0x0;
	[tilespmem:s1+$0xFFFFFFB0] =	vst v2;
	v2 =	vadd.f32 v6, v3;
	v3 =	vld [tilespmem:s13+$0x840]  }
0x7b8: {  	s4 =	sshll.u32 s4, $0x9;
	s26 =	sadd.s32 $0x400, s5;
	v6 =	vld [tilespmem:s30+$0x1A40]  }
0x7b9: {  	s28 =	sadd.s32 $0x400, s0;
	s5 =	sadd.s32 s4, s26;
	v26 =	vld [tilespmem:s3+$0x840]  }
0x7ba: {  	s0 =	simm.s32 $0x380;
	s17 =	sadd.s32 $0x100, s28;
	s4 =	sor.u32 $0x400, s5;
	(v2sf) =	vpush v24, $0x0;
	v4 =	vadd.f32 v4, v5  }
0x7bb: {  	s18 =	sand.u32 $0x380, s0;
	s7 =	simm.s32 $0x1586;
	v24 =	vld [tilespmem:s4+$0x1600];
	s4 =	sand.u32 $0x1800, s17;
	(v2sf) =	vpush v22, $0x0  }
0x7bc: {  	v21 =	vld.msk [tilespmem:s7+$0x1 ss:$0x0], $0xffff;
	s18 =	sor.u32 s18, s4;
	v3 =	vadd.f32 v3, v23;
	v4 =	vmul.f32 v4, v25  }
0x7bd: {  	v29 =	vld [tilespmem:s18+$0x1A00];
	v2 =	vmul.f32 v2, v20  }
0x7be: {  	v22 =	vld.msk [tilespmem:s7+$0xFFFFFFFF ss:$0x0], $0xffff;
	v6 =	vadd.f32 v26, v6;
	v3 =	vmul.f32 v3, v18;
	[tilespmem:s1+$0xD0] =	vst v4  }
0x7bf: {  	[tilespmem:s1+$0x30] =	vst v2;
	v4 =	vld [tilespmem:s9+$0x1A60]  }
0x7c0: {  	[tilespmem:s1+$0xFFFFFF40] =	vst v3;
	v3 =	vmul.f32 v6, v19;
	v6 =	vld [tilespmem:s8+$0x860]  }
0x7c1: {  	v2 =	vld [tilespmem:s11+$0x1A40]  }
0x7c2: {  	s21 =	spop (v2sf);
	v5 =	vld [tilespmem:s10+$0x840]  }
0x7c3: {  	s16 =	sor.u32 $0x450, s24;
	s22 =	sshll.u32 s21, $0x9;
	v23 =	vld.msk [tilespmem:s7+$0xFFFFFFFE ss:$0x0], $0xffff  }
0x7c4: {  	s15 =	sshra.s32 s22, $0x2;
	v26 =	vld [tilespmem:s16+$0x1600]  }
0x7c5: {  	v4 =	vadd.f32 v6, v4;
	v6 =	vld [tilespmem:s15+$0x800]  }
0x7c6: {  	[tilespmem:s1+$0xFFFFFFC0] =	vst v3;
	v3 =	vld [tilespmem:s13+$0x850];
	s29 =	spop (v2sf)  }
0x7c7: {  	v27 =	vld [tilespmem:s30+$0x1A50];
	s4 =	sshll.u32 s29, $0x9;
	v4 =	vmul.f32 v4, v25  }
0x7c8: {  	v28 =	vld [tilespmem:s3+$0x850];
	s21 =	sshra.s32 s4, $0x2  }
0x7c9: {  	s14 =	spop (v2sf);
	v30 =	vld [tilespmem:s21+$0x800];
	[tilespmem:s1+$0xE0] =	vst v4  }
0x7ca: {  	s31 =	sadd.s32 $0xFFFFFF00, s28;
	s12 =	sshll.u32 s14, $0x9;
	s16 =	spop (v2sf);
	v4 =	vld [tilespmem:s9+$0x1A70];
	v6 =	vadd.f32 v6, v29  }
0x7cb: {  	s17 =	simm.s32 $0x280;
	s22 =	sshll.u32 s16, $0x9;
	v29 =	vld [tilespmem:s8+$0x870];
	s9 =	sshra.s32 s12, $0x2  }
0x7cc: {  	s6 =	sand.u32 $0x1800, s31;
	v2 =	vadd.f32 v5, v2;
	s4 =	sand.u32 $0x280, s17;
	s8 =	sshra.s32 s22, $0x2;
	v31 =	vld [tilespmem:s9+$0x800];
	v6 =	vmul.f32 v6, v21  }
0x7cd: {  	s22 =	sor.u32 s4, s6;
	s12 =	sadd.s32 $0x200, s1;
	v54 =	vld [tilespmem:s8+$0x800]  }
0x7ce: {  	v2 =	vmul.f32 v2, v20;
	s29 =	simm.s32 $0x300;
	v5 =	vld [tilespmem:s22+$0x1A00];
	v24 =	vadd.f32 v30, v24;
	[tilespmem:s12+$0x80] =	vst v6  }
0x7cf: {  	s31 =	sand.u32 $0x1800, s28;
	s4 =	sand.u32 $0x300, s29;
	v6 =	vld [tilespmem:s18+$0x1A10]  }
0x7d0: {  	[tilespmem:s1+$0x40] =	vst v2;
	v2 =	vadd.f32 v3, v26;
	s14 =	sor.u32 s4, s31;
	v3 =	vmul.f32 v24, v23;
	v30 =	vld [tilespmem:s15+$0x810]  }
0x7d1: {  	v55 =	vld [tilespmem:s14+$0x1A00]  }
0x7d2: {  	v2 =	vmul.f32 v2, v18;
	s6 =	sor.u32 $0x410, s5;
	v24 =	vld.msk [tilespmem:s7+$0x0 ss:$0x0], $0xffff;
	[tilespmem:s12+$0xFFFFFF00] =	vst v3  }
0x7d3: {  	v5 =	vadd.f32 v31, v5;
	v31 =	vld [tilespmem:s6+$0x1600]  }
0x7d4: {  	[tilespmem:s1+$0xFFFFFF50] =	vst v2;
	v2 =	vld [tilespmem:s21+$0x810]  }
0x7d5: {  	v26 =	vld [tilespmem:s11+$0x1A50];
	v5 =	vmul.f32 v5, v22;
	v6 =	vadd.f32 v30, v6  }
0x7d6: {  	v58 =	vld [tilespmem:s13+$0x860]  }
0x7d7: {  	v3 =	vld [tilespmem:s10+$0x850];
	v30 =	vadd.f32 v54, v55;
	[tilespmem:s12+$0xFFFFFF80] =	vst v5;
	v5 =	vmul.f32 v6, v21  }
0x7d8: {  	v56 =	vld [tilespmem:s22+$0x1A10]  }
0x7d9: {  	v57 =	vld [tilespmem:s9+$0x810];
	v30 =	vmul.f32 v30, v24;
	v2 =	vadd.f32 v2, v31;
	[tilespmem:s12+$0x90] =	vst v5  }
0x7da: {  	v5 =	vadd.f32 v28, v27;
	v27 =	vld [tilespmem:s18+$0x1A20]  }
0x7db: {  	[tilespmem:s12+$0x0] =	vst v30;
	v2 =	vmul.f32 v2, v23;
	v28 =	vld [tilespmem:s15+$0x820]  }
0x7dc: {  	v30 =	vld [tilespmem:s14+$0x1A10];
	v5 =	vmul.f32 v5, v19  }
0x7dd: {  	s16 =	sor.u32 $0x460, s24;
	v31 =	vld [tilespmem:s8+$0x810];
	[tilespmem:s12+$0xFFFFFF10] =	vst v2  }
0x7de: {  	s17 =	sor.u32 $0x420, s5;
	v6 =	vld [tilespmem:s16+$0x1600];
	[tilespmem:s1+$0xFFFFFFD0] =	vst v5;
	v5 =	vadd.f32 v57, v56  }
0x7df: {  	v59 =	vld [tilespmem:s17+$0x1600]  }
0x7e0: {  	v2 =	vld [tilespmem:s30+$0x1A60];
	v5 =	vmul.f32 v5, v22;
	v27 =	vadd.f32 v28, v27  }
0x7e1: {  	v28 =	vld [tilespmem:s21+$0x820]  }
0x7e2: {  	[tilespmem:s12+$0xFFFFFF90] =	vst v5;
	v5 =	vadd.f32 v31, v30;
	v27 =	vmul.f32 v27, v21;
	v30 =	vld [tilespmem:s3+$0x860]  }
0x7e3: {  	v31 =	vld [tilespmem:s22+$0x1A20]  }
0x7e4: {  	v3 =	vadd.f32 v3, v26;
	v26 =	vld [tilespmem:s9+$0x820];
	v5 =	vmul.f32 v5, v24;
	[tilespmem:s12+$0xA0] =	vst v27  }
0x7e5: {  	v27 =	vld [tilespmem:s18+$0x1A30]  }
0x7e6: {  	v3 =	vmul.f32 v3, v20;
	v28 =	vadd.f32 v28, v59;
	[tilespmem:s12+$0x10] =	vst v5;
	v5 =	vld [tilespmem:s15+$0x830]  }
0x7e7: {  	v60 =	vld [tilespmem:s14+$0x1A20]  }
0x7e8: {  	[tilespmem:s1+$0x50] =	vst v3;
	v3 =	vadd.f32 v58, v6;
	v6 =	vmul.f32 v28, v23;
	v28 =	vld [tilespmem:s8+$0x820]  }
0x7e9: {  	v26 =	vadd.f32 v26, v31;
	v31 =	vld [tilespmem:s11+$0x1A60]  }
0x7ea: {  	s29 =	sor.u32 $0x430, s5;
	v3 =	vmul.f32 v3, v18;
	[tilespmem:s12+$0xFFFFFF20] =	vst v6;
	v6 =	vld [tilespmem:s10+$0x860]  }
0x7eb: {  	v61 =	vld [tilespmem:s29+$0x1600];
	v26 =	vmul.f32 v26, v22;
	v5 =	vadd.f32 v5, v27  }
0x7ec: {  	s31 =	sor.u32 $0x470, s24;
	[tilespmem:s1+$0xFFFFFF60] =	vst v3;
	v3 =	vld [tilespmem:s21+$0x830]  }
0x7ed: {  	[tilespmem:s12+$0xFFFFFFA0] =	vst v26;
	v27 =	vadd.f32 v28, v60;
	v26 =	vld [tilespmem:s31+$0x1600];
	v5 =	vmul.f32 v5, v21  }
0x7ee: {  	v4 =	vadd.f32 v29, v4;
	v62 =	vld [tilespmem:s22+$0x1A30]  }
0x7ef: {  	v2 =	vadd.f32 v30, v2;
	v63 =	vld [tilespmem:s9+$0x830];
	v27 =	vmul.f32 v27, v24;
	[tilespmem:s12+$0xB0] =	vst v5  }
0x7f0: {  	v4 =	vmul.f32 v4, v25;
	v5 =	vadd.f32 v6, v31;
	v28 =	vld [tilespmem:s18+$0x1A40]  }
0x7f1: {  	v2 =	vmul.f32 v2, v19;
	v3 =	vadd.f32 v3, v61;
	[tilespmem:s12+$0x20] =	vst v27;
	v29 =	vld [tilespmem:s15+$0x840]  }
0x7f2: {  	[tilespmem:s1+$0xF0] =	vst v4;
	v4 =	vmul.f32 v5, v20;
	v30 =	vld [tilespmem:s14+$0x1A30]  }
0x7f3: {  	[tilespmem:s1+$0xFFFFFFE0] =	vst v2;
	v2 =	vmul.f32 v3, v23;
	v31 =	vld [tilespmem:s8+$0x830]  }
0x7f4: {  	v27 =	vld [tilespmem:s13+$0x870];
	v32 =	vadd.f32 v63, v62;
	[tilespmem:s1+$0x60] =	vst v4  }
0x7f5: {  	s24 =	sadd.s32 $0x4, s19;
	v25 =	vld [tilespmem:s30+$0x1A70];
	s13 =	simm.s32 $0x4;
	[tilespmem:s12+$0xFFFFFF30] =	vst v2  }
.LBB2_21:
0x7f6: {  	v2 =	vld [tilespmem:s24+$0x1];
	v3 =	vmul.f32 v32, v22;
	v4 =	vadd.f32 v29, v28  }
0x7f7: {  	v5 =	vld [tilespmem:s24+$0xFFFFFFFE]  }
0x7f8: {  	v6 =	vld [tilespmem:s24+$0xFFFFFFFF];
	[tilespmem:s12+$0xFFFFFFB0] =	vst v3;
	v3 =	vadd.f32 v31, v30;
	v4 =	vmul.f32 v4, v21  }
0x7f9: {  	s4 =	sor.u32 $0x440, s5;
	v28 =	vld [tilespmem:s24+$0x0];
	v26 =	vadd.f32 v27, v26  }
0x7fa: {  	v27 =	vld [tilespmem:s4+$0x1600];
	v3 =	vmul.f32 v3, v24;
	[tilespmem:s12+$0xC0] =	vst v4  }
0x7fb: {  	(v2sf) =	vpush v2, $0x0;
	v2 =	vld [tilespmem:s18+$0x1A50];
	v4 =	vmul.f32 v26, v18;
	v18 =	vmov v23  }
0x7fc: {  	(v2sf) =	vpush v5, $0x0;
	[tilespmem:s12+$0x30] =	vst v3;
	v3 =	vld [tilespmem:s15+$0x850]  }
0x7fd: {  	s13 =	sadd.s32 $0x4, s13;
	(v2sf) =	vpush v6, $0x0;
	v5 =	vld [tilespmem:s21+$0x840];
	[tilespmem:s1+$0xFFFFFF70] =	vst v4  }
0x7fe: {  	p2 =	slt.u32 s13, $0xC;
	(v2sf) =	vpush v28, $0x0;
	v4 =	vld [tilespmem:s22+$0x1A40]  }
0x7ff: {  	v6 =	vld [tilespmem:s9+$0x840]  }
0x800: {  	p1 =	por !p1, !p1;
	s4 =	simm.s32 $0x1;
	v23 =	vld [tilespmem:s14+$0x1A40]  }
0x801: {  	s4 =	simm.s32 @!p1 $0x0;
	v26 =	vld [tilespmem:s8+$0x840];
	v2 =	vadd.f32 v3, v2  }
0x802: {  	s26 =	sadd.s32 $0x400, s26;
	s4 =	sshll.u32 s4, $0x9;
	v3 =	vadd.f32 v5, v27;
	v5 =	vld [tilespmem:s3+$0x870];
	s3 =	smov.u32 s9  }
0x803: {  	s30 =	sadd.s32 s4, s26;
	v2 =	vmul.f32 v2, v21;
	v27 =	vld [tilespmem:s11+$0x1A70];
	s11 =	smov.u32 s14  }
0x804: {  	s4 =	sor.u32 $0x400, s30;
	v3 =	vmul.f32 v3, v18;
	v4 =	vadd.f32 v6, v4;
	v6 =	vld [tilespmem:s10+$0x870];
	s10 =	smov.u32 s8  }
0x805: {  	v28 =	vld [tilespmem:s4+$0x1600];
	[tilespmem:s12+$0xD0] =	vst v2  }
0x806: {  	[tilespmem:s12+$0xFFFFFF40] =	vst v3;
	v2 =	vmul.f32 v4, v22;
	v3 =	vadd.f32 v26, v23;
	v4 =	vld [tilespmem:s18+$0x1A60]  }
0x807: {  	s4 =	sor.u32 $0x450, s5;
	v23 =	vld [tilespmem:s15+$0x860];
	v5 =	vadd.f32 v5, v25  }
0x808: {  	s28 =	sadd.s32 $0x400, s28;
	v25 =	vld [tilespmem:s4+$0x1600];
	[tilespmem:s12+$0xFFFFFFC0] =	vst v2;
	v2 =	vmul.f32 v3, v24  }
0x809: {  	s0 =	sadd.s32 $0x200, s0;
	s6 =	sadd.s32 $0x100, s28;
	s4 =	sadd.s32 $0xFFFFFF00, s28;
	v3 =	vld [tilespmem:s21+$0x850];
	v5 =	vmul.f32 v5, v19;
	v6 =	vadd.f32 v6, v27;
	v19 =	vmov v22  }
0x80a: {  	s6 =	sand.u32 $0x1800, s6;
	s8 =	sand.u32 $0x380, s0;
	s9 =	spop (v2sf);
	v26 =	vld [tilespmem:s22+$0x1A50];
	[tilespmem:s12+$0x40] =	vst v2  }
0x80b: {  	s6 =	sor.u32 s8, s6;
	s8 =	sshll.u32 s9, $0x9;
	s9 =	spop (v2sf);
	v2 =	vld [tilespmem:s3+$0x850];
	[tilespmem:s1+$0xFFFFFFF0] =	vst v5;
	v5 =	vmul.f32 v6, v20;
	v20 =	vmov v24  }
0x80c: {  	s14 =	sadd.s32 $0xFFFFFF00, s0;
	v6 =	vld [tilespmem:s6+$0x1A00];
	s17 =	sshra.s32 s8, $0x2;
	s8 =	spop (v2sf);
	v4 =	vadd.f32 v23, v4  }
0x80d: {  	s7 =	sadd.s32 $0x4, s7;
	s16 =	sadd.s32 $0xFFFFFF80, s0;
	v24 =	vld [tilespmem:s17+$0x800];
	s19 =	spop (v2sf);
	[tilespmem:s1+$0x70] =	vst v5  }
0x80e: {  	s1 =	sshll.u32 s9, $0x9;
	s8 =	sshll.u32 s8, $0x9;
	s29 =	sshll.u32 s19, $0x9;
	v5 =	vld.msk [tilespmem:s7+$0x1 ss:$0x0], $0xffff;
	v3 =	vadd.f32 v3, v25;
	v4 =	vmul.f32 v4, v21  }
0x80f: {  	s31 =	sand.u32 $0x300, s16;
	s14 =	sand.u32 $0x280, s14;
	s4 =	sand.u32 $0x1800, s4;
	v23 =	vld.msk [tilespmem:s7+$0xFFFFFFFE ss:$0x0], $0xffff  }
0x810: {  	s19 =	sshra.s32 s1, $0x2;
	s9 =	sshra.s32 s8, $0x2;
	s1 =	sand.u32 $0x1800, s28;
	v22 =	vld.msk [tilespmem:s7+$0xFFFFFFFF ss:$0x0], $0xffff;
	v3 =	vmul.f32 v3, v18;
	v2 =	vadd.f32 v2, v26;
	[tilespmem:s12+$0xE0] =	vst v4  }
0x811: {  	s16 =	sor.u32 s14, s4;
	s14 =	sor.u32 s31, s1;
	s8 =	sshra.s32 s29, $0x2;
	v4 =	vld [tilespmem:s18+$0x1A70]  }
0x812: {  	s1 =	smov.u32 s12;
	s18 =	smov.u32 s6;
	v6 =	vadd.f32 v24, v6;
	[tilespmem:s12+$0xFFFFFF50] =	vst v3;
	v2 =	vmul.f32 v2, v19;
	v3 =	vld [tilespmem:s15+$0x870];
	s15 =	smov.u32 s17  }
0x813: {  	v24 =	vld [tilespmem:s19+$0x800]  }
0x814: {  	v25 =	vld [tilespmem:s9+$0x800];
	v6 =	vmul.f32 v6, v5;
	[tilespmem:s12+$0xFFFFFFD0] =	vst v2  }
0x815: {  	s12 =	sadd.s32 $0x200, s12;
	v2 =	vld [tilespmem:s8+$0x800]  }
0x816: {  	v26 =	vld [tilespmem:s16+$0x1A00];
	[tilespmem:s12+$0x80] =	vst v6  }
0x817: {  	v6 =	vld [tilespmem:s18+$0x1A10];
	v3 =	vadd.f32 v3, v4  }
0x818: {  	v4 =	vadd.f32 v24, v28;
	v27 =	vld [tilespmem:s15+$0x810]  }
0x819: {  	v28 =	vld [tilespmem:s14+$0x1A00];
	v3 =	vmul.f32 v3, v21;
	v21 =	vmov v5  }
0x81a: {  	v4 =	vmul.f32 v4, v23;
	v24 =	vld.msk [tilespmem:s7+$0x0 ss:$0x0], $0xffff  }
0x81b: {  	v5 =	vadd.f32 v25, v26;
	v25 =	vld [tilespmem:s11+$0x1A50];
	[tilespmem:s1+$0xF0] =	vst v3  }
0x81c: {  	s4 =	sor.u32 $0x410, s30;
	[tilespmem:s12+$0xFFFFFF00] =	vst v4;
	v3 =	vld [tilespmem:s10+$0x850]  }
0x81d: {  	v4 =	vld [tilespmem:s4+$0x1600];
	v5 =	vmul.f32 v5, v22;
	v6 =	vadd.f32 v27, v6  }
0x81e: {  	s4 =	sor.u32 $0x460, s5;
	v26 =	vld [tilespmem:s19+$0x810];
	v2 =	vadd.f32 v2, v28  }
0x81f: {  	[tilespmem:s12+$0xFFFFFF80] =	vst v5;
	v5 =	vmul.f32 v6, v21;
	v6 =	vld [tilespmem:s4+$0x1600]  }
0x820: {  	v27 =	vld [tilespmem:s16+$0x1A10];
	v2 =	vmul.f32 v2, v24  }
0x821: {  	v28 =	vld [tilespmem:s9+$0x810];
	[tilespmem:s12+$0x90] =	vst v5;
	v3 =	vadd.f32 v3, v25  }
0x822: {  	[tilespmem:s12+$0x0] =	vst v2;
	v2 =	vld [tilespmem:s18+$0x1A20]  }
0x823: {  	v4 =	vadd.f32 v26, v4;
	v5 =	vld [tilespmem:s15+$0x820];
	v3 =	vmul.f32 v3, v20  }
0x824: {  	v25 =	vld [tilespmem:s14+$0x1A10]  }
0x825: {  	v4 =	vmul.f32 v4, v23;
	v26 =	vld [tilespmem:s8+$0x810];
	[tilespmem:s1+$0x50] =	vst v3  }
0x826: {  	v3 =	vadd.f32 v28, v27;
	v27 =	vld [tilespmem:s21+$0x860]  }
0x827: {  	s4 =	sor.u32 $0x420, s30;
	[tilespmem:s12+$0xFFFFFF10] =	vst v4;
	v4 =	vld [tilespmem:s22+$0x1A60]  }
0x828: {  	v28 =	vld [tilespmem:s4+$0x1600];
	v3 =	vmul.f32 v3, v22;
	v2 =	vadd.f32 v5, v2  }
0x829: {  	v5 =	vld [tilespmem:s19+$0x820]  }
0x82a: {  	[tilespmem:s12+$0xFFFFFF90] =	vst v3;
	v3 =	vadd.f32 v26, v25;
	v2 =	vmul.f32 v2, v21;
	v25 =	vld [tilespmem:s3+$0x860]  }
0x82b: {  	v26 =	vld [tilespmem:s16+$0x1A20];
	v6 =	vadd.f32 v27, v6  }
0x82c: {  	v27 =	vld [tilespmem:s9+$0x820];
	v3 =	vmul.f32 v3, v24;
	[tilespmem:s12+$0xA0] =	vst v2  }
0x82d: {  	v2 =	vld [tilespmem:s18+$0x1A30];
	v6 =	vmul.f32 v6, v18  }
0x82e: {  	v5 =	vadd.f32 v5, v28;
	[tilespmem:s12+$0x10] =	vst v3;
	v3 =	vld [tilespmem:s15+$0x830]  }
0x82f: {  	v28 =	vld [tilespmem:s14+$0x1A20];
	[tilespmem:s1+$0xFFFFFF60] =	vst v6;
	v4 =	vadd.f32 v25, v4  }
0x830: {  	v5 =	vmul.f32 v5, v23;
	v6 =	vld [tilespmem:s8+$0x820]  }
0x831: {  	v25 =	vadd.f32 v27, v26;
	v4 =	vmul.f32 v4, v19;
	v27 =	vld [tilespmem:s11+$0x1A60]  }
0x832: {  	s4 =	sor.u32 $0x430, s30;
	[tilespmem:s12+$0xFFFFFF20] =	vst v5;
	v5 =	vld [tilespmem:s10+$0x860]  }
0x833: {  	v29 =	vld [tilespmem:s4+$0x1600];
	v25 =	vmul.f32 v25, v22;
	v2 =	vadd.f32 v3, v2;
	[tilespmem:s1+$0xFFFFFFE0] =	vst v4  }
0x834: {  	s4 =	sor.u32 $0x470, s5;
	s5 =	smov.u32 s30;
	v3 =	vld [tilespmem:s19+$0x830]  }
0x835: {  	[tilespmem:s12+$0xFFFFFFA0] =	vst v25;
	v4 =	vadd.f32 v6, v28;
	v2 =	vmul.f32 v2, v21;
	v26 =	vld [tilespmem:s4+$0x1600]  }
0x836: {  	v6 =	vld [tilespmem:s16+$0x1A30]  }
0x837: {  	v25 =	vld [tilespmem:s9+$0x830];
	v4 =	vmul.f32 v4, v24;
	[tilespmem:s12+$0xB0] =	vst v2;
	v2 =	vadd.f32 v5, v27  }
0x838: {  	v28 =	vld [tilespmem:s18+$0x1A40]  }
.Ltmp9:
0x839: {  	v3 =	vadd.f32 v3, v29;
	[tilespmem:s12+$0x20] =	vst v4;
	v29 =	vld [tilespmem:s15+$0x840];
	v2 =	vmul.f32 v2, v20;
	(pc) =	sbr.rel @p2 .LBB2_21-.Ltmp9, $4  }
0x83a: {  	v30 =	vld [tilespmem:s14+$0x1A30]  }
0x83b: {  	v3 =	vmul.f32 v3, v23;
	v31 =	vld [tilespmem:s8+$0x830];
	[tilespmem:s1+$0x60] =	vst v2  }
0x83c: {  	v32 =	vadd.f32 v25, v6;
	v27 =	vld [tilespmem:s21+$0x870];
	s21 =	smov.u32 s19  }
0x83d: {  	s24 =	sadd.s32 $0x4, s24;
	[tilespmem:s12+$0xFFFFFF30] =	vst v3;
	v25 =	vld [tilespmem:s22+$0x1A70];
	s22 =	smov.u32 s16  }
0x83e: {  	_ =	sdelay $0x1  }
0x83f: {  	v2 =	vmul.f32 v32, v22;
	s0 =	sor.u32 $0x440, s5;
	v3 =	vadd.f32 v31, v30  }
0x840: {  	v4 =	vld [tilespmem:s0+$0x1600]  }
0x841: {  	[tilespmem:s12+$0xFFFFFFB0] =	vst v2;
	v2 =	vmul.f32 v3, v24;
	v3 =	vld [tilespmem:s21+$0x840]  }
0x842: {  	v5 =	vld [tilespmem:s22+$0x1A40]  }
0x843: {  	[tilespmem:s12+$0x30] =	vst v2;
	v2 =	vld [tilespmem:s9+$0x840]  }
0x844: {  	v6 =	vadd.f32 v29, v28;
	v52 =	vld [tilespmem:s14+$0x1A40]  }
0x845: {  	v53 =	vld [tilespmem:s8+$0x840]  }
0x846: {  	v6 =	vmul.f32 v6, v21;
	v3 =	vadd.f32 v3, v4;
	_ =	sdelay $0x1  }
0x847: {  	[tilespmem:s12+$0xC0] =	vst v6;
	v3 =	vmul.f32 v3, v23;
	v2 =	vadd.f32 v2, v5  }
0x848: {  	v4 =	vld [tilespmem:s18+$0x1A50]  }
0x849: {  	s29 =	sor.u32 $0x450, s5;
	v5 =	vld [tilespmem:s15+$0x850];
	[tilespmem:s12+$0xFFFFFF40] =	vst v3;
	v2 =	vmul.f32 v2, v22;
	v3 =	vadd.f32 v53, v52  }
0x84a: {  	v6 =	vld [tilespmem:s29+$0x1600]  }
0x84b: {  	[tilespmem:s12+$0xFFFFFFC0] =	vst v2;
	v2 =	vmul.f32 v3, v24;
	v3 =	vld [tilespmem:s21+$0x850]  }
0x84c: {  	v54 =	vld [tilespmem:s22+$0x1A50]  }
0x84d: {  	[tilespmem:s12+$0x40] =	vst v2;
	v2 =	vld [tilespmem:s9+$0x850]  }
0x84e: {  	v4 =	vadd.f32 v5, v4;
	v5 =	vld [tilespmem:s14+$0x1A50]  }
0x84f: {  	v55 =	vld [tilespmem:s8+$0x850]  }
0x850: {  	v4 =	vmul.f32 v4, v21;
	v3 =	vadd.f32 v3, v6;
	_ =	sdelay $0x1  }
0x851: {  	[tilespmem:s12+$0xD0] =	vst v4;
	v3 =	vmul.f32 v3, v23;
	v2 =	vadd.f32 v2, v54  }
0x852: {  	v4 =	vld [tilespmem:s18+$0x1A60]  }
0x853: {  	s30 =	sor.u32 $0x460, s5;
	v6 =	vld [tilespmem:s15+$0x860];
	[tilespmem:s12+$0xFFFFFF50] =	vst v3;
	v2 =	vmul.f32 v2, v22;
	v3 =	vadd.f32 v55, v5  }
0x854: {  	v5 =	vld [tilespmem:s30+$0x1600]  }
0x855: {  	[tilespmem:s12+$0xFFFFFFD0] =	vst v2;
	v2 =	vmul.f32 v3, v24;
	v3 =	vld [tilespmem:s21+$0x860]  }
0x856: {  	v56 =	vld [tilespmem:s22+$0x1A60]  }
0x857: {  	[tilespmem:s12+$0x50] =	vst v2;
	v2 =	vld [tilespmem:s9+$0x860]  }
0x858: {  	v4 =	vadd.f32 v6, v4;
	v6 =	vld [tilespmem:s14+$0x1A60]  }
0x859: {  	v57 =	vld [tilespmem:s8+$0x860]  }
0x85a: {  	v58 =	vld [tilespmem:s3+$0x870];
	v4 =	vmul.f32 v4, v21;
	v3 =	vadd.f32 v3, v5  }
0x85b: {  	v59 =	vld [tilespmem:s10+$0x870]  }
0x85c: {  	[tilespmem:s12+$0xE0] =	vst v4;
	v5 =	vld [tilespmem:s11+$0x1A70];
	v3 =	vmul.f32 v3, v23;
	v2 =	vadd.f32 v2, v56  }
0x85d: {  	v4 =	vld [tilespmem:s18+$0x1A70]  }
0x85e: {  	s31 =	sor.u32 $0x470, s5;
	v60 =	vld [tilespmem:s15+$0x870];
	[tilespmem:s12+$0xFFFFFF60] =	vst v3;
	v2 =	vmul.f32 v2, v22;
	v3 =	vadd.f32 v57, v6  }
0x85f: {  	v6 =	vld [tilespmem:s31+$0x1600]  }
0x860: {  	[tilespmem:s12+$0xFFFFFFE0] =	vst v2;
	v2 =	vmul.f32 v3, v24;
	v3 =	vld [tilespmem:s21+$0x870]  }
0x861: {  	v61 =	vld [tilespmem:s22+$0x1A70]  }
0x862: {  	[tilespmem:s12+$0x60] =	vst v2;
	v2 =	vld [tilespmem:s9+$0x870]  }
0x863: {  	v26 =	vadd.f32 v27, v26;
	v62 =	vld [tilespmem:s14+$0x1A70]  }
0x864: {  	v25 =	vadd.f32 v58, v25;
	v63 =	vld [tilespmem:s8+$0x870]  }
0x865: {  	v18 =	vmul.f32 v26, v18;
	v5 =	vadd.f32 v59, v5  }
0x866: {  	v19 =	vmul.f32 v25, v19;
	v4 =	vadd.f32 v60, v4  }
0x867: {  	[tilespmem:s1+$0xFFFFFF70] =	vst v18;
	v5 =	vmul.f32 v5, v20;
	v3 =	vadd.f32 v3, v6  }
0x868: {  	[tilespmem:s1+$0xFFFFFFF0] =	vst v19;
	v4 =	vmul.f32 v4, v21;
	v2 =	vadd.f32 v2, v61  }
0x869: {  	vm0 =	vcmask $0x704;
	[tilespmem:s1+$0x70] =	vst v5;
	v3 =	vmul.f32 v3, v23;
	v5 =	vadd.f32 v63, v62  }
0x86a: {  	[tilespmem:s12+$0xF0] =	vst v4;
	v2 =	vmul.f32 v2, v22  }
0x86b: {  	[tilespmem:s12+$0xFFFFFF70] =	vst v3;
	v3 =	vmul.f32 v5, v24  }
0x86c: {  	[tilespmem:s12+$0xFFFFFFF0] =	vst v2  }
0x86d: {  	[tilespmem:s12+$0x70] =	vst v3  }
0x86e: {  	[tilespmem:v16+s25+$0x0] =	vst.idx.add.f32.msk $0x1, v17  }
0x86f: {  	[tilespmem:v16+s25+$0x0] =	vst.idx.add.f32.msk vm0, v17  }
0x870: {  	[tilespmem:v16+s25+$0x0] =	vst.idx.add.f32.msk vm2, v17  }
0x871: {  	[tilespmem:v16+s25+$0x0] =	vst.idx.add.f32.msk vm3, v17  }
0x872: {  	[tilespmem:v16+s25+$0x0] =	vst.idx.add.f32.msk vm4, v17  }
0x873: {  	[tilespmem:v16+s25+$0x0] =	vst.idx.add.f32.msk vm5, v17  }
0x874: {  	[tilespmem:v16+s25+$0x0] =	vst.idx.add.f32.msk vm6, v17  }
0x875: {  	[tilespmem:v16+s25+$0x0] =	vst.idx.add.f32.msk vm7, v17  }
0x876: {  	[tilespmem:v16+s25+$0x0] =	vst.idx.add.f32.msk vm8, v17  }
0x877: {  	[tilespmem:v16+s25+$0x0] =	vst.idx.add.f32.msk vm9, v17  }
0x878: {  	[tilespmem:v16+s25+$0x0] =	vst.idx.add.f32.msk vm10, v17  }
.Ltmp10:
0x879: {  	[tilespmem:v16+s25+$0x0] =	vst.idx.add.f32.msk vm11, v17;
	(pc) =	sbr.rel @p0 .LBB2_18-.Ltmp10, $4  }
0x87a: {  	[tilespmem:v16+s25+$0x0] =	vst.idx.add.f32.msk vm12, v17  }
0x87b: {  	[tilespmem:v16+s25+$0x0] =	vst.idx.add.f32.msk vm13, v17  }
0x87c: {  	[tilespmem:v16+s25+$0x0] =	vst.idx.add.f32.msk vm14, v17  }
0x87d: {  	s3 =	simm.s32 $0x10;
	p1 =	por $0x0, $0x0;
	[tilespmem:v16+s25+$0x0] =	vst.idx.add.f32.msk vm15, v17  }
0x87e: {  	s0 =	rddreg [dreg:$0x3]  }
0x87f: {  	s3 =	simm.s32 $0x20;
	s1 =	simm.s32 $0x7600;
	s22 =	simm.s32 $0x6  }
0x880: {  	[spmem:s0] =	stream.indirect.scatter.add.f32 [tilespmem:s1], [sflag:$0x5], $0x80, s23, s3, $0xb8;
	[tilespmem:$0x1FE00] =	vst v63  }
0x881: {  	_ =	swait.ge [sflag:s22], $0x1000  }
0x882: {  	[sflag:s22] =	ssyncset.done $0x0  }
0x883: {  	s24 =	simm.s32 $0x5;
	[sflag:s22] =	ssyncadd.s32 $0xFFFFF000  }
0x884: {  	_ =	swait.ge [sflag:s24], $0x1000  }
0x885: {  	[sflag:s24] =	ssyncset.done $0x0  }
0x886: {  	[sflag:s24] =	ssyncadd.s32 $0xFFFFF000  }
0x887: {  	[bflag:$0x0] =	sbarrier.arrive $0xFFFF  }
0x888: {  	s26 =	rddreg [dreg:$0x15]  }
0x889: {  	s28 =	rddreg [dreg:$0x19]  }
0x88a: {  	s2 =	rddreg [dreg:$0x1a]  }
0x88b: {  	[hbm:s26], [sflag:s28] =	dma.local [spmem:s2], $0x2800  }
0x88c: {  	s2 =	simm.s32 $0x7  }
0x88d: {  	_ =	swait.ge [sflag:s2], $0x2800  }
0x88e: {  	[sflag:s2] =	ssyncset.done $0x0  }
0x88f: {  	s6 =	simm.s32 $0x0;
	s29 =	rddreg [dreg:$0x16];
	[sflag:s2] =	ssyncadd.s32 $0xFFFFD800  }
0x890: {  	[hbm4b:s29+s6] =	stream.linear.scatter [tilespmem:s25], [sflag:$0x7], $0x2800, $0x38;
	[tilespmem:$0x1FE00] =	vst v63  }
0x891: {  	_ =	swait.ge [sflag:s2], $0x2800  }
0x892: {  	s30 =	rddreg [dreg:$0x18]  }
0x893: {  	s31 =	rddreg [dreg:$0x17];
	s1 =	sadd.s32 $0x1, s30  }
0x894: {  	p0 =	sne.s32 s1, s31  }
.Ltmp11:
0x895: {  	_ = 	snop;
	(pc) =	sbr.rel @p0 .LBB2_1-.Ltmp11, $3  }
0x896: {  	_ =	sdelay $0x1  }
0x897: {  	[sflag:s2] =	ssyncset.done $0x0  }
0x898: {  	[sflag:s2] =	ssyncadd.s32 $0xFFFFD800  }
0x899: {  	_ =	sfence.sel $0x180000  }
0x89a: {  	[bflag:$0x0] =	sbarrier.arrive $0xFFFF  }
0x89b: {  	_ =	strace $0x90000047  }
0x89c: {  	s0 =	stileid.u32;
	[bflag:$0x2] =	sbarrier.arrive $0xFFFF  }
0x89d: {  	p0 =	sne.s32 s0, $0x0;
	s0 =	rddreg [dreg:$0x4]  }
0x89e: {  	s0 =	sadd.s32 @!p0 $0x100000, s0  }
0x89f: {  	[sflag:s0] =	ssyncadd.tile.s32 @!p0 $0x1;
	_ =	shalt  }
.Lfunc_end2:
_tile_overlayer_lowered:
.L_overlay_start_2:
0x8a0: {  	(tag) =	ssettag $0x2  }
0x8a1: {  	s0 =	rddreg [dreg:$0x0];
	s2 =	stileid.u32  }
0x8a2: {  	s1 =	rddreg [dreg:$0x1];
	p0 =	sne.s32 s2, $0x0  }
0x8a3: {  	s3 =	rddreg [dreg:$0x2];
	[bflag:$0x3] =	sbarrier.arrive $0xFFFF;
	s2 =	simm.s32 @!p0 $0x1C07  }
0x8a4: {  	[timem:s3], [sflag:s2] =	dma.local @!p0 [hbm:s0], s1  }
0x8a5: {  	s0 =	simm.s32 @!p0 $0x7  }
0x8a6: {  	_ =	swait.ge @!p0 [sflag:s0], s1  }
0x8a7: {  	s1 =	ssub.s32 @!p0 $0x0, s1;
	[sflag:s0] =	ssyncset.done @!p0 $0x0  }
0x8a8: {  	[sflag:s0] =	ssyncadd.s32 @!p0 s1  }
0x8a9: {  	[bflag:$0x3] =	sbarrier.arrive $0xFFFF  }
0x8aa: {  	_ =	shalt  }

</sc_bundles>
